<compile_context>
chip_gen: v7x
topology: tpu7x:2x2x1
jax: 0.10.2.dev20260603
libtpu: 0.0.44.dev20260713+nightly
codegen_flags: <defaults>
</compile_context>

<pallas_src>
import functools

import jax
import jax.numpy as jnp
from jax import lax
from jax.experimental import pallas as pl
from jax.experimental.pallas import tpu as pltpu
from jax.experimental.pallas import tpu_sc as plsc

_L = 16
_CW = 512
_CSH = 9
_NB = 64


@functools.lru_cache(maxsize=None)
def _make_gather(V, D, B):
    info = plsc.get_sparse_core_info()
    NC, NS = info.num_cores, info.num_subcores
    NW = NC * NS
    assert D % _L == 0 and B % _L == 0 and V > _CW
    n_chunks = (V + _CW - 1) // _CW
    assert n_chunks <= (_NB - 1) * NW
    CAP = B + _L
    mesh = plsc.VectorSubcoreMesh(core_axis_name="c", subcore_axis_name="s")

    @functools.partial(
        pl.kernel,
        mesh=mesh,
        compiler_params=pltpu.CompilerParams(needs_layout_passes=False),
        out_type=jax.ShapeDtypeStruct((B + 64, 128), jnp.float32),
        scratch_types=[
            pltpu.VMEM((B,), jnp.int32),
            pltpu.VMEM((CAP,), jnp.int32),
            pltpu.VMEM((CAP,), jnp.int32),
            pltpu.VMEM((_NB,), jnp.int32),
            pltpu.VMEM((_NB,), jnp.int32),
            pltpu.VMEM((_NB,), jnp.int32),
            pltpu.VMEM((D, _CW), jnp.float32),
            pltpu.VMEM((D, _CW), jnp.float32),
            pltpu.VMEM((_L, 128), jnp.float32),
            pltpu.VMEM((_L, 128), jnp.float32),
            pltpu.VMEM((_L,), jnp.int32),
            pltpu.VMEM((_L,), jnp.int32),
            pltpu.SemaphoreType.DMA,
            pltpu.SemaphoreType.DMA,
            pltpu.SemaphoreType.DMA,
            pltpu.SemaphoreType.DMA,
        ],
    )
    def gather_kernel(idx_hbm, tT_hbm, staged_hbm,
                      idx_all, srt_r, srt_b,
                      hist, starts, cur, slab_a, slab_b,
                      hitbuf_a, hitbuf_b, bidx_a, bidx_b,
                      sem_a, sem_b, ssem_a, ssem_b):
        w = lax.axis_index("s") * NC + lax.axis_index("c")
        lanes = lax.iota(jnp.int32, _L)
        zeros16 = jnp.zeros((_L,), jnp.int32)
        pltpu.sync_copy(idx_hbm, idx_all)

        for q in range(_NB // _L):
            hist[pl.ds(_L * q, _L)] = zeros16

        def histb(g, carry):
            r16 = idx_all[pl.ds(_L * g, _L)]
            cid = jnp.right_shift(r16, _CSH)
            mine = (cid & (NW - 1)) == w
            gc = jnp.where(mine, jnp.right_shift(r16, _CSH + 5), _NB - 1)
            plsc.addupdate_scatter(hist, [gc],
                                   jnp.where(mine, 1, 0).astype(jnp.int32))
            return carry

        lax.fori_loop(0, B // _L, histb, jnp.int32(0))

        carry16 = zeros16
        for q in range(_NB // _L):
            h16 = hist[pl.ds(_L * q, _L)]
            inc = plsc.cumsum(h16)
            starts[pl.ds(_L * q, _L)] = carry16 + inc - h16
            carry16 = carry16 + jnp.full((_L,), 0, jnp.int32) + inc[_L - 1]
        for q in range(_NB // _L):
            cur[pl.ds(_L * q, _L)] = starts[pl.ds(_L * q, _L)]

        def place(g, carry):
            r16 = idx_all[pl.ds(_L * g, _L)]
            cid = jnp.right_shift(r16, _CSH)
            mine = (cid & (NW - 1)) == w
            gc16 = jnp.where(mine, jnp.right_shift(r16, _CSH + 5), _NB - 1)
            rank, last = plsc.scan_count(gc16, mine)
            base16 = plsc.load_gather(cur, [gc16])
            dest = base16 + rank - 1
            plsc.store_scatter(srt_r, [dest], r16, mask=mine)
            plsc.store_scatter(srt_b, [dest], lanes + _L * g, mask=mine)
            plsc.store_scatter(cur, [gc16], dest + 1,
                               mask=jnp.logical_and(last, mine))
            return carry

        lax.fori_loop(0, B // _L, place, jnp.int32(0))

        n_full = V // _CW
        tail_w = V - n_full * _CW
        n_t = (n_full - w + NW - 1) // NW
        feat = [lanes + _L * q for q in range(D // _L)]

        def fire(t, slab, sem):
            coff = pl.multiple_of((w + NW * t) * _CW, _CW)
            pltpu.async_copy(tT_hbm.at[:, pl.ds(coff, _CW)], slab, sem)

        def drain(slab, sem):
            pltpu.make_async_copy(
                tT_hbm.at[:, pl.ds(0, _CW)], slab, sem).wait()

        def process(t, slab, coff, hitbuf, bidx, ssem):
            t16 = zeros16 + t
            s_t = plsc.load_gather(hist, [t16])[0]
            st_t = plsc.load_gather(starts, [t16])[0]
            n_g = (s_t + _L - 1) // _L

            def grp(g, carry):
                pltpu.make_async_copy(hitbuf, staged_hbm.at[bidx], ssem).wait()
                gbase = st_t + _L * g
                r16 = srt_r[pl.ds(gbase, _L)]
                b16 = srt_b[pl.ds(gbase, _L)]
                valid = (lanes + _L * g) < s_t
                col = jnp.where(valid, r16 - coff, 0)
                bs = jnp.where(valid, b16, B + w)
                bidx[...] = bs
                for e in range(_L):
                    ce = col[e]
                    for q in range(D // _L):
                        vals = plsc.load_gather(slab, [feat[q], zeros16 + ce])
                        hitbuf[e, pl.ds(_L * q, _L)] = vals
                pltpu.async_copy(hitbuf, staged_hbm.at[bidx], ssem)
                return carry

            lax.fori_loop(0, n_g, grp, jnp.int32(0))

        bidx_a[...] = zeros16 + (B + w)
        bidx_b[...] = zeros16 + (B + w)
        pltpu.async_copy(hitbuf_a, staged_hbm.at[bidx_a], ssem_a)
        pltpu.async_copy(hitbuf_b, staged_hbm.at[bidx_b], ssem_b)

        fire(jnp.int32(0), slab_a, sem_a)

        def scan_body(u, carry):
            ta = 2 * u
            tb = 2 * u + 1

            @pl.when(tb < n_t)
            def _():
                fire(tb, slab_b, sem_b)

            drain(slab_a, sem_a)
            process(ta, slab_a, pl.multiple_of((w + NW * ta) * _CW, _CW),
                    hitbuf_a, bidx_a, ssem_a)

            @pl.when(ta + 2 < n_t)
            def _():
                fire(ta + 2, slab_a, sem_a)

            @pl.when(tb < n_t)
            def _():
                drain(slab_b, sem_b)
                process(tb, slab_b, pl.multiple_of((w + NW * tb) * _CW, _CW),
                        hitbuf_b, bidx_b, ssem_b)

            return carry

        lax.fori_loop(0, (n_t + 1) // 2, scan_body, jnp.int32(0))

        pltpu.make_async_copy(hitbuf_a, staged_hbm.at[bidx_a], ssem_a).wait()
        pltpu.make_async_copy(hitbuf_b, staged_hbm.at[bidx_b], ssem_b).wait()


    return gather_kernel


def kernel(style_label, embedding):
    (B,) = style_label.shape
    V, D = embedding.shape
    idx = style_label.astype(jnp.int32)
    staged = _make_gather(V, D, B)(idx, embedding.T)
    out = staged[:B, :D]
    n_full = V // _CW
    tail = V - n_full * _CW
    if tail:
        tail_tab = embedding[n_full * _CW:]
        is_tail = idx >= (n_full * _CW)
        tail_rows = jnp.take(
            tail_tab, jnp.where(is_tail, idx - n_full * _CW, 0), axis=0)
        out = jnp.where(is_tail[:, None], tail_rows, out)
    return out

# --- scband reference (transcript-rebuilt; emitter-appended) ---
"""Pipeline reference for scband-style-encoder-61177514164803 (READ-ONLY COPY).

The authoritative reference and input builder live on the scoring server;
editing this copy changes nothing except your own understanding.
"""

import jax, jax.numpy as jnp
import numpy as np

NUM_STYLES = 1000000
STYLE_DIM = 64
BATCH = 16384


def setup_inputs(seed: int = 0) -> dict:
    key = jax.random.key(seed)
    k_idx, k_emb = jax.random.split(key)
    style_label = jax.random.randint(k_idx, (BATCH,), 0, NUM_STYLES, dtype=jnp.int64 if jax.config.jax_enable_x64 else jnp.int32)
    embedding = jax.random.normal(k_emb, (NUM_STYLES, STYLE_DIM), dtype=jnp.float32)
    return {"style_label": style_label, "embedding": embedding}


def reference(style_label, embedding):
    # nn.Embedding forward: simple row gather from the table
    return jnp.take(embedding, style_label, axis=0)

if __name__ == "__main__":
    import jax
    _d = setup_inputs()
    print(jax.jit(kernel)(*tuple(_d.values())))

</pallas_src>

<mosaic_0001>
#map = affine_map<(d0, d1) -> (0)>
#map1 = affine_map<(d0, d1) -> (0, 0)>
module attributes {stable_mosaic.version = 14 : i64} {
  func.func @gather_kernel(%arg0: i32, %arg1: i32, %arg2: memref<16384xi32, #tpu.memory_space<hbm>>, %arg3: memref<64x1000000xf32, #tpu.memory_space<hbm>>, %arg4: memref<16448x128xf32, #tpu.memory_space<hbm>>, %arg5: memref<16384xi32, #tpu.memory_space<vmem>>, %arg6: memref<16400xi32, #tpu.memory_space<vmem>>, %arg7: memref<16400xi32, #tpu.memory_space<vmem>>, %arg8: memref<64xi32, #tpu.memory_space<vmem>>, %arg9: memref<64xi32, #tpu.memory_space<vmem>>, %arg10: memref<64xi32, #tpu.memory_space<vmem>>, %arg11: memref<64x512xf32, #tpu.memory_space<vmem>>, %arg12: memref<64x512xf32, #tpu.memory_space<vmem>>, %arg13: memref<16x128xf32, #tpu.memory_space<vmem>>, %arg14: memref<16x128xf32, #tpu.memory_space<vmem>>, %arg15: memref<16xi32, #tpu.memory_space<vmem>>, %arg16: memref<16xi32, #tpu.memory_space<vmem>>, %arg17: memref<!tpu.dma_semaphore, #tpu.memory_space<semaphore_mem>>, %arg18: memref<!tpu.dma_semaphore, #tpu.memory_space<semaphore_mem>>, %arg19: memref<!tpu.dma_semaphore, #tpu.memory_space<semaphore_mem>>, %arg20: memref<!tpu.dma_semaphore, #tpu.memory_space<semaphore_mem>>) attributes {dimension_semantics = [#tpu.dimension_semantics<core_parallel>, #tpu.dimension_semantics<subcore_parallel>], iteration_bounds = array<i64: 2, 16>, scalar_prefetch = 0 : i64, scratch_operands = 16 : i64, tpu.core_type = #tpu.core_type<sc_vector_subcore>, window_params = [{transform_indices = #map}, {transform_indices = #map1}, {transform_indices = #map1}]} {
    %mul3A = arith.constant 2 : i32
    %mul3A_0 = arith.muli %arg1, %mul3A : i32
    %add3A = arith.addi %mul3A_0, %arg0 : i32
    %iota3A = tpu.iota {dimensions = array<i32: 0>} : vector<16xi32>
    %broadcast_in_dim3A = arith.constant 0 : i32
    %broadcast_in_dim3A_1 = vector.broadcast %broadcast_in_dim3A : i32 to vector<16xi32>
    "tpu.region"() ({
      %run_scoped3A = tpu.sem_alloc : memref<!tpu.dma_semaphore, #tpu.memory_space<semaphore_mem>>
      tpu.enqueue_dma source(%arg2 : memref<16384xi32, #tpu.memory_space<hbm>>) target(%arg5 : memref<16384xi32, #tpu.memory_space<vmem>>) target_semaphore(%run_scoped3A : memref<!tpu.dma_semaphore, #tpu.memory_space<semaphore_mem>>)
      tpu.wait_dma2 semaphore(%run_scoped3A : memref<!tpu.dma_semaphore, #tpu.memory_space<semaphore_mem>>) src(%arg2 : memref<16384xi32, #tpu.memory_space<hbm>>) dst(%arg5 : memref<16384xi32, #tpu.memory_space<vmem>>)
      tpu.yield
    }) : () -> ()
    %swap3A = arith.constant 0 : index
    %swap3A_2 = tpu.vector_load %arg8[%swap3A] {strides = array<i32>} : memref<64xi32, #tpu.memory_space<vmem>>, vector<16xi32>,
    tpu.vector_store %arg8[%swap3A], %broadcast_in_dim3A_1 {strides = array<i32>} : memref<64xi32, #tpu.memory_space<vmem>>, vector<16xi32>,
    %swap3A_3 = arith.constant 16 : index
    %swap3A_4 = tpu.vector_load %arg8[%swap3A_3] {strides = array<i32>} : memref<64xi32, #tpu.memory_space<vmem>>, vector<16xi32>,
    tpu.vector_store %arg8[%swap3A_3], %broadcast_in_dim3A_1 {strides = array<i32>} : memref<64xi32, #tpu.memory_space<vmem>>, vector<16xi32>,
    %swap3A_5 = arith.constant 32 : index
    %swap3A_6 = tpu.vector_load %arg8[%swap3A_5] {strides = array<i32>} : memref<64xi32, #tpu.memory_space<vmem>>, vector<16xi32>,
    tpu.vector_store %arg8[%swap3A_5], %broadcast_in_dim3A_1 {strides = array<i32>} : memref<64xi32, #tpu.memory_space<vmem>>, vector<16xi32>,
    %swap3A_7 = arith.constant 48 : index
    %swap3A_8 = tpu.vector_load %arg8[%swap3A_7] {strides = array<i32>} : memref<64xi32, #tpu.memory_space<vmem>>, vector<16xi32>,
    tpu.vector_store %arg8[%swap3A_7], %broadcast_in_dim3A_1 {strides = array<i32>} : memref<64xi32, #tpu.memory_space<vmem>>, vector<16xi32>,
    %scan3A = arith.constant 0 : i32
    %scan3A_9 = arith.constant 0 : i32
    %scan3A_10 = arith.constant 1024 : i32
    %scan3A_11 = arith.addi %scan3A_9, %scan3A_10 : i32
    %scan3A_12 = arith.constant 1 : i32
    scf.for %scan3A_197 = %scan3A_9 to %scan3A_11 step %scan3A_12  : i32 {
      %mul3A_198 = arith.constant 16 : i32
      %mul3A_199 = arith.muli %mul3A_198, %scan3A_197 : i32
      %get3A_200 = arith.index_cast %mul3A_199 : i32 to index
      %get3A_201 = tpu.vector_load %arg5[%get3A_200] {strides = array<i32>} : memref<16384xi32, #tpu.memory_space<vmem>>, vector<16xi32>,
      %shift_right_arithmetic3A = arith.constant 9 : i32
      %shift_right_arithmetic3A_202 = vector.broadcast %shift_right_arithmetic3A : i32 to vector<16xi32>
      %shift_right_arithmetic3A_203 = arith.shrsi %get3A_201, %shift_right_arithmetic3A_202 : vector<16xi32>
      %and3A_204 = arith.constant 31 : i32
      %and3A_205 = vector.broadcast %and3A_204 : i32 to vector<16xi32>
      %and3A_206 = arith.andi %shift_right_arithmetic3A_203, %and3A_205 : vector<16xi32>
      %eq3A = vector.broadcast %add3A : i32 to vector<16xi32>
      %eq3A_207 = arith.cmpi eq, %and3A_206, %eq3A : vector<16xi32>
      %shift_right_arithmetic3A_208 = arith.constant 14 : i32
      %shift_right_arithmetic3A_209 = vector.broadcast %shift_right_arithmetic3A_208 : i32 to vector<16xi32>
      %shift_right_arithmetic3A_210 = arith.shrsi %get3A_201, %shift_right_arithmetic3A_209 : vector<16xi32>
      %jit3A_211 = arith.constant 63 : i32
      %broadcast_in_dim3A_212 = vector.broadcast %jit3A_211 : i32 to vector<16xi32>
      %select_n3A_213 = arith.select %eq3A_207, %shift_right_arithmetic3A_210, %broadcast_in_dim3A_212 : vector<16xi1>, vector<16xi32>
      %jit3A_214 = arith.constant 1 : i32
      %jit3A_215 = arith.constant 0 : i32
      %broadcast_in_dim3A_216 = vector.broadcast %jit3A_214 : i32 to vector<16xi32>
      %broadcast_in_dim3A_217 = vector.broadcast %jit3A_215 : i32 to vector<16xi32>
      %select_n3A_218 = arith.select %eq3A_207, %broadcast_in_dim3A_216, %broadcast_in_dim3A_217 : vector<16xi1>, vector<16xi32>
      tpu.vector_store_idx %arg8[%select_n3A_213], %select_n3A_218 {add = true} : memref<64xi32, #tpu.memory_space<vmem>>[vector<16xi32>], vector<16xi32>,
    }
    %scan3A_13 = arith.constant 1024 : i32
    %get3A = arith.constant 0 : index
    %get3A_14 = tpu.vector_load %arg8[%get3A] {strides = array<i32>} : memref<64xi32, #tpu.memory_space<vmem>>, vector<16xi32>,
    %broadcast_in_dim3A_15 = arith.constant true
    %broadcast_in_dim3A_16 = vector.broadcast %broadcast_in_dim3A_15 : i1 to vector<16xi1>
    %masked_cumsum3A = tpu.scan <sum>, %get3A_14 masked %broadcast_in_dim3A_16 : vector<16xi32>, vector<16xi1> -> vector<16xi32>
    %add3A_17 = arith.addi %broadcast_in_dim3A_1, %masked_cumsum3A : vector<16xi32>
    %sub3A = arith.subi %add3A_17, %get3A_14 : vector<16xi32>
    %swap3A_18 = arith.constant 0 : index
    %swap3A_19 = tpu.vector_load %arg9[%swap3A_18] {strides = array<i32>} : memref<64xi32, #tpu.memory_space<vmem>>, vector<16xi32>,
    tpu.vector_store %arg9[%swap3A_18], %sub3A {strides = array<i32>} : memref<64xi32, #tpu.memory_space<vmem>>, vector<16xi32>,
    %broadcast_in_dim3A_20 = arith.constant 0 : i32
    %broadcast_in_dim3A_21 = vector.broadcast %broadcast_in_dim3A_20 : i32 to vector<16xi32>
    %add3A_22 = arith.addi %broadcast_in_dim3A_1, %broadcast_in_dim3A_21 : vector<16xi32>
    %slice3A = vector.extract_strided_slice %masked_cumsum3A {offsets = [15], sizes = [1], strides = [1]} : vector<16xi32> to vector<1xi32>
    %squeeze3A = vector.extract %slice3A[0] : i32 from vector<1xi32>
    %add3A_23 = vector.broadcast %squeeze3A : i32 to vector<16xi32>
    %add3A_24 = arith.addi %add3A_22, %add3A_23 : vector<16xi32>
    %get3A_25 = arith.constant 16 : index
    %get3A_26 = tpu.vector_load %arg8[%get3A_25] {strides = array<i32>} : memref<64xi32, #tpu.memory_space<vmem>>, vector<16xi32>,
    %broadcast_in_dim3A_27 = arith.constant true
    %broadcast_in_dim3A_28 = vector.broadcast %broadcast_in_dim3A_27 : i1 to vector<16xi1>
    %masked_cumsum3A_29 = tpu.scan <sum>, %get3A_26 masked %broadcast_in_dim3A_28 : vector<16xi32>, vector<16xi1> -> vector<16xi32>
    %add3A_30 = arith.addi %add3A_24, %masked_cumsum3A_29 : vector<16xi32>
    %sub3A_31 = arith.subi %add3A_30, %get3A_26 : vector<16xi32>
    %swap3A_32 = arith.constant 16 : index
    %swap3A_33 = tpu.vector_load %arg9[%swap3A_32] {strides = array<i32>} : memref<64xi32, #tpu.memory_space<vmem>>, vector<16xi32>,
    tpu.vector_store %arg9[%swap3A_32], %sub3A_31 {strides = array<i32>} : memref<64xi32, #tpu.memory_space<vmem>>, vector<16xi32>,
    %broadcast_in_dim3A_34 = arith.constant 0 : i32
    %broadcast_in_dim3A_35 = vector.broadcast %broadcast_in_dim3A_34 : i32 to vector<16xi32>
    %add3A_36 = arith.addi %add3A_24, %broadcast_in_dim3A_35 : vector<16xi32>
    %slice3A_37 = vector.extract_strided_slice %masked_cumsum3A_29 {offsets = [15], sizes = [1], strides = [1]} : vector<16xi32> to vector<1xi32>
    %squeeze3A_38 = vector.extract %slice3A_37[0] : i32 from vector<1xi32>
    %add3A_39 = vector.broadcast %squeeze3A_38 : i32 to vector<16xi32>
    %add3A_40 = arith.addi %add3A_36, %add3A_39 : vector<16xi32>
    %get3A_41 = arith.constant 32 : index
    %get3A_42 = tpu.vector_load %arg8[%get3A_41] {strides = array<i32>} : memref<64xi32, #tpu.memory_space<vmem>>, vector<16xi32>,
    %broadcast_in_dim3A_43 = arith.constant true
    %broadcast_in_dim3A_44 = vector.broadcast %broadcast_in_dim3A_43 : i1 to vector<16xi1>
    %masked_cumsum3A_45 = tpu.scan <sum>, %get3A_42 masked %broadcast_in_dim3A_44 : vector<16xi32>, vector<16xi1> -> vector<16xi32>
    %add3A_46 = arith.addi %add3A_40, %masked_cumsum3A_45 : vector<16xi32>
    %sub3A_47 = arith.subi %add3A_46, %get3A_42 : vector<16xi32>
    %swap3A_48 = arith.constant 32 : index
    %swap3A_49 = tpu.vector_load %arg9[%swap3A_48] {strides = array<i32>} : memref<64xi32, #tpu.memory_space<vmem>>, vector<16xi32>,
    tpu.vector_store %arg9[%swap3A_48], %sub3A_47 {strides = array<i32>} : memref<64xi32, #tpu.memory_space<vmem>>, vector<16xi32>,
    %broadcast_in_dim3A_50 = arith.constant 0 : i32
    %broadcast_in_dim3A_51 = vector.broadcast %broadcast_in_dim3A_50 : i32 to vector<16xi32>
    %add3A_52 = arith.addi %add3A_40, %broadcast_in_dim3A_51 : vector<16xi32>
    %slice3A_53 = vector.extract_strided_slice %masked_cumsum3A_45 {offsets = [15], sizes = [1], strides = [1]} : vector<16xi32> to vector<1xi32>
    %squeeze3A_54 = vector.extract %slice3A_53[0] : i32 from vector<1xi32>
    %add3A_55 = vector.broadcast %squeeze3A_54 : i32 to vector<16xi32>
    %add3A_56 = arith.addi %add3A_52, %add3A_55 : vector<16xi32>
    %get3A_57 = arith.constant 48 : index
    %get3A_58 = tpu.vector_load %arg8[%get3A_57] {strides = array<i32>} : memref<64xi32, #tpu.memory_space<vmem>>, vector<16xi32>,
    %broadcast_in_dim3A_59 = arith.constant true
    %broadcast_in_dim3A_60 = vector.broadcast %broadcast_in_dim3A_59 : i1 to vector<16xi1>
    %masked_cumsum3A_61 = tpu.scan <sum>, %get3A_58 masked %broadcast_in_dim3A_60 : vector<16xi32>, vector<16xi1> -> vector<16xi32>
    %add3A_62 = arith.addi %add3A_56, %masked_cumsum3A_61 : vector<16xi32>
    %sub3A_63 = arith.subi %add3A_62, %get3A_58 : vector<16xi32>
    %swap3A_64 = arith.constant 48 : index
    %swap3A_65 = tpu.vector_load %arg9[%swap3A_64] {strides = array<i32>} : memref<64xi32, #tpu.memory_space<vmem>>, vector<16xi32>,
    tpu.vector_store %arg9[%swap3A_64], %sub3A_63 {strides = array<i32>} : memref<64xi32, #tpu.memory_space<vmem>>, vector<16xi32>,
    %broadcast_in_dim3A_66 = arith.constant 0 : i32
    %broadcast_in_dim3A_67 = vector.broadcast %broadcast_in_dim3A_66 : i32 to vector<16xi32>
    %add3A_68 = arith.addi %add3A_56, %broadcast_in_dim3A_67 : vector<16xi32>
    %slice3A_69 = vector.extract_strided_slice %masked_cumsum3A_61 {offsets = [15], sizes = [1], strides = [1]} : vector<16xi32> to vector<1xi32>
    %squeeze3A_70 = vector.extract %slice3A_69[0] : i32 from vector<1xi32>
    %add3A_71 = vector.broadcast %squeeze3A_70 : i32 to vector<16xi32>
    %add3A_72 = arith.addi %add3A_68, %add3A_71 : vector<16xi32>
    %get3A_73 = arith.constant 0 : index
    %get3A_74 = tpu.vector_load %arg9[%get3A_73] {strides = array<i32>} : memref<64xi32, #tpu.memory_space<vmem>>, vector<16xi32>,
    %swap3A_75 = arith.constant 0 : index
    %swap3A_76 = tpu.vector_load %arg10[%swap3A_75] {strides = array<i32>} : memref<64xi32, #tpu.memory_space<vmem>>, vector<16xi32>,
    tpu.vector_store %arg10[%swap3A_75], %get3A_74 {strides = array<i32>} : memref<64xi32, #tpu.memory_space<vmem>>, vector<16xi32>,
    %get3A_77 = arith.constant 16 : index
    %get3A_78 = tpu.vector_load %arg9[%get3A_77] {strides = array<i32>} : memref<64xi32, #tpu.memory_space<vmem>>, vector<16xi32>,
    %swap3A_79 = arith.constant 16 : index
    %swap3A_80 = tpu.vector_load %arg10[%swap3A_79] {strides = array<i32>} : memref<64xi32, #tpu.memory_space<vmem>>, vector<16xi32>,
    tpu.vector_store %arg10[%swap3A_79], %get3A_78 {strides = array<i32>} : memref<64xi32, #tpu.memory_space<vmem>>, vector<16xi32>,
    %get3A_81 = arith.constant 32 : index
    %get3A_82 = tpu.vector_load %arg9[%get3A_81] {strides = array<i32>} : memref<64xi32, #tpu.memory_space<vmem>>, vector<16xi32>,
    %swap3A_83 = arith.constant 32 : index
    %swap3A_84 = tpu.vector_load %arg10[%swap3A_83] {strides = array<i32>} : memref<64xi32, #tpu.memory_space<vmem>>, vector<16xi32>,
    tpu.vector_store %arg10[%swap3A_83], %get3A_82 {strides = array<i32>} : memref<64xi32, #tpu.memory_space<vmem>>, vector<16xi32>,
    %get3A_85 = arith.constant 48 : index
    %get3A_86 = tpu.vector_load %arg9[%get3A_85] {strides = array<i32>} : memref<64xi32, #tpu.memory_space<vmem>>, vector<16xi32>,
    %swap3A_87 = arith.constant 48 : index
    %swap3A_88 = tpu.vector_load %arg10[%swap3A_87] {strides = array<i32>} : memref<64xi32, #tpu.memory_space<vmem>>, vector<16xi32>,
    tpu.vector_store %arg10[%swap3A_87], %get3A_86 {strides = array<i32>} : memref<64xi32, #tpu.memory_space<vmem>>, vector<16xi32>,
    %scan3A_89 = arith.constant 0 : i32
    %scan3A_90 = arith.constant 0 : i32
    %scan3A_91 = arith.constant 1024 : i32
    %scan3A_92 = arith.addi %scan3A_90, %scan3A_91 : i32
    %scan3A_93 = arith.constant 1 : i32
    scf.for %scan3A_197 = %scan3A_90 to %scan3A_92 step %scan3A_93  : i32 {
      %mul3A_198 = arith.constant 16 : i32
      %mul3A_199 = arith.muli %mul3A_198, %scan3A_197 : i32
      %get3A_200 = arith.index_cast %mul3A_199 : i32 to index
      %get3A_201 = tpu.vector_load %arg5[%get3A_200] {strides = array<i32>} : memref<16384xi32, #tpu.memory_space<vmem>>, vector<16xi32>,
      %shift_right_arithmetic3A = arith.constant 9 : i32
      %shift_right_arithmetic3A_202 = vector.broadcast %shift_right_arithmetic3A : i32 to vector<16xi32>
      %shift_right_arithmetic3A_203 = arith.shrsi %get3A_201, %shift_right_arithmetic3A_202 : vector<16xi32>
      %and3A_204 = arith.constant 31 : i32
      %and3A_205 = vector.broadcast %and3A_204 : i32 to vector<16xi32>
      %and3A_206 = arith.andi %shift_right_arithmetic3A_203, %and3A_205 : vector<16xi32>
      %eq3A = vector.broadcast %add3A : i32 to vector<16xi32>
      %eq3A_207 = arith.cmpi eq, %and3A_206, %eq3A : vector<16xi32>
      %shift_right_arithmetic3A_208 = arith.constant 14 : i32
      %shift_right_arithmetic3A_209 = vector.broadcast %shift_right_arithmetic3A_208 : i32 to vector<16xi32>
      %shift_right_arithmetic3A_210 = arith.shrsi %get3A_201, %shift_right_arithmetic3A_209 : vector<16xi32>
      %jit3A_211 = arith.constant 63 : i32
      %broadcast_in_dim3A_212 = vector.broadcast %jit3A_211 : i32 to vector<16xi32>
      %select_n3A_213 = arith.select %eq3A_207, %shift_right_arithmetic3A_210, %broadcast_in_dim3A_212 : vector<16xi1>, vector<16xi32>
      %unique3A, %unique3A_214 = tpu.scan_count mask(%eq3A_207 : vector<16xi1>) value(%select_n3A_213 : vector<16xi32>) : vector<16xi1>, vector<16xi32>
      %gather3A = tpu.vector_load_idx %arg10[%select_n3A_213] : memref<64xi32, #tpu.memory_space<vmem>>[vector<16xi32>], vector<16xi32>,
      %add3A_215 = arith.addi %gather3A, %unique3A_214 : vector<16xi32>
      %sub3A_216 = arith.constant 1 : i32
      %sub3A_217 = vector.broadcast %sub3A_216 : i32 to vector<16xi32>
      %sub3A_218 = arith.subi %add3A_215, %sub3A_217 : vector<16xi32>
      tpu.vector_store_idx %arg6[%sub3A_218], %get3A_201 masked %eq3A_207 : memref<16400xi32, #tpu.memory_space<vmem>>[vector<16xi32>], vector<16xi32>, vector<16xi1>
      %mul3A_219 = arith.constant 16 : i32
      %mul3A_220 = arith.muli %mul3A_219, %scan3A_197 : i32
      %add3A_221 = vector.broadcast %mul3A_220 : i32 to vector<16xi32>
      %add3A_222 = arith.addi %iota3A, %add3A_221 : vector<16xi32>
      tpu.vector_store_idx %arg7[%sub3A_218], %add3A_222 masked %eq3A_207 : memref<16400xi32, #tpu.memory_space<vmem>>[vector<16xi32>], vector<16xi32>, vector<16xi1>
      %add3A_223 = arith.constant 1 : i32
      %add3A_224 = vector.broadcast %add3A_223 : i32 to vector<16xi32>
      %add3A_225 = arith.addi %sub3A_218, %add3A_224 : vector<16xi32>
      %and3A_226 = arith.andi %unique3A, %eq3A_207 : vector<16xi1>
      tpu.vector_store_idx %arg10[%select_n3A_213], %add3A_225 masked %and3A_226 : memref<64xi32, #tpu.memory_space<vmem>>[vector<16xi32>], vector<16xi32>, vector<16xi1>
    }
    %scan3A_94 = arith.constant 1024 : i32
    %sub3A_95 = arith.constant 1953 : i32
    %sub3A_96 = arith.subi %sub3A_95, %add3A : i32
    %add3A_97 = arith.constant 32 : i32
    %add3A_98 = arith.addi %sub3A_96, %add3A_97 : i32
    %sub3A_99 = arith.constant 1 : i32
    %sub3A_100 = arith.subi %add3A_98, %sub3A_99 : i32
    %jit3A = arith.constant 32 : i32
    %div3A = arith.divsi %sub3A_100, %jit3A : i32
    %sign3A = arith.constant 0 : i32
    %sign3A_101 = arith.cmpi sgt, %sub3A_100, %sign3A : i32
    %sign3A_102 = arith.extui %sign3A_101 : i1 to i32
    %sign3A_103 = arith.constant 0 : i32
    %sign3A_104 = arith.cmpi slt, %sub3A_100, %sign3A_103 : i32
    %sign3A_105 = arith.extui %sign3A_104 : i1 to i32
    %sign3A_106 = arith.subi %sign3A_102, %sign3A_105 : i32
    %sign3A_107 = arith.constant 0 : i32
    %sign3A_108 = arith.cmpi sgt, %jit3A, %sign3A_107 : i32
    %sign3A_109 = arith.extui %sign3A_108 : i1 to i32
    %sign3A_110 = arith.constant 0 : i32
    %sign3A_111 = arith.cmpi slt, %jit3A, %sign3A_110 : i32
    %sign3A_112 = arith.extui %sign3A_111 : i1 to i32
    %sign3A_113 = arith.subi %sign3A_109, %sign3A_112 : i32
    %ne3A = arith.cmpi ne, %sign3A_106, %sign3A_113 : i32
    %rem3A = arith.remsi %sub3A_100, %jit3A : i32
    %ne3A_114 = arith.constant 0 : i32
    %ne3A_115 = arith.cmpi ne, %rem3A, %ne3A_114 : i32
    %and3A = arith.andi %ne3A, %ne3A_115 : i1
    %sub3A_116 = arith.constant 1 : i32
    %sub3A_117 = arith.subi %div3A, %sub3A_116 : i32
    %select_n3A = arith.select %and3A, %sub3A_117, %div3A : i32
    %add3A_118 = arith.constant 0 : i32
    %add3A_119 = vector.broadcast %add3A_118 : i32 to vector<16xi32>
    %add3A_120 = arith.addi %iota3A, %add3A_119 : vector<16xi32>
    %add3A_121 = arith.constant 16 : i32
    %add3A_122 = vector.broadcast %add3A_121 : i32 to vector<16xi32>
    %add3A_123 = arith.addi %iota3A, %add3A_122 : vector<16xi32>
    %add3A_124 = arith.constant 32 : i32
    %add3A_125 = vector.broadcast %add3A_124 : i32 to vector<16xi32>
    %add3A_126 = arith.addi %iota3A, %add3A_125 : vector<16xi32>
    %add3A_127 = arith.constant 48 : i32
    %add3A_128 = vector.broadcast %add3A_127 : i32 to vector<16xi32>
    %add3A_129 = arith.addi %iota3A, %add3A_128 : vector<16xi32>
    %add3A_130 = arith.constant 16384 : i32
    %add3A_131 = arith.addi %add3A_130, %add3A : i32
    %add3A_132 = vector.broadcast %add3A_131 : i32 to vector<16xi32>
    %add3A_133 = arith.addi %broadcast_in_dim3A_1, %add3A_132 : vector<16xi32>
    %swap3A_134 = arith.constant 0 : index
    %swap3A_135 = tpu.vector_load %arg15[%swap3A_134] {strides = array<i32>} : memref<16xi32, #tpu.memory_space<vmem>>, vector<16xi32>,
    tpu.vector_store %arg15[%swap3A_134], %add3A_133 {strides = array<i32>} : memref<16xi32, #tpu.memory_space<vmem>>, vector<16xi32>,
    %add3A_136 = arith.constant 16384 : i32
    %add3A_137 = arith.addi %add3A_136, %add3A : i32
    %add3A_138 = vector.broadcast %add3A_137 : i32 to vector<16xi32>
    %add3A_139 = arith.addi %broadcast_in_dim3A_1, %add3A_138 : vector<16xi32>
    %swap3A_140 = arith.constant 0 : index
    %swap3A_141 = tpu.vector_load %arg16[%swap3A_140] {strides = array<i32>} : memref<16xi32, #tpu.memory_space<vmem>>, vector<16xi32>,
    tpu.vector_store %arg16[%swap3A_140], %add3A_139 {strides = array<i32>} : memref<16xi32, #tpu.memory_space<vmem>>, vector<16xi32>,
    %dma_start3A = arith.constant 0 : i32
    %dma_start3A_142 = arith.constant 0 : i32
    %dma_start3A_143 = tpu.memref_slice %arg4[%dma_start3A, %dma_start3A_142] : memref<16448x128xf32, #tpu.memory_space<hbm>> -> memref<16448x128xf32, #tpu.memory_space<hbm>>
    tpu.enqueue_indirect_dma source(%arg13 : memref<16x128xf32, #tpu.memory_space<vmem>>) target(%dma_start3A_143 : memref<16448x128xf32, #tpu.memory_space<hbm>>) offsets(%arg15 : memref<16xi32, #tpu.memory_space<vmem>>) semaphore(%arg19 : memref<!tpu.dma_semaphore, #tpu.memory_space<semaphore_mem>>)
    %dma_start3A_144 = arith.constant 0 : i32
    %dma_start3A_145 = arith.constant 0 : i32
    %dma_start3A_146 = tpu.memref_slice %arg4[%dma_start3A_144, %dma_start3A_145] : memref<16448x128xf32, #tpu.memory_space<hbm>> -> memref<16448x128xf32, #tpu.memory_space<hbm>>
    tpu.enqueue_indirect_dma source(%arg14 : memref<16x128xf32, #tpu.memory_space<vmem>>) target(%dma_start3A_146 : memref<16448x128xf32, #tpu.memory_space<hbm>>) offsets(%arg16 : memref<16xi32, #tpu.memory_space<vmem>>) semaphore(%arg20 : memref<!tpu.dma_semaphore, #tpu.memory_space<semaphore_mem>>)
    %mul3A_147 = arith.constant 32 : i32
    %mul3A_148 = arith.constant 0 : i32
    %mul3A_149 = arith.muli %mul3A_147, %mul3A_148 : i32
    %add3A_150 = arith.addi %add3A, %mul3A_149 : i32
    %mul3A_151 = arith.constant 512 : i32
    %mul3A_152 = arith.muli %add3A_150, %mul3A_151 : i32
    %multiple_of3A = tpu.assume_multiple %mul3A_152, 512 : i32
    %dma_start3A_153 = arith.constant 0 : i32
    %dma_start3A_154 = tpu.memref_slice %arg3[%dma_start3A_153, %multiple_of3A] : memref<64x1000000xf32, #tpu.memory_space<hbm>> -> memref<64x512xf32, #tpu.memory_space<hbm>>
    %dma_start3A_155 = arith.constant 0 : i32
    %dma_start3A_156 = tpu.memref_slice %arg3[%dma_start3A_155, %multiple_of3A] : memref<64x1000000xf32, #tpu.memory_space<hbm>> -> memref<64x512xf32, #tpu.memory_space<hbm>>
    tpu.enqueue_dma source(%dma_start3A_156 : memref<64x512xf32, #tpu.memory_space<hbm>>) target(%arg11 : memref<64x512xf32, #tpu.memory_space<vmem>>) target_semaphore(%arg17 : memref<!tpu.dma_semaphore, #tpu.memory_space<semaphore_mem>>)
    %add3A_157 = arith.constant 1 : i32
    %add3A_158 = arith.addi %select_n3A, %add3A_157 : i32
    %jit3A_159 = arith.constant 2 : i32
    %div3A_160 = arith.divsi %add3A_158, %jit3A_159 : i32
    %sign3A_161 = arith.constant 0 : i32
    %sign3A_162 = arith.cmpi sgt, %add3A_158, %sign3A_161 : i32
    %sign3A_163 = arith.extui %sign3A_162 : i1 to i32
    %sign3A_164 = arith.constant 0 : i32
    %sign3A_165 = arith.cmpi slt, %add3A_158, %sign3A_164 : i32
    %sign3A_166 = arith.extui %sign3A_165 : i1 to i32
    %sign3A_167 = arith.subi %sign3A_163, %sign3A_166 : i32
    %sign3A_168 = arith.constant 0 : i32
    %sign3A_169 = arith.cmpi sgt, %jit3A_159, %sign3A_168 : i32
    %sign3A_170 = arith.extui %sign3A_169 : i1 to i32
    %sign3A_171 = arith.constant 0 : i32
    %sign3A_172 = arith.cmpi slt, %jit3A_159, %sign3A_171 : i32
    %sign3A_173 = arith.extui %sign3A_172 : i1 to i32
    %sign3A_174 = arith.subi %sign3A_170, %sign3A_173 : i32
    %ne3A_175 = arith.cmpi ne, %sign3A_167, %sign3A_174 : i32
    %rem3A_176 = arith.remsi %add3A_158, %jit3A_159 : i32
    %ne3A_177 = arith.constant 0 : i32
    %ne3A_178 = arith.cmpi ne, %rem3A_176, %ne3A_177 : i32
    %and3A_179 = arith.andi %ne3A_175, %ne3A_178 : i1
    %sub3A_180 = arith.constant 1 : i32
    %sub3A_181 = arith.subi %div3A_160, %sub3A_180 : i32
    %select_n3A_182 = arith.select %and3A_179, %sub3A_181, %div3A_160 : i32
    %while3A = arith.constant 0 : i32
    %while3A_183 = arith.constant 0 : i32
    %while3A_184 = arith.subi %select_n3A_182, %while3A_183 : i32
    %while3A_185 = arith.addi %while3A_183, %while3A_184 : i32
    %while3A_186 = arith.constant 1 : i32
    %while3A_187 = arith.divsi %while3A_184, %while3A_186 : i32
    %while3A_188 = arith.muli %while3A_187, %while3A_186 : i32
    %while3A_189 = arith.addi %while3A_183, %while3A_188 : i32
    %while3A_190 = arith.constant 1 : i32
    scf.for %while3A_197 = %while3A_183 to %while3A_189 step %while3A_190  : i32 {
      %mul3A_198 = arith.constant 2 : i32
      %mul3A_199 = arith.muli %mul3A_198, %while3A_197 : i32
      %mul3A_200 = arith.constant 2 : i32
      %mul3A_201 = arith.muli %mul3A_200, %while3A_197 : i32
      %add3A_202 = arith.constant 1 : i32
      %add3A_203 = arith.addi %mul3A_201, %add3A_202 : i32
      %lt3A = arith.cmpi slt, %add3A_203, %select_n3A : i32
      %convert_element_type3A = arith.extui %lt3A : i1 to i32
      %cond3A = arith.constant 0 : i32
      %cond3A_204 = arith.cmpi ne, %convert_element_type3A, %cond3A : i32
      scf.if %cond3A_204 {
        %mul3A_272 = arith.constant 32 : i32
        %mul3A_273 = arith.muli %mul3A_272, %add3A_203 : i32
        %add3A_274 = arith.addi %add3A, %mul3A_273 : i32
        %mul3A_275 = arith.constant 512 : i32
        %mul3A_276 = arith.muli %add3A_274, %mul3A_275 : i32
        %multiple_of3A_277 = tpu.assume_multiple %mul3A_276, 512 : i32
        %dma_start3A_278 = arith.constant 0 : i32
        %dma_start3A_279 = tpu.memref_slice %arg3[%dma_start3A_278, %multiple_of3A_277] : memref<64x1000000xf32, #tpu.memory_space<hbm>> -> memref<64x512xf32, #tpu.memory_space<hbm>>
        %dma_start3A_280 = arith.constant 0 : i32
        %dma_start3A_281 = tpu.memref_slice %arg3[%dma_start3A_280, %multiple_of3A_277] : memref<64x1000000xf32, #tpu.memory_space<hbm>> -> memref<64x512xf32, #tpu.memory_space<hbm>>
        tpu.enqueue_dma source(%dma_start3A_281 : memref<64x512xf32, #tpu.memory_space<hbm>>) target(%arg12 : memref<64x512xf32, #tpu.memory_space<vmem>>) target_semaphore(%arg18 : memref<!tpu.dma_semaphore, #tpu.memory_space<semaphore_mem>>)
      } else {
      }
      %dma_wait3A_205 = arith.constant 0 : i32
      %dma_wait3A_206 = arith.constant 0 : i32
      %dma_wait3A_207 = tpu.memref_slice %arg3[%dma_wait3A_205, %dma_wait3A_206] : memref<64x1000000xf32, #tpu.memory_space<hbm>> -> memref<64x512xf32, #tpu.memory_space<hbm>>
      %dma_wait3A_208 = arith.constant 0 : i32
      %dma_wait3A_209 = arith.constant 0 : i32
      %dma_wait3A_210 = tpu.memref_slice %arg3[%dma_wait3A_208, %dma_wait3A_209] : memref<64x1000000xf32, #tpu.memory_space<hbm>> -> memref<64x512xf32, #tpu.memory_space<hbm>>
      tpu.wait_dma2 semaphore(%arg17 : memref<!tpu.dma_semaphore, #tpu.memory_space<semaphore_mem>>) src(%dma_wait3A_210 : memref<64x512xf32, #tpu.memory_space<hbm>>) dst(%arg11 : memref<64x512xf32, #tpu.memory_space<vmem>>)
      %mul3A_211 = arith.constant 32 : i32
      %mul3A_212 = arith.muli %mul3A_211, %mul3A_199 : i32
      %add3A_213 = arith.addi %add3A, %mul3A_212 : i32
      %mul3A_214 = arith.constant 512 : i32
      %mul3A_215 = arith.muli %add3A_213, %mul3A_214 : i32
      %multiple_of3A_216 = tpu.assume_multiple %mul3A_215, 512 : i32
      %add3A_217 = vector.broadcast %mul3A_199 : i32 to vector<16xi32>
      %add3A_218 = arith.addi %broadcast_in_dim3A_1, %add3A_217 : vector<16xi32>
      %gather3A = tpu.vector_load_idx %arg8[%add3A_218] : memref<64xi32, #tpu.memory_space<vmem>>[vector<16xi32>], vector<16xi32>,
      %slice3A_219 = vector.extract_strided_slice %gather3A {offsets = [0], sizes = [1], strides = [1]} : vector<16xi32> to vector<1xi32>
      %squeeze3A_220 = vector.extract %slice3A_219[0] : i32 from vector<1xi32>
      %gather3A_221 = tpu.vector_load_idx %arg9[%add3A_218] : memref<64xi32, #tpu.memory_space<vmem>>[vector<16xi32>], vector<16xi32>,
      %slice3A_222 = vector.extract_strided_slice %gather3A_221 {offsets = [0], sizes = [1], strides = [1]} : vector<16xi32> to vector<1xi32>
      %squeeze3A_223 = vector.extract %slice3A_222[0] : i32 from vector<1xi32>
      %add3A_224 = arith.constant 16 : i32
      %add3A_225 = arith.addi %squeeze3A_220, %add3A_224 : i32
      %sub3A_226 = arith.constant 1 : i32
      %sub3A_227 = arith.subi %add3A_225, %sub3A_226 : i32
      %jit3A_228 = arith.constant 16 : i32
      %div3A_229 = arith.divsi %sub3A_227, %jit3A_228 : i32
      %sign3A_230 = arith.constant 0 : i32
      %sign3A_231 = arith.cmpi sgt, %sub3A_227, %sign3A_230 : i32
      %sign3A_232 = arith.extui %sign3A_231 : i1 to i32
      %sign3A_233 = arith.constant 0 : i32
      %sign3A_234 = arith.cmpi slt, %sub3A_227, %sign3A_233 : i32
      %sign3A_235 = arith.extui %sign3A_234 : i1 to i32
      %sign3A_236 = arith.subi %sign3A_232, %sign3A_235 : i32
      %sign3A_237 = arith.constant 0 : i32
      %sign3A_238 = arith.cmpi sgt, %jit3A_228, %sign3A_237 : i32
      %sign3A_239 = arith.extui %sign3A_238 : i1 to i32
      %sign3A_240 = arith.constant 0 : i32
      %sign3A_241 = arith.cmpi slt, %jit3A_228, %sign3A_240 : i32
      %sign3A_242 = arith.extui %sign3A_241 : i1 to i32
      %sign3A_243 = arith.subi %sign3A_239, %sign3A_242 : i32
      %ne3A_244 = arith.cmpi ne, %sign3A_236, %sign3A_243 : i32
      %rem3A_245 = arith.remsi %sub3A_227, %jit3A_228 : i32
      %ne3A_246 = arith.constant 0 : i32
      %ne3A_247 = arith.cmpi ne, %rem3A_245, %ne3A_246 : i32
      %and3A_248 = arith.andi %ne3A_244, %ne3A_247 : i1
      %sub3A_249 = arith.constant 1 : i32
      %sub3A_250 = arith.subi %div3A_229, %sub3A_249 : i32
      %select_n3A_251 = arith.select %and3A_248, %sub3A_250, %div3A_229 : i32
      %while3A_252 = arith.constant 0 : i32
      %while3A_253 = arith.constant 0 : i32
      %while3A_254 = arith.subi %select_n3A_251, %while3A_253 : i32
      %while3A_255 = arith.addi %while3A_253, %while3A_254 : i32
      %while3A_256 = arith.constant 1 : i32
      %while3A_257 = arith.divsi %while3A_254, %while3A_256 : i32
      %while3A_258 = arith.muli %while3A_257, %while3A_256 : i32
      %while3A_259 = arith.addi %while3A_253, %while3A_258 : i32
      %while3A_260 = arith.constant 1 : i32
      scf.for %while3A_272 = %while3A_253 to %while3A_259 step %while3A_260  : i32 {
        %dma_wait3A_273 = arith.constant 0 : i32
        %dma_wait3A_274 = arith.constant 0 : i32
        %dma_wait3A_275 = tpu.memref_slice %arg4[%dma_wait3A_273, %dma_wait3A_274] : memref<16448x128xf32, #tpu.memory_space<hbm>> -> memref<16448x128xf32, #tpu.memory_space<hbm>>
        tpu.wait_indirect_dma semaphore(%arg19 : memref<!tpu.dma_semaphore, #tpu.memory_space<semaphore_mem>>) src(%arg13 : memref<16x128xf32, #tpu.memory_space<vmem>>) dst(%dma_wait3A_275 : memref<16448x128xf32, #tpu.memory_space<hbm>>)
        %mul3A_276 = arith.constant 16 : i32
        %mul3A_277 = arith.muli %mul3A_276, %while3A_272 : i32
        %add3A_278 = arith.addi %squeeze3A_223, %mul3A_277 : i32
        %get3A_279 = arith.index_cast %add3A_278 : i32 to index
        %get3A_280 = tpu.vector_load %arg6[%get3A_279] {strides = array<i32>} : memref<16400xi32, #tpu.memory_space<vmem>>, vector<16xi32>,
        %get3A_281 = arith.index_cast %add3A_278 : i32 to index
        %get3A_282 = tpu.vector_load %arg7[%get3A_281] {strides = array<i32>} : memref<16400xi32, #tpu.memory_space<vmem>>, vector<16xi32>,
        %mul3A_283 = arith.constant 16 : i32
        %mul3A_284 = arith.muli %mul3A_283, %while3A_272 : i32
        %add3A_285 = vector.broadcast %mul3A_284 : i32 to vector<16xi32>
        %add3A_286 = arith.addi %iota3A, %add3A_285 : vector<16xi32>
        %lt3A_287 = vector.broadcast %squeeze3A_220 : i32 to vector<16xi32>
        %lt3A_288 = arith.cmpi slt, %add3A_286, %lt3A_287 : vector<16xi32>
        %sub3A_289 = vector.broadcast %multiple_of3A_216 : i32 to vector<16xi32>
        %sub3A_290 = arith.subi %get3A_280, %sub3A_289 : vector<16xi32>
        %jit3A_291 = arith.constant 0 : i32
        %broadcast_in_dim3A_292 = vector.broadcast %jit3A_291 : i32 to vector<16xi32>
        %select_n3A_293 = arith.select %lt3A_288, %sub3A_290, %broadcast_in_dim3A_292 : vector<16xi1>, vector<16xi32>
        %add3A_294 = arith.constant 16384 : i32
        %add3A_295 = arith.addi %add3A_294, %add3A : i32
        %broadcast_in_dim3A_296 = vector.broadcast %add3A_295 : i32 to vector<16xi32>
        %select_n3A_297 = arith.select %lt3A_288, %get3A_282, %broadcast_in_dim3A_296 : vector<16xi1>, vector<16xi32>
        %swap3A_298 = arith.constant 0 : index
        %swap3A_299 = tpu.vector_load %arg15[%swap3A_298] {strides = array<i32>} : memref<16xi32, #tpu.memory_space<vmem>>, vector<16xi32>,
        tpu.vector_store %arg15[%swap3A_298], %select_n3A_297 {strides = array<i32>} : memref<16xi32, #tpu.memory_space<vmem>>, vector<16xi32>,
        %slice3A_300 = vector.extract_strided_slice %select_n3A_293 {offsets = [0], sizes = [1], strides = [1]} : vector<16xi32> to vector<1xi32>
        %squeeze3A_301 = vector.extract %slice3A_300[0] : i32 from vector<1xi32>
        %add3A_302 = vector.broadcast %squeeze3A_301 : i32 to vector<16xi32>
        %add3A_303 = arith.addi %broadcast_in_dim3A_1, %add3A_302 : vector<16xi32>
        %gather3A_304 = tpu.vector_load_idx %arg11[%add3A_120, %add3A_303] : memref<64x512xf32, #tpu.memory_space<vmem>>[vector<16xi32>, vector<16xi32>], vector<16xf32>,
        %swap3A_305 = arith.constant 0 : i32
        %swap3A_306 = arith.index_cast %swap3A_305 : i32 to index
        %swap3A_307 = arith.constant 0 : index
        %swap3A_308 = tpu.vector_load %arg13[%swap3A_306, %swap3A_307] {strides = array<i32>} : memref<16x128xf32, #tpu.memory_space<vmem>>, vector<16xf32>,
        tpu.vector_store %arg13[%swap3A_306, %swap3A_307], %gather3A_304 {strides = array<i32>} : memref<16x128xf32, #tpu.memory_space<vmem>>, vector<16xf32>,
        %add3A_309 = vector.broadcast %squeeze3A_301 : i32 to vector<16xi32>
        %add3A_310 = arith.addi %broadcast_in_dim3A_1, %add3A_309 : vector<16xi32>
        %gather3A_311 = tpu.vector_load_idx %arg11[%add3A_123, %add3A_310] : memref<64x512xf32, #tpu.memory_space<vmem>>[vector<16xi32>, vector<16xi32>], vector<16xf32>,
        %swap3A_312 = arith.constant 0 : i32
        %swap3A_313 = arith.index_cast %swap3A_312 : i32 to index
        %swap3A_314 = arith.constant 16 : index
        %swap3A_315 = tpu.vector_load %arg13[%swap3A_313, %swap3A_314] {strides = array<i32>} : memref<16x128xf32, #tpu.memory_space<vmem>>, vector<16xf32>,
        tpu.vector_store %arg13[%swap3A_313, %swap3A_314], %gather3A_311 {strides = array<i32>} : memref<16x128xf32, #tpu.memory_space<vmem>>, vector<16xf32>,
        %add3A_316 = vector.broadcast %squeeze3A_301 : i32 to vector<16xi32>
        %add3A_317 = arith.addi %broadcast_in_dim3A_1, %add3A_316 : vector<16xi32>
        %gather3A_318 = tpu.vector_load_idx %arg11[%add3A_126, %add3A_317] : memref<64x512xf32, #tpu.memory_space<vmem>>[vector<16xi32>, vector<16xi32>], vector<16xf32>,
        %swap3A_319 = arith.constant 0 : i32
        %swap3A_320 = arith.index_cast %swap3A_319 : i32 to index
        %swap3A_321 = arith.constant 32 : index
        %swap3A_322 = tpu.vector_load %arg13[%swap3A_320, %swap3A_321] {strides = array<i32>} : memref<16x128xf32, #tpu.memory_space<vmem>>, vector<16xf32>,
        tpu.vector_store %arg13[%swap3A_320, %swap3A_321], %gather3A_318 {strides = array<i32>} : memref<16x128xf32, #tpu.memory_space<vmem>>, vector<16xf32>,
        %add3A_323 = vector.broadcast %squeeze3A_301 : i32 to vector<16xi32>
        %add3A_324 = arith.addi %broadcast_in_dim3A_1, %add3A_323 : vector<16xi32>
        %gather3A_325 = tpu.vector_load_idx %arg11[%add3A_129, %add3A_324] : memref<64x512xf32, #tpu.memory_space<vmem>>[vector<16xi32>, vector<16xi32>], vector<16xf32>,
        %swap3A_326 = arith.constant 0 : i32
        %swap3A_327 = arith.index_cast %swap3A_326 : i32 to index
        %swap3A_328 = arith.constant 48 : index
        %swap3A_329 = tpu.vector_load %arg13[%swap3A_327, %swap3A_328] {strides = array<i32>} : memref<16x128xf32, #tpu.memory_space<vmem>>, vector<16xf32>,
        tpu.vector_store %arg13[%swap3A_327, %swap3A_328], %gather3A_325 {strides = array<i32>} : memref<16x128xf32, #tpu.memory_space<vmem>>, vector<16xf32>,
        %slice3A_330 = vector.extract_strided_slice %select_n3A_293 {offsets = [1], sizes = [1], strides = [1]} : vector<16xi32> to vector<1xi32>
        %squeeze3A_331 = vector.extract %slice3A_330[0] : i32 from vector<1xi32>
        %add3A_332 = vector.broadcast %squeeze3A_331 : i32 to vector<16xi32>
        %add3A_333 = arith.addi %broadcast_in_dim3A_1, %add3A_332 : vector<16xi32>
        %gather3A_334 = tpu.vector_load_idx %arg11[%add3A_120, %add3A_333] : memref<64x512xf32, #tpu.memory_space<vmem>>[vector<16xi32>, vector<16xi32>], vector<16xf32>,
        %swap3A_335 = arith.constant 1 : i32
        %swap3A_336 = arith.index_cast %swap3A_335 : i32 to index
        %swap3A_337 = arith.constant 0 : index
        %swap3A_338 = tpu.vector_load %arg13[%swap3A_336, %swap3A_337] {strides = array<i32>} : memref<16x128xf32, #tpu.memory_space<vmem>>, vector<16xf32>,
        tpu.vector_store %arg13[%swap3A_336, %swap3A_337], %gather3A_334 {strides = array<i32>} : memref<16x128xf32, #tpu.memory_space<vmem>>, vector<16xf32>,
        %add3A_339 = vector.broadcast %squeeze3A_331 : i32 to vector<16xi32>
        %add3A_340 = arith.addi %broadcast_in_dim3A_1, %add3A_339 : vector<16xi32>
        %gather3A_341 = tpu.vector_load_idx %arg11[%add3A_123, %add3A_340] : memref<64x512xf32, #tpu.memory_space<vmem>>[vector<16xi32>, vector<16xi32>], vector<16xf32>,
        %swap3A_342 = arith.constant 1 : i32
        %swap3A_343 = arith.index_cast %swap3A_342 : i32 to index
        %swap3A_344 = arith.constant 16 : index
        %swap3A_345 = tpu.vector_load %arg13[%swap3A_343, %swap3A_344] {strides = array<i32>} : memref<16x128xf32, #tpu.memory_space<vmem>>, vector<16xf32>,
        tpu.vector_store %arg13[%swap3A_343, %swap3A_344], %gather3A_341 {strides = array<i32>} : memref<16x128xf32, #tpu.memory_space<vmem>>, vector<16xf32>,
        %add3A_346 = vector.broadcast %squeeze3A_331 : i32 to vector<16xi32>
        %add3A_347 = arith.addi %broadcast_in_dim3A_1, %add3A_346 : vector<16xi32>
        %gather3A_348 = tpu.vector_load_idx %arg11[%add3A_126, %add3A_347] : memref<64x512xf32, #tpu.memory_space<vmem>>[vector<16xi32>, vector<16xi32>], vector<16xf32>,
        %swap3A_349 = arith.constant 1 : i32
        %swap3A_350 = arith.index_cast %swap3A_349 : i32 to index
        %swap3A_351 = arith.constant 32 : index
        %swap3A_352 = tpu.vector_load %arg13[%swap3A_350, %swap3A_351] {strides = array<i32>} : memref<16x128xf32, #tpu.memory_space<vmem>>, vector<16xf32>,
        tpu.vector_store %arg13[%swap3A_350, %swap3A_351], %gather3A_348 {strides = array<i32>} : memref<16x128xf32, #tpu.memory_space<vmem>>, vector<16xf32>,
        %add3A_353 = vector.broadcast %squeeze3A_331 : i32 to vector<16xi32>
        %add3A_354 = arith.addi %broadcast_in_dim3A_1, %add3A_353 : vector<16xi32>
        %gather3A_355 = tpu.vector_load_idx %arg11[%add3A_129, %add3A_354] : memref<64x512xf32, #tpu.memory_space<vmem>>[vector<16xi32>, vector<16xi32>], vector<16xf32>,
        %swap3A_356 = arith.constant 1 : i32
        %swap3A_357 = arith.index_cast %swap3A_356 : i32 to index
        %swap3A_358 = arith.constant 48 : index
        %swap3A_359 = tpu.vector_load %arg13[%swap3A_357, %swap3A_358] {strides = array<i32>} : memref<16x128xf32, #tpu.memory_space<vmem>>, vector<16xf32>,
        tpu.vector_store %arg13[%swap3A_357, %swap3A_358], %gather3A_355 {strides = array<i32>} : memref<16x128xf32, #tpu.memory_space<vmem>>, vector<16xf32>,
        %slice3A_360 = vector.extract_strided_slice %select_n3A_293 {offsets = [2], sizes = [1], strides = [1]} : vector<16xi32> to vector<1xi32>
        %squeeze3A_361 = vector.extract %slice3A_360[0] : i32 from vector<1xi32>
        %add3A_362 = vector.broadcast %squeeze3A_361 : i32 to vector<16xi32>
        %add3A_363 = arith.addi %broadcast_in_dim3A_1, %add3A_362 : vector<16xi32>
        %gather3A_364 = tpu.vector_load_idx %arg11[%add3A_120, %add3A_363] : memref<64x512xf32, #tpu.memory_space<vmem>>[vector<16xi32>, vector<16xi32>], vector<16xf32>,
        %swap3A_365 = arith.constant 2 : i32
        %swap3A_366 = arith.index_cast %swap3A_365 : i32 to index
        %swap3A_367 = arith.constant 0 : index
        %swap3A_368 = tpu.vector_load %arg13[%swap3A_366, %swap3A_367] {strides = array<i32>} : memref<16x128xf32, #tpu.memory_space<vmem>>, vector<16xf32>,
        tpu.vector_store %arg13[%swap3A_366, %swap3A_367], %gather3A_364 {strides = array<i32>} : memref<16x128xf32, #tpu.memory_space<vmem>>, vector<16xf32>,
        %add3A_369 = vector.broadcast %squeeze3A_361 : i32 to vector<16xi32>
        %add3A_370 = arith.addi %broadcast_in_dim3A_1, %add3A_369 : vector<16xi32>
        %gather3A_371 = tpu.vector_load_idx %arg11[%add3A_123, %add3A_370] : memref<64x512xf32, #tpu.memory_space<vmem>>[vector<16xi32>, vector<16xi32>], vector<16xf32>,
        %swap3A_372 = arith.constant 2 : i32
        %swap3A_373 = arith.index_cast %swap3A_372 : i32 to index
        %swap3A_374 = arith.constant 16 : index
        %swap3A_375 = tpu.vector_load %arg13[%swap3A_373, %swap3A_374] {strides = array<i32>} : memref<16x128xf32, #tpu.memory_space<vmem>>, vector<16xf32>,
        tpu.vector_store %arg13[%swap3A_373, %swap3A_374], %gather3A_371 {strides = array<i32>} : memref<16x128xf32, #tpu.memory_space<vmem>>, vector<16xf32>,
        %add3A_376 = vector.broadcast %squeeze3A_361 : i32 to vector<16xi32>
        %add3A_377 = arith.addi %broadcast_in_dim3A_1, %add3A_376 : vector<16xi32>
        %gather3A_378 = tpu.vector_load_idx %arg11[%add3A_126, %add3A_377] : memref<64x512xf32, #tpu.memory_space<vmem>>[vector<16xi32>, vector<16xi32>], vector<16xf32>,
        %swap3A_379 = arith.constant 2 : i32
        %swap3A_380 = arith.index_cast %swap3A_379 : i32 to index
        %swap3A_381 = arith.constant 32 : index
        %swap3A_382 = tpu.vector_load %arg13[%swap3A_380, %swap3A_381] {strides = array<i32>} : memref<16x128xf32, #tpu.memory_space<vmem>>, vector<16xf32>,
        tpu.vector_store %arg13[%swap3A_380, %swap3A_381], %gather3A_378 {strides = array<i32>} : memref<16x128xf32, #tpu.memory_space<vmem>>, vector<16xf32>,
        %add3A_383 = vector.broadcast %squeeze3A_361 : i32 to vector<16xi32>
        %add3A_384 = arith.addi %broadcast_in_dim3A_1, %add3A_383 : vector<16xi32>
        %gather3A_385 = tpu.vector_load_idx %arg11[%add3A_129, %add3A_384] : memref<64x512xf32, #tpu.memory_space<vmem>>[vector<16xi32>, vector<16xi32>], vector<16xf32>,
        %swap3A_386 = arith.constant 2 : i32
        %swap3A_387 = arith.index_cast %swap3A_386 : i32 to index
        %swap3A_388 = arith.constant 48 : index
        %swap3A_389 = tpu.vector_load %arg13[%swap3A_387, %swap3A_388] {strides = array<i32>} : memref<16x128xf32, #tpu.memory_space<vmem>>, vector<16xf32>,
        tpu.vector_store %arg13[%swap3A_387, %swap3A_388], %gather3A_385 {strides = array<i32>} : memref<16x128xf32, #tpu.memory_space<vmem>>, vector<16xf32>,
        %slice3A_390 = vector.extract_strided_slice %select_n3A_293 {offsets = [3], sizes = [1], strides = [1]} : vector<16xi32> to vector<1xi32>
        %squeeze3A_391 = vector.extract %slice3A_390[0] : i32 from vector<1xi32>
        %add3A_392 = vector.broadcast %squeeze3A_391 : i32 to vector<16xi32>
        %add3A_393 = arith.addi %broadcast_in_dim3A_1, %add3A_392 : vector<16xi32>
        %gather3A_394 = tpu.vector_load_idx %arg11[%add3A_120, %add3A_393] : memref<64x512xf32, #tpu.memory_space<vmem>>[vector<16xi32>, vector<16xi32>], vector<16xf32>,
        %swap3A_395 = arith.constant 3 : i32
        %swap3A_396 = arith.index_cast %swap3A_395 : i32 to index
        %swap3A_397 = arith.constant 0 : index
        %swap3A_398 = tpu.vector_load %arg13[%swap3A_396, %swap3A_397] {strides = array<i32>} : memref<16x128xf32, #tpu.memory_space<vmem>>, vector<16xf32>,
        tpu.vector_store %arg13[%swap3A_396, %swap3A_397], %gather3A_394 {strides = array<i32>} : memref<16x128xf32, #tpu.memory_space<vmem>>, vector<16xf32>,
        %add3A_399 = vector.broadcast %squeeze3A_391 : i32 to vector<16xi32>
        %add3A_400 = arith.addi %broadcast_in_dim3A_1, %add3A_399 : vector<16xi32>
        %gather3A_401 = tpu.vector_load_idx %arg11[%add3A_123, %add3A_400] : memref<64x512xf32, #tpu.memory_space<vmem>>[vector<16xi32>, vector<16xi32>], vector<16xf32>,
        %swap3A_402 = arith.constant 3 : i32
        %swap3A_403 = arith.index_cast %swap3A_402 : i32 to index
        %swap3A_404 = arith.constant 16 : index
        %swap3A_405 = tpu.vector_load %arg13[%swap3A_403, %swap3A_404] {strides = array<i32>} : memref<16x128xf32, #tpu.memory_space<vmem>>, vector<16xf32>,
        tpu.vector_store %arg13[%swap3A_403, %swap3A_404], %gather3A_401 {strides = array<i32>} : memref<16x128xf32, #tpu.memory_space<vmem>>, vector<16xf32>,
        %add3A_406 = vector.broadcast %squeeze3A_391 : i32 to vector<16xi32>
        %add3A_407 = arith.addi %broadcast_in_dim3A_1, %add3A_406 : vector<16xi32>
        %gather3A_408 = tpu.vector_load_idx %arg11[%add3A_126, %add3A_407] : memref<64x512xf32, #tpu.memory_space<vmem>>[vector<16xi32>, vector<16xi32>], vector<16xf32>,
        %swap3A_409 = arith.constant 3 : i32
        %swap3A_410 = arith.index_cast %swap3A_409 : i32 to index
        %swap3A_411 = arith.constant 32 : index
        %swap3A_412 = tpu.vector_load %arg13[%swap3A_410, %swap3A_411] {strides = array<i32>} : memref<16x128xf32, #tpu.memory_space<vmem>>, vector<16xf32>,
        tpu.vector_store %arg13[%swap3A_410, %swap3A_411], %gather3A_408 {strides = array<i32>} : memref<16x128xf32, #tpu.memory_space<vmem>>, vector<16xf32>,
        %add3A_413 = vector.broadcast %squeeze3A_391 : i32 to vector<16xi32>
        %add3A_414 = arith.addi %broadcast_in_dim3A_1, %add3A_413 : vector<16xi32>
        %gather3A_415 = tpu.vector_load_idx %arg11[%add3A_129, %add3A_414] : memref<64x512xf32, #tpu.memory_space<vmem>>[vector<16xi32>, vector<16xi32>], vector<16xf32>,
        %swap3A_416 = arith.constant 3 : i32
        %swap3A_417 = arith.index_cast %swap3A_416 : i32 to index
        %swap3A_418 = arith.constant 48 : index
        %swap3A_419 = tpu.vector_load %arg13[%swap3A_417, %swap3A_418] {strides = array<i32>} : memref<16x128xf32, #tpu.memory_space<vmem>>, vector<16xf32>,
        tpu.vector_store %arg13[%swap3A_417, %swap3A_418], %gather3A_415 {strides = array<i32>} : memref<16x128xf32, #tpu.memory_space<vmem>>, vector<16xf32>,
        %slice3A_420 = vector.extract_strided_slice %select_n3A_293 {offsets = [4], sizes = [1], strides = [1]} : vector<16xi32> to vector<1xi32>
        %squeeze3A_421 = vector.extract %slice3A_420[0] : i32 from vector<1xi32>
        %add3A_422 = vector.broadcast %squeeze3A_421 : i32 to vector<16xi32>
        %add3A_423 = arith.addi %broadcast_in_dim3A_1, %add3A_422 : vector<16xi32>
        %gather3A_424 = tpu.vector_load_idx %arg11[%add3A_120, %add3A_423] : memref<64x512xf32, #tpu.memory_space<vmem>>[vector<16xi32>, vector<16xi32>], vector<16xf32>,
        %swap3A_425 = arith.constant 4 : i32
        %swap3A_426 = arith.index_cast %swap3A_425 : i32 to index
        %swap3A_427 = arith.constant 0 : index
        %swap3A_428 = tpu.vector_load %arg13[%swap3A_426, %swap3A_427] {strides = array<i32>} : memref<16x128xf32, #tpu.memory_space<vmem>>, vector<16xf32>,
        tpu.vector_store %arg13[%swap3A_426, %swap3A_427], %gather3A_424 {strides = array<i32>} : memref<16x128xf32, #tpu.memory_space<vmem>>, vector<16xf32>,
        %add3A_429 = vector.broadcast %squeeze3A_421 : i32 to vector<16xi32>
        %add3A_430 = arith.addi %broadcast_in_dim3A_1, %add3A_429 : vector<16xi32>
        %gather3A_431 = tpu.vector_load_idx %arg11[%add3A_123, %add3A_430] : memref<64x512xf32, #tpu.memory_space<vmem>>[vector<16xi32>, vector<16xi32>], vector<16xf32>,
        %swap3A_432 = arith.constant 4 : i32
        %swap3A_433 = arith.index_cast %swap3A_432 : i32 to index
        %swap3A_434 = arith.constant 16 : index
        %swap3A_435 = tpu.vector_load %arg13[%swap3A_433, %swap3A_434] {strides = array<i32>} : memref<16x128xf32, #tpu.memory_space<vmem>>, vector<16xf32>,
        tpu.vector_store %arg13[%swap3A_433, %swap3A_434], %gather3A_431 {strides = array<i32>} : memref<16x128xf32, #tpu.memory_space<vmem>>, vector<16xf32>,
        %add3A_436 = vector.broadcast %squeeze3A_421 : i32 to vector<16xi32>
        %add3A_437 = arith.addi %broadcast_in_dim3A_1, %add3A_436 : vector<16xi32>
        %gather3A_438 = tpu.vector_load_idx %arg11[%add3A_126, %add3A_437] : memref<64x512xf32, #tpu.memory_space<vmem>>[vector<16xi32>, vector<16xi32>], vector<16xf32>,
        %swap3A_439 = arith.constant 4 : i32
        %swap3A_440 = arith.index_cast %swap3A_439 : i32 to index
        %swap3A_441 = arith.constant 32 : index
        %swap3A_442 = tpu.vector_load %arg13[%swap3A_440, %swap3A_441] {strides = array<i32>} : memref<16x128xf32, #tpu.memory_space<vmem>>, vector<16xf32>,
        tpu.vector_store %arg13[%swap3A_440, %swap3A_441], %gather3A_438 {strides = array<i32>} : memref<16x128xf32, #tpu.memory_space<vmem>>, vector<16xf32>,
        %add3A_443 = vector.broadcast %squeeze3A_421 : i32 to vector<16xi32>
        %add3A_444 = arith.addi %broadcast_in_dim3A_1, %add3A_443 : vector<16xi32>
        %gather3A_445 = tpu.vector_load_idx %arg11[%add3A_129, %add3A_444] : memref<64x512xf32, #tpu.memory_space<vmem>>[vector<16xi32>, vector<16xi32>], vector<16xf32>,
        %swap3A_446 = arith.constant 4 : i32
        %swap3A_447 = arith.index_cast %swap3A_446 : i32 to index
        %swap3A_448 = arith.constant 48 : index
        %swap3A_449 = tpu.vector_load %arg13[%swap3A_447, %swap3A_448] {strides = array<i32>} : memref<16x128xf32, #tpu.memory_space<vmem>>, vector<16xf32>,
        tpu.vector_store %arg13[%swap3A_447, %swap3A_448], %gather3A_445 {strides = array<i32>} : memref<16x128xf32, #tpu.memory_space<vmem>>, vector<16xf32>,
        %slice3A_450 = vector.extract_strided_slice %select_n3A_293 {offsets = [5], sizes = [1], strides = [1]} : vector<16xi32> to vector<1xi32>
        %squeeze3A_451 = vector.extract %slice3A_450[0] : i32 from vector<1xi32>
        %add3A_452 = vector.broadcast %squeeze3A_451 : i32 to vector<16xi32>
        %add3A_453 = arith.addi %broadcast_in_dim3A_1, %add3A_452 : vector<16xi32>
        %gather3A_454 = tpu.vector_load_idx %arg11[%add3A_120, %add3A_453] : memref<64x512xf32, #tpu.memory_space<vmem>>[vector<16xi32>, vector<16xi32>], vector<16xf32>,
        %swap3A_455 = arith.constant 5 : i32
        %swap3A_456 = arith.index_cast %swap3A_455 : i32 to index
        %swap3A_457 = arith.constant 0 : index
        %swap3A_458 = tpu.vector_load %arg13[%swap3A_456, %swap3A_457] {strides = array<i32>} : memref<16x128xf32, #tpu.memory_space<vmem>>, vector<16xf32>,
        tpu.vector_store %arg13[%swap3A_456, %swap3A_457], %gather3A_454 {strides = array<i32>} : memref<16x128xf32, #tpu.memory_space<vmem>>, vector<16xf32>,
        %add3A_459 = vector.broadcast %squeeze3A_451 : i32 to vector<16xi32>
        %add3A_460 = arith.addi %broadcast_in_dim3A_1, %add3A_459 : vector<16xi32>
        %gather3A_461 = tpu.vector_load_idx %arg11[%add3A_123, %add3A_460] : memref<64x512xf32, #tpu.memory_space<vmem>>[vector<16xi32>, vector<16xi32>], vector<16xf32>,
        %swap3A_462 = arith.constant 5 : i32
        %swap3A_463 = arith.index_cast %swap3A_462 : i32 to index
        %swap3A_464 = arith.constant 16 : index
        %swap3A_465 = tpu.vector_load %arg13[%swap3A_463, %swap3A_464] {strides = array<i32>} : memref<16x128xf32, #tpu.memory_space<vmem>>, vector<16xf32>,
        tpu.vector_store %arg13[%swap3A_463, %swap3A_464], %gather3A_461 {strides = array<i32>} : memref<16x128xf32, #tpu.memory_space<vmem>>, vector<16xf32>,
        %add3A_466 = vector.broadcast %squeeze3A_451 : i32 to vector<16xi32>
        %add3A_467 = arith.addi %broadcast_in_dim3A_1, %add3A_466 : vector<16xi32>
        %gather3A_468 = tpu.vector_load_idx %arg11[%add3A_126, %add3A_467] : memref<64x512xf32, #tpu.memory_space<vmem>>[vector<16xi32>, vector<16xi32>], vector<16xf32>,
        %swap3A_469 = arith.constant 5 : i32
        %swap3A_470 = arith.index_cast %swap3A_469 : i32 to index
        %swap3A_471 = arith.constant 32 : index
        %swap3A_472 = tpu.vector_load %arg13[%swap3A_470, %swap3A_471] {strides = array<i32>} : memref<16x128xf32, #tpu.memory_space<vmem>>, vector<16xf32>,
        tpu.vector_store %arg13[%swap3A_470, %swap3A_471], %gather3A_468 {strides = array<i32>} : memref<16x128xf32, #tpu.memory_space<vmem>>, vector<16xf32>,
        %add3A_473 = vector.broadcast %squeeze3A_451 : i32 to vector<16xi32>
        %add3A_474 = arith.addi %broadcast_in_dim3A_1, %add3A_473 : vector<16xi32>
        %gather3A_475 = tpu.vector_load_idx %arg11[%add3A_129, %add3A_474] : memref<64x512xf32, #tpu.memory_space<vmem>>[vector<16xi32>, vector<16xi32>], vector<16xf32>,
        %swap3A_476 = arith.constant 5 : i32
        %swap3A_477 = arith.index_cast %swap3A_476 : i32 to index
        %swap3A_478 = arith.constant 48 : index
        %swap3A_479 = tpu.vector_load %arg13[%swap3A_477, %swap3A_478] {strides = array<i32>} : memref<16x128xf32, #tpu.memory_space<vmem>>, vector<16xf32>,
        tpu.vector_store %arg13[%swap3A_477, %swap3A_478], %gather3A_475 {strides = array<i32>} : memref<16x128xf32, #tpu.memory_space<vmem>>, vector<16xf32>,
        %slice3A_480 = vector.extract_strided_slice %select_n3A_293 {offsets = [6], sizes = [1], strides = [1]} : vector<16xi32> to vector<1xi32>
        %squeeze3A_481 = vector.extract %slice3A_480[0] : i32 from vector<1xi32>
        %add3A_482 = vector.broadcast %squeeze3A_481 : i32 to vector<16xi32>
        %add3A_483 = arith.addi %broadcast_in_dim3A_1, %add3A_482 : vector<16xi32>
        %gather3A_484 = tpu.vector_load_idx %arg11[%add3A_120, %add3A_483] : memref<64x512xf32, #tpu.memory_space<vmem>>[vector<16xi32>, vector<16xi32>], vector<16xf32>,
        %swap3A_485 = arith.constant 6 : i32
        %swap3A_486 = arith.index_cast %swap3A_485 : i32 to index
        %swap3A_487 = arith.constant 0 : index
        %swap3A_488 = tpu.vector_load %arg13[%swap3A_486, %swap3A_487] {strides = array<i32>} : memref<16x128xf32, #tpu.memory_space<vmem>>, vector<16xf32>,
        tpu.vector_store %arg13[%swap3A_486, %swap3A_487], %gather3A_484 {strides = array<i32>} : memref<16x128xf32, #tpu.memory_space<vmem>>, vector<16xf32>,
        %add3A_489 = vector.broadcast %squeeze3A_481 : i32 to vector<16xi32>
        %add3A_490 = arith.addi %broadcast_in_dim3A_1, %add3A_489 : vector<16xi32>
        %gather3A_491 = tpu.vector_load_idx %arg11[%add3A_123, %add3A_490] : memref<64x512xf32, #tpu.memory_space<vmem>>[vector<16xi32>, vector<16xi32>], vector<16xf32>,
        %swap3A_492 = arith.constant 6 : i32
        %swap3A_493 = arith.index_cast %swap3A_492 : i32 to index
        %swap3A_494 = arith.constant 16 : index
        %swap3A_495 = tpu.vector_load %arg13[%swap3A_493, %swap3A_494] {strides = array<i32>} : memref<16x128xf32, #tpu.memory_space<vmem>>, vector<16xf32>,
        tpu.vector_store %arg13[%swap3A_493, %swap3A_494], %gather3A_491 {strides = array<i32>} : memref<16x128xf32, #tpu.memory_space<vmem>>, vector<16xf32>,
        %add3A_496 = vector.broadcast %squeeze3A_481 : i32 to vector<16xi32>
        %add3A_497 = arith.addi %broadcast_in_dim3A_1, %add3A_496 : vector<16xi32>
        %gather3A_498 = tpu.vector_load_idx %arg11[%add3A_126, %add3A_497] : memref<64x512xf32, #tpu.memory_space<vmem>>[vector<16xi32>, vector<16xi32>], vector<16xf32>,
        %swap3A_499 = arith.constant 6 : i32
        %swap3A_500 = arith.index_cast %swap3A_499 : i32 to index
        %swap3A_501 = arith.constant 32 : index
        %swap3A_502 = tpu.vector_load %arg13[%swap3A_500, %swap3A_501] {strides = array<i32>} : memref<16x128xf32, #tpu.memory_space<vmem>>, vector<16xf32>,
        tpu.vector_store %arg13[%swap3A_500, %swap3A_501], %gather3A_498 {strides = array<i32>} : memref<16x128xf32, #tpu.memory_space<vmem>>, vector<16xf32>,
        %add3A_503 = vector.broadcast %squeeze3A_481 : i32 to vector<16xi32>
        %add3A_504 = arith.addi %broadcast_in_dim3A_1, %add3A_503 : vector<16xi32>
        %gather3A_505 = tpu.vector_load_idx %arg11[%add3A_129, %add3A_504] : memref<64x512xf32, #tpu.memory_space<vmem>>[vector<16xi32>, vector<16xi32>], vector<16xf32>,
        %swap3A_506 = arith.constant 6 : i32
        %swap3A_507 = arith.index_cast %swap3A_506 : i32 to index
        %swap3A_508 = arith.constant 48 : index
        %swap3A_509 = tpu.vector_load %arg13[%swap3A_507, %swap3A_508] {strides = array<i32>} : memref<16x128xf32, #tpu.memory_space<vmem>>, vector<16xf32>,
        tpu.vector_store %arg13[%swap3A_507, %swap3A_508], %gather3A_505 {strides = array<i32>} : memref<16x128xf32, #tpu.memory_space<vmem>>, vector<16xf32>,
        %slice3A_510 = vector.extract_strided_slice %select_n3A_293 {offsets = [7], sizes = [1], strides = [1]} : vector<16xi32> to vector<1xi32>
        %squeeze3A_511 = vector.extract %slice3A_510[0] : i32 from vector<1xi32>
        %add3A_512 = vector.broadcast %squeeze3A_511 : i32 to vector<16xi32>
        %add3A_513 = arith.addi %broadcast_in_dim3A_1, %add3A_512 : vector<16xi32>
        %gather3A_514 = tpu.vector_load_idx %arg11[%add3A_120, %add3A_513] : memref<64x512xf32, #tpu.memory_space<vmem>>[vector<16xi32>, vector<16xi32>], vector<16xf32>,
        %swap3A_515 = arith.constant 7 : i32
        %swap3A_516 = arith.index_cast %swap3A_515 : i32 to index
        %swap3A_517 = arith.constant 0 : index
        %swap3A_518 = tpu.vector_load %arg13[%swap3A_516, %swap3A_517] {strides = array<i32>} : memref<16x128xf32, #tpu.memory_space<vmem>>, vector<16xf32>,
        tpu.vector_store %arg13[%swap3A_516, %swap3A_517], %gather3A_514 {strides = array<i32>} : memref<16x128xf32, #tpu.memory_space<vmem>>, vector<16xf32>,
        %add3A_519 = vector.broadcast %squeeze3A_511 : i32 to vector<16xi32>
        %add3A_520 = arith.addi %broadcast_in_dim3A_1, %add3A_519 : vector<16xi32>
        %gather3A_521 = tpu.vector_load_idx %arg11[%add3A_123, %add3A_520] : memref<64x512xf32, #tpu.memory_space<vmem>>[vector<16xi32>, vector<16xi32>], vector<16xf32>,
        %swap3A_522 = arith.constant 7 : i32
        %swap3A_523 = arith.index_cast %swap3A_522 : i32 to index
        %swap3A_524 = arith.constant 16 : index
        %swap3A_525 = tpu.vector_load %arg13[%swap3A_523, %swap3A_524] {strides = array<i32>} : memref<16x128xf32, #tpu.memory_space<vmem>>, vector<16xf32>,
        tpu.vector_store %arg13[%swap3A_523, %swap3A_524], %gather3A_521 {strides = array<i32>} : memref<16x128xf32, #tpu.memory_space<vmem>>, vector<16xf32>,
        %add3A_526 = vector.broadcast %squeeze3A_511 : i32 to vector<16xi32>
        %add3A_527 = arith.addi %broadcast_in_dim3A_1, %add3A_526 : vector<16xi32>
        %gather3A_528 = tpu.vector_load_idx %arg11[%add3A_126, %add3A_527] : memref<64x512xf32, #tpu.memory_space<vmem>>[vector<16xi32>, vector<16xi32>], vector<16xf32>,
        %swap3A_529 = arith.constant 7 : i32
        %swap3A_530 = arith.index_cast %swap3A_529 : i32 to index
        %swap3A_531 = arith.constant 32 : index
        %swap3A_532 = tpu.vector_load %arg13[%swap3A_530, %swap3A_531] {strides = array<i32>} : memref<16x128xf32, #tpu.memory_space<vmem>>, vector<16xf32>,
        tpu.vector_store %arg13[%swap3A_530, %swap3A_531], %gather3A_528 {strides = array<i32>} : memref<16x128xf32, #tpu.memory_space<vmem>>, vector<16xf32>,
        %add3A_533 = vector.broadcast %squeeze3A_511 : i32 to vector<16xi32>
        %add3A_534 = arith.addi %broadcast_in_dim3A_1, %add3A_533 : vector<16xi32>
        %gather3A_535 = tpu.vector_load_idx %arg11[%add3A_129, %add3A_534] : memref<64x512xf32, #tpu.memory_space<vmem>>[vector<16xi32>, vector<16xi32>], vector<16xf32>,
        %swap3A_536 = arith.constant 7 : i32
        %swap3A_537 = arith.index_cast %swap3A_536 : i32 to index
        %swap3A_538 = arith.constant 48 : index
        %swap3A_539 = tpu.vector_load %arg13[%swap3A_537, %swap3A_538] {strides = array<i32>} : memref<16x128xf32, #tpu.memory_space<vmem>>, vector<16xf32>,
        tpu.vector_store %arg13[%swap3A_537, %swap3A_538], %gather3A_535 {strides = array<i32>} : memref<16x128xf32, #tpu.memory_space<vmem>>, vector<16xf32>,
        %slice3A_540 = vector.extract_strided_slice %select_n3A_293 {offsets = [8], sizes = [1], strides = [1]} : vector<16xi32> to vector<1xi32>
        %squeeze3A_541 = vector.extract %slice3A_540[0] : i32 from vector<1xi32>
        %add3A_542 = vector.broadcast %squeeze3A_541 : i32 to vector<16xi32>
        %add3A_543 = arith.addi %broadcast_in_dim3A_1, %add3A_542 : vector<16xi32>
        %gather3A_544 = tpu.vector_load_idx %arg11[%add3A_120, %add3A_543] : memref<64x512xf32, #tpu.memory_space<vmem>>[vector<16xi32>, vector<16xi32>], vector<16xf32>,
        %swap3A_545 = arith.constant 8 : i32
        %swap3A_546 = arith.index_cast %swap3A_545 : i32 to index
        %swap3A_547 = arith.constant 0 : index
        %swap3A_548 = tpu.vector_load %arg13[%swap3A_546, %swap3A_547] {strides = array<i32>} : memref<16x128xf32, #tpu.memory_space<vmem>>, vector<16xf32>,
        tpu.vector_store %arg13[%swap3A_546, %swap3A_547], %gather3A_544 {strides = array<i32>} : memref<16x128xf32, #tpu.memory_space<vmem>>, vector<16xf32>,
        %add3A_549 = vector.broadcast %squeeze3A_541 : i32 to vector<16xi32>
        %add3A_550 = arith.addi %broadcast_in_dim3A_1, %add3A_549 : vector<16xi32>
        %gather3A_551 = tpu.vector_load_idx %arg11[%add3A_123, %add3A_550] : memref<64x512xf32, #tpu.memory_space<vmem>>[vector<16xi32>, vector<16xi32>], vector<16xf32>,
        %swap3A_552 = arith.constant 8 : i32
        %swap3A_553 = arith.index_cast %swap3A_552 : i32 to index
        %swap3A_554 = arith.constant 16 : index
        %swap3A_555 = tpu.vector_load %arg13[%swap3A_553, %swap3A_554] {strides = array<i32>} : memref<16x128xf32, #tpu.memory_space<vmem>>, vector<16xf32>,
        tpu.vector_store %arg13[%swap3A_553, %swap3A_554], %gather3A_551 {strides = array<i32>} : memref<16x128xf32, #tpu.memory_space<vmem>>, vector<16xf32>,
        %add3A_556 = vector.broadcast %squeeze3A_541 : i32 to vector<16xi32>
        %add3A_557 = arith.addi %broadcast_in_dim3A_1, %add3A_556 : vector<16xi32>
        %gather3A_558 = tpu.vector_load_idx %arg11[%add3A_126, %add3A_557] : memref<64x512xf32, #tpu.memory_space<vmem>>[vector<16xi32>, vector<16xi32>], vector<16xf32>,
        %swap3A_559 = arith.constant 8 : i32
        %swap3A_560 = arith.index_cast %swap3A_559 : i32 to index
        %swap3A_561 = arith.constant 32 : index
        %swap3A_562 = tpu.vector_load %arg13[%swap3A_560, %swap3A_561] {strides = array<i32>} : memref<16x128xf32, #tpu.memory_space<vmem>>, vector<16xf32>,
        tpu.vector_store %arg13[%swap3A_560, %swap3A_561], %gather3A_558 {strides = array<i32>} : memref<16x128xf32, #tpu.memory_space<vmem>>, vector<16xf32>,
        %add3A_563 = vector.broadcast %squeeze3A_541 : i32 to vector<16xi32>
        %add3A_564 = arith.addi %broadcast_in_dim3A_1, %add3A_563 : vector<16xi32>
        %gather3A_565 = tpu.vector_load_idx %arg11[%add3A_129, %add3A_564] : memref<64x512xf32, #tpu.memory_space<vmem>>[vector<16xi32>, vector<16xi32>], vector<16xf32>,
        %swap3A_566 = arith.constant 8 : i32
        %swap3A_567 = arith.index_cast %swap3A_566 : i32 to index
        %swap3A_568 = arith.constant 48 : index
        %swap3A_569 = tpu.vector_load %arg13[%swap3A_567, %swap3A_568] {strides = array<i32>} : memref<16x128xf32, #tpu.memory_space<vmem>>, vector<16xf32>,
        tpu.vector_store %arg13[%swap3A_567, %swap3A_568], %gather3A_565 {strides = array<i32>} : memref<16x128xf32, #tpu.memory_space<vmem>>, vector<16xf32>,
        %slice3A_570 = vector.extract_strided_slice %select_n3A_293 {offsets = [9], sizes = [1], strides = [1]} : vector<16xi32> to vector<1xi32>
        %squeeze3A_571 = vector.extract %slice3A_570[0] : i32 from vector<1xi32>
        %add3A_572 = vector.broadcast %squeeze3A_571 : i32 to vector<16xi32>
        %add3A_573 = arith.addi %broadcast_in_dim3A_1, %add3A_572 : vector<16xi32>
        %gather3A_574 = tpu.vector_load_idx %arg11[%add3A_120, %add3A_573] : memref<64x512xf32, #tpu.memory_space<vmem>>[vector<16xi32>, vector<16xi32>], vector<16xf32>,
        %swap3A_575 = arith.constant 9 : i32
        %swap3A_576 = arith.index_cast %swap3A_575 : i32 to index
        %swap3A_577 = arith.constant 0 : index
        %swap3A_578 = tpu.vector_load %arg13[%swap3A_576, %swap3A_577] {strides = array<i32>} : memref<16x128xf32, #tpu.memory_space<vmem>>, vector<16xf32>,
        tpu.vector_store %arg13[%swap3A_576, %swap3A_577], %gather3A_574 {strides = array<i32>} : memref<16x128xf32, #tpu.memory_space<vmem>>, vector<16xf32>,
        %add3A_579 = vector.broadcast %squeeze3A_571 : i32 to vector<16xi32>
        %add3A_580 = arith.addi %broadcast_in_dim3A_1, %add3A_579 : vector<16xi32>
        %gather3A_581 = tpu.vector_load_idx %arg11[%add3A_123, %add3A_580] : memref<64x512xf32, #tpu.memory_space<vmem>>[vector<16xi32>, vector<16xi32>], vector<16xf32>,
        %swap3A_582 = arith.constant 9 : i32
        %swap3A_583 = arith.index_cast %swap3A_582 : i32 to index
        %swap3A_584 = arith.constant 16 : index
        %swap3A_585 = tpu.vector_load %arg13[%swap3A_583, %swap3A_584] {strides = array<i32>} : memref<16x128xf32, #tpu.memory_space<vmem>>, vector<16xf32>,
        tpu.vector_store %arg13[%swap3A_583, %swap3A_584], %gather3A_581 {strides = array<i32>} : memref<16x128xf32, #tpu.memory_space<vmem>>, vector<16xf32>,
        %add3A_586 = vector.broadcast %squeeze3A_571 : i32 to vector<16xi32>
        %add3A_587 = arith.addi %broadcast_in_dim3A_1, %add3A_586 : vector<16xi32>
        %gather3A_588 = tpu.vector_load_idx %arg11[%add3A_126, %add3A_587] : memref<64x512xf32, #tpu.memory_space<vmem>>[vector<16xi32>, vector<16xi32>], vector<16xf32>,
        %swap3A_589 = arith.constant 9 : i32
        %swap3A_590 = arith.index_cast %swap3A_589 : i32 to index
        %swap3A_591 = arith.constant 32 : index
        %swap3A_592 = tpu.vector_load %arg13[%swap3A_590, %swap3A_591] {strides = array<i32>} : memref<16x128xf32, #tpu.memory_space<vmem>>, vector<16xf32>,
        tpu.vector_store %arg13[%swap3A_590, %swap3A_591], %gather3A_588 {strides = array<i32>} : memref<16x128xf32, #tpu.memory_space<vmem>>, vector<16xf32>,
        %add3A_593 = vector.broadcast %squeeze3A_571 : i32 to vector<16xi32>
        %add3A_594 = arith.addi %broadcast_in_dim3A_1, %add3A_593 : vector<16xi32>
        %gather3A_595 = tpu.vector_load_idx %arg11[%add3A_129, %add3A_594] : memref<64x512xf32, #tpu.memory_space<vmem>>[vector<16xi32>, vector<16xi32>], vector<16xf32>,
        %swap3A_596 = arith.constant 9 : i32
        %swap3A_597 = arith.index_cast %swap3A_596 : i32 to index
        %swap3A_598 = arith.constant 48 : index
        %swap3A_599 = tpu.vector_load %arg13[%swap3A_597, %swap3A_598] {strides = array<i32>} : memref<16x128xf32, #tpu.memory_space<vmem>>, vector<16xf32>,
        tpu.vector_store %arg13[%swap3A_597, %swap3A_598], %gather3A_595 {strides = array<i32>} : memref<16x128xf32, #tpu.memory_space<vmem>>, vector<16xf32>,
        %slice3A_600 = vector.extract_strided_slice %select_n3A_293 {offsets = [10], sizes = [1], strides = [1]} : vector<16xi32> to vector<1xi32>
        %squeeze3A_601 = vector.extract %slice3A_600[0] : i32 from vector<1xi32>
        %add3A_602 = vector.broadcast %squeeze3A_601 : i32 to vector<16xi32>
        %add3A_603 = arith.addi %broadcast_in_dim3A_1, %add3A_602 : vector<16xi32>
        %gather3A_604 = tpu.vector_load_idx %arg11[%add3A_120, %add3A_603] : memref<64x512xf32, #tpu.memory_space<vmem>>[vector<16xi32>, vector<16xi32>], vector<16xf32>,
        %swap3A_605 = arith.constant 10 : i32
        %swap3A_606 = arith.index_cast %swap3A_605 : i32 to index
        %swap3A_607 = arith.constant 0 : index
        %swap3A_608 = tpu.vector_load %arg13[%swap3A_606, %swap3A_607] {strides = array<i32>} : memref<16x128xf32, #tpu.memory_space<vmem>>, vector<16xf32>,
        tpu.vector_store %arg13[%swap3A_606, %swap3A_607], %gather3A_604 {strides = array<i32>} : memref<16x128xf32, #tpu.memory_space<vmem>>, vector<16xf32>,
        %add3A_609 = vector.broadcast %squeeze3A_601 : i32 to vector<16xi32>
        %add3A_610 = arith.addi %broadcast_in_dim3A_1, %add3A_609 : vector<16xi32>
        %gather3A_611 = tpu.vector_load_idx %arg11[%add3A_123, %add3A_610] : memref<64x512xf32, #tpu.memory_space<vmem>>[vector<16xi32>, vector<16xi32>], vector<16xf32>,
        %swap3A_612 = arith.constant 10 : i32
        %swap3A_613 = arith.index_cast %swap3A_612 : i32 to index
        %swap3A_614 = arith.constant 16 : index
        %swap3A_615 = tpu.vector_load %arg13[%swap3A_613, %swap3A_614] {strides = array<i32>} : memref<16x128xf32, #tpu.memory_space<vmem>>, vector<16xf32>,
        tpu.vector_store %arg13[%swap3A_613, %swap3A_614], %gather3A_611 {strides = array<i32>} : memref<16x128xf32, #tpu.memory_space<vmem>>, vector<16xf32>,
        %add3A_616 = vector.broadcast %squeeze3A_601 : i32 to vector<16xi32>
        %add3A_617 = arith.addi %broadcast_in_dim3A_1, %add3A_616 : vector<16xi32>
        %gather3A_618 = tpu.vector_load_idx %arg11[%add3A_126, %add3A_617] : memref<64x512xf32, #tpu.memory_space<vmem>>[vector<16xi32>, vector<16xi32>], vector<16xf32>,
        %swap3A_619 = arith.constant 10 : i32
        %swap3A_620 = arith.index_cast %swap3A_619 : i32 to index
        %swap3A_621 = arith.constant 32 : index
        %swap3A_622 = tpu.vector_load %arg13[%swap3A_620, %swap3A_621] {strides = array<i32>} : memref<16x128xf32, #tpu.memory_space<vmem>>, vector<16xf32>,
        tpu.vector_store %arg13[%swap3A_620, %swap3A_621], %gather3A_618 {strides = array<i32>} : memref<16x128xf32, #tpu.memory_space<vmem>>, vector<16xf32>,
        %add3A_623 = vector.broadcast %squeeze3A_601 : i32 to vector<16xi32>
        %add3A_624 = arith.addi %broadcast_in_dim3A_1, %add3A_623 : vector<16xi32>
        %gather3A_625 = tpu.vector_load_idx %arg11[%add3A_129, %add3A_624] : memref<64x512xf32, #tpu.memory_space<vmem>>[vector<16xi32>, vector<16xi32>], vector<16xf32>,
        %swap3A_626 = arith.constant 10 : i32
        %swap3A_627 = arith.index_cast %swap3A_626 : i32 to index
        %swap3A_628 = arith.constant 48 : index
        %swap3A_629 = tpu.vector_load %arg13[%swap3A_627, %swap3A_628] {strides = array<i32>} : memref<16x128xf32, #tpu.memory_space<vmem>>, vector<16xf32>,
        tpu.vector_store %arg13[%swap3A_627, %swap3A_628], %gather3A_625 {strides = array<i32>} : memref<16x128xf32, #tpu.memory_space<vmem>>, vector<16xf32>,
        %slice3A_630 = vector.extract_strided_slice %select_n3A_293 {offsets = [11], sizes = [1], strides = [1]} : vector<16xi32> to vector<1xi32>
        %squeeze3A_631 = vector.extract %slice3A_630[0] : i32 from vector<1xi32>
        %add3A_632 = vector.broadcast %squeeze3A_631 : i32 to vector<16xi32>
        %add3A_633 = arith.addi %broadcast_in_dim3A_1, %add3A_632 : vector<16xi32>
        %gather3A_634 = tpu.vector_load_idx %arg11[%add3A_120, %add3A_633] : memref<64x512xf32, #tpu.memory_space<vmem>>[vector<16xi32>, vector<16xi32>], vector<16xf32>,
        %swap3A_635 = arith.constant 11 : i32
        %swap3A_636 = arith.index_cast %swap3A_635 : i32 to index
        %swap3A_637 = arith.constant 0 : index
        %swap3A_638 = tpu.vector_load %arg13[%swap3A_636, %swap3A_637] {strides = array<i32>} : memref<16x128xf32, #tpu.memory_space<vmem>>, vector<16xf32>,
        tpu.vector_store %arg13[%swap3A_636, %swap3A_637], %gather3A_634 {strides = array<i32>} : memref<16x128xf32, #tpu.memory_space<vmem>>, vector<16xf32>,
        %add3A_639 = vector.broadcast %squeeze3A_631 : i32 to vector<16xi32>
        %add3A_640 = arith.addi %broadcast_in_dim3A_1, %add3A_639 : vector<16xi32>
        %gather3A_641 = tpu.vector_load_idx %arg11[%add3A_123, %add3A_640] : memref<64x512xf32, #tpu.memory_space<vmem>>[vector<16xi32>, vector<16xi32>], vector<16xf32>,
        %swap3A_642 = arith.constant 11 : i32
        %swap3A_643 = arith.index_cast %swap3A_642 : i32 to index
        %swap3A_644 = arith.constant 16 : index
        %swap3A_645 = tpu.vector_load %arg13[%swap3A_643, %swap3A_644] {strides = array<i32>} : memref<16x128xf32, #tpu.memory_space<vmem>>, vector<16xf32>,
        tpu.vector_store %arg13[%swap3A_643, %swap3A_644], %gather3A_641 {strides = array<i32>} : memref<16x128xf32, #tpu.memory_space<vmem>>, vector<16xf32>,
        %add3A_646 = vector.broadcast %squeeze3A_631 : i32 to vector<16xi32>
        %add3A_647 = arith.addi %broadcast_in_dim3A_1, %add3A_646 : vector<16xi32>
        %gather3A_648 = tpu.vector_load_idx %arg11[%add3A_126, %add3A_647] : memref<64x512xf32, #tpu.memory_space<vmem>>[vector<16xi32>, vector<16xi32>], vector<16xf32>,
        %swap3A_649 = arith.constant 11 : i32
        %swap3A_650 = arith.index_cast %swap3A_649 : i32 to index
        %swap3A_651 = arith.constant 32 : index
        %swap3A_652 = tpu.vector_load %arg13[%swap3A_650, %swap3A_651] {strides = array<i32>} : memref<16x128xf32, #tpu.memory_space<vmem>>, vector<16xf32>,
        tpu.vector_store %arg13[%swap3A_650, %swap3A_651], %gather3A_648 {strides = array<i32>} : memref<16x128xf32, #tpu.memory_space<vmem>>, vector<16xf32>,
        %add3A_653 = vector.broadcast %squeeze3A_631 : i32 to vector<16xi32>
        %add3A_654 = arith.addi %broadcast_in_dim3A_1, %add3A_653 : vector<16xi32>
        %gather3A_655 = tpu.vector_load_idx %arg11[%add3A_129, %add3A_654] : memref<64x512xf32, #tpu.memory_space<vmem>>[vector<16xi32>, vector<16xi32>], vector<16xf32>,
        %swap3A_656 = arith.constant 11 : i32
        %swap3A_657 = arith.index_cast %swap3A_656 : i32 to index
        %swap3A_658 = arith.constant 48 : index
        %swap3A_659 = tpu.vector_load %arg13[%swap3A_657, %swap3A_658] {strides = array<i32>} : memref<16x128xf32, #tpu.memory_space<vmem>>, vector<16xf32>,
        tpu.vector_store %arg13[%swap3A_657, %swap3A_658], %gather3A_655 {strides = array<i32>} : memref<16x128xf32, #tpu.memory_space<vmem>>, vector<16xf32>,
        %slice3A_660 = vector.extract_strided_slice %select_n3A_293 {offsets = [12], sizes = [1], strides = [1]} : vector<16xi32> to vector<1xi32>
        %squeeze3A_661 = vector.extract %slice3A_660[0] : i32 from vector<1xi32>
        %add3A_662 = vector.broadcast %squeeze3A_661 : i32 to vector<16xi32>
        %add3A_663 = arith.addi %broadcast_in_dim3A_1, %add3A_662 : vector<16xi32>
        %gather3A_664 = tpu.vector_load_idx %arg11[%add3A_120, %add3A_663] : memref<64x512xf32, #tpu.memory_space<vmem>>[vector<16xi32>, vector<16xi32>], vector<16xf32>,
        %swap3A_665 = arith.constant 12 : i32
        %swap3A_666 = arith.index_cast %swap3A_665 : i32 to index
        %swap3A_667 = arith.constant 0 : index
        %swap3A_668 = tpu.vector_load %arg13[%swap3A_666, %swap3A_667] {strides = array<i32>} : memref<16x128xf32, #tpu.memory_space<vmem>>, vector<16xf32>,
        tpu.vector_store %arg13[%swap3A_666, %swap3A_667], %gather3A_664 {strides = array<i32>} : memref<16x128xf32, #tpu.memory_space<vmem>>, vector<16xf32>,
        %add3A_669 = vector.broadcast %squeeze3A_661 : i32 to vector<16xi32>
        %add3A_670 = arith.addi %broadcast_in_dim3A_1, %add3A_669 : vector<16xi32>
        %gather3A_671 = tpu.vector_load_idx %arg11[%add3A_123, %add3A_670] : memref<64x512xf32, #tpu.memory_space<vmem>>[vector<16xi32>, vector<16xi32>], vector<16xf32>,
        %swap3A_672 = arith.constant 12 : i32
        %swap3A_673 = arith.index_cast %swap3A_672 : i32 to index
        %swap3A_674 = arith.constant 16 : index
        %swap3A_675 = tpu.vector_load %arg13[%swap3A_673, %swap3A_674] {strides = array<i32>} : memref<16x128xf32, #tpu.memory_space<vmem>>, vector<16xf32>,
        tpu.vector_store %arg13[%swap3A_673, %swap3A_674], %gather3A_671 {strides = array<i32>} : memref<16x128xf32, #tpu.memory_space<vmem>>, vector<16xf32>,
        %add3A_676 = vector.broadcast %squeeze3A_661 : i32 to vector<16xi32>
        %add3A_677 = arith.addi %broadcast_in_dim3A_1, %add3A_676 : vector<16xi32>
        %gather3A_678 = tpu.vector_load_idx %arg11[%add3A_126, %add3A_677] : memref<64x512xf32, #tpu.memory_space<vmem>>[vector<16xi32>, vector<16xi32>], vector<16xf32>,
        %swap3A_679 = arith.constant 12 : i32
        %swap3A_680 = arith.index_cast %swap3A_679 : i32 to index
        %swap3A_681 = arith.constant 32 : index
        %swap3A_682 = tpu.vector_load %arg13[%swap3A_680, %swap3A_681] {strides = array<i32>} : memref<16x128xf32, #tpu.memory_space<vmem>>, vector<16xf32>,
        tpu.vector_store %arg13[%swap3A_680, %swap3A_681], %gather3A_678 {strides = array<i32>} : memref<16x128xf32, #tpu.memory_space<vmem>>, vector<16xf32>,
        %add3A_683 = vector.broadcast %squeeze3A_661 : i32 to vector<16xi32>
        %add3A_684 = arith.addi %broadcast_in_dim3A_1, %add3A_683 : vector<16xi32>
        %gather3A_685 = tpu.vector_load_idx %arg11[%add3A_129, %add3A_684] : memref<64x512xf32, #tpu.memory_space<vmem>>[vector<16xi32>, vector<16xi32>], vector<16xf32>,
        %swap3A_686 = arith.constant 12 : i32
        %swap3A_687 = arith.index_cast %swap3A_686 : i32 to index
        %swap3A_688 = arith.constant 48 : index
        %swap3A_689 = tpu.vector_load %arg13[%swap3A_687, %swap3A_688] {strides = array<i32>} : memref<16x128xf32, #tpu.memory_space<vmem>>, vector<16xf32>,
        tpu.vector_store %arg13[%swap3A_687, %swap3A_688], %gather3A_685 {strides = array<i32>} : memref<16x128xf32, #tpu.memory_space<vmem>>, vector<16xf32>,
        %slice3A_690 = vector.extract_strided_slice %select_n3A_293 {offsets = [13], sizes = [1], strides = [1]} : vector<16xi32> to vector<1xi32>
        %squeeze3A_691 = vector.extract %slice3A_690[0] : i32 from vector<1xi32>
        %add3A_692 = vector.broadcast %squeeze3A_691 : i32 to vector<16xi32>
        %add3A_693 = arith.addi %broadcast_in_dim3A_1, %add3A_692 : vector<16xi32>
        %gather3A_694 = tpu.vector_load_idx %arg11[%add3A_120, %add3A_693] : memref<64x512xf32, #tpu.memory_space<vmem>>[vector<16xi32>, vector<16xi32>], vector<16xf32>,
        %swap3A_695 = arith.constant 13 : i32
        %swap3A_696 = arith.index_cast %swap3A_695 : i32 to index
        %swap3A_697 = arith.constant 0 : index
        %swap3A_698 = tpu.vector_load %arg13[%swap3A_696, %swap3A_697] {strides = array<i32>} : memref<16x128xf32, #tpu.memory_space<vmem>>, vector<16xf32>,
        tpu.vector_store %arg13[%swap3A_696, %swap3A_697], %gather3A_694 {strides = array<i32>} : memref<16x128xf32, #tpu.memory_space<vmem>>, vector<16xf32>,
        %add3A_699 = vector.broadcast %squeeze3A_691 : i32 to vector<16xi32>
        %add3A_700 = arith.addi %broadcast_in_dim3A_1, %add3A_699 : vector<16xi32>
        %gather3A_701 = tpu.vector_load_idx %arg11[%add3A_123, %add3A_700] : memref<64x512xf32, #tpu.memory_space<vmem>>[vector<16xi32>, vector<16xi32>], vector<16xf32>,
        %swap3A_702 = arith.constant 13 : i32
        %swap3A_703 = arith.index_cast %swap3A_702 : i32 to index
        %swap3A_704 = arith.constant 16 : index
        %swap3A_705 = tpu.vector_load %arg13[%swap3A_703, %swap3A_704] {strides = array<i32>} : memref<16x128xf32, #tpu.memory_space<vmem>>, vector<16xf32>,
        tpu.vector_store %arg13[%swap3A_703, %swap3A_704], %gather3A_701 {strides = array<i32>} : memref<16x128xf32, #tpu.memory_space<vmem>>, vector<16xf32>,
        %add3A_706 = vector.broadcast %squeeze3A_691 : i32 to vector<16xi32>
        %add3A_707 = arith.addi %broadcast_in_dim3A_1, %add3A_706 : vector<16xi32>
        %gather3A_708 = tpu.vector_load_idx %arg11[%add3A_126, %add3A_707] : memref<64x512xf32, #tpu.memory_space<vmem>>[vector<16xi32>, vector<16xi32>], vector<16xf32>,
        %swap3A_709 = arith.constant 13 : i32
        %swap3A_710 = arith.index_cast %swap3A_709 : i32 to index
        %swap3A_711 = arith.constant 32 : index
        %swap3A_712 = tpu.vector_load %arg13[%swap3A_710, %swap3A_711] {strides = array<i32>} : memref<16x128xf32, #tpu.memory_space<vmem>>, vector<16xf32>,
        tpu.vector_store %arg13[%swap3A_710, %swap3A_711], %gather3A_708 {strides = array<i32>} : memref<16x128xf32, #tpu.memory_space<vmem>>, vector<16xf32>,
        %add3A_713 = vector.broadcast %squeeze3A_691 : i32 to vector<16xi32>
        %add3A_714 = arith.addi %broadcast_in_dim3A_1, %add3A_713 : vector<16xi32>
        %gather3A_715 = tpu.vector_load_idx %arg11[%add3A_129, %add3A_714] : memref<64x512xf32, #tpu.memory_space<vmem>>[vector<16xi32>, vector<16xi32>], vector<16xf32>,
        %swap3A_716 = arith.constant 13 : i32
        %swap3A_717 = arith.index_cast %swap3A_716 : i32 to index
        %swap3A_718 = arith.constant 48 : index
        %swap3A_719 = tpu.vector_load %arg13[%swap3A_717, %swap3A_718] {strides = array<i32>} : memref<16x128xf32, #tpu.memory_space<vmem>>, vector<16xf32>,
        tpu.vector_store %arg13[%swap3A_717, %swap3A_718], %gather3A_715 {strides = array<i32>} : memref<16x128xf32, #tpu.memory_space<vmem>>, vector<16xf32>,
        %slice3A_720 = vector.extract_strided_slice %select_n3A_293 {offsets = [14], sizes = [1], strides = [1]} : vector<16xi32> to vector<1xi32>
        %squeeze3A_721 = vector.extract %slice3A_720[0] : i32 from vector<1xi32>
        %add3A_722 = vector.broadcast %squeeze3A_721 : i32 to vector<16xi32>
        %add3A_723 = arith.addi %broadcast_in_dim3A_1, %add3A_722 : vector<16xi32>
        %gather3A_724 = tpu.vector_load_idx %arg11[%add3A_120, %add3A_723] : memref<64x512xf32, #tpu.memory_space<vmem>>[vector<16xi32>, vector<16xi32>], vector<16xf32>,
        %swap3A_725 = arith.constant 14 : i32
        %swap3A_726 = arith.index_cast %swap3A_725 : i32 to index
        %swap3A_727 = arith.constant 0 : index
        %swap3A_728 = tpu.vector_load %arg13[%swap3A_726, %swap3A_727] {strides = array<i32>} : memref<16x128xf32, #tpu.memory_space<vmem>>, vector<16xf32>,
        tpu.vector_store %arg13[%swap3A_726, %swap3A_727], %gather3A_724 {strides = array<i32>} : memref<16x128xf32, #tpu.memory_space<vmem>>, vector<16xf32>,
        %add3A_729 = vector.broadcast %squeeze3A_721 : i32 to vector<16xi32>
        %add3A_730 = arith.addi %broadcast_in_dim3A_1, %add3A_729 : vector<16xi32>
        %gather3A_731 = tpu.vector_load_idx %arg11[%add3A_123, %add3A_730] : memref<64x512xf32, #tpu.memory_space<vmem>>[vector<16xi32>, vector<16xi32>], vector<16xf32>,
        %swap3A_732 = arith.constant 14 : i32
        %swap3A_733 = arith.index_cast %swap3A_732 : i32 to index
        %swap3A_734 = arith.constant 16 : index
        %swap3A_735 = tpu.vector_load %arg13[%swap3A_733, %swap3A_734] {strides = array<i32>} : memref<16x128xf32, #tpu.memory_space<vmem>>, vector<16xf32>,
        tpu.vector_store %arg13[%swap3A_733, %swap3A_734], %gather3A_731 {strides = array<i32>} : memref<16x128xf32, #tpu.memory_space<vmem>>, vector<16xf32>,
        %add3A_736 = vector.broadcast %squeeze3A_721 : i32 to vector<16xi32>
        %add3A_737 = arith.addi %broadcast_in_dim3A_1, %add3A_736 : vector<16xi32>
        %gather3A_738 = tpu.vector_load_idx %arg11[%add3A_126, %add3A_737] : memref<64x512xf32, #tpu.memory_space<vmem>>[vector<16xi32>, vector<16xi32>], vector<16xf32>,
        %swap3A_739 = arith.constant 14 : i32
        %swap3A_740 = arith.index_cast %swap3A_739 : i32 to index
        %swap3A_741 = arith.constant 32 : index
        %swap3A_742 = tpu.vector_load %arg13[%swap3A_740, %swap3A_741] {strides = array<i32>} : memref<16x128xf32, #tpu.memory_space<vmem>>, vector<16xf32>,
        tpu.vector_store %arg13[%swap3A_740, %swap3A_741], %gather3A_738 {strides = array<i32>} : memref<16x128xf32, #tpu.memory_space<vmem>>, vector<16xf32>,
        %add3A_743 = vector.broadcast %squeeze3A_721 : i32 to vector<16xi32>
        %add3A_744 = arith.addi %broadcast_in_dim3A_1, %add3A_743 : vector<16xi32>
        %gather3A_745 = tpu.vector_load_idx %arg11[%add3A_129, %add3A_744] : memref<64x512xf32, #tpu.memory_space<vmem>>[vector<16xi32>, vector<16xi32>], vector<16xf32>,
        %swap3A_746 = arith.constant 14 : i32
        %swap3A_747 = arith.index_cast %swap3A_746 : i32 to index
        %swap3A_748 = arith.constant 48 : index
        %swap3A_749 = tpu.vector_load %arg13[%swap3A_747, %swap3A_748] {strides = array<i32>} : memref<16x128xf32, #tpu.memory_space<vmem>>, vector<16xf32>,
        tpu.vector_store %arg13[%swap3A_747, %swap3A_748], %gather3A_745 {strides = array<i32>} : memref<16x128xf32, #tpu.memory_space<vmem>>, vector<16xf32>,
        %slice3A_750 = vector.extract_strided_slice %select_n3A_293 {offsets = [15], sizes = [1], strides = [1]} : vector<16xi32> to vector<1xi32>
        %squeeze3A_751 = vector.extract %slice3A_750[0] : i32 from vector<1xi32>
        %add3A_752 = vector.broadcast %squeeze3A_751 : i32 to vector<16xi32>
        %add3A_753 = arith.addi %broadcast_in_dim3A_1, %add3A_752 : vector<16xi32>
        %gather3A_754 = tpu.vector_load_idx %arg11[%add3A_120, %add3A_753] : memref<64x512xf32, #tpu.memory_space<vmem>>[vector<16xi32>, vector<16xi32>], vector<16xf32>,
        %swap3A_755 = arith.constant 15 : i32
        %swap3A_756 = arith.index_cast %swap3A_755 : i32 to index
        %swap3A_757 = arith.constant 0 : index
        %swap3A_758 = tpu.vector_load %arg13[%swap3A_756, %swap3A_757] {strides = array<i32>} : memref<16x128xf32, #tpu.memory_space<vmem>>, vector<16xf32>,
        tpu.vector_store %arg13[%swap3A_756, %swap3A_757], %gather3A_754 {strides = array<i32>} : memref<16x128xf32, #tpu.memory_space<vmem>>, vector<16xf32>,
        %add3A_759 = vector.broadcast %squeeze3A_751 : i32 to vector<16xi32>
        %add3A_760 = arith.addi %broadcast_in_dim3A_1, %add3A_759 : vector<16xi32>
        %gather3A_761 = tpu.vector_load_idx %arg11[%add3A_123, %add3A_760] : memref<64x512xf32, #tpu.memory_space<vmem>>[vector<16xi32>, vector<16xi32>], vector<16xf32>,
        %swap3A_762 = arith.constant 15 : i32
        %swap3A_763 = arith.index_cast %swap3A_762 : i32 to index
        %swap3A_764 = arith.constant 16 : index
        %swap3A_765 = tpu.vector_load %arg13[%swap3A_763, %swap3A_764] {strides = array<i32>} : memref<16x128xf32, #tpu.memory_space<vmem>>, vector<16xf32>,
        tpu.vector_store %arg13[%swap3A_763, %swap3A_764], %gather3A_761 {strides = array<i32>} : memref<16x128xf32, #tpu.memory_space<vmem>>, vector<16xf32>,
        %add3A_766 = vector.broadcast %squeeze3A_751 : i32 to vector<16xi32>
        %add3A_767 = arith.addi %broadcast_in_dim3A_1, %add3A_766 : vector<16xi32>
        %gather3A_768 = tpu.vector_load_idx %arg11[%add3A_126, %add3A_767] : memref<64x512xf32, #tpu.memory_space<vmem>>[vector<16xi32>, vector<16xi32>], vector<16xf32>,
        %swap3A_769 = arith.constant 15 : i32
        %swap3A_770 = arith.index_cast %swap3A_769 : i32 to index
        %swap3A_771 = arith.constant 32 : index
        %swap3A_772 = tpu.vector_load %arg13[%swap3A_770, %swap3A_771] {strides = array<i32>} : memref<16x128xf32, #tpu.memory_space<vmem>>, vector<16xf32>,
        tpu.vector_store %arg13[%swap3A_770, %swap3A_771], %gather3A_768 {strides = array<i32>} : memref<16x128xf32, #tpu.memory_space<vmem>>, vector<16xf32>,
        %add3A_773 = vector.broadcast %squeeze3A_751 : i32 to vector<16xi32>
        %add3A_774 = arith.addi %broadcast_in_dim3A_1, %add3A_773 : vector<16xi32>
        %gather3A_775 = tpu.vector_load_idx %arg11[%add3A_129, %add3A_774] : memref<64x512xf32, #tpu.memory_space<vmem>>[vector<16xi32>, vector<16xi32>], vector<16xf32>,
        %swap3A_776 = arith.constant 15 : i32
        %swap3A_777 = arith.index_cast %swap3A_776 : i32 to index
        %swap3A_778 = arith.constant 48 : index
        %swap3A_779 = tpu.vector_load %arg13[%swap3A_777, %swap3A_778] {strides = array<i32>} : memref<16x128xf32, #tpu.memory_space<vmem>>, vector<16xf32>,
        tpu.vector_store %arg13[%swap3A_777, %swap3A_778], %gather3A_775 {strides = array<i32>} : memref<16x128xf32, #tpu.memory_space<vmem>>, vector<16xf32>,
        %dma_start3A_780 = arith.constant 0 : i32
        %dma_start3A_781 = arith.constant 0 : i32
        %dma_start3A_782 = tpu.memref_slice %arg4[%dma_start3A_780, %dma_start3A_781] : memref<16448x128xf32, #tpu.memory_space<hbm>> -> memref<16448x128xf32, #tpu.memory_space<hbm>>
        tpu.enqueue_indirect_dma source(%arg13 : memref<16x128xf32, #tpu.memory_space<vmem>>) target(%dma_start3A_782 : memref<16448x128xf32, #tpu.memory_space<hbm>>) offsets(%arg15 : memref<16xi32, #tpu.memory_space<vmem>>) semaphore(%arg19 : memref<!tpu.dma_semaphore, #tpu.memory_space<semaphore_mem>>)
      }
      %while3A_261 = arith.constant 1 : i32
      scf.for %while3A_272 = %while3A_259 to %while3A_255 step %while3A_261  : i32 {
        %dma_wait3A_273 = arith.constant 0 : i32
        %dma_wait3A_274 = arith.constant 0 : i32
        %dma_wait3A_275 = tpu.memref_slice %arg4[%dma_wait3A_273, %dma_wait3A_274] : memref<16448x128xf32, #tpu.memory_space<hbm>> -> memref<16448x128xf32, #tpu.memory_space<hbm>>
        tpu.wait_indirect_dma semaphore(%arg19 : memref<!tpu.dma_semaphore, #tpu.memory_space<semaphore_mem>>) src(%arg13 : memref<16x128xf32, #tpu.memory_space<vmem>>) dst(%dma_wait3A_275 : memref<16448x128xf32, #tpu.memory_space<hbm>>)
        %mul3A_276 = arith.constant 16 : i32
        %mul3A_277 = arith.muli %mul3A_276, %while3A_272 : i32
        %add3A_278 = arith.addi %squeeze3A_223, %mul3A_277 : i32
        %get3A_279 = arith.index_cast %add3A_278 : i32 to index
        %get3A_280 = tpu.vector_load %arg6[%get3A_279] {strides = array<i32>} : memref<16400xi32, #tpu.memory_space<vmem>>, vector<16xi32>,
        %get3A_281 = arith.index_cast %add3A_278 : i32 to index
        %get3A_282 = tpu.vector_load %arg7[%get3A_281] {strides = array<i32>} : memref<16400xi32, #tpu.memory_space<vmem>>, vector<16xi32>,
        %mul3A_283 = arith.constant 16 : i32
        %mul3A_284 = arith.muli %mul3A_283, %while3A_272 : i32
        %add3A_285 = vector.broadcast %mul3A_284 : i32 to vector<16xi32>
        %add3A_286 = arith.addi %iota3A, %add3A_285 : vector<16xi32>
        %lt3A_287 = vector.broadcast %squeeze3A_220 : i32 to vector<16xi32>
        %lt3A_288 = arith.cmpi slt, %add3A_286, %lt3A_287 : vector<16xi32>
        %sub3A_289 = vector.broadcast %multiple_of3A_216 : i32 to vector<16xi32>
        %sub3A_290 = arith.subi %get3A_280, %sub3A_289 : vector<16xi32>
        %jit3A_291 = arith.constant 0 : i32
        %broadcast_in_dim3A_292 = vector.broadcast %jit3A_291 : i32 to vector<16xi32>
        %select_n3A_293 = arith.select %lt3A_288, %sub3A_290, %broadcast_in_dim3A_292 : vector<16xi1>, vector<16xi32>
        %add3A_294 = arith.constant 16384 : i32
        %add3A_295 = arith.addi %add3A_294, %add3A : i32
        %broadcast_in_dim3A_296 = vector.broadcast %add3A_295 : i32 to vector<16xi32>
        %select_n3A_297 = arith.select %lt3A_288, %get3A_282, %broadcast_in_dim3A_296 : vector<16xi1>, vector<16xi32>
        %swap3A_298 = arith.constant 0 : index
        %swap3A_299 = tpu.vector_load %arg15[%swap3A_298] {strides = array<i32>} : memref<16xi32, #tpu.memory_space<vmem>>, vector<16xi32>,
        tpu.vector_store %arg15[%swap3A_298], %select_n3A_297 {strides = array<i32>} : memref<16xi32, #tpu.memory_space<vmem>>, vector<16xi32>,
        %slice3A_300 = vector.extract_strided_slice %select_n3A_293 {offsets = [0], sizes = [1], strides = [1]} : vector<16xi32> to vector<1xi32>
        %squeeze3A_301 = vector.extract %slice3A_300[0] : i32 from vector<1xi32>
        %add3A_302 = vector.broadcast %squeeze3A_301 : i32 to vector<16xi32>
        %add3A_303 = arith.addi %broadcast_in_dim3A_1, %add3A_302 : vector<16xi32>
        %gather3A_304 = tpu.vector_load_idx %arg11[%add3A_120, %add3A_303] : memref<64x512xf32, #tpu.memory_space<vmem>>[vector<16xi32>, vector<16xi32>], vector<16xf32>,
        %swap3A_305 = arith.constant 0 : i32
        %swap3A_306 = arith.index_cast %swap3A_305 : i32 to index
        %swap3A_307 = arith.constant 0 : index
        %swap3A_308 = tpu.vector_load %arg13[%swap3A_306, %swap3A_307] {strides = array<i32>} : memref<16x128xf32, #tpu.memory_space<vmem>>, vector<16xf32>,
        tpu.vector_store %arg13[%swap3A_306, %swap3A_307], %gather3A_304 {strides = array<i32>} : memref<16x128xf32, #tpu.memory_space<vmem>>, vector<16xf32>,
        %add3A_309 = vector.broadcast %squeeze3A_301 : i32 to vector<16xi32>
        %add3A_310 = arith.addi %broadcast_in_dim3A_1, %add3A_309 : vector<16xi32>
        %gather3A_311 = tpu.vector_load_idx %arg11[%add3A_123, %add3A_310] : memref<64x512xf32, #tpu.memory_space<vmem>>[vector<16xi32>, vector<16xi32>], vector<16xf32>,
        %swap3A_312 = arith.constant 0 : i32
        %swap3A_313 = arith.index_cast %swap3A_312 : i32 to index
        %swap3A_314 = arith.constant 16 : index
        %swap3A_315 = tpu.vector_load %arg13[%swap3A_313, %swap3A_314] {strides = array<i32>} : memref<16x128xf32, #tpu.memory_space<vmem>>, vector<16xf32>,
        tpu.vector_store %arg13[%swap3A_313, %swap3A_314], %gather3A_311 {strides = array<i32>} : memref<16x128xf32, #tpu.memory_space<vmem>>, vector<16xf32>,
        %add3A_316 = vector.broadcast %squeeze3A_301 : i32 to vector<16xi32>
        %add3A_317 = arith.addi %broadcast_in_dim3A_1, %add3A_316 : vector<16xi32>
        %gather3A_318 = tpu.vector_load_idx %arg11[%add3A_126, %add3A_317] : memref<64x512xf32, #tpu.memory_space<vmem>>[vector<16xi32>, vector<16xi32>], vector<16xf32>,
        %swap3A_319 = arith.constant 0 : i32
        %swap3A_320 = arith.index_cast %swap3A_319 : i32 to index
        %swap3A_321 = arith.constant 32 : index
        %swap3A_322 = tpu.vector_load %arg13[%swap3A_320, %swap3A_321] {strides = array<i32>} : memref<16x128xf32, #tpu.memory_space<vmem>>, vector<16xf32>,
        tpu.vector_store %arg13[%swap3A_320, %swap3A_321], %gather3A_318 {strides = array<i32>} : memref<16x128xf32, #tpu.memory_space<vmem>>, vector<16xf32>,
        %add3A_323 = vector.broadcast %squeeze3A_301 : i32 to vector<16xi32>
        %add3A_324 = arith.addi %broadcast_in_dim3A_1, %add3A_323 : vector<16xi32>
        %gather3A_325 = tpu.vector_load_idx %arg11[%add3A_129, %add3A_324] : memref<64x512xf32, #tpu.memory_space<vmem>>[vector<16xi32>, vector<16xi32>], vector<16xf32>,
        %swap3A_326 = arith.constant 0 : i32
        %swap3A_327 = arith.index_cast %swap3A_326 : i32 to index
        %swap3A_328 = arith.constant 48 : index
        %swap3A_329 = tpu.vector_load %arg13[%swap3A_327, %swap3A_328] {strides = array<i32>} : memref<16x128xf32, #tpu.memory_space<vmem>>, vector<16xf32>,
        tpu.vector_store %arg13[%swap3A_327, %swap3A_328], %gather3A_325 {strides = array<i32>} : memref<16x128xf32, #tpu.memory_space<vmem>>, vector<16xf32>,
        %slice3A_330 = vector.extract_strided_slice %select_n3A_293 {offsets = [1], sizes = [1], strides = [1]} : vector<16xi32> to vector<1xi32>
        %squeeze3A_331 = vector.extract %slice3A_330[0] : i32 from vector<1xi32>
        %add3A_332 = vector.broadcast %squeeze3A_331 : i32 to vector<16xi32>
        %add3A_333 = arith.addi %broadcast_in_dim3A_1, %add3A_332 : vector<16xi32>
        %gather3A_334 = tpu.vector_load_idx %arg11[%add3A_120, %add3A_333] : memref<64x512xf32, #tpu.memory_space<vmem>>[vector<16xi32>, vector<16xi32>], vector<16xf32>,
        %swap3A_335 = arith.constant 1 : i32
        %swap3A_336 = arith.index_cast %swap3A_335 : i32 to index
        %swap3A_337 = arith.constant 0 : index
        %swap3A_338 = tpu.vector_load %arg13[%swap3A_336, %swap3A_337] {strides = array<i32>} : memref<16x128xf32, #tpu.memory_space<vmem>>, vector<16xf32>,
        tpu.vector_store %arg13[%swap3A_336, %swap3A_337], %gather3A_334 {strides = array<i32>} : memref<16x128xf32, #tpu.memory_space<vmem>>, vector<16xf32>,
        %add3A_339 = vector.broadcast %squeeze3A_331 : i32 to vector<16xi32>
        %add3A_340 = arith.addi %broadcast_in_dim3A_1, %add3A_339 : vector<16xi32>
        %gather3A_341 = tpu.vector_load_idx %arg11[%add3A_123, %add3A_340] : memref<64x512xf32, #tpu.memory_space<vmem>>[vector<16xi32>, vector<16xi32>], vector<16xf32>,
        %swap3A_342 = arith.constant 1 : i32
        %swap3A_343 = arith.index_cast %swap3A_342 : i32 to index
        %swap3A_344 = arith.constant 16 : index
        %swap3A_345 = tpu.vector_load %arg13[%swap3A_343, %swap3A_344] {strides = array<i32>} : memref<16x128xf32, #tpu.memory_space<vmem>>, vector<16xf32>,
        tpu.vector_store %arg13[%swap3A_343, %swap3A_344], %gather3A_341 {strides = array<i32>} : memref<16x128xf32, #tpu.memory_space<vmem>>, vector<16xf32>,
        %add3A_346 = vector.broadcast %squeeze3A_331 : i32 to vector<16xi32>
        %add3A_347 = arith.addi %broadcast_in_dim3A_1, %add3A_346 : vector<16xi32>
        %gather3A_348 = tpu.vector_load_idx %arg11[%add3A_126, %add3A_347] : memref<64x512xf32, #tpu.memory_space<vmem>>[vector<16xi32>, vector<16xi32>], vector<16xf32>,
        %swap3A_349 = arith.constant 1 : i32
        %swap3A_350 = arith.index_cast %swap3A_349 : i32 to index
        %swap3A_351 = arith.constant 32 : index
        %swap3A_352 = tpu.vector_load %arg13[%swap3A_350, %swap3A_351] {strides = array<i32>} : memref<16x128xf32, #tpu.memory_space<vmem>>, vector<16xf32>,
        tpu.vector_store %arg13[%swap3A_350, %swap3A_351], %gather3A_348 {strides = array<i32>} : memref<16x128xf32, #tpu.memory_space<vmem>>, vector<16xf32>,
        %add3A_353 = vector.broadcast %squeeze3A_331 : i32 to vector<16xi32>
        %add3A_354 = arith.addi %broadcast_in_dim3A_1, %add3A_353 : vector<16xi32>
        %gather3A_355 = tpu.vector_load_idx %arg11[%add3A_129, %add3A_354] : memref<64x512xf32, #tpu.memory_space<vmem>>[vector<16xi32>, vector<16xi32>], vector<16xf32>,
        %swap3A_356 = arith.constant 1 : i32
        %swap3A_357 = arith.index_cast %swap3A_356 : i32 to index
        %swap3A_358 = arith.constant 48 : index
        %swap3A_359 = tpu.vector_load %arg13[%swap3A_357, %swap3A_358] {strides = array<i32>} : memref<16x128xf32, #tpu.memory_space<vmem>>, vector<16xf32>,
        tpu.vector_store %arg13[%swap3A_357, %swap3A_358], %gather3A_355 {strides = array<i32>} : memref<16x128xf32, #tpu.memory_space<vmem>>, vector<16xf32>,
        %slice3A_360 = vector.extract_strided_slice %select_n3A_293 {offsets = [2], sizes = [1], strides = [1]} : vector<16xi32> to vector<1xi32>
        %squeeze3A_361 = vector.extract %slice3A_360[0] : i32 from vector<1xi32>
        %add3A_362 = vector.broadcast %squeeze3A_361 : i32 to vector<16xi32>
        %add3A_363 = arith.addi %broadcast_in_dim3A_1, %add3A_362 : vector<16xi32>
        %gather3A_364 = tpu.vector_load_idx %arg11[%add3A_120, %add3A_363] : memref<64x512xf32, #tpu.memory_space<vmem>>[vector<16xi32>, vector<16xi32>], vector<16xf32>,
        %swap3A_365 = arith.constant 2 : i32
        %swap3A_366 = arith.index_cast %swap3A_365 : i32 to index
        %swap3A_367 = arith.constant 0 : index
        %swap3A_368 = tpu.vector_load %arg13[%swap3A_366, %swap3A_367] {strides = array<i32>} : memref<16x128xf32, #tpu.memory_space<vmem>>, vector<16xf32>,
        tpu.vector_store %arg13[%swap3A_366, %swap3A_367], %gather3A_364 {strides = array<i32>} : memref<16x128xf32, #tpu.memory_space<vmem>>, vector<16xf32>,
        %add3A_369 = vector.broadcast %squeeze3A_361 : i32 to vector<16xi32>
        %add3A_370 = arith.addi %broadcast_in_dim3A_1, %add3A_369 : vector<16xi32>
        %gather3A_371 = tpu.vector_load_idx %arg11[%add3A_123, %add3A_370] : memref<64x512xf32, #tpu.memory_space<vmem>>[vector<16xi32>, vector<16xi32>], vector<16xf32>,
        %swap3A_372 = arith.constant 2 : i32
        %swap3A_373 = arith.index_cast %swap3A_372 : i32 to index
        %swap3A_374 = arith.constant 16 : index
        %swap3A_375 = tpu.vector_load %arg13[%swap3A_373, %swap3A_374] {strides = array<i32>} : memref<16x128xf32, #tpu.memory_space<vmem>>, vector<16xf32>,
        tpu.vector_store %arg13[%swap3A_373, %swap3A_374], %gather3A_371 {strides = array<i32>} : memref<16x128xf32, #tpu.memory_space<vmem>>, vector<16xf32>,
        %add3A_376 = vector.broadcast %squeeze3A_361 : i32 to vector<16xi32>
        %add3A_377 = arith.addi %broadcast_in_dim3A_1, %add3A_376 : vector<16xi32>
        %gather3A_378 = tpu.vector_load_idx %arg11[%add3A_126, %add3A_377] : memref<64x512xf32, #tpu.memory_space<vmem>>[vector<16xi32>, vector<16xi32>], vector<16xf32>,
        %swap3A_379 = arith.constant 2 : i32
        %swap3A_380 = arith.index_cast %swap3A_379 : i32 to index
        %swap3A_381 = arith.constant 32 : index
        %swap3A_382 = tpu.vector_load %arg13[%swap3A_380, %swap3A_381] {strides = array<i32>} : memref<16x128xf32, #tpu.memory_space<vmem>>, vector<16xf32>,
        tpu.vector_store %arg13[%swap3A_380, %swap3A_381], %gather3A_378 {strides = array<i32>} : memref<16x128xf32, #tpu.memory_space<vmem>>, vector<16xf32>,
        %add3A_383 = vector.broadcast %squeeze3A_361 : i32 to vector<16xi32>
        %add3A_384 = arith.addi %broadcast_in_dim3A_1, %add3A_383 : vector<16xi32>
        %gather3A_385 = tpu.vector_load_idx %arg11[%add3A_129, %add3A_384] : memref<64x512xf32, #tpu.memory_space<vmem>>[vector<16xi32>, vector<16xi32>], vector<16xf32>,
        %swap3A_386 = arith.constant 2 : i32
        %swap3A_387 = arith.index_cast %swap3A_386 : i32 to index
        %swap3A_388 = arith.constant 48 : index
        %swap3A_389 = tpu.vector_load %arg13[%swap3A_387, %swap3A_388] {strides = array<i32>} : memref<16x128xf32, #tpu.memory_space<vmem>>, vector<16xf32>,
        tpu.vector_store %arg13[%swap3A_387, %swap3A_388], %gather3A_385 {strides = array<i32>} : memref<16x128xf32, #tpu.memory_space<vmem>>, vector<16xf32>,
        %slice3A_390 = vector.extract_strided_slice %select_n3A_293 {offsets = [3], sizes = [1], strides = [1]} : vector<16xi32> to vector<1xi32>
        %squeeze3A_391 = vector.extract %slice3A_390[0] : i32 from vector<1xi32>
        %add3A_392 = vector.broadcast %squeeze3A_391 : i32 to vector<16xi32>
        %add3A_393 = arith.addi %broadcast_in_dim3A_1, %add3A_392 : vector<16xi32>
        %gather3A_394 = tpu.vector_load_idx %arg11[%add3A_120, %add3A_393] : memref<64x512xf32, #tpu.memory_space<vmem>>[vector<16xi32>, vector<16xi32>], vector<16xf32>,
        %swap3A_395 = arith.constant 3 : i32
        %swap3A_396 = arith.index_cast %swap3A_395 : i32 to index
        %swap3A_397 = arith.constant 0 : index
        %swap3A_398 = tpu.vector_load %arg13[%swap3A_396, %swap3A_397] {strides = array<i32>} : memref<16x128xf32, #tpu.memory_space<vmem>>, vector<16xf32>,
        tpu.vector_store %arg13[%swap3A_396, %swap3A_397], %gather3A_394 {strides = array<i32>} : memref<16x128xf32, #tpu.memory_space<vmem>>, vector<16xf32>,
        %add3A_399 = vector.broadcast %squeeze3A_391 : i32 to vector<16xi32>
        %add3A_400 = arith.addi %broadcast_in_dim3A_1, %add3A_399 : vector<16xi32>
        %gather3A_401 = tpu.vector_load_idx %arg11[%add3A_123, %add3A_400] : memref<64x512xf32, #tpu.memory_space<vmem>>[vector<16xi32>, vector<16xi32>], vector<16xf32>,
        %swap3A_402 = arith.constant 3 : i32
        %swap3A_403 = arith.index_cast %swap3A_402 : i32 to index
        %swap3A_404 = arith.constant 16 : index
        %swap3A_405 = tpu.vector_load %arg13[%swap3A_403, %swap3A_404] {strides = array<i32>} : memref<16x128xf32, #tpu.memory_space<vmem>>, vector<16xf32>,
        tpu.vector_store %arg13[%swap3A_403, %swap3A_404], %gather3A_401 {strides = array<i32>} : memref<16x128xf32, #tpu.memory_space<vmem>>, vector<16xf32>,
        %add3A_406 = vector.broadcast %squeeze3A_391 : i32 to vector<16xi32>
        %add3A_407 = arith.addi %broadcast_in_dim3A_1, %add3A_406 : vector<16xi32>
        %gather3A_408 = tpu.vector_load_idx %arg11[%add3A_126, %add3A_407] : memref<64x512xf32, #tpu.memory_space<vmem>>[vector<16xi32>, vector<16xi32>], vector<16xf32>,
        %swap3A_409 = arith.constant 3 : i32
        %swap3A_410 = arith.index_cast %swap3A_409 : i32 to index
        %swap3A_411 = arith.constant 32 : index
        %swap3A_412 = tpu.vector_load %arg13[%swap3A_410, %swap3A_411] {strides = array<i32>} : memref<16x128xf32, #tpu.memory_space<vmem>>, vector<16xf32>,
        tpu.vector_store %arg13[%swap3A_410, %swap3A_411], %gather3A_408 {strides = array<i32>} : memref<16x128xf32, #tpu.memory_space<vmem>>, vector<16xf32>,
        %add3A_413 = vector.broadcast %squeeze3A_391 : i32 to vector<16xi32>
        %add3A_414 = arith.addi %broadcast_in_dim3A_1, %add3A_413 : vector<16xi32>
        %gather3A_415 = tpu.vector_load_idx %arg11[%add3A_129, %add3A_414] : memref<64x512xf32, #tpu.memory_space<vmem>>[vector<16xi32>, vector<16xi32>], vector<16xf32>,
        %swap3A_416 = arith.constant 3 : i32
        %swap3A_417 = arith.index_cast %swap3A_416 : i32 to index
        %swap3A_418 = arith.constant 48 : index
        %swap3A_419 = tpu.vector_load %arg13[%swap3A_417, %swap3A_418] {strides = array<i32>} : memref<16x128xf32, #tpu.memory_space<vmem>>, vector<16xf32>,
        tpu.vector_store %arg13[%swap3A_417, %swap3A_418], %gather3A_415 {strides = array<i32>} : memref<16x128xf32, #tpu.memory_space<vmem>>, vector<16xf32>,
        %slice3A_420 = vector.extract_strided_slice %select_n3A_293 {offsets = [4], sizes = [1], strides = [1]} : vector<16xi32> to vector<1xi32>
        %squeeze3A_421 = vector.extract %slice3A_420[0] : i32 from vector<1xi32>
        %add3A_422 = vector.broadcast %squeeze3A_421 : i32 to vector<16xi32>
        %add3A_423 = arith.addi %broadcast_in_dim3A_1, %add3A_422 : vector<16xi32>
        %gather3A_424 = tpu.vector_load_idx %arg11[%add3A_120, %add3A_423] : memref<64x512xf32, #tpu.memory_space<vmem>>[vector<16xi32>, vector<16xi32>], vector<16xf32>,
        %swap3A_425 = arith.constant 4 : i32
        %swap3A_426 = arith.index_cast %swap3A_425 : i32 to index
        %swap3A_427 = arith.constant 0 : index
        %swap3A_428 = tpu.vector_load %arg13[%swap3A_426, %swap3A_427] {strides = array<i32>} : memref<16x128xf32, #tpu.memory_space<vmem>>, vector<16xf32>,
        tpu.vector_store %arg13[%swap3A_426, %swap3A_427], %gather3A_424 {strides = array<i32>} : memref<16x128xf32, #tpu.memory_space<vmem>>, vector<16xf32>,
        %add3A_429 = vector.broadcast %squeeze3A_421 : i32 to vector<16xi32>
        %add3A_430 = arith.addi %broadcast_in_dim3A_1, %add3A_429 : vector<16xi32>
        %gather3A_431 = tpu.vector_load_idx %arg11[%add3A_123, %add3A_430] : memref<64x512xf32, #tpu.memory_space<vmem>>[vector<16xi32>, vector<16xi32>], vector<16xf32>,
        %swap3A_432 = arith.constant 4 : i32
        %swap3A_433 = arith.index_cast %swap3A_432 : i32 to index
        %swap3A_434 = arith.constant 16 : index
        %swap3A_435 = tpu.vector_load %arg13[%swap3A_433, %swap3A_434] {strides = array<i32>} : memref<16x128xf32, #tpu.memory_space<vmem>>, vector<16xf32>,
        tpu.vector_store %arg13[%swap3A_433, %swap3A_434], %gather3A_431 {strides = array<i32>} : memref<16x128xf32, #tpu.memory_space<vmem>>, vector<16xf32>,
        %add3A_436 = vector.broadcast %squeeze3A_421 : i32 to vector<16xi32>
        %add3A_437 = arith.addi %broadcast_in_dim3A_1, %add3A_436 : vector<16xi32>
        %gather3A_438 = tpu.vector_load_idx %arg11[%add3A_126, %add3A_437] : memref<64x512xf32, #tpu.memory_space<vmem>>[vector<16xi32>, vector<16xi32>], vector<16xf32>,
        %swap3A_439 = arith.constant 4 : i32
        %swap3A_440 = arith.index_cast %swap3A_439 : i32 to index
        %swap3A_441 = arith.constant 32 : index
        %swap3A_442 = tpu.vector_load %arg13[%swap3A_440, %swap3A_441] {strides = array<i32>} : memref<16x128xf32, #tpu.memory_space<vmem>>, vector<16xf32>,
        tpu.vector_store %arg13[%swap3A_440, %swap3A_441], %gather3A_438 {strides = array<i32>} : memref<16x128xf32, #tpu.memory_space<vmem>>, vector<16xf32>,
        %add3A_443 = vector.broadcast %squeeze3A_421 : i32 to vector<16xi32>
        %add3A_444 = arith.addi %broadcast_in_dim3A_1, %add3A_443 : vector<16xi32>
        %gather3A_445 = tpu.vector_load_idx %arg11[%add3A_129, %add3A_444] : memref<64x512xf32, #tpu.memory_space<vmem>>[vector<16xi32>, vector<16xi32>], vector<16xf32>,
        %swap3A_446 = arith.constant 4 : i32
        %swap3A_447 = arith.index_cast %swap3A_446 : i32 to index
        %swap3A_448 = arith.constant 48 : index
        %swap3A_449 = tpu.vector_load %arg13[%swap3A_447, %swap3A_448] {strides = array<i32>} : memref<16x128xf32, #tpu.memory_space<vmem>>, vector<16xf32>,
        tpu.vector_store %arg13[%swap3A_447, %swap3A_448], %gather3A_445 {strides = array<i32>} : memref<16x128xf32, #tpu.memory_space<vmem>>, vector<16xf32>,
        %slice3A_450 = vector.extract_strided_slice %select_n3A_293 {offsets = [5], sizes = [1], strides = [1]} : vector<16xi32> to vector<1xi32>
        %squeeze3A_451 = vector.extract %slice3A_450[0] : i32 from vector<1xi32>
        %add3A_452 = vector.broadcast %squeeze3A_451 : i32 to vector<16xi32>
        %add3A_453 = arith.addi %broadcast_in_dim3A_1, %add3A_452 : vector<16xi32>
        %gather3A_454 = tpu.vector_load_idx %arg11[%add3A_120, %add3A_453] : memref<64x512xf32, #tpu.memory_space<vmem>>[vector<16xi32>, vector<16xi32>], vector<16xf32>,
        %swap3A_455 = arith.constant 5 : i32
        %swap3A_456 = arith.index_cast %swap3A_455 : i32 to index
        %swap3A_457 = arith.constant 0 : index
        %swap3A_458 = tpu.vector_load %arg13[%swap3A_456, %swap3A_457] {strides = array<i32>} : memref<16x128xf32, #tpu.memory_space<vmem>>, vector<16xf32>,
        tpu.vector_store %arg13[%swap3A_456, %swap3A_457], %gather3A_454 {strides = array<i32>} : memref<16x128xf32, #tpu.memory_space<vmem>>, vector<16xf32>,
        %add3A_459 = vector.broadcast %squeeze3A_451 : i32 to vector<16xi32>
        %add3A_460 = arith.addi %broadcast_in_dim3A_1, %add3A_459 : vector<16xi32>
        %gather3A_461 = tpu.vector_load_idx %arg11[%add3A_123, %add3A_460] : memref<64x512xf32, #tpu.memory_space<vmem>>[vector<16xi32>, vector<16xi32>], vector<16xf32>,
        %swap3A_462 = arith.constant 5 : i32
        %swap3A_463 = arith.index_cast %swap3A_462 : i32 to index
        %swap3A_464 = arith.constant 16 : index
        %swap3A_465 = tpu.vector_load %arg13[%swap3A_463, %swap3A_464] {strides = array<i32>} : memref<16x128xf32, #tpu.memory_space<vmem>>, vector<16xf32>,
        tpu.vector_store %arg13[%swap3A_463, %swap3A_464], %gather3A_461 {strides = array<i32>} : memref<16x128xf32, #tpu.memory_space<vmem>>, vector<16xf32>,
        %add3A_466 = vector.broadcast %squeeze3A_451 : i32 to vector<16xi32>
        %add3A_467 = arith.addi %broadcast_in_dim3A_1, %add3A_466 : vector<16xi32>
        %gather3A_468 = tpu.vector_load_idx %arg11[%add3A_126, %add3A_467] : memref<64x512xf32, #tpu.memory_space<vmem>>[vector<16xi32>, vector<16xi32>], vector<16xf32>,
        %swap3A_469 = arith.constant 5 : i32
        %swap3A_470 = arith.index_cast %swap3A_469 : i32 to index
        %swap3A_471 = arith.constant 32 : index
        %swap3A_472 = tpu.vector_load %arg13[%swap3A_470, %swap3A_471] {strides = array<i32>} : memref<16x128xf32, #tpu.memory_space<vmem>>, vector<16xf32>,
        tpu.vector_store %arg13[%swap3A_470, %swap3A_471], %gather3A_468 {strides = array<i32>} : memref<16x128xf32, #tpu.memory_space<vmem>>, vector<16xf32>,
        %add3A_473 = vector.broadcast %squeeze3A_451 : i32 to vector<16xi32>
        %add3A_474 = arith.addi %broadcast_in_dim3A_1, %add3A_473 : vector<16xi32>
        %gather3A_475 = tpu.vector_load_idx %arg11[%add3A_129, %add3A_474] : memref<64x512xf32, #tpu.memory_space<vmem>>[vector<16xi32>, vector<16xi32>], vector<16xf32>,
        %swap3A_476 = arith.constant 5 : i32
        %swap3A_477 = arith.index_cast %swap3A_476 : i32 to index
        %swap3A_478 = arith.constant 48 : index
        %swap3A_479 = tpu.vector_load %arg13[%swap3A_477, %swap3A_478] {strides = array<i32>} : memref<16x128xf32, #tpu.memory_space<vmem>>, vector<16xf32>,
        tpu.vector_store %arg13[%swap3A_477, %swap3A_478], %gather3A_475 {strides = array<i32>} : memref<16x128xf32, #tpu.memory_space<vmem>>, vector<16xf32>,
        %slice3A_480 = vector.extract_strided_slice %select_n3A_293 {offsets = [6], sizes = [1], strides = [1]} : vector<16xi32> to vector<1xi32>
        %squeeze3A_481 = vector.extract %slice3A_480[0] : i32 from vector<1xi32>
        %add3A_482 = vector.broadcast %squeeze3A_481 : i32 to vector<16xi32>
        %add3A_483 = arith.addi %broadcast_in_dim3A_1, %add3A_482 : vector<16xi32>
        %gather3A_484 = tpu.vector_load_idx %arg11[%add3A_120, %add3A_483] : memref<64x512xf32, #tpu.memory_space<vmem>>[vector<16xi32>, vector<16xi32>], vector<16xf32>,
        %swap3A_485 = arith.constant 6 : i32
        %swap3A_486 = arith.index_cast %swap3A_485 : i32 to index
        %swap3A_487 = arith.constant 0 : index
        %swap3A_488 = tpu.vector_load %arg13[%swap3A_486, %swap3A_487] {strides = array<i32>} : memref<16x128xf32, #tpu.memory_space<vmem>>, vector<16xf32>,
        tpu.vector_store %arg13[%swap3A_486, %swap3A_487], %gather3A_484 {strides = array<i32>} : memref<16x128xf32, #tpu.memory_space<vmem>>, vector<16xf32>,
        %add3A_489 = vector.broadcast %squeeze3A_481 : i32 to vector<16xi32>
        %add3A_490 = arith.addi %broadcast_in_dim3A_1, %add3A_489 : vector<16xi32>
        %gather3A_491 = tpu.vector_load_idx %arg11[%add3A_123, %add3A_490] : memref<64x512xf32, #tpu.memory_space<vmem>>[vector<16xi32>, vector<16xi32>], vector<16xf32>,
        %swap3A_492 = arith.constant 6 : i32
        %swap3A_493 = arith.index_cast %swap3A_492 : i32 to index
        %swap3A_494 = arith.constant 16 : index
        %swap3A_495 = tpu.vector_load %arg13[%swap3A_493, %swap3A_494] {strides = array<i32>} : memref<16x128xf32, #tpu.memory_space<vmem>>, vector<16xf32>,
        tpu.vector_store %arg13[%swap3A_493, %swap3A_494], %gather3A_491 {strides = array<i32>} : memref<16x128xf32, #tpu.memory_space<vmem>>, vector<16xf32>,
        %add3A_496 = vector.broadcast %squeeze3A_481 : i32 to vector<16xi32>
        %add3A_497 = arith.addi %broadcast_in_dim3A_1, %add3A_496 : vector<16xi32>
        %gather3A_498 = tpu.vector_load_idx %arg11[%add3A_126, %add3A_497] : memref<64x512xf32, #tpu.memory_space<vmem>>[vector<16xi32>, vector<16xi32>], vector<16xf32>,
        %swap3A_499 = arith.constant 6 : i32
        %swap3A_500 = arith.index_cast %swap3A_499 : i32 to index
        %swap3A_501 = arith.constant 32 : index
        %swap3A_502 = tpu.vector_load %arg13[%swap3A_500, %swap3A_501] {strides = array<i32>} : memref<16x128xf32, #tpu.memory_space<vmem>>, vector<16xf32>,
        tpu.vector_store %arg13[%swap3A_500, %swap3A_501], %gather3A_498 {strides = array<i32>} : memref<16x128xf32, #tpu.memory_space<vmem>>, vector<16xf32>,
        %add3A_503 = vector.broadcast %squeeze3A_481 : i32 to vector<16xi32>
        %add3A_504 = arith.addi %broadcast_in_dim3A_1, %add3A_503 : vector<16xi32>
        %gather3A_505 = tpu.vector_load_idx %arg11[%add3A_129, %add3A_504] : memref<64x512xf32, #tpu.memory_space<vmem>>[vector<16xi32>, vector<16xi32>], vector<16xf32>,
        %swap3A_506 = arith.constant 6 : i32
        %swap3A_507 = arith.index_cast %swap3A_506 : i32 to index
        %swap3A_508 = arith.constant 48 : index
        %swap3A_509 = tpu.vector_load %arg13[%swap3A_507, %swap3A_508] {strides = array<i32>} : memref<16x128xf32, #tpu.memory_space<vmem>>, vector<16xf32>,
        tpu.vector_store %arg13[%swap3A_507, %swap3A_508], %gather3A_505 {strides = array<i32>} : memref<16x128xf32, #tpu.memory_space<vmem>>, vector<16xf32>,
        %slice3A_510 = vector.extract_strided_slice %select_n3A_293 {offsets = [7], sizes = [1], strides = [1]} : vector<16xi32> to vector<1xi32>
        %squeeze3A_511 = vector.extract %slice3A_510[0] : i32 from vector<1xi32>
        %add3A_512 = vector.broadcast %squeeze3A_511 : i32 to vector<16xi32>
        %add3A_513 = arith.addi %broadcast_in_dim3A_1, %add3A_512 : vector<16xi32>
        %gather3A_514 = tpu.vector_load_idx %arg11[%add3A_120, %add3A_513] : memref<64x512xf32, #tpu.memory_space<vmem>>[vector<16xi32>, vector<16xi32>], vector<16xf32>,
        %swap3A_515 = arith.constant 7 : i32
        %swap3A_516 = arith.index_cast %swap3A_515 : i32 to index
        %swap3A_517 = arith.constant 0 : index
        %swap3A_518 = tpu.vector_load %arg13[%swap3A_516, %swap3A_517] {strides = array<i32>} : memref<16x128xf32, #tpu.memory_space<vmem>>, vector<16xf32>,
        tpu.vector_store %arg13[%swap3A_516, %swap3A_517], %gather3A_514 {strides = array<i32>} : memref<16x128xf32, #tpu.memory_space<vmem>>, vector<16xf32>,
        %add3A_519 = vector.broadcast %squeeze3A_511 : i32 to vector<16xi32>
        %add3A_520 = arith.addi %broadcast_in_dim3A_1, %add3A_519 : vector<16xi32>
        %gather3A_521 = tpu.vector_load_idx %arg11[%add3A_123, %add3A_520] : memref<64x512xf32, #tpu.memory_space<vmem>>[vector<16xi32>, vector<16xi32>], vector<16xf32>,
        %swap3A_522 = arith.constant 7 : i32
        %swap3A_523 = arith.index_cast %swap3A_522 : i32 to index
        %swap3A_524 = arith.constant 16 : index
        %swap3A_525 = tpu.vector_load %arg13[%swap3A_523, %swap3A_524] {strides = array<i32>} : memref<16x128xf32, #tpu.memory_space<vmem>>, vector<16xf32>,
        tpu.vector_store %arg13[%swap3A_523, %swap3A_524], %gather3A_521 {strides = array<i32>} : memref<16x128xf32, #tpu.memory_space<vmem>>, vector<16xf32>,
        %add3A_526 = vector.broadcast %squeeze3A_511 : i32 to vector<16xi32>
        %add3A_527 = arith.addi %broadcast_in_dim3A_1, %add3A_526 : vector<16xi32>
        %gather3A_528 = tpu.vector_load_idx %arg11[%add3A_126, %add3A_527] : memref<64x512xf32, #tpu.memory_space<vmem>>[vector<16xi32>, vector<16xi32>], vector<16xf32>,
        %swap3A_529 = arith.constant 7 : i32
        %swap3A_530 = arith.index_cast %swap3A_529 : i32 to index
        %swap3A_531 = arith.constant 32 : index
        %swap3A_532 = tpu.vector_load %arg13[%swap3A_530, %swap3A_531] {strides = array<i32>} : memref<16x128xf32, #tpu.memory_space<vmem>>, vector<16xf32>,
        tpu.vector_store %arg13[%swap3A_530, %swap3A_531], %gather3A_528 {strides = array<i32>} : memref<16x128xf32, #tpu.memory_space<vmem>>, vector<16xf32>,
        %add3A_533 = vector.broadcast %squeeze3A_511 : i32 to vector<16xi32>
        %add3A_534 = arith.addi %broadcast_in_dim3A_1, %add3A_533 : vector<16xi32>
        %gather3A_535 = tpu.vector_load_idx %arg11[%add3A_129, %add3A_534] : memref<64x512xf32, #tpu.memory_space<vmem>>[vector<16xi32>, vector<16xi32>], vector<16xf32>,
        %swap3A_536 = arith.constant 7 : i32
        %swap3A_537 = arith.index_cast %swap3A_536 : i32 to index
        %swap3A_538 = arith.constant 48 : index
        %swap3A_539 = tpu.vector_load %arg13[%swap3A_537, %swap3A_538] {strides = array<i32>} : memref<16x128xf32, #tpu.memory_space<vmem>>, vector<16xf32>,
        tpu.vector_store %arg13[%swap3A_537, %swap3A_538], %gather3A_535 {strides = array<i32>} : memref<16x128xf32, #tpu.memory_space<vmem>>, vector<16xf32>,
        %slice3A_540 = vector.extract_strided_slice %select_n3A_293 {offsets = [8], sizes = [1], strides = [1]} : vector<16xi32> to vector<1xi32>
        %squeeze3A_541 = vector.extract %slice3A_540[0] : i32 from vector<1xi32>
        %add3A_542 = vector.broadcast %squeeze3A_541 : i32 to vector<16xi32>
        %add3A_543 = arith.addi %broadcast_in_dim3A_1, %add3A_542 : vector<16xi32>
        %gather3A_544 = tpu.vector_load_idx %arg11[%add3A_120, %add3A_543] : memref<64x512xf32, #tpu.memory_space<vmem>>[vector<16xi32>, vector<16xi32>], vector<16xf32>,
        %swap3A_545 = arith.constant 8 : i32
        %swap3A_546 = arith.index_cast %swap3A_545 : i32 to index
        %swap3A_547 = arith.constant 0 : index
        %swap3A_548 = tpu.vector_load %arg13[%swap3A_546, %swap3A_547] {strides = array<i32>} : memref<16x128xf32, #tpu.memory_space<vmem>>, vector<16xf32>,
        tpu.vector_store %arg13[%swap3A_546, %swap3A_547], %gather3A_544 {strides = array<i32>} : memref<16x128xf32, #tpu.memory_space<vmem>>, vector<16xf32>,
        %add3A_549 = vector.broadcast %squeeze3A_541 : i32 to vector<16xi32>
        %add3A_550 = arith.addi %broadcast_in_dim3A_1, %add3A_549 : vector<16xi32>
        %gather3A_551 = tpu.vector_load_idx %arg11[%add3A_123, %add3A_550] : memref<64x512xf32, #tpu.memory_space<vmem>>[vector<16xi32>, vector<16xi32>], vector<16xf32>,
        %swap3A_552 = arith.constant 8 : i32
        %swap3A_553 = arith.index_cast %swap3A_552 : i32 to index
        %swap3A_554 = arith.constant 16 : index
        %swap3A_555 = tpu.vector_load %arg13[%swap3A_553, %swap3A_554] {strides = array<i32>} : memref<16x128xf32, #tpu.memory_space<vmem>>, vector<16xf32>,
        tpu.vector_store %arg13[%swap3A_553, %swap3A_554], %gather3A_551 {strides = array<i32>} : memref<16x128xf32, #tpu.memory_space<vmem>>, vector<16xf32>,
        %add3A_556 = vector.broadcast %squeeze3A_541 : i32 to vector<16xi32>
        %add3A_557 = arith.addi %broadcast_in_dim3A_1, %add3A_556 : vector<16xi32>
        %gather3A_558 = tpu.vector_load_idx %arg11[%add3A_126, %add3A_557] : memref<64x512xf32, #tpu.memory_space<vmem>>[vector<16xi32>, vector<16xi32>], vector<16xf32>,
        %swap3A_559 = arith.constant 8 : i32
        %swap3A_560 = arith.index_cast %swap3A_559 : i32 to index
        %swap3A_561 = arith.constant 32 : index
        %swap3A_562 = tpu.vector_load %arg13[%swap3A_560, %swap3A_561] {strides = array<i32>} : memref<16x128xf32, #tpu.memory_space<vmem>>, vector<16xf32>,
        tpu.vector_store %arg13[%swap3A_560, %swap3A_561], %gather3A_558 {strides = array<i32>} : memref<16x128xf32, #tpu.memory_space<vmem>>, vector<16xf32>,
        %add3A_563 = vector.broadcast %squeeze3A_541 : i32 to vector<16xi32>
        %add3A_564 = arith.addi %broadcast_in_dim3A_1, %add3A_563 : vector<16xi32>
        %gather3A_565 = tpu.vector_load_idx %arg11[%add3A_129, %add3A_564] : memref<64x512xf32, #tpu.memory_space<vmem>>[vector<16xi32>, vector<16xi32>], vector<16xf32>,
        %swap3A_566 = arith.constant 8 : i32
        %swap3A_567 = arith.index_cast %swap3A_566 : i32 to index
        %swap3A_568 = arith.constant 48 : index
        %swap3A_569 = tpu.vector_load %arg13[%swap3A_567, %swap3A_568] {strides = array<i32>} : memref<16x128xf32, #tpu.memory_space<vmem>>, vector<16xf32>,
        tpu.vector_store %arg13[%swap3A_567, %swap3A_568], %gather3A_565 {strides = array<i32>} : memref<16x128xf32, #tpu.memory_space<vmem>>, vector<16xf32>,
        %slice3A_570 = vector.extract_strided_slice %select_n3A_293 {offsets = [9], sizes = [1], strides = [1]} : vector<16xi32> to vector<1xi32>
        %squeeze3A_571 = vector.extract %slice3A_570[0] : i32 from vector<1xi32>
        %add3A_572 = vector.broadcast %squeeze3A_571 : i32 to vector<16xi32>
        %add3A_573 = arith.addi %broadcast_in_dim3A_1, %add3A_572 : vector<16xi32>
        %gather3A_574 = tpu.vector_load_idx %arg11[%add3A_120, %add3A_573] : memref<64x512xf32, #tpu.memory_space<vmem>>[vector<16xi32>, vector<16xi32>], vector<16xf32>,
        %swap3A_575 = arith.constant 9 : i32
        %swap3A_576 = arith.index_cast %swap3A_575 : i32 to index
        %swap3A_577 = arith.constant 0 : index
        %swap3A_578 = tpu.vector_load %arg13[%swap3A_576, %swap3A_577] {strides = array<i32>} : memref<16x128xf32, #tpu.memory_space<vmem>>, vector<16xf32>,
        tpu.vector_store %arg13[%swap3A_576, %swap3A_577], %gather3A_574 {strides = array<i32>} : memref<16x128xf32, #tpu.memory_space<vmem>>, vector<16xf32>,
        %add3A_579 = vector.broadcast %squeeze3A_571 : i32 to vector<16xi32>
        %add3A_580 = arith.addi %broadcast_in_dim3A_1, %add3A_579 : vector<16xi32>
        %gather3A_581 = tpu.vector_load_idx %arg11[%add3A_123, %add3A_580] : memref<64x512xf32, #tpu.memory_space<vmem>>[vector<16xi32>, vector<16xi32>], vector<16xf32>,
        %swap3A_582 = arith.constant 9 : i32
        %swap3A_583 = arith.index_cast %swap3A_582 : i32 to index
        %swap3A_584 = arith.constant 16 : index
        %swap3A_585 = tpu.vector_load %arg13[%swap3A_583, %swap3A_584] {strides = array<i32>} : memref<16x128xf32, #tpu.memory_space<vmem>>, vector<16xf32>,
        tpu.vector_store %arg13[%swap3A_583, %swap3A_584], %gather3A_581 {strides = array<i32>} : memref<16x128xf32, #tpu.memory_space<vmem>>, vector<16xf32>,
        %add3A_586 = vector.broadcast %squeeze3A_571 : i32 to vector<16xi32>
        %add3A_587 = arith.addi %broadcast_in_dim3A_1, %add3A_586 : vector<16xi32>
        %gather3A_588 = tpu.vector_load_idx %arg11[%add3A_126, %add3A_587] : memref<64x512xf32, #tpu.memory_space<vmem>>[vector<16xi32>, vector<16xi32>], vector<16xf32>,
        %swap3A_589 = arith.constant 9 : i32
        %swap3A_590 = arith.index_cast %swap3A_589 : i32 to index
        %swap3A_591 = arith.constant 32 : index
        %swap3A_592 = tpu.vector_load %arg13[%swap3A_590, %swap3A_591] {strides = array<i32>} : memref<16x128xf32, #tpu.memory_space<vmem>>, vector<16xf32>,
        tpu.vector_store %arg13[%swap3A_590, %swap3A_591], %gather3A_588 {strides = array<i32>} : memref<16x128xf32, #tpu.memory_space<vmem>>, vector<16xf32>,
        %add3A_593 = vector.broadcast %squeeze3A_571 : i32 to vector<16xi32>
        %add3A_594 = arith.addi %broadcast_in_dim3A_1, %add3A_593 : vector<16xi32>
        %gather3A_595 = tpu.vector_load_idx %arg11[%add3A_129, %add3A_594] : memref<64x512xf32, #tpu.memory_space<vmem>>[vector<16xi32>, vector<16xi32>], vector<16xf32>,
        %swap3A_596 = arith.constant 9 : i32
        %swap3A_597 = arith.index_cast %swap3A_596 : i32 to index
        %swap3A_598 = arith.constant 48 : index
        %swap3A_599 = tpu.vector_load %arg13[%swap3A_597, %swap3A_598] {strides = array<i32>} : memref<16x128xf32, #tpu.memory_space<vmem>>, vector<16xf32>,
        tpu.vector_store %arg13[%swap3A_597, %swap3A_598], %gather3A_595 {strides = array<i32>} : memref<16x128xf32, #tpu.memory_space<vmem>>, vector<16xf32>,
        %slice3A_600 = vector.extract_strided_slice %select_n3A_293 {offsets = [10], sizes = [1], strides = [1]} : vector<16xi32> to vector<1xi32>
        %squeeze3A_601 = vector.extract %slice3A_600[0] : i32 from vector<1xi32>
        %add3A_602 = vector.broadcast %squeeze3A_601 : i32 to vector<16xi32>
        %add3A_603 = arith.addi %broadcast_in_dim3A_1, %add3A_602 : vector<16xi32>
        %gather3A_604 = tpu.vector_load_idx %arg11[%add3A_120, %add3A_603] : memref<64x512xf32, #tpu.memory_space<vmem>>[vector<16xi32>, vector<16xi32>], vector<16xf32>,
        %swap3A_605 = arith.constant 10 : i32
        %swap3A_606 = arith.index_cast %swap3A_605 : i32 to index
        %swap3A_607 = arith.constant 0 : index
        %swap3A_608 = tpu.vector_load %arg13[%swap3A_606, %swap3A_607] {strides = array<i32>} : memref<16x128xf32, #tpu.memory_space<vmem>>, vector<16xf32>,
        tpu.vector_store %arg13[%swap3A_606, %swap3A_607], %gather3A_604 {strides = array<i32>} : memref<16x128xf32, #tpu.memory_space<vmem>>, vector<16xf32>,
        %add3A_609 = vector.broadcast %squeeze3A_601 : i32 to vector<16xi32>
        %add3A_610 = arith.addi %broadcast_in_dim3A_1, %add3A_609 : vector<16xi32>
        %gather3A_611 = tpu.vector_load_idx %arg11[%add3A_123, %add3A_610] : memref<64x512xf32, #tpu.memory_space<vmem>>[vector<16xi32>, vector<16xi32>], vector<16xf32>,
        %swap3A_612 = arith.constant 10 : i32
        %swap3A_613 = arith.index_cast %swap3A_612 : i32 to index
        %swap3A_614 = arith.constant 16 : index
        %swap3A_615 = tpu.vector_load %arg13[%swap3A_613, %swap3A_614] {strides = array<i32>} : memref<16x128xf32, #tpu.memory_space<vmem>>, vector<16xf32>,
        tpu.vector_store %arg13[%swap3A_613, %swap3A_614], %gather3A_611 {strides = array<i32>} : memref<16x128xf32, #tpu.memory_space<vmem>>, vector<16xf32>,
        %add3A_616 = vector.broadcast %squeeze3A_601 : i32 to vector<16xi32>
        %add3A_617 = arith.addi %broadcast_in_dim3A_1, %add3A_616 : vector<16xi32>
        %gather3A_618 = tpu.vector_load_idx %arg11[%add3A_126, %add3A_617] : memref<64x512xf32, #tpu.memory_space<vmem>>[vector<16xi32>, vector<16xi32>], vector<16xf32>,
        %swap3A_619 = arith.constant 10 : i32
        %swap3A_620 = arith.index_cast %swap3A_619 : i32 to index
        %swap3A_621 = arith.constant 32 : index
        %swap3A_622 = tpu.vector_load %arg13[%swap3A_620, %swap3A_621] {strides = array<i32>} : memref<16x128xf32, #tpu.memory_space<vmem>>, vector<16xf32>,
        tpu.vector_store %arg13[%swap3A_620, %swap3A_621], %gather3A_618 {strides = array<i32>} : memref<16x128xf32, #tpu.memory_space<vmem>>, vector<16xf32>,
        %add3A_623 = vector.broadcast %squeeze3A_601 : i32 to vector<16xi32>
        %add3A_624 = arith.addi %broadcast_in_dim3A_1, %add3A_623 : vector<16xi32>
        %gather3A_625 = tpu.vector_load_idx %arg11[%add3A_129, %add3A_624] : memref<64x512xf32, #tpu.memory_space<vmem>>[vector<16xi32>, vector<16xi32>], vector<16xf32>,
        %swap3A_626 = arith.constant 10 : i32
        %swap3A_627 = arith.index_cast %swap3A_626 : i32 to index
        %swap3A_628 = arith.constant 48 : index
        %swap3A_629 = tpu.vector_load %arg13[%swap3A_627, %swap3A_628] {strides = array<i32>} : memref<16x128xf32, #tpu.memory_space<vmem>>, vector<16xf32>,
        tpu.vector_store %arg13[%swap3A_627, %swap3A_628], %gather3A_625 {strides = array<i32>} : memref<16x128xf32, #tpu.memory_space<vmem>>, vector<16xf32>,
        %slice3A_630 = vector.extract_strided_slice %select_n3A_293 {offsets = [11], sizes = [1], strides = [1]} : vector<16xi32> to vector<1xi32>
        %squeeze3A_631 = vector.extract %slice3A_630[0] : i32 from vector<1xi32>
        %add3A_632 = vector.broadcast %squeeze3A_631 : i32 to vector<16xi32>
        %add3A_633 = arith.addi %broadcast_in_dim3A_1, %add3A_632 : vector<16xi32>
        %gather3A_634 = tpu.vector_load_idx %arg11[%add3A_120, %add3A_633] : memref<64x512xf32, #tpu.memory_space<vmem>>[vector<16xi32>, vector<16xi32>], vector<16xf32>,
        %swap3A_635 = arith.constant 11 : i32
        %swap3A_636 = arith.index_cast %swap3A_635 : i32 to index
        %swap3A_637 = arith.constant 0 : index
        %swap3A_638 = tpu.vector_load %arg13[%swap3A_636, %swap3A_637] {strides = array<i32>} : memref<16x128xf32, #tpu.memory_space<vmem>>, vector<16xf32>,
        tpu.vector_store %arg13[%swap3A_636, %swap3A_637], %gather3A_634 {strides = array<i32>} : memref<16x128xf32, #tpu.memory_space<vmem>>, vector<16xf32>,
        %add3A_639 = vector.broadcast %squeeze3A_631 : i32 to vector<16xi32>
        %add3A_640 = arith.addi %broadcast_in_dim3A_1, %add3A_639 : vector<16xi32>
        %gather3A_641 = tpu.vector_load_idx %arg11[%add3A_123, %add3A_640] : memref<64x512xf32, #tpu.memory_space<vmem>>[vector<16xi32>, vector<16xi32>], vector<16xf32>,
        %swap3A_642 = arith.constant 11 : i32
        %swap3A_643 = arith.index_cast %swap3A_642 : i32 to index
        %swap3A_644 = arith.constant 16 : index
        %swap3A_645 = tpu.vector_load %arg13[%swap3A_643, %swap3A_644] {strides = array<i32>} : memref<16x128xf32, #tpu.memory_space<vmem>>, vector<16xf32>,
        tpu.vector_store %arg13[%swap3A_643, %swap3A_644], %gather3A_641 {strides = array<i32>} : memref<16x128xf32, #tpu.memory_space<vmem>>, vector<16xf32>,
        %add3A_646 = vector.broadcast %squeeze3A_631 : i32 to vector<16xi32>
        %add3A_647 = arith.addi %broadcast_in_dim3A_1, %add3A_646 : vector<16xi32>
        %gather3A_648 = tpu.vector_load_idx %arg11[%add3A_126, %add3A_647] : memref<64x512xf32, #tpu.memory_space<vmem>>[vector<16xi32>, vector<16xi32>], vector<16xf32>,
        %swap3A_649 = arith.constant 11 : i32
        %swap3A_650 = arith.index_cast %swap3A_649 : i32 to index
        %swap3A_651 = arith.constant 32 : index
        %swap3A_652 = tpu.vector_load %arg13[%swap3A_650, %swap3A_651] {strides = array<i32>} : memref<16x128xf32, #tpu.memory_space<vmem>>, vector<16xf32>,
        tpu.vector_store %arg13[%swap3A_650, %swap3A_651], %gather3A_648 {strides = array<i32>} : memref<16x128xf32, #tpu.memory_space<vmem>>, vector<16xf32>,
        %add3A_653 = vector.broadcast %squeeze3A_631 : i32 to vector<16xi32>
        %add3A_654 = arith.addi %broadcast_in_dim3A_1, %add3A_653 : vector<16xi32>
        %gather3A_655 = tpu.vector_load_idx %arg11[%add3A_129, %add3A_654] : memref<64x512xf32, #tpu.memory_space<vmem>>[vector<16xi32>, vector<16xi32>], vector<16xf32>,
        %swap3A_656 = arith.constant 11 : i32
        %swap3A_657 = arith.index_cast %swap3A_656 : i32 to index
        %swap3A_658 = arith.constant 48 : index
        %swap3A_659 = tpu.vector_load %arg13[%swap3A_657, %swap3A_658] {strides = array<i32>} : memref<16x128xf32, #tpu.memory_space<vmem>>, vector<16xf32>,
        tpu.vector_store %arg13[%swap3A_657, %swap3A_658], %gather3A_655 {strides = array<i32>} : memref<16x128xf32, #tpu.memory_space<vmem>>, vector<16xf32>,
        %slice3A_660 = vector.extract_strided_slice %select_n3A_293 {offsets = [12], sizes = [1], strides = [1]} : vector<16xi32> to vector<1xi32>
        %squeeze3A_661 = vector.extract %slice3A_660[0] : i32 from vector<1xi32>
        %add3A_662 = vector.broadcast %squeeze3A_661 : i32 to vector<16xi32>
        %add3A_663 = arith.addi %broadcast_in_dim3A_1, %add3A_662 : vector<16xi32>
        %gather3A_664 = tpu.vector_load_idx %arg11[%add3A_120, %add3A_663] : memref<64x512xf32, #tpu.memory_space<vmem>>[vector<16xi32>, vector<16xi32>], vector<16xf32>,
        %swap3A_665 = arith.constant 12 : i32
        %swap3A_666 = arith.index_cast %swap3A_665 : i32 to index
        %swap3A_667 = arith.constant 0 : index
        %swap3A_668 = tpu.vector_load %arg13[%swap3A_666, %swap3A_667] {strides = array<i32>} : memref<16x128xf32, #tpu.memory_space<vmem>>, vector<16xf32>,
        tpu.vector_store %arg13[%swap3A_666, %swap3A_667], %gather3A_664 {strides = array<i32>} : memref<16x128xf32, #tpu.memory_space<vmem>>, vector<16xf32>,
        %add3A_669 = vector.broadcast %squeeze3A_661 : i32 to vector<16xi32>
        %add3A_670 = arith.addi %broadcast_in_dim3A_1, %add3A_669 : vector<16xi32>
        %gather3A_671 = tpu.vector_load_idx %arg11[%add3A_123, %add3A_670] : memref<64x512xf32, #tpu.memory_space<vmem>>[vector<16xi32>, vector<16xi32>], vector<16xf32>,
        %swap3A_672 = arith.constant 12 : i32
        %swap3A_673 = arith.index_cast %swap3A_672 : i32 to index
        %swap3A_674 = arith.constant 16 : index
        %swap3A_675 = tpu.vector_load %arg13[%swap3A_673, %swap3A_674] {strides = array<i32>} : memref<16x128xf32, #tpu.memory_space<vmem>>, vector<16xf32>,
        tpu.vector_store %arg13[%swap3A_673, %swap3A_674], %gather3A_671 {strides = array<i32>} : memref<16x128xf32, #tpu.memory_space<vmem>>, vector<16xf32>,
        %add3A_676 = vector.broadcast %squeeze3A_661 : i32 to vector<16xi32>
        %add3A_677 = arith.addi %broadcast_in_dim3A_1, %add3A_676 : vector<16xi32>
        %gather3A_678 = tpu.vector_load_idx %arg11[%add3A_126, %add3A_677] : memref<64x512xf32, #tpu.memory_space<vmem>>[vector<16xi32>, vector<16xi32>], vector<16xf32>,
        %swap3A_679 = arith.constant 12 : i32
        %swap3A_680 = arith.index_cast %swap3A_679 : i32 to index
        %swap3A_681 = arith.constant 32 : index
        %swap3A_682 = tpu.vector_load %arg13[%swap3A_680, %swap3A_681] {strides = array<i32>} : memref<16x128xf32, #tpu.memory_space<vmem>>, vector<16xf32>,
        tpu.vector_store %arg13[%swap3A_680, %swap3A_681], %gather3A_678 {strides = array<i32>} : memref<16x128xf32, #tpu.memory_space<vmem>>, vector<16xf32>,
        %add3A_683 = vector.broadcast %squeeze3A_661 : i32 to vector<16xi32>
        %add3A_684 = arith.addi %broadcast_in_dim3A_1, %add3A_683 : vector<16xi32>
        %gather3A_685 = tpu.vector_load_idx %arg11[%add3A_129, %add3A_684] : memref<64x512xf32, #tpu.memory_space<vmem>>[vector<16xi32>, vector<16xi32>], vector<16xf32>,
        %swap3A_686 = arith.constant 12 : i32
        %swap3A_687 = arith.index_cast %swap3A_686 : i32 to index
        %swap3A_688 = arith.constant 48 : index
        %swap3A_689 = tpu.vector_load %arg13[%swap3A_687, %swap3A_688] {strides = array<i32>} : memref<16x128xf32, #tpu.memory_space<vmem>>, vector<16xf32>,
        tpu.vector_store %arg13[%swap3A_687, %swap3A_688], %gather3A_685 {strides = array<i32>} : memref<16x128xf32, #tpu.memory_space<vmem>>, vector<16xf32>,
        %slice3A_690 = vector.extract_strided_slice %select_n3A_293 {offsets = [13], sizes = [1], strides = [1]} : vector<16xi32> to vector<1xi32>
        %squeeze3A_691 = vector.extract %slice3A_690[0] : i32 from vector<1xi32>
        %add3A_692 = vector.broadcast %squeeze3A_691 : i32 to vector<16xi32>
        %add3A_693 = arith.addi %broadcast_in_dim3A_1, %add3A_692 : vector<16xi32>
        %gather3A_694 = tpu.vector_load_idx %arg11[%add3A_120, %add3A_693] : memref<64x512xf32, #tpu.memory_space<vmem>>[vector<16xi32>, vector<16xi32>], vector<16xf32>,
        %swap3A_695 = arith.constant 13 : i32
        %swap3A_696 = arith.index_cast %swap3A_695 : i32 to index
        %swap3A_697 = arith.constant 0 : index
        %swap3A_698 = tpu.vector_load %arg13[%swap3A_696, %swap3A_697] {strides = array<i32>} : memref<16x128xf32, #tpu.memory_space<vmem>>, vector<16xf32>,
        tpu.vector_store %arg13[%swap3A_696, %swap3A_697], %gather3A_694 {strides = array<i32>} : memref<16x128xf32, #tpu.memory_space<vmem>>, vector<16xf32>,
        %add3A_699 = vector.broadcast %squeeze3A_691 : i32 to vector<16xi32>
        %add3A_700 = arith.addi %broadcast_in_dim3A_1, %add3A_699 : vector<16xi32>
        %gather3A_701 = tpu.vector_load_idx %arg11[%add3A_123, %add3A_700] : memref<64x512xf32, #tpu.memory_space<vmem>>[vector<16xi32>, vector<16xi32>], vector<16xf32>,
        %swap3A_702 = arith.constant 13 : i32
        %swap3A_703 = arith.index_cast %swap3A_702 : i32 to index
        %swap3A_704 = arith.constant 16 : index
        %swap3A_705 = tpu.vector_load %arg13[%swap3A_703, %swap3A_704] {strides = array<i32>} : memref<16x128xf32, #tpu.memory_space<vmem>>, vector<16xf32>,
        tpu.vector_store %arg13[%swap3A_703, %swap3A_704], %gather3A_701 {strides = array<i32>} : memref<16x128xf32, #tpu.memory_space<vmem>>, vector<16xf32>,
        %add3A_706 = vector.broadcast %squeeze3A_691 : i32 to vector<16xi32>
        %add3A_707 = arith.addi %broadcast_in_dim3A_1, %add3A_706 : vector<16xi32>
        %gather3A_708 = tpu.vector_load_idx %arg11[%add3A_126, %add3A_707] : memref<64x512xf32, #tpu.memory_space<vmem>>[vector<16xi32>, vector<16xi32>], vector<16xf32>,
        %swap3A_709 = arith.constant 13 : i32
        %swap3A_710 = arith.index_cast %swap3A_709 : i32 to index
        %swap3A_711 = arith.constant 32 : index
        %swap3A_712 = tpu.vector_load %arg13[%swap3A_710, %swap3A_711] {strides = array<i32>} : memref<16x128xf32, #tpu.memory_space<vmem>>, vector<16xf32>,
        tpu.vector_store %arg13[%swap3A_710, %swap3A_711], %gather3A_708 {strides = array<i32>} : memref<16x128xf32, #tpu.memory_space<vmem>>, vector<16xf32>,
        %add3A_713 = vector.broadcast %squeeze3A_691 : i32 to vector<16xi32>
        %add3A_714 = arith.addi %broadcast_in_dim3A_1, %add3A_713 : vector<16xi32>
        %gather3A_715 = tpu.vector_load_idx %arg11[%add3A_129, %add3A_714] : memref<64x512xf32, #tpu.memory_space<vmem>>[vector<16xi32>, vector<16xi32>], vector<16xf32>,
        %swap3A_716 = arith.constant 13 : i32
        %swap3A_717 = arith.index_cast %swap3A_716 : i32 to index
        %swap3A_718 = arith.constant 48 : index
        %swap3A_719 = tpu.vector_load %arg13[%swap3A_717, %swap3A_718] {strides = array<i32>} : memref<16x128xf32, #tpu.memory_space<vmem>>, vector<16xf32>,
        tpu.vector_store %arg13[%swap3A_717, %swap3A_718], %gather3A_715 {strides = array<i32>} : memref<16x128xf32, #tpu.memory_space<vmem>>, vector<16xf32>,
        %slice3A_720 = vector.extract_strided_slice %select_n3A_293 {offsets = [14], sizes = [1], strides = [1]} : vector<16xi32> to vector<1xi32>
        %squeeze3A_721 = vector.extract %slice3A_720[0] : i32 from vector<1xi32>
        %add3A_722 = vector.broadcast %squeeze3A_721 : i32 to vector<16xi32>
        %add3A_723 = arith.addi %broadcast_in_dim3A_1, %add3A_722 : vector<16xi32>
        %gather3A_724 = tpu.vector_load_idx %arg11[%add3A_120, %add3A_723] : memref<64x512xf32, #tpu.memory_space<vmem>>[vector<16xi32>, vector<16xi32>], vector<16xf32>,
        %swap3A_725 = arith.constant 14 : i32
        %swap3A_726 = arith.index_cast %swap3A_725 : i32 to index
        %swap3A_727 = arith.constant 0 : index
        %swap3A_728 = tpu.vector_load %arg13[%swap3A_726, %swap3A_727] {strides = array<i32>} : memref<16x128xf32, #tpu.memory_space<vmem>>, vector<16xf32>,
        tpu.vector_store %arg13[%swap3A_726, %swap3A_727], %gather3A_724 {strides = array<i32>} : memref<16x128xf32, #tpu.memory_space<vmem>>, vector<16xf32>,
        %add3A_729 = vector.broadcast %squeeze3A_721 : i32 to vector<16xi32>
        %add3A_730 = arith.addi %broadcast_in_dim3A_1, %add3A_729 : vector<16xi32>
        %gather3A_731 = tpu.vector_load_idx %arg11[%add3A_123, %add3A_730] : memref<64x512xf32, #tpu.memory_space<vmem>>[vector<16xi32>, vector<16xi32>], vector<16xf32>,
        %swap3A_732 = arith.constant 14 : i32
        %swap3A_733 = arith.index_cast %swap3A_732 : i32 to index
        %swap3A_734 = arith.constant 16 : index
        %swap3A_735 = tpu.vector_load %arg13[%swap3A_733, %swap3A_734] {strides = array<i32>} : memref<16x128xf32, #tpu.memory_space<vmem>>, vector<16xf32>,
        tpu.vector_store %arg13[%swap3A_733, %swap3A_734], %gather3A_731 {strides = array<i32>} : memref<16x128xf32, #tpu.memory_space<vmem>>, vector<16xf32>,
        %add3A_736 = vector.broadcast %squeeze3A_721 : i32 to vector<16xi32>
        %add3A_737 = arith.addi %broadcast_in_dim3A_1, %add3A_736 : vector<16xi32>
        %gather3A_738 = tpu.vector_load_idx %arg11[%add3A_126, %add3A_737] : memref<64x512xf32, #tpu.memory_space<vmem>>[vector<16xi32>, vector<16xi32>], vector<16xf32>,
        %swap3A_739 = arith.constant 14 : i32
        %swap3A_740 = arith.index_cast %swap3A_739 : i32 to index
        %swap3A_741 = arith.constant 32 : index
        %swap3A_742 = tpu.vector_load %arg13[%swap3A_740, %swap3A_741] {strides = array<i32>} : memref<16x128xf32, #tpu.memory_space<vmem>>, vector<16xf32>,
        tpu.vector_store %arg13[%swap3A_740, %swap3A_741], %gather3A_738 {strides = array<i32>} : memref<16x128xf32, #tpu.memory_space<vmem>>, vector<16xf32>,
        %add3A_743 = vector.broadcast %squeeze3A_721 : i32 to vector<16xi32>
        %add3A_744 = arith.addi %broadcast_in_dim3A_1, %add3A_743 : vector<16xi32>
        %gather3A_745 = tpu.vector_load_idx %arg11[%add3A_129, %add3A_744] : memref<64x512xf32, #tpu.memory_space<vmem>>[vector<16xi32>, vector<16xi32>], vector<16xf32>,
        %swap3A_746 = arith.constant 14 : i32
        %swap3A_747 = arith.index_cast %swap3A_746 : i32 to index
        %swap3A_748 = arith.constant 48 : index
        %swap3A_749 = tpu.vector_load %arg13[%swap3A_747, %swap3A_748] {strides = array<i32>} : memref<16x128xf32, #tpu.memory_space<vmem>>, vector<16xf32>,
        tpu.vector_store %arg13[%swap3A_747, %swap3A_748], %gather3A_745 {strides = array<i32>} : memref<16x128xf32, #tpu.memory_space<vmem>>, vector<16xf32>,
        %slice3A_750 = vector.extract_strided_slice %select_n3A_293 {offsets = [15], sizes = [1], strides = [1]} : vector<16xi32> to vector<1xi32>
        %squeeze3A_751 = vector.extract %slice3A_750[0] : i32 from vector<1xi32>
        %add3A_752 = vector.broadcast %squeeze3A_751 : i32 to vector<16xi32>
        %add3A_753 = arith.addi %broadcast_in_dim3A_1, %add3A_752 : vector<16xi32>
        %gather3A_754 = tpu.vector_load_idx %arg11[%add3A_120, %add3A_753] : memref<64x512xf32, #tpu.memory_space<vmem>>[vector<16xi32>, vector<16xi32>], vector<16xf32>,
        %swap3A_755 = arith.constant 15 : i32
        %swap3A_756 = arith.index_cast %swap3A_755 : i32 to index
        %swap3A_757 = arith.constant 0 : index
        %swap3A_758 = tpu.vector_load %arg13[%swap3A_756, %swap3A_757] {strides = array<i32>} : memref<16x128xf32, #tpu.memory_space<vmem>>, vector<16xf32>,
        tpu.vector_store %arg13[%swap3A_756, %swap3A_757], %gather3A_754 {strides = array<i32>} : memref<16x128xf32, #tpu.memory_space<vmem>>, vector<16xf32>,
        %add3A_759 = vector.broadcast %squeeze3A_751 : i32 to vector<16xi32>
        %add3A_760 = arith.addi %broadcast_in_dim3A_1, %add3A_759 : vector<16xi32>
        %gather3A_761 = tpu.vector_load_idx %arg11[%add3A_123, %add3A_760] : memref<64x512xf32, #tpu.memory_space<vmem>>[vector<16xi32>, vector<16xi32>], vector<16xf32>,
        %swap3A_762 = arith.constant 15 : i32
        %swap3A_763 = arith.index_cast %swap3A_762 : i32 to index
        %swap3A_764 = arith.constant 16 : index
        %swap3A_765 = tpu.vector_load %arg13[%swap3A_763, %swap3A_764] {strides = array<i32>} : memref<16x128xf32, #tpu.memory_space<vmem>>, vector<16xf32>,
        tpu.vector_store %arg13[%swap3A_763, %swap3A_764], %gather3A_761 {strides = array<i32>} : memref<16x128xf32, #tpu.memory_space<vmem>>, vector<16xf32>,
        %add3A_766 = vector.broadcast %squeeze3A_751 : i32 to vector<16xi32>
        %add3A_767 = arith.addi %broadcast_in_dim3A_1, %add3A_766 : vector<16xi32>
        %gather3A_768 = tpu.vector_load_idx %arg11[%add3A_126, %add3A_767] : memref<64x512xf32, #tpu.memory_space<vmem>>[vector<16xi32>, vector<16xi32>], vector<16xf32>,
        %swap3A_769 = arith.constant 15 : i32
        %swap3A_770 = arith.index_cast %swap3A_769 : i32 to index
        %swap3A_771 = arith.constant 32 : index
        %swap3A_772 = tpu.vector_load %arg13[%swap3A_770, %swap3A_771] {strides = array<i32>} : memref<16x128xf32, #tpu.memory_space<vmem>>, vector<16xf32>,
        tpu.vector_store %arg13[%swap3A_770, %swap3A_771], %gather3A_768 {strides = array<i32>} : memref<16x128xf32, #tpu.memory_space<vmem>>, vector<16xf32>,
        %add3A_773 = vector.broadcast %squeeze3A_751 : i32 to vector<16xi32>
        %add3A_774 = arith.addi %broadcast_in_dim3A_1, %add3A_773 : vector<16xi32>
        %gather3A_775 = tpu.vector_load_idx %arg11[%add3A_129, %add3A_774] : memref<64x512xf32, #tpu.memory_space<vmem>>[vector<16xi32>, vector<16xi32>], vector<16xf32>,
        %swap3A_776 = arith.constant 15 : i32
        %swap3A_777 = arith.index_cast %swap3A_776 : i32 to index
        %swap3A_778 = arith.constant 48 : index
        %swap3A_779 = tpu.vector_load %arg13[%swap3A_777, %swap3A_778] {strides = array<i32>} : memref<16x128xf32, #tpu.memory_space<vmem>>, vector<16xf32>,
        tpu.vector_store %arg13[%swap3A_777, %swap3A_778], %gather3A_775 {strides = array<i32>} : memref<16x128xf32, #tpu.memory_space<vmem>>, vector<16xf32>,
        %dma_start3A_780 = arith.constant 0 : i32
        %dma_start3A_781 = arith.constant 0 : i32
        %dma_start3A_782 = tpu.memref_slice %arg4[%dma_start3A_780, %dma_start3A_781] : memref<16448x128xf32, #tpu.memory_space<hbm>> -> memref<16448x128xf32, #tpu.memory_space<hbm>>
        tpu.enqueue_indirect_dma source(%arg13 : memref<16x128xf32, #tpu.memory_space<vmem>>) target(%dma_start3A_782 : memref<16448x128xf32, #tpu.memory_space<hbm>>) offsets(%arg15 : memref<16xi32, #tpu.memory_space<vmem>>) semaphore(%arg19 : memref<!tpu.dma_semaphore, #tpu.memory_space<semaphore_mem>>)
      }
      %add3A_262 = arith.constant 2 : i32
      %add3A_263 = arith.addi %mul3A_199, %add3A_262 : i32
      %lt3A_264 = arith.cmpi slt, %add3A_263, %select_n3A : i32
      %convert_element_type3A_265 = arith.extui %lt3A_264 : i1 to i32
      %cond3A_266 = arith.constant 0 : i32
      %cond3A_267 = arith.cmpi ne, %convert_element_type3A_265, %cond3A_266 : i32
      scf.if %cond3A_267 {
        %add3A_272 = arith.constant 2 : i32
        %add3A_273 = arith.addi %mul3A_199, %add3A_272 : i32
        %mul3A_274 = arith.constant 32 : i32
        %mul3A_275 = arith.muli %mul3A_274, %add3A_273 : i32
        %add3A_276 = arith.addi %add3A, %mul3A_275 : i32
        %mul3A_277 = arith.constant 512 : i32
        %mul3A_278 = arith.muli %add3A_276, %mul3A_277 : i32
        %multiple_of3A_279 = tpu.assume_multiple %mul3A_278, 512 : i32
        %dma_start3A_280 = arith.constant 0 : i32
        %dma_start3A_281 = tpu.memref_slice %arg3[%dma_start3A_280, %multiple_of3A_279] : memref<64x1000000xf32, #tpu.memory_space<hbm>> -> memref<64x512xf32, #tpu.memory_space<hbm>>
        %dma_start3A_282 = arith.constant 0 : i32
        %dma_start3A_283 = tpu.memref_slice %arg3[%dma_start3A_282, %multiple_of3A_279] : memref<64x1000000xf32, #tpu.memory_space<hbm>> -> memref<64x512xf32, #tpu.memory_space<hbm>>
        tpu.enqueue_dma source(%dma_start3A_283 : memref<64x512xf32, #tpu.memory_space<hbm>>) target(%arg11 : memref<64x512xf32, #tpu.memory_space<vmem>>) target_semaphore(%arg17 : memref<!tpu.dma_semaphore, #tpu.memory_space<semaphore_mem>>)
      } else {
      }
      %lt3A_268 = arith.cmpi slt, %add3A_203, %select_n3A : i32
      %convert_element_type3A_269 = arith.extui %lt3A_268 : i1 to i32
      %cond3A_270 = arith.constant 0 : i32
      %cond3A_271 = arith.cmpi ne, %convert_element_type3A_269, %cond3A_270 : i32
      scf.if %cond3A_271 {
        %dma_wait3A_272 = arith.constant 0 : i32
        %dma_wait3A_273 = arith.constant 0 : i32
        %dma_wait3A_274 = tpu.memref_slice %arg3[%dma_wait3A_272, %dma_wait3A_273] : memref<64x1000000xf32, #tpu.memory_space<hbm>> -> memref<64x512xf32, #tpu.memory_space<hbm>>
        %dma_wait3A_275 = arith.constant 0 : i32
        %dma_wait3A_276 = arith.constant 0 : i32
        %dma_wait3A_277 = tpu.memref_slice %arg3[%dma_wait3A_275, %dma_wait3A_276] : memref<64x1000000xf32, #tpu.memory_space<hbm>> -> memref<64x512xf32, #tpu.memory_space<hbm>>
        tpu.wait_dma2 semaphore(%arg18 : memref<!tpu.dma_semaphore, #tpu.memory_space<semaphore_mem>>) src(%dma_wait3A_277 : memref<64x512xf32, #tpu.memory_space<hbm>>) dst(%arg12 : memref<64x512xf32, #tpu.memory_space<vmem>>)
        %mul3A_278 = arith.constant 32 : i32
        %mul3A_279 = arith.muli %mul3A_278, %add3A_203 : i32
        %add3A_280 = arith.addi %add3A, %mul3A_279 : i32
        %mul3A_281 = arith.constant 512 : i32
        %mul3A_282 = arith.muli %add3A_280, %mul3A_281 : i32
        %multiple_of3A_283 = tpu.assume_multiple %mul3A_282, 512 : i32
        %add3A_284 = vector.broadcast %add3A_203 : i32 to vector<16xi32>
        %add3A_285 = arith.addi %broadcast_in_dim3A_1, %add3A_284 : vector<16xi32>
        %gather3A_286 = tpu.vector_load_idx %arg8[%add3A_285] : memref<64xi32, #tpu.memory_space<vmem>>[vector<16xi32>], vector<16xi32>,
        %slice3A_287 = vector.extract_strided_slice %gather3A_286 {offsets = [0], sizes = [1], strides = [1]} : vector<16xi32> to vector<1xi32>
        %squeeze3A_288 = vector.extract %slice3A_287[0] : i32 from vector<1xi32>
        %gather3A_289 = tpu.vector_load_idx %arg9[%add3A_285] : memref<64xi32, #tpu.memory_space<vmem>>[vector<16xi32>], vector<16xi32>,
        %slice3A_290 = vector.extract_strided_slice %gather3A_289 {offsets = [0], sizes = [1], strides = [1]} : vector<16xi32> to vector<1xi32>
        %squeeze3A_291 = vector.extract %slice3A_290[0] : i32 from vector<1xi32>
        %add3A_292 = arith.constant 16 : i32
        %add3A_293 = arith.addi %squeeze3A_288, %add3A_292 : i32
        %sub3A_294 = arith.constant 1 : i32
        %sub3A_295 = arith.subi %add3A_293, %sub3A_294 : i32
        %jit3A_296 = arith.constant 16 : i32
        %div3A_297 = arith.divsi %sub3A_295, %jit3A_296 : i32
        %sign3A_298 = arith.constant 0 : i32
        %sign3A_299 = arith.cmpi sgt, %sub3A_295, %sign3A_298 : i32
        %sign3A_300 = arith.extui %sign3A_299 : i1 to i32
        %sign3A_301 = arith.constant 0 : i32
        %sign3A_302 = arith.cmpi slt, %sub3A_295, %sign3A_301 : i32
        %sign3A_303 = arith.extui %sign3A_302 : i1 to i32
        %sign3A_304 = arith.subi %sign3A_300, %sign3A_303 : i32
        %sign3A_305 = arith.constant 0 : i32
        %sign3A_306 = arith.cmpi sgt, %jit3A_296, %sign3A_305 : i32
        %sign3A_307 = arith.extui %sign3A_306 : i1 to i32
        %sign3A_308 = arith.constant 0 : i32
        %sign3A_309 = arith.cmpi slt, %jit3A_296, %sign3A_308 : i32
        %sign3A_310 = arith.extui %sign3A_309 : i1 to i32
        %sign3A_311 = arith.subi %sign3A_307, %sign3A_310 : i32
        %ne3A_312 = arith.cmpi ne, %sign3A_304, %sign3A_311 : i32
        %rem3A_313 = arith.remsi %sub3A_295, %jit3A_296 : i32
        %ne3A_314 = arith.constant 0 : i32
        %ne3A_315 = arith.cmpi ne, %rem3A_313, %ne3A_314 : i32
        %and3A_316 = arith.andi %ne3A_312, %ne3A_315 : i1
        %sub3A_317 = arith.constant 1 : i32
        %sub3A_318 = arith.subi %div3A_297, %sub3A_317 : i32
        %select_n3A_319 = arith.select %and3A_316, %sub3A_318, %div3A_297 : i32
        %while3A_320 = arith.constant 0 : i32
        %while3A_321 = arith.constant 0 : i32
        %while3A_322 = arith.subi %select_n3A_319, %while3A_321 : i32
        %while3A_323 = arith.addi %while3A_321, %while3A_322 : i32
        %while3A_324 = arith.constant 1 : i32
        %while3A_325 = arith.divsi %while3A_322, %while3A_324 : i32
        %while3A_326 = arith.muli %while3A_325, %while3A_324 : i32
        %while3A_327 = arith.addi %while3A_321, %while3A_326 : i32
        %while3A_328 = arith.constant 1 : i32
        scf.for %while3A_330 = %while3A_321 to %while3A_327 step %while3A_328  : i32 {
          %dma_wait3A_331 = arith.constant 0 : i32
          %dma_wait3A_332 = arith.constant 0 : i32
          %dma_wait3A_333 = tpu.memref_slice %arg4[%dma_wait3A_331, %dma_wait3A_332] : memref<16448x128xf32, #tpu.memory_space<hbm>> -> memref<16448x128xf32, #tpu.memory_space<hbm>>
          tpu.wait_indirect_dma semaphore(%arg20 : memref<!tpu.dma_semaphore, #tpu.memory_space<semaphore_mem>>) src(%arg14 : memref<16x128xf32, #tpu.memory_space<vmem>>) dst(%dma_wait3A_333 : memref<16448x128xf32, #tpu.memory_space<hbm>>)
          %mul3A_334 = arith.constant 16 : i32
          %mul3A_335 = arith.muli %mul3A_334, %while3A_330 : i32
          %add3A_336 = arith.addi %squeeze3A_291, %mul3A_335 : i32
          %get3A_337 = arith.index_cast %add3A_336 : i32 to index
          %get3A_338 = tpu.vector_load %arg6[%get3A_337] {strides = array<i32>} : memref<16400xi32, #tpu.memory_space<vmem>>, vector<16xi32>,
          %get3A_339 = arith.index_cast %add3A_336 : i32 to index
          %get3A_340 = tpu.vector_load %arg7[%get3A_339] {strides = array<i32>} : memref<16400xi32, #tpu.memory_space<vmem>>, vector<16xi32>,
          %mul3A_341 = arith.constant 16 : i32
          %mul3A_342 = arith.muli %mul3A_341, %while3A_330 : i32
          %add3A_343 = vector.broadcast %mul3A_342 : i32 to vector<16xi32>
          %add3A_344 = arith.addi %iota3A, %add3A_343 : vector<16xi32>
          %lt3A_345 = vector.broadcast %squeeze3A_288 : i32 to vector<16xi32>
          %lt3A_346 = arith.cmpi slt, %add3A_344, %lt3A_345 : vector<16xi32>
          %sub3A_347 = vector.broadcast %multiple_of3A_283 : i32 to vector<16xi32>
          %sub3A_348 = arith.subi %get3A_338, %sub3A_347 : vector<16xi32>
          %jit3A_349 = arith.constant 0 : i32
          %broadcast_in_dim3A_350 = vector.broadcast %jit3A_349 : i32 to vector<16xi32>
          %select_n3A_351 = arith.select %lt3A_346, %sub3A_348, %broadcast_in_dim3A_350 : vector<16xi1>, vector<16xi32>
          %add3A_352 = arith.constant 16384 : i32
          %add3A_353 = arith.addi %add3A_352, %add3A : i32
          %broadcast_in_dim3A_354 = vector.broadcast %add3A_353 : i32 to vector<16xi32>
          %select_n3A_355 = arith.select %lt3A_346, %get3A_340, %broadcast_in_dim3A_354 : vector<16xi1>, vector<16xi32>
          %swap3A_356 = arith.constant 0 : index
          %swap3A_357 = tpu.vector_load %arg16[%swap3A_356] {strides = array<i32>} : memref<16xi32, #tpu.memory_space<vmem>>, vector<16xi32>,
          tpu.vector_store %arg16[%swap3A_356], %select_n3A_355 {strides = array<i32>} : memref<16xi32, #tpu.memory_space<vmem>>, vector<16xi32>,
          %slice3A_358 = vector.extract_strided_slice %select_n3A_351 {offsets = [0], sizes = [1], strides = [1]} : vector<16xi32> to vector<1xi32>
          %squeeze3A_359 = vector.extract %slice3A_358[0] : i32 from vector<1xi32>
          %add3A_360 = vector.broadcast %squeeze3A_359 : i32 to vector<16xi32>
          %add3A_361 = arith.addi %broadcast_in_dim3A_1, %add3A_360 : vector<16xi32>
          %gather3A_362 = tpu.vector_load_idx %arg12[%add3A_120, %add3A_361] : memref<64x512xf32, #tpu.memory_space<vmem>>[vector<16xi32>, vector<16xi32>], vector<16xf32>,
          %swap3A_363 = arith.constant 0 : i32
          %swap3A_364 = arith.index_cast %swap3A_363 : i32 to index
          %swap3A_365 = arith.constant 0 : index
          %swap3A_366 = tpu.vector_load %arg14[%swap3A_364, %swap3A_365] {strides = array<i32>} : memref<16x128xf32, #tpu.memory_space<vmem>>, vector<16xf32>,
          tpu.vector_store %arg14[%swap3A_364, %swap3A_365], %gather3A_362 {strides = array<i32>} : memref<16x128xf32, #tpu.memory_space<vmem>>, vector<16xf32>,
          %add3A_367 = vector.broadcast %squeeze3A_359 : i32 to vector<16xi32>
          %add3A_368 = arith.addi %broadcast_in_dim3A_1, %add3A_367 : vector<16xi32>
          %gather3A_369 = tpu.vector_load_idx %arg12[%add3A_123, %add3A_368] : memref<64x512xf32, #tpu.memory_space<vmem>>[vector<16xi32>, vector<16xi32>], vector<16xf32>,
          %swap3A_370 = arith.constant 0 : i32
          %swap3A_371 = arith.index_cast %swap3A_370 : i32 to index
          %swap3A_372 = arith.constant 16 : index
          %swap3A_373 = tpu.vector_load %arg14[%swap3A_371, %swap3A_372] {strides = array<i32>} : memref<16x128xf32, #tpu.memory_space<vmem>>, vector<16xf32>,
          tpu.vector_store %arg14[%swap3A_371, %swap3A_372], %gather3A_369 {strides = array<i32>} : memref<16x128xf32, #tpu.memory_space<vmem>>, vector<16xf32>,
          %add3A_374 = vector.broadcast %squeeze3A_359 : i32 to vector<16xi32>
          %add3A_375 = arith.addi %broadcast_in_dim3A_1, %add3A_374 : vector<16xi32>
          %gather3A_376 = tpu.vector_load_idx %arg12[%add3A_126, %add3A_375] : memref<64x512xf32, #tpu.memory_space<vmem>>[vector<16xi32>, vector<16xi32>], vector<16xf32>,
          %swap3A_377 = arith.constant 0 : i32
          %swap3A_378 = arith.index_cast %swap3A_377 : i32 to index
          %swap3A_379 = arith.constant 32 : index
          %swap3A_380 = tpu.vector_load %arg14[%swap3A_378, %swap3A_379] {strides = array<i32>} : memref<16x128xf32, #tpu.memory_space<vmem>>, vector<16xf32>,
          tpu.vector_store %arg14[%swap3A_378, %swap3A_379], %gather3A_376 {strides = array<i32>} : memref<16x128xf32, #tpu.memory_space<vmem>>, vector<16xf32>,
          %add3A_381 = vector.broadcast %squeeze3A_359 : i32 to vector<16xi32>
          %add3A_382 = arith.addi %broadcast_in_dim3A_1, %add3A_381 : vector<16xi32>
          %gather3A_383 = tpu.vector_load_idx %arg12[%add3A_129, %add3A_382] : memref<64x512xf32, #tpu.memory_space<vmem>>[vector<16xi32>, vector<16xi32>], vector<16xf32>,
          %swap3A_384 = arith.constant 0 : i32
          %swap3A_385 = arith.index_cast %swap3A_384 : i32 to index
          %swap3A_386 = arith.constant 48 : index
          %swap3A_387 = tpu.vector_load %arg14[%swap3A_385, %swap3A_386] {strides = array<i32>} : memref<16x128xf32, #tpu.memory_space<vmem>>, vector<16xf32>,
          tpu.vector_store %arg14[%swap3A_385, %swap3A_386], %gather3A_383 {strides = array<i32>} : memref<16x128xf32, #tpu.memory_space<vmem>>, vector<16xf32>,
          %slice3A_388 = vector.extract_strided_slice %select_n3A_351 {offsets = [1], sizes = [1], strides = [1]} : vector<16xi32> to vector<1xi32>
          %squeeze3A_389 = vector.extract %slice3A_388[0] : i32 from vector<1xi32>
          %add3A_390 = vector.broadcast %squeeze3A_389 : i32 to vector<16xi32>
          %add3A_391 = arith.addi %broadcast_in_dim3A_1, %add3A_390 : vector<16xi32>
          %gather3A_392 = tpu.vector_load_idx %arg12[%add3A_120, %add3A_391] : memref<64x512xf32, #tpu.memory_space<vmem>>[vector<16xi32>, vector<16xi32>], vector<16xf32>,
          %swap3A_393 = arith.constant 1 : i32
          %swap3A_394 = arith.index_cast %swap3A_393 : i32 to index
          %swap3A_395 = arith.constant 0 : index
          %swap3A_396 = tpu.vector_load %arg14[%swap3A_394, %swap3A_395] {strides = array<i32>} : memref<16x128xf32, #tpu.memory_space<vmem>>, vector<16xf32>,
          tpu.vector_store %arg14[%swap3A_394, %swap3A_395], %gather3A_392 {strides = array<i32>} : memref<16x128xf32, #tpu.memory_space<vmem>>, vector<16xf32>,
          %add3A_397 = vector.broadcast %squeeze3A_389 : i32 to vector<16xi32>
          %add3A_398 = arith.addi %broadcast_in_dim3A_1, %add3A_397 : vector<16xi32>
          %gather3A_399 = tpu.vector_load_idx %arg12[%add3A_123, %add3A_398] : memref<64x512xf32, #tpu.memory_space<vmem>>[vector<16xi32>, vector<16xi32>], vector<16xf32>,
          %swap3A_400 = arith.constant 1 : i32
          %swap3A_401 = arith.index_cast %swap3A_400 : i32 to index
          %swap3A_402 = arith.constant 16 : index
          %swap3A_403 = tpu.vector_load %arg14[%swap3A_401, %swap3A_402] {strides = array<i32>} : memref<16x128xf32, #tpu.memory_space<vmem>>, vector<16xf32>,
          tpu.vector_store %arg14[%swap3A_401, %swap3A_402], %gather3A_399 {strides = array<i32>} : memref<16x128xf32, #tpu.memory_space<vmem>>, vector<16xf32>,
          %add3A_404 = vector.broadcast %squeeze3A_389 : i32 to vector<16xi32>
          %add3A_405 = arith.addi %broadcast_in_dim3A_1, %add3A_404 : vector<16xi32>
          %gather3A_406 = tpu.vector_load_idx %arg12[%add3A_126, %add3A_405] : memref<64x512xf32, #tpu.memory_space<vmem>>[vector<16xi32>, vector<16xi32>], vector<16xf32>,
          %swap3A_407 = arith.constant 1 : i32
          %swap3A_408 = arith.index_cast %swap3A_407 : i32 to index
          %swap3A_409 = arith.constant 32 : index
          %swap3A_410 = tpu.vector_load %arg14[%swap3A_408, %swap3A_409] {strides = array<i32>} : memref<16x128xf32, #tpu.memory_space<vmem>>, vector<16xf32>,
          tpu.vector_store %arg14[%swap3A_408, %swap3A_409], %gather3A_406 {strides = array<i32>} : memref<16x128xf32, #tpu.memory_space<vmem>>, vector<16xf32>,
          %add3A_411 = vector.broadcast %squeeze3A_389 : i32 to vector<16xi32>
          %add3A_412 = arith.addi %broadcast_in_dim3A_1, %add3A_411 : vector<16xi32>
          %gather3A_413 = tpu.vector_load_idx %arg12[%add3A_129, %add3A_412] : memref<64x512xf32, #tpu.memory_space<vmem>>[vector<16xi32>, vector<16xi32>], vector<16xf32>,
          %swap3A_414 = arith.constant 1 : i32
          %swap3A_415 = arith.index_cast %swap3A_414 : i32 to index
          %swap3A_416 = arith.constant 48 : index
          %swap3A_417 = tpu.vector_load %arg14[%swap3A_415, %swap3A_416] {strides = array<i32>} : memref<16x128xf32, #tpu.memory_space<vmem>>, vector<16xf32>,
          tpu.vector_store %arg14[%swap3A_415, %swap3A_416], %gather3A_413 {strides = array<i32>} : memref<16x128xf32, #tpu.memory_space<vmem>>, vector<16xf32>,
          %slice3A_418 = vector.extract_strided_slice %select_n3A_351 {offsets = [2], sizes = [1], strides = [1]} : vector<16xi32> to vector<1xi32>
          %squeeze3A_419 = vector.extract %slice3A_418[0] : i32 from vector<1xi32>
          %add3A_420 = vector.broadcast %squeeze3A_419 : i32 to vector<16xi32>
          %add3A_421 = arith.addi %broadcast_in_dim3A_1, %add3A_420 : vector<16xi32>
          %gather3A_422 = tpu.vector_load_idx %arg12[%add3A_120, %add3A_421] : memref<64x512xf32, #tpu.memory_space<vmem>>[vector<16xi32>, vector<16xi32>], vector<16xf32>,
          %swap3A_423 = arith.constant 2 : i32
          %swap3A_424 = arith.index_cast %swap3A_423 : i32 to index
          %swap3A_425 = arith.constant 0 : index
          %swap3A_426 = tpu.vector_load %arg14[%swap3A_424, %swap3A_425] {strides = array<i32>} : memref<16x128xf32, #tpu.memory_space<vmem>>, vector<16xf32>,
          tpu.vector_store %arg14[%swap3A_424, %swap3A_425], %gather3A_422 {strides = array<i32>} : memref<16x128xf32, #tpu.memory_space<vmem>>, vector<16xf32>,
          %add3A_427 = vector.broadcast %squeeze3A_419 : i32 to vector<16xi32>
          %add3A_428 = arith.addi %broadcast_in_dim3A_1, %add3A_427 : vector<16xi32>
          %gather3A_429 = tpu.vector_load_idx %arg12[%add3A_123, %add3A_428] : memref<64x512xf32, #tpu.memory_space<vmem>>[vector<16xi32>, vector<16xi32>], vector<16xf32>,
          %swap3A_430 = arith.constant 2 : i32
          %swap3A_431 = arith.index_cast %swap3A_430 : i32 to index
          %swap3A_432 = arith.constant 16 : index
          %swap3A_433 = tpu.vector_load %arg14[%swap3A_431, %swap3A_432] {strides = array<i32>} : memref<16x128xf32, #tpu.memory_space<vmem>>, vector<16xf32>,
          tpu.vector_store %arg14[%swap3A_431, %swap3A_432], %gather3A_429 {strides = array<i32>} : memref<16x128xf32, #tpu.memory_space<vmem>>, vector<16xf32>,
          %add3A_434 = vector.broadcast %squeeze3A_419 : i32 to vector<16xi32>
          %add3A_435 = arith.addi %broadcast_in_dim3A_1, %add3A_434 : vector<16xi32>
          %gather3A_436 = tpu.vector_load_idx %arg12[%add3A_126, %add3A_435] : memref<64x512xf32, #tpu.memory_space<vmem>>[vector<16xi32>, vector<16xi32>], vector<16xf32>,
          %swap3A_437 = arith.constant 2 : i32
          %swap3A_438 = arith.index_cast %swap3A_437 : i32 to index
          %swap3A_439 = arith.constant 32 : index
          %swap3A_440 = tpu.vector_load %arg14[%swap3A_438, %swap3A_439] {strides = array<i32>} : memref<16x128xf32, #tpu.memory_space<vmem>>, vector<16xf32>,
          tpu.vector_store %arg14[%swap3A_438, %swap3A_439], %gather3A_436 {strides = array<i32>} : memref<16x128xf32, #tpu.memory_space<vmem>>, vector<16xf32>,
          %add3A_441 = vector.broadcast %squeeze3A_419 : i32 to vector<16xi32>
          %add3A_442 = arith.addi %broadcast_in_dim3A_1, %add3A_441 : vector<16xi32>
          %gather3A_443 = tpu.vector_load_idx %arg12[%add3A_129, %add3A_442] : memref<64x512xf32, #tpu.memory_space<vmem>>[vector<16xi32>, vector<16xi32>], vector<16xf32>,
          %swap3A_444 = arith.constant 2 : i32
          %swap3A_445 = arith.index_cast %swap3A_444 : i32 to index
          %swap3A_446 = arith.constant 48 : index
          %swap3A_447 = tpu.vector_load %arg14[%swap3A_445, %swap3A_446] {strides = array<i32>} : memref<16x128xf32, #tpu.memory_space<vmem>>, vector<16xf32>,
          tpu.vector_store %arg14[%swap3A_445, %swap3A_446], %gather3A_443 {strides = array<i32>} : memref<16x128xf32, #tpu.memory_space<vmem>>, vector<16xf32>,
          %slice3A_448 = vector.extract_strided_slice %select_n3A_351 {offsets = [3], sizes = [1], strides = [1]} : vector<16xi32> to vector<1xi32>
          %squeeze3A_449 = vector.extract %slice3A_448[0] : i32 from vector<1xi32>
          %add3A_450 = vector.broadcast %squeeze3A_449 : i32 to vector<16xi32>
          %add3A_451 = arith.addi %broadcast_in_dim3A_1, %add3A_450 : vector<16xi32>
          %gather3A_452 = tpu.vector_load_idx %arg12[%add3A_120, %add3A_451] : memref<64x512xf32, #tpu.memory_space<vmem>>[vector<16xi32>, vector<16xi32>], vector<16xf32>,
          %swap3A_453 = arith.constant 3 : i32
          %swap3A_454 = arith.index_cast %swap3A_453 : i32 to index
          %swap3A_455 = arith.constant 0 : index
          %swap3A_456 = tpu.vector_load %arg14[%swap3A_454, %swap3A_455] {strides = array<i32>} : memref<16x128xf32, #tpu.memory_space<vmem>>, vector<16xf32>,
          tpu.vector_store %arg14[%swap3A_454, %swap3A_455], %gather3A_452 {strides = array<i32>} : memref<16x128xf32, #tpu.memory_space<vmem>>, vector<16xf32>,
          %add3A_457 = vector.broadcast %squeeze3A_449 : i32 to vector<16xi32>
          %add3A_458 = arith.addi %broadcast_in_dim3A_1, %add3A_457 : vector<16xi32>
          %gather3A_459 = tpu.vector_load_idx %arg12[%add3A_123, %add3A_458] : memref<64x512xf32, #tpu.memory_space<vmem>>[vector<16xi32>, vector<16xi32>], vector<16xf32>,
          %swap3A_460 = arith.constant 3 : i32
          %swap3A_461 = arith.index_cast %swap3A_460 : i32 to index
          %swap3A_462 = arith.constant 16 : index
          %swap3A_463 = tpu.vector_load %arg14[%swap3A_461, %swap3A_462] {strides = array<i32>} : memref<16x128xf32, #tpu.memory_space<vmem>>, vector<16xf32>,
          tpu.vector_store %arg14[%swap3A_461, %swap3A_462], %gather3A_459 {strides = array<i32>} : memref<16x128xf32, #tpu.memory_space<vmem>>, vector<16xf32>,
          %add3A_464 = vector.broadcast %squeeze3A_449 : i32 to vector<16xi32>
          %add3A_465 = arith.addi %broadcast_in_dim3A_1, %add3A_464 : vector<16xi32>
          %gather3A_466 = tpu.vector_load_idx %arg12[%add3A_126, %add3A_465] : memref<64x512xf32, #tpu.memory_space<vmem>>[vector<16xi32>, vector<16xi32>], vector<16xf32>,
          %swap3A_467 = arith.constant 3 : i32
          %swap3A_468 = arith.index_cast %swap3A_467 : i32 to index
          %swap3A_469 = arith.constant 32 : index
          %swap3A_470 = tpu.vector_load %arg14[%swap3A_468, %swap3A_469] {strides = array<i32>} : memref<16x128xf32, #tpu.memory_space<vmem>>, vector<16xf32>,
          tpu.vector_store %arg14[%swap3A_468, %swap3A_469], %gather3A_466 {strides = array<i32>} : memref<16x128xf32, #tpu.memory_space<vmem>>, vector<16xf32>,
          %add3A_471 = vector.broadcast %squeeze3A_449 : i32 to vector<16xi32>
          %add3A_472 = arith.addi %broadcast_in_dim3A_1, %add3A_471 : vector<16xi32>
          %gather3A_473 = tpu.vector_load_idx %arg12[%add3A_129, %add3A_472] : memref<64x512xf32, #tpu.memory_space<vmem>>[vector<16xi32>, vector<16xi32>], vector<16xf32>,
          %swap3A_474 = arith.constant 3 : i32
          %swap3A_475 = arith.index_cast %swap3A_474 : i32 to index
          %swap3A_476 = arith.constant 48 : index
          %swap3A_477 = tpu.vector_load %arg14[%swap3A_475, %swap3A_476] {strides = array<i32>} : memref<16x128xf32, #tpu.memory_space<vmem>>, vector<16xf32>,
          tpu.vector_store %arg14[%swap3A_475, %swap3A_476], %gather3A_473 {strides = array<i32>} : memref<16x128xf32, #tpu.memory_space<vmem>>, vector<16xf32>,
          %slice3A_478 = vector.extract_strided_slice %select_n3A_351 {offsets = [4], sizes = [1], strides = [1]} : vector<16xi32> to vector<1xi32>
          %squeeze3A_479 = vector.extract %slice3A_478[0] : i32 from vector<1xi32>
          %add3A_480 = vector.broadcast %squeeze3A_479 : i32 to vector<16xi32>
          %add3A_481 = arith.addi %broadcast_in_dim3A_1, %add3A_480 : vector<16xi32>
          %gather3A_482 = tpu.vector_load_idx %arg12[%add3A_120, %add3A_481] : memref<64x512xf32, #tpu.memory_space<vmem>>[vector<16xi32>, vector<16xi32>], vector<16xf32>,
          %swap3A_483 = arith.constant 4 : i32
          %swap3A_484 = arith.index_cast %swap3A_483 : i32 to index
          %swap3A_485 = arith.constant 0 : index
          %swap3A_486 = tpu.vector_load %arg14[%swap3A_484, %swap3A_485] {strides = array<i32>} : memref<16x128xf32, #tpu.memory_space<vmem>>, vector<16xf32>,
          tpu.vector_store %arg14[%swap3A_484, %swap3A_485], %gather3A_482 {strides = array<i32>} : memref<16x128xf32, #tpu.memory_space<vmem>>, vector<16xf32>,
          %add3A_487 = vector.broadcast %squeeze3A_479 : i32 to vector<16xi32>
          %add3A_488 = arith.addi %broadcast_in_dim3A_1, %add3A_487 : vector<16xi32>
          %gather3A_489 = tpu.vector_load_idx %arg12[%add3A_123, %add3A_488] : memref<64x512xf32, #tpu.memory_space<vmem>>[vector<16xi32>, vector<16xi32>], vector<16xf32>,
          %swap3A_490 = arith.constant 4 : i32
          %swap3A_491 = arith.index_cast %swap3A_490 : i32 to index
          %swap3A_492 = arith.constant 16 : index
          %swap3A_493 = tpu.vector_load %arg14[%swap3A_491, %swap3A_492] {strides = array<i32>} : memref<16x128xf32, #tpu.memory_space<vmem>>, vector<16xf32>,
          tpu.vector_store %arg14[%swap3A_491, %swap3A_492], %gather3A_489 {strides = array<i32>} : memref<16x128xf32, #tpu.memory_space<vmem>>, vector<16xf32>,
          %add3A_494 = vector.broadcast %squeeze3A_479 : i32 to vector<16xi32>
          %add3A_495 = arith.addi %broadcast_in_dim3A_1, %add3A_494 : vector<16xi32>
          %gather3A_496 = tpu.vector_load_idx %arg12[%add3A_126, %add3A_495] : memref<64x512xf32, #tpu.memory_space<vmem>>[vector<16xi32>, vector<16xi32>], vector<16xf32>,
          %swap3A_497 = arith.constant 4 : i32
          %swap3A_498 = arith.index_cast %swap3A_497 : i32 to index
          %swap3A_499 = arith.constant 32 : index
          %swap3A_500 = tpu.vector_load %arg14[%swap3A_498, %swap3A_499] {strides = array<i32>} : memref<16x128xf32, #tpu.memory_space<vmem>>, vector<16xf32>,
          tpu.vector_store %arg14[%swap3A_498, %swap3A_499], %gather3A_496 {strides = array<i32>} : memref<16x128xf32, #tpu.memory_space<vmem>>, vector<16xf32>,
          %add3A_501 = vector.broadcast %squeeze3A_479 : i32 to vector<16xi32>
          %add3A_502 = arith.addi %broadcast_in_dim3A_1, %add3A_501 : vector<16xi32>
          %gather3A_503 = tpu.vector_load_idx %arg12[%add3A_129, %add3A_502] : memref<64x512xf32, #tpu.memory_space<vmem>>[vector<16xi32>, vector<16xi32>], vector<16xf32>,
          %swap3A_504 = arith.constant 4 : i32
          %swap3A_505 = arith.index_cast %swap3A_504 : i32 to index
          %swap3A_506 = arith.constant 48 : index
          %swap3A_507 = tpu.vector_load %arg14[%swap3A_505, %swap3A_506] {strides = array<i32>} : memref<16x128xf32, #tpu.memory_space<vmem>>, vector<16xf32>,
          tpu.vector_store %arg14[%swap3A_505, %swap3A_506], %gather3A_503 {strides = array<i32>} : memref<16x128xf32, #tpu.memory_space<vmem>>, vector<16xf32>,
          %slice3A_508 = vector.extract_strided_slice %select_n3A_351 {offsets = [5], sizes = [1], strides = [1]} : vector<16xi32> to vector<1xi32>
          %squeeze3A_509 = vector.extract %slice3A_508[0] : i32 from vector<1xi32>
          %add3A_510 = vector.broadcast %squeeze3A_509 : i32 to vector<16xi32>
          %add3A_511 = arith.addi %broadcast_in_dim3A_1, %add3A_510 : vector<16xi32>
          %gather3A_512 = tpu.vector_load_idx %arg12[%add3A_120, %add3A_511] : memref<64x512xf32, #tpu.memory_space<vmem>>[vector<16xi32>, vector<16xi32>], vector<16xf32>,
          %swap3A_513 = arith.constant 5 : i32
          %swap3A_514 = arith.index_cast %swap3A_513 : i32 to index
          %swap3A_515 = arith.constant 0 : index
          %swap3A_516 = tpu.vector_load %arg14[%swap3A_514, %swap3A_515] {strides = array<i32>} : memref<16x128xf32, #tpu.memory_space<vmem>>, vector<16xf32>,
          tpu.vector_store %arg14[%swap3A_514, %swap3A_515], %gather3A_512 {strides = array<i32>} : memref<16x128xf32, #tpu.memory_space<vmem>>, vector<16xf32>,
          %add3A_517 = vector.broadcast %squeeze3A_509 : i32 to vector<16xi32>
          %add3A_518 = arith.addi %broadcast_in_dim3A_1, %add3A_517 : vector<16xi32>
          %gather3A_519 = tpu.vector_load_idx %arg12[%add3A_123, %add3A_518] : memref<64x512xf32, #tpu.memory_space<vmem>>[vector<16xi32>, vector<16xi32>], vector<16xf32>,
          %swap3A_520 = arith.constant 5 : i32
          %swap3A_521 = arith.index_cast %swap3A_520 : i32 to index
          %swap3A_522 = arith.constant 16 : index
          %swap3A_523 = tpu.vector_load %arg14[%swap3A_521, %swap3A_522] {strides = array<i32>} : memref<16x128xf32, #tpu.memory_space<vmem>>, vector<16xf32>,
          tpu.vector_store %arg14[%swap3A_521, %swap3A_522], %gather3A_519 {strides = array<i32>} : memref<16x128xf32, #tpu.memory_space<vmem>>, vector<16xf32>,
          %add3A_524 = vector.broadcast %squeeze3A_509 : i32 to vector<16xi32>
          %add3A_525 = arith.addi %broadcast_in_dim3A_1, %add3A_524 : vector<16xi32>
          %gather3A_526 = tpu.vector_load_idx %arg12[%add3A_126, %add3A_525] : memref<64x512xf32, #tpu.memory_space<vmem>>[vector<16xi32>, vector<16xi32>], vector<16xf32>,
          %swap3A_527 = arith.constant 5 : i32
          %swap3A_528 = arith.index_cast %swap3A_527 : i32 to index
          %swap3A_529 = arith.constant 32 : index
          %swap3A_530 = tpu.vector_load %arg14[%swap3A_528, %swap3A_529] {strides = array<i32>} : memref<16x128xf32, #tpu.memory_space<vmem>>, vector<16xf32>,
          tpu.vector_store %arg14[%swap3A_528, %swap3A_529], %gather3A_526 {strides = array<i32>} : memref<16x128xf32, #tpu.memory_space<vmem>>, vector<16xf32>,
          %add3A_531 = vector.broadcast %squeeze3A_509 : i32 to vector<16xi32>
          %add3A_532 = arith.addi %broadcast_in_dim3A_1, %add3A_531 : vector<16xi32>
          %gather3A_533 = tpu.vector_load_idx %arg12[%add3A_129, %add3A_532] : memref<64x512xf32, #tpu.memory_space<vmem>>[vector<16xi32>, vector<16xi32>], vector<16xf32>,
          %swap3A_534 = arith.constant 5 : i32
          %swap3A_535 = arith.index_cast %swap3A_534 : i32 to index
          %swap3A_536 = arith.constant 48 : index
          %swap3A_537 = tpu.vector_load %arg14[%swap3A_535, %swap3A_536] {strides = array<i32>} : memref<16x128xf32, #tpu.memory_space<vmem>>, vector<16xf32>,
          tpu.vector_store %arg14[%swap3A_535, %swap3A_536], %gather3A_533 {strides = array<i32>} : memref<16x128xf32, #tpu.memory_space<vmem>>, vector<16xf32>,
          %slice3A_538 = vector.extract_strided_slice %select_n3A_351 {offsets = [6], sizes = [1], strides = [1]} : vector<16xi32> to vector<1xi32>
          %squeeze3A_539 = vector.extract %slice3A_538[0] : i32 from vector<1xi32>
          %add3A_540 = vector.broadcast %squeeze3A_539 : i32 to vector<16xi32>
          %add3A_541 = arith.addi %broadcast_in_dim3A_1, %add3A_540 : vector<16xi32>
          %gather3A_542 = tpu.vector_load_idx %arg12[%add3A_120, %add3A_541] : memref<64x512xf32, #tpu.memory_space<vmem>>[vector<16xi32>, vector<16xi32>], vector<16xf32>,
          %swap3A_543 = arith.constant 6 : i32
          %swap3A_544 = arith.index_cast %swap3A_543 : i32 to index
          %swap3A_545 = arith.constant 0 : index
          %swap3A_546 = tpu.vector_load %arg14[%swap3A_544, %swap3A_545] {strides = array<i32>} : memref<16x128xf32, #tpu.memory_space<vmem>>, vector<16xf32>,
          tpu.vector_store %arg14[%swap3A_544, %swap3A_545], %gather3A_542 {strides = array<i32>} : memref<16x128xf32, #tpu.memory_space<vmem>>, vector<16xf32>,
          %add3A_547 = vector.broadcast %squeeze3A_539 : i32 to vector<16xi32>
          %add3A_548 = arith.addi %broadcast_in_dim3A_1, %add3A_547 : vector<16xi32>
          %gather3A_549 = tpu.vector_load_idx %arg12[%add3A_123, %add3A_548] : memref<64x512xf32, #tpu.memory_space<vmem>>[vector<16xi32>, vector<16xi32>], vector<16xf32>,
          %swap3A_550 = arith.constant 6 : i32
          %swap3A_551 = arith.index_cast %swap3A_550 : i32 to index
          %swap3A_552 = arith.constant 16 : index
          %swap3A_553 = tpu.vector_load %arg14[%swap3A_551, %swap3A_552] {strides = array<i32>} : memref<16x128xf32, #tpu.memory_space<vmem>>, vector<16xf32>,
          tpu.vector_store %arg14[%swap3A_551, %swap3A_552], %gather3A_549 {strides = array<i32>} : memref<16x128xf32, #tpu.memory_space<vmem>>, vector<16xf32>,
          %add3A_554 = vector.broadcast %squeeze3A_539 : i32 to vector<16xi32>
          %add3A_555 = arith.addi %broadcast_in_dim3A_1, %add3A_554 : vector<16xi32>
          %gather3A_556 = tpu.vector_load_idx %arg12[%add3A_126, %add3A_555] : memref<64x512xf32, #tpu.memory_space<vmem>>[vector<16xi32>, vector<16xi32>], vector<16xf32>,
          %swap3A_557 = arith.constant 6 : i32
          %swap3A_558 = arith.index_cast %swap3A_557 : i32 to index
          %swap3A_559 = arith.constant 32 : index
          %swap3A_560 = tpu.vector_load %arg14[%swap3A_558, %swap3A_559] {strides = array<i32>} : memref<16x128xf32, #tpu.memory_space<vmem>>, vector<16xf32>,
          tpu.vector_store %arg14[%swap3A_558, %swap3A_559], %gather3A_556 {strides = array<i32>} : memref<16x128xf32, #tpu.memory_space<vmem>>, vector<16xf32>,
          %add3A_561 = vector.broadcast %squeeze3A_539 : i32 to vector<16xi32>
          %add3A_562 = arith.addi %broadcast_in_dim3A_1, %add3A_561 : vector<16xi32>
          %gather3A_563 = tpu.vector_load_idx %arg12[%add3A_129, %add3A_562] : memref<64x512xf32, #tpu.memory_space<vmem>>[vector<16xi32>, vector<16xi32>], vector<16xf32>,
          %swap3A_564 = arith.constant 6 : i32
          %swap3A_565 = arith.index_cast %swap3A_564 : i32 to index
          %swap3A_566 = arith.constant 48 : index
          %swap3A_567 = tpu.vector_load %arg14[%swap3A_565, %swap3A_566] {strides = array<i32>} : memref<16x128xf32, #tpu.memory_space<vmem>>, vector<16xf32>,
          tpu.vector_store %arg14[%swap3A_565, %swap3A_566], %gather3A_563 {strides = array<i32>} : memref<16x128xf32, #tpu.memory_space<vmem>>, vector<16xf32>,
          %slice3A_568 = vector.extract_strided_slice %select_n3A_351 {offsets = [7], sizes = [1], strides = [1]} : vector<16xi32> to vector<1xi32>
          %squeeze3A_569 = vector.extract %slice3A_568[0] : i32 from vector<1xi32>
          %add3A_570 = vector.broadcast %squeeze3A_569 : i32 to vector<16xi32>
          %add3A_571 = arith.addi %broadcast_in_dim3A_1, %add3A_570 : vector<16xi32>
          %gather3A_572 = tpu.vector_load_idx %arg12[%add3A_120, %add3A_571] : memref<64x512xf32, #tpu.memory_space<vmem>>[vector<16xi32>, vector<16xi32>], vector<16xf32>,
          %swap3A_573 = arith.constant 7 : i32
          %swap3A_574 = arith.index_cast %swap3A_573 : i32 to index
          %swap3A_575 = arith.constant 0 : index
          %swap3A_576 = tpu.vector_load %arg14[%swap3A_574, %swap3A_575] {strides = array<i32>} : memref<16x128xf32, #tpu.memory_space<vmem>>, vector<16xf32>,
          tpu.vector_store %arg14[%swap3A_574, %swap3A_575], %gather3A_572 {strides = array<i32>} : memref<16x128xf32, #tpu.memory_space<vmem>>, vector<16xf32>,
          %add3A_577 = vector.broadcast %squeeze3A_569 : i32 to vector<16xi32>
          %add3A_578 = arith.addi %broadcast_in_dim3A_1, %add3A_577 : vector<16xi32>
          %gather3A_579 = tpu.vector_load_idx %arg12[%add3A_123, %add3A_578] : memref<64x512xf32, #tpu.memory_space<vmem>>[vector<16xi32>, vector<16xi32>], vector<16xf32>,
          %swap3A_580 = arith.constant 7 : i32
          %swap3A_581 = arith.index_cast %swap3A_580 : i32 to index
          %swap3A_582 = arith.constant 16 : index
          %swap3A_583 = tpu.vector_load %arg14[%swap3A_581, %swap3A_582] {strides = array<i32>} : memref<16x128xf32, #tpu.memory_space<vmem>>, vector<16xf32>,
          tpu.vector_store %arg14[%swap3A_581, %swap3A_582], %gather3A_579 {strides = array<i32>} : memref<16x128xf32, #tpu.memory_space<vmem>>, vector<16xf32>,
          %add3A_584 = vector.broadcast %squeeze3A_569 : i32 to vector<16xi32>
          %add3A_585 = arith.addi %broadcast_in_dim3A_1, %add3A_584 : vector<16xi32>
          %gather3A_586 = tpu.vector_load_idx %arg12[%add3A_126, %add3A_585] : memref<64x512xf32, #tpu.memory_space<vmem>>[vector<16xi32>, vector<16xi32>], vector<16xf32>,
          %swap3A_587 = arith.constant 7 : i32
          %swap3A_588 = arith.index_cast %swap3A_587 : i32 to index
          %swap3A_589 = arith.constant 32 : index
          %swap3A_590 = tpu.vector_load %arg14[%swap3A_588, %swap3A_589] {strides = array<i32>} : memref<16x128xf32, #tpu.memory_space<vmem>>, vector<16xf32>,
          tpu.vector_store %arg14[%swap3A_588, %swap3A_589], %gather3A_586 {strides = array<i32>} : memref<16x128xf32, #tpu.memory_space<vmem>>, vector<16xf32>,
          %add3A_591 = vector.broadcast %squeeze3A_569 : i32 to vector<16xi32>
          %add3A_592 = arith.addi %broadcast_in_dim3A_1, %add3A_591 : vector<16xi32>
          %gather3A_593 = tpu.vector_load_idx %arg12[%add3A_129, %add3A_592] : memref<64x512xf32, #tpu.memory_space<vmem>>[vector<16xi32>, vector<16xi32>], vector<16xf32>,
          %swap3A_594 = arith.constant 7 : i32
          %swap3A_595 = arith.index_cast %swap3A_594 : i32 to index
          %swap3A_596 = arith.constant 48 : index
          %swap3A_597 = tpu.vector_load %arg14[%swap3A_595, %swap3A_596] {strides = array<i32>} : memref<16x128xf32, #tpu.memory_space<vmem>>, vector<16xf32>,
          tpu.vector_store %arg14[%swap3A_595, %swap3A_596], %gather3A_593 {strides = array<i32>} : memref<16x128xf32, #tpu.memory_space<vmem>>, vector<16xf32>,
          %slice3A_598 = vector.extract_strided_slice %select_n3A_351 {offsets = [8], sizes = [1], strides = [1]} : vector<16xi32> to vector<1xi32>
          %squeeze3A_599 = vector.extract %slice3A_598[0] : i32 from vector<1xi32>
          %add3A_600 = vector.broadcast %squeeze3A_599 : i32 to vector<16xi32>
          %add3A_601 = arith.addi %broadcast_in_dim3A_1, %add3A_600 : vector<16xi32>
          %gather3A_602 = tpu.vector_load_idx %arg12[%add3A_120, %add3A_601] : memref<64x512xf32, #tpu.memory_space<vmem>>[vector<16xi32>, vector<16xi32>], vector<16xf32>,
          %swap3A_603 = arith.constant 8 : i32
          %swap3A_604 = arith.index_cast %swap3A_603 : i32 to index
          %swap3A_605 = arith.constant 0 : index
          %swap3A_606 = tpu.vector_load %arg14[%swap3A_604, %swap3A_605] {strides = array<i32>} : memref<16x128xf32, #tpu.memory_space<vmem>>, vector<16xf32>,
          tpu.vector_store %arg14[%swap3A_604, %swap3A_605], %gather3A_602 {strides = array<i32>} : memref<16x128xf32, #tpu.memory_space<vmem>>, vector<16xf32>,
          %add3A_607 = vector.broadcast %squeeze3A_599 : i32 to vector<16xi32>
          %add3A_608 = arith.addi %broadcast_in_dim3A_1, %add3A_607 : vector<16xi32>
          %gather3A_609 = tpu.vector_load_idx %arg12[%add3A_123, %add3A_608] : memref<64x512xf32, #tpu.memory_space<vmem>>[vector<16xi32>, vector<16xi32>], vector<16xf32>,
          %swap3A_610 = arith.constant 8 : i32
          %swap3A_611 = arith.index_cast %swap3A_610 : i32 to index
          %swap3A_612 = arith.constant 16 : index
          %swap3A_613 = tpu.vector_load %arg14[%swap3A_611, %swap3A_612] {strides = array<i32>} : memref<16x128xf32, #tpu.memory_space<vmem>>, vector<16xf32>,
          tpu.vector_store %arg14[%swap3A_611, %swap3A_612], %gather3A_609 {strides = array<i32>} : memref<16x128xf32, #tpu.memory_space<vmem>>, vector<16xf32>,
          %add3A_614 = vector.broadcast %squeeze3A_599 : i32 to vector<16xi32>
          %add3A_615 = arith.addi %broadcast_in_dim3A_1, %add3A_614 : vector<16xi32>
          %gather3A_616 = tpu.vector_load_idx %arg12[%add3A_126, %add3A_615] : memref<64x512xf32, #tpu.memory_space<vmem>>[vector<16xi32>, vector<16xi32>], vector<16xf32>,
          %swap3A_617 = arith.constant 8 : i32
          %swap3A_618 = arith.index_cast %swap3A_617 : i32 to index
          %swap3A_619 = arith.constant 32 : index
          %swap3A_620 = tpu.vector_load %arg14[%swap3A_618, %swap3A_619] {strides = array<i32>} : memref<16x128xf32, #tpu.memory_space<vmem>>, vector<16xf32>,
          tpu.vector_store %arg14[%swap3A_618, %swap3A_619], %gather3A_616 {strides = array<i32>} : memref<16x128xf32, #tpu.memory_space<vmem>>, vector<16xf32>,
          %add3A_621 = vector.broadcast %squeeze3A_599 : i32 to vector<16xi32>
          %add3A_622 = arith.addi %broadcast_in_dim3A_1, %add3A_621 : vector<16xi32>
          %gather3A_623 = tpu.vector_load_idx %arg12[%add3A_129, %add3A_622] : memref<64x512xf32, #tpu.memory_space<vmem>>[vector<16xi32>, vector<16xi32>], vector<16xf32>,
          %swap3A_624 = arith.constant 8 : i32
          %swap3A_625 = arith.index_cast %swap3A_624 : i32 to index
          %swap3A_626 = arith.constant 48 : index
          %swap3A_627 = tpu.vector_load %arg14[%swap3A_625, %swap3A_626] {strides = array<i32>} : memref<16x128xf32, #tpu.memory_space<vmem>>, vector<16xf32>,
          tpu.vector_store %arg14[%swap3A_625, %swap3A_626], %gather3A_623 {strides = array<i32>} : memref<16x128xf32, #tpu.memory_space<vmem>>, vector<16xf32>,
          %slice3A_628 = vector.extract_strided_slice %select_n3A_351 {offsets = [9], sizes = [1], strides = [1]} : vector<16xi32> to vector<1xi32>
          %squeeze3A_629 = vector.extract %slice3A_628[0] : i32 from vector<1xi32>
          %add3A_630 = vector.broadcast %squeeze3A_629 : i32 to vector<16xi32>
          %add3A_631 = arith.addi %broadcast_in_dim3A_1, %add3A_630 : vector<16xi32>
          %gather3A_632 = tpu.vector_load_idx %arg12[%add3A_120, %add3A_631] : memref<64x512xf32, #tpu.memory_space<vmem>>[vector<16xi32>, vector<16xi32>], vector<16xf32>,
          %swap3A_633 = arith.constant 9 : i32
          %swap3A_634 = arith.index_cast %swap3A_633 : i32 to index
          %swap3A_635 = arith.constant 0 : index
          %swap3A_636 = tpu.vector_load %arg14[%swap3A_634, %swap3A_635] {strides = array<i32>} : memref<16x128xf32, #tpu.memory_space<vmem>>, vector<16xf32>,
          tpu.vector_store %arg14[%swap3A_634, %swap3A_635], %gather3A_632 {strides = array<i32>} : memref<16x128xf32, #tpu.memory_space<vmem>>, vector<16xf32>,
          %add3A_637 = vector.broadcast %squeeze3A_629 : i32 to vector<16xi32>
          %add3A_638 = arith.addi %broadcast_in_dim3A_1, %add3A_637 : vector<16xi32>
          %gather3A_639 = tpu.vector_load_idx %arg12[%add3A_123, %add3A_638] : memref<64x512xf32, #tpu.memory_space<vmem>>[vector<16xi32>, vector<16xi32>], vector<16xf32>,
          %swap3A_640 = arith.constant 9 : i32
          %swap3A_641 = arith.index_cast %swap3A_640 : i32 to index
          %swap3A_642 = arith.constant 16 : index
          %swap3A_643 = tpu.vector_load %arg14[%swap3A_641, %swap3A_642] {strides = array<i32>} : memref<16x128xf32, #tpu.memory_space<vmem>>, vector<16xf32>,
          tpu.vector_store %arg14[%swap3A_641, %swap3A_642], %gather3A_639 {strides = array<i32>} : memref<16x128xf32, #tpu.memory_space<vmem>>, vector<16xf32>,
          %add3A_644 = vector.broadcast %squeeze3A_629 : i32 to vector<16xi32>
          %add3A_645 = arith.addi %broadcast_in_dim3A_1, %add3A_644 : vector<16xi32>
          %gather3A_646 = tpu.vector_load_idx %arg12[%add3A_126, %add3A_645] : memref<64x512xf32, #tpu.memory_space<vmem>>[vector<16xi32>, vector<16xi32>], vector<16xf32>,
          %swap3A_647 = arith.constant 9 : i32
          %swap3A_648 = arith.index_cast %swap3A_647 : i32 to index
          %swap3A_649 = arith.constant 32 : index
          %swap3A_650 = tpu.vector_load %arg14[%swap3A_648, %swap3A_649] {strides = array<i32>} : memref<16x128xf32, #tpu.memory_space<vmem>>, vector<16xf32>,
          tpu.vector_store %arg14[%swap3A_648, %swap3A_649], %gather3A_646 {strides = array<i32>} : memref<16x128xf32, #tpu.memory_space<vmem>>, vector<16xf32>,
          %add3A_651 = vector.broadcast %squeeze3A_629 : i32 to vector<16xi32>
          %add3A_652 = arith.addi %broadcast_in_dim3A_1, %add3A_651 : vector<16xi32>
          %gather3A_653 = tpu.vector_load_idx %arg12[%add3A_129, %add3A_652] : memref<64x512xf32, #tpu.memory_space<vmem>>[vector<16xi32>, vector<16xi32>], vector<16xf32>,
          %swap3A_654 = arith.constant 9 : i32
          %swap3A_655 = arith.index_cast %swap3A_654 : i32 to index
          %swap3A_656 = arith.constant 48 : index
          %swap3A_657 = tpu.vector_load %arg14[%swap3A_655, %swap3A_656] {strides = array<i32>} : memref<16x128xf32, #tpu.memory_space<vmem>>, vector<16xf32>,
          tpu.vector_store %arg14[%swap3A_655, %swap3A_656], %gather3A_653 {strides = array<i32>} : memref<16x128xf32, #tpu.memory_space<vmem>>, vector<16xf32>,
          %slice3A_658 = vector.extract_strided_slice %select_n3A_351 {offsets = [10], sizes = [1], strides = [1]} : vector<16xi32> to vector<1xi32>
          %squeeze3A_659 = vector.extract %slice3A_658[0] : i32 from vector<1xi32>
          %add3A_660 = vector.broadcast %squeeze3A_659 : i32 to vector<16xi32>
          %add3A_661 = arith.addi %broadcast_in_dim3A_1, %add3A_660 : vector<16xi32>
          %gather3A_662 = tpu.vector_load_idx %arg12[%add3A_120, %add3A_661] : memref<64x512xf32, #tpu.memory_space<vmem>>[vector<16xi32>, vector<16xi32>], vector<16xf32>,
          %swap3A_663 = arith.constant 10 : i32
          %swap3A_664 = arith.index_cast %swap3A_663 : i32 to index
          %swap3A_665 = arith.constant 0 : index
          %swap3A_666 = tpu.vector_load %arg14[%swap3A_664, %swap3A_665] {strides = array<i32>} : memref<16x128xf32, #tpu.memory_space<vmem>>, vector<16xf32>,
          tpu.vector_store %arg14[%swap3A_664, %swap3A_665], %gather3A_662 {strides = array<i32>} : memref<16x128xf32, #tpu.memory_space<vmem>>, vector<16xf32>,
          %add3A_667 = vector.broadcast %squeeze3A_659 : i32 to vector<16xi32>
          %add3A_668 = arith.addi %broadcast_in_dim3A_1, %add3A_667 : vector<16xi32>
          %gather3A_669 = tpu.vector_load_idx %arg12[%add3A_123, %add3A_668] : memref<64x512xf32, #tpu.memory_space<vmem>>[vector<16xi32>, vector<16xi32>], vector<16xf32>,
          %swap3A_670 = arith.constant 10 : i32
          %swap3A_671 = arith.index_cast %swap3A_670 : i32 to index
          %swap3A_672 = arith.constant 16 : index
          %swap3A_673 = tpu.vector_load %arg14[%swap3A_671, %swap3A_672] {strides = array<i32>} : memref<16x128xf32, #tpu.memory_space<vmem>>, vector<16xf32>,
          tpu.vector_store %arg14[%swap3A_671, %swap3A_672], %gather3A_669 {strides = array<i32>} : memref<16x128xf32, #tpu.memory_space<vmem>>, vector<16xf32>,
          %add3A_674 = vector.broadcast %squeeze3A_659 : i32 to vector<16xi32>
          %add3A_675 = arith.addi %broadcast_in_dim3A_1, %add3A_674 : vector<16xi32>
          %gather3A_676 = tpu.vector_load_idx %arg12[%add3A_126, %add3A_675] : memref<64x512xf32, #tpu.memory_space<vmem>>[vector<16xi32>, vector<16xi32>], vector<16xf32>,
          %swap3A_677 = arith.constant 10 : i32
          %swap3A_678 = arith.index_cast %swap3A_677 : i32 to index
          %swap3A_679 = arith.constant 32 : index
          %swap3A_680 = tpu.vector_load %arg14[%swap3A_678, %swap3A_679] {strides = array<i32>} : memref<16x128xf32, #tpu.memory_space<vmem>>, vector<16xf32>,
          tpu.vector_store %arg14[%swap3A_678, %swap3A_679], %gather3A_676 {strides = array<i32>} : memref<16x128xf32, #tpu.memory_space<vmem>>, vector<16xf32>,
          %add3A_681 = vector.broadcast %squeeze3A_659 : i32 to vector<16xi32>
          %add3A_682 = arith.addi %broadcast_in_dim3A_1, %add3A_681 : vector<16xi32>
          %gather3A_683 = tpu.vector_load_idx %arg12[%add3A_129, %add3A_682] : memref<64x512xf32, #tpu.memory_space<vmem>>[vector<16xi32>, vector<16xi32>], vector<16xf32>,
          %swap3A_684 = arith.constant 10 : i32
          %swap3A_685 = arith.index_cast %swap3A_684 : i32 to index
          %swap3A_686 = arith.constant 48 : index
          %swap3A_687 = tpu.vector_load %arg14[%swap3A_685, %swap3A_686] {strides = array<i32>} : memref<16x128xf32, #tpu.memory_space<vmem>>, vector<16xf32>,
          tpu.vector_store %arg14[%swap3A_685, %swap3A_686], %gather3A_683 {strides = array<i32>} : memref<16x128xf32, #tpu.memory_space<vmem>>, vector<16xf32>,
          %slice3A_688 = vector.extract_strided_slice %select_n3A_351 {offsets = [11], sizes = [1], strides = [1]} : vector<16xi32> to vector<1xi32>
          %squeeze3A_689 = vector.extract %slice3A_688[0] : i32 from vector<1xi32>
          %add3A_690 = vector.broadcast %squeeze3A_689 : i32 to vector<16xi32>
          %add3A_691 = arith.addi %broadcast_in_dim3A_1, %add3A_690 : vector<16xi32>
          %gather3A_692 = tpu.vector_load_idx %arg12[%add3A_120, %add3A_691] : memref<64x512xf32, #tpu.memory_space<vmem>>[vector<16xi32>, vector<16xi32>], vector<16xf32>,
          %swap3A_693 = arith.constant 11 : i32
          %swap3A_694 = arith.index_cast %swap3A_693 : i32 to index
          %swap3A_695 = arith.constant 0 : index
          %swap3A_696 = tpu.vector_load %arg14[%swap3A_694, %swap3A_695] {strides = array<i32>} : memref<16x128xf32, #tpu.memory_space<vmem>>, vector<16xf32>,
          tpu.vector_store %arg14[%swap3A_694, %swap3A_695], %gather3A_692 {strides = array<i32>} : memref<16x128xf32, #tpu.memory_space<vmem>>, vector<16xf32>,
          %add3A_697 = vector.broadcast %squeeze3A_689 : i32 to vector<16xi32>
          %add3A_698 = arith.addi %broadcast_in_dim3A_1, %add3A_697 : vector<16xi32>
          %gather3A_699 = tpu.vector_load_idx %arg12[%add3A_123, %add3A_698] : memref<64x512xf32, #tpu.memory_space<vmem>>[vector<16xi32>, vector<16xi32>], vector<16xf32>,
          %swap3A_700 = arith.constant 11 : i32
          %swap3A_701 = arith.index_cast %swap3A_700 : i32 to index
          %swap3A_702 = arith.constant 16 : index
          %swap3A_703 = tpu.vector_load %arg14[%swap3A_701, %swap3A_702] {strides = array<i32>} : memref<16x128xf32, #tpu.memory_space<vmem>>, vector<16xf32>,
          tpu.vector_store %arg14[%swap3A_701, %swap3A_702], %gather3A_699 {strides = array<i32>} : memref<16x128xf32, #tpu.memory_space<vmem>>, vector<16xf32>,
          %add3A_704 = vector.broadcast %squeeze3A_689 : i32 to vector<16xi32>
          %add3A_705 = arith.addi %broadcast_in_dim3A_1, %add3A_704 : vector<16xi32>
          %gather3A_706 = tpu.vector_load_idx %arg12[%add3A_126, %add3A_705] : memref<64x512xf32, #tpu.memory_space<vmem>>[vector<16xi32>, vector<16xi32>], vector<16xf32>,
          %swap3A_707 = arith.constant 11 : i32
          %swap3A_708 = arith.index_cast %swap3A_707 : i32 to index
          %swap3A_709 = arith.constant 32 : index
          %swap3A_710 = tpu.vector_load %arg14[%swap3A_708, %swap3A_709] {strides = array<i32>} : memref<16x128xf32, #tpu.memory_space<vmem>>, vector<16xf32>,
          tpu.vector_store %arg14[%swap3A_708, %swap3A_709], %gather3A_706 {strides = array<i32>} : memref<16x128xf32, #tpu.memory_space<vmem>>, vector<16xf32>,
          %add3A_711 = vector.broadcast %squeeze3A_689 : i32 to vector<16xi32>
          %add3A_712 = arith.addi %broadcast_in_dim3A_1, %add3A_711 : vector<16xi32>
          %gather3A_713 = tpu.vector_load_idx %arg12[%add3A_129, %add3A_712] : memref<64x512xf32, #tpu.memory_space<vmem>>[vector<16xi32>, vector<16xi32>], vector<16xf32>,
          %swap3A_714 = arith.constant 11 : i32
          %swap3A_715 = arith.index_cast %swap3A_714 : i32 to index
          %swap3A_716 = arith.constant 48 : index
          %swap3A_717 = tpu.vector_load %arg14[%swap3A_715, %swap3A_716] {strides = array<i32>} : memref<16x128xf32, #tpu.memory_space<vmem>>, vector<16xf32>,
          tpu.vector_store %arg14[%swap3A_715, %swap3A_716], %gather3A_713 {strides = array<i32>} : memref<16x128xf32, #tpu.memory_space<vmem>>, vector<16xf32>,
          %slice3A_718 = vector.extract_strided_slice %select_n3A_351 {offsets = [12], sizes = [1], strides = [1]} : vector<16xi32> to vector<1xi32>
          %squeeze3A_719 = vector.extract %slice3A_718[0] : i32 from vector<1xi32>
          %add3A_720 = vector.broadcast %squeeze3A_719 : i32 to vector<16xi32>
          %add3A_721 = arith.addi %broadcast_in_dim3A_1, %add3A_720 : vector<16xi32>
          %gather3A_722 = tpu.vector_load_idx %arg12[%add3A_120, %add3A_721] : memref<64x512xf32, #tpu.memory_space<vmem>>[vector<16xi32>, vector<16xi32>], vector<16xf32>,
          %swap3A_723 = arith.constant 12 : i32
          %swap3A_724 = arith.index_cast %swap3A_723 : i32 to index
          %swap3A_725 = arith.constant 0 : index
          %swap3A_726 = tpu.vector_load %arg14[%swap3A_724, %swap3A_725] {strides = array<i32>} : memref<16x128xf32, #tpu.memory_space<vmem>>, vector<16xf32>,
          tpu.vector_store %arg14[%swap3A_724, %swap3A_725], %gather3A_722 {strides = array<i32>} : memref<16x128xf32, #tpu.memory_space<vmem>>, vector<16xf32>,
          %add3A_727 = vector.broadcast %squeeze3A_719 : i32 to vector<16xi32>
          %add3A_728 = arith.addi %broadcast_in_dim3A_1, %add3A_727 : vector<16xi32>
          %gather3A_729 = tpu.vector_load_idx %arg12[%add3A_123, %add3A_728] : memref<64x512xf32, #tpu.memory_space<vmem>>[vector<16xi32>, vector<16xi32>], vector<16xf32>,
          %swap3A_730 = arith.constant 12 : i32
          %swap3A_731 = arith.index_cast %swap3A_730 : i32 to index
          %swap3A_732 = arith.constant 16 : index
          %swap3A_733 = tpu.vector_load %arg14[%swap3A_731, %swap3A_732] {strides = array<i32>} : memref<16x128xf32, #tpu.memory_space<vmem>>, vector<16xf32>,
          tpu.vector_store %arg14[%swap3A_731, %swap3A_732], %gather3A_729 {strides = array<i32>} : memref<16x128xf32, #tpu.memory_space<vmem>>, vector<16xf32>,
          %add3A_734 = vector.broadcast %squeeze3A_719 : i32 to vector<16xi32>
          %add3A_735 = arith.addi %broadcast_in_dim3A_1, %add3A_734 : vector<16xi32>
          %gather3A_736 = tpu.vector_load_idx %arg12[%add3A_126, %add3A_735] : memref<64x512xf32, #tpu.memory_space<vmem>>[vector<16xi32>, vector<16xi32>], vector<16xf32>,
          %swap3A_737 = arith.constant 12 : i32
          %swap3A_738 = arith.index_cast %swap3A_737 : i32 to index
          %swap3A_739 = arith.constant 32 : index
          %swap3A_740 = tpu.vector_load %arg14[%swap3A_738, %swap3A_739] {strides = array<i32>} : memref<16x128xf32, #tpu.memory_space<vmem>>, vector<16xf32>,
          tpu.vector_store %arg14[%swap3A_738, %swap3A_739], %gather3A_736 {strides = array<i32>} : memref<16x128xf32, #tpu.memory_space<vmem>>, vector<16xf32>,
          %add3A_741 = vector.broadcast %squeeze3A_719 : i32 to vector<16xi32>
          %add3A_742 = arith.addi %broadcast_in_dim3A_1, %add3A_741 : vector<16xi32>
          %gather3A_743 = tpu.vector_load_idx %arg12[%add3A_129, %add3A_742] : memref<64x512xf32, #tpu.memory_space<vmem>>[vector<16xi32>, vector<16xi32>], vector<16xf32>,
          %swap3A_744 = arith.constant 12 : i32
          %swap3A_745 = arith.index_cast %swap3A_744 : i32 to index
          %swap3A_746 = arith.constant 48 : index
          %swap3A_747 = tpu.vector_load %arg14[%swap3A_745, %swap3A_746] {strides = array<i32>} : memref<16x128xf32, #tpu.memory_space<vmem>>, vector<16xf32>,
          tpu.vector_store %arg14[%swap3A_745, %swap3A_746], %gather3A_743 {strides = array<i32>} : memref<16x128xf32, #tpu.memory_space<vmem>>, vector<16xf32>,
          %slice3A_748 = vector.extract_strided_slice %select_n3A_351 {offsets = [13], sizes = [1], strides = [1]} : vector<16xi32> to vector<1xi32>
          %squeeze3A_749 = vector.extract %slice3A_748[0] : i32 from vector<1xi32>
          %add3A_750 = vector.broadcast %squeeze3A_749 : i32 to vector<16xi32>
          %add3A_751 = arith.addi %broadcast_in_dim3A_1, %add3A_750 : vector<16xi32>
          %gather3A_752 = tpu.vector_load_idx %arg12[%add3A_120, %add3A_751] : memref<64x512xf32, #tpu.memory_space<vmem>>[vector<16xi32>, vector<16xi32>], vector<16xf32>,
          %swap3A_753 = arith.constant 13 : i32
          %swap3A_754 = arith.index_cast %swap3A_753 : i32 to index
          %swap3A_755 = arith.constant 0 : index
          %swap3A_756 = tpu.vector_load %arg14[%swap3A_754, %swap3A_755] {strides = array<i32>} : memref<16x128xf32, #tpu.memory_space<vmem>>, vector<16xf32>,
          tpu.vector_store %arg14[%swap3A_754, %swap3A_755], %gather3A_752 {strides = array<i32>} : memref<16x128xf32, #tpu.memory_space<vmem>>, vector<16xf32>,
          %add3A_757 = vector.broadcast %squeeze3A_749 : i32 to vector<16xi32>
          %add3A_758 = arith.addi %broadcast_in_dim3A_1, %add3A_757 : vector<16xi32>
          %gather3A_759 = tpu.vector_load_idx %arg12[%add3A_123, %add3A_758] : memref<64x512xf32, #tpu.memory_space<vmem>>[vector<16xi32>, vector<16xi32>], vector<16xf32>,
          %swap3A_760 = arith.constant 13 : i32
          %swap3A_761 = arith.index_cast %swap3A_760 : i32 to index
          %swap3A_762 = arith.constant 16 : index
          %swap3A_763 = tpu.vector_load %arg14[%swap3A_761, %swap3A_762] {strides = array<i32>} : memref<16x128xf32, #tpu.memory_space<vmem>>, vector<16xf32>,
          tpu.vector_store %arg14[%swap3A_761, %swap3A_762], %gather3A_759 {strides = array<i32>} : memref<16x128xf32, #tpu.memory_space<vmem>>, vector<16xf32>,
          %add3A_764 = vector.broadcast %squeeze3A_749 : i32 to vector<16xi32>
          %add3A_765 = arith.addi %broadcast_in_dim3A_1, %add3A_764 : vector<16xi32>
          %gather3A_766 = tpu.vector_load_idx %arg12[%add3A_126, %add3A_765] : memref<64x512xf32, #tpu.memory_space<vmem>>[vector<16xi32>, vector<16xi32>], vector<16xf32>,
          %swap3A_767 = arith.constant 13 : i32
          %swap3A_768 = arith.index_cast %swap3A_767 : i32 to index
          %swap3A_769 = arith.constant 32 : index
          %swap3A_770 = tpu.vector_load %arg14[%swap3A_768, %swap3A_769] {strides = array<i32>} : memref<16x128xf32, #tpu.memory_space<vmem>>, vector<16xf32>,
          tpu.vector_store %arg14[%swap3A_768, %swap3A_769], %gather3A_766 {strides = array<i32>} : memref<16x128xf32, #tpu.memory_space<vmem>>, vector<16xf32>,
          %add3A_771 = vector.broadcast %squeeze3A_749 : i32 to vector<16xi32>
          %add3A_772 = arith.addi %broadcast_in_dim3A_1, %add3A_771 : vector<16xi32>
          %gather3A_773 = tpu.vector_load_idx %arg12[%add3A_129, %add3A_772] : memref<64x512xf32, #tpu.memory_space<vmem>>[vector<16xi32>, vector<16xi32>], vector<16xf32>,
          %swap3A_774 = arith.constant 13 : i32
          %swap3A_775 = arith.index_cast %swap3A_774 : i32 to index
          %swap3A_776 = arith.constant 48 : index
          %swap3A_777 = tpu.vector_load %arg14[%swap3A_775, %swap3A_776] {strides = array<i32>} : memref<16x128xf32, #tpu.memory_space<vmem>>, vector<16xf32>,
          tpu.vector_store %arg14[%swap3A_775, %swap3A_776], %gather3A_773 {strides = array<i32>} : memref<16x128xf32, #tpu.memory_space<vmem>>, vector<16xf32>,
          %slice3A_778 = vector.extract_strided_slice %select_n3A_351 {offsets = [14], sizes = [1], strides = [1]} : vector<16xi32> to vector<1xi32>
          %squeeze3A_779 = vector.extract %slice3A_778[0] : i32 from vector<1xi32>
          %add3A_780 = vector.broadcast %squeeze3A_779 : i32 to vector<16xi32>
          %add3A_781 = arith.addi %broadcast_in_dim3A_1, %add3A_780 : vector<16xi32>
          %gather3A_782 = tpu.vector_load_idx %arg12[%add3A_120, %add3A_781] : memref<64x512xf32, #tpu.memory_space<vmem>>[vector<16xi32>, vector<16xi32>], vector<16xf32>,
          %swap3A_783 = arith.constant 14 : i32
          %swap3A_784 = arith.index_cast %swap3A_783 : i32 to index
          %swap3A_785 = arith.constant 0 : index
          %swap3A_786 = tpu.vector_load %arg14[%swap3A_784, %swap3A_785] {strides = array<i32>} : memref<16x128xf32, #tpu.memory_space<vmem>>, vector<16xf32>,
          tpu.vector_store %arg14[%swap3A_784, %swap3A_785], %gather3A_782 {strides = array<i32>} : memref<16x128xf32, #tpu.memory_space<vmem>>, vector<16xf32>,
          %add3A_787 = vector.broadcast %squeeze3A_779 : i32 to vector<16xi32>
          %add3A_788 = arith.addi %broadcast_in_dim3A_1, %add3A_787 : vector<16xi32>
          %gather3A_789 = tpu.vector_load_idx %arg12[%add3A_123, %add3A_788] : memref<64x512xf32, #tpu.memory_space<vmem>>[vector<16xi32>, vector<16xi32>], vector<16xf32>,
          %swap3A_790 = arith.constant 14 : i32
          %swap3A_791 = arith.index_cast %swap3A_790 : i32 to index
          %swap3A_792 = arith.constant 16 : index
          %swap3A_793 = tpu.vector_load %arg14[%swap3A_791, %swap3A_792] {strides = array<i32>} : memref<16x128xf32, #tpu.memory_space<vmem>>, vector<16xf32>,
          tpu.vector_store %arg14[%swap3A_791, %swap3A_792], %gather3A_789 {strides = array<i32>} : memref<16x128xf32, #tpu.memory_space<vmem>>, vector<16xf32>,
          %add3A_794 = vector.broadcast %squeeze3A_779 : i32 to vector<16xi32>
          %add3A_795 = arith.addi %broadcast_in_dim3A_1, %add3A_794 : vector<16xi32>
          %gather3A_796 = tpu.vector_load_idx %arg12[%add3A_126, %add3A_795] : memref<64x512xf32, #tpu.memory_space<vmem>>[vector<16xi32>, vector<16xi32>], vector<16xf32>,
          %swap3A_797 = arith.constant 14 : i32
          %swap3A_798 = arith.index_cast %swap3A_797 : i32 to index
          %swap3A_799 = arith.constant 32 : index
          %swap3A_800 = tpu.vector_load %arg14[%swap3A_798, %swap3A_799] {strides = array<i32>} : memref<16x128xf32, #tpu.memory_space<vmem>>, vector<16xf32>,
          tpu.vector_store %arg14[%swap3A_798, %swap3A_799], %gather3A_796 {strides = array<i32>} : memref<16x128xf32, #tpu.memory_space<vmem>>, vector<16xf32>,
          %add3A_801 = vector.broadcast %squeeze3A_779 : i32 to vector<16xi32>
          %add3A_802 = arith.addi %broadcast_in_dim3A_1, %add3A_801 : vector<16xi32>
          %gather3A_803 = tpu.vector_load_idx %arg12[%add3A_129, %add3A_802] : memref<64x512xf32, #tpu.memory_space<vmem>>[vector<16xi32>, vector<16xi32>], vector<16xf32>,
          %swap3A_804 = arith.constant 14 : i32
          %swap3A_805 = arith.index_cast %swap3A_804 : i32 to index
          %swap3A_806 = arith.constant 48 : index
          %swap3A_807 = tpu.vector_load %arg14[%swap3A_805, %swap3A_806] {strides = array<i32>} : memref<16x128xf32, #tpu.memory_space<vmem>>, vector<16xf32>,
          tpu.vector_store %arg14[%swap3A_805, %swap3A_806], %gather3A_803 {strides = array<i32>} : memref<16x128xf32, #tpu.memory_space<vmem>>, vector<16xf32>,
          %slice3A_808 = vector.extract_strided_slice %select_n3A_351 {offsets = [15], sizes = [1], strides = [1]} : vector<16xi32> to vector<1xi32>
          %squeeze3A_809 = vector.extract %slice3A_808[0] : i32 from vector<1xi32>
          %add3A_810 = vector.broadcast %squeeze3A_809 : i32 to vector<16xi32>
          %add3A_811 = arith.addi %broadcast_in_dim3A_1, %add3A_810 : vector<16xi32>
          %gather3A_812 = tpu.vector_load_idx %arg12[%add3A_120, %add3A_811] : memref<64x512xf32, #tpu.memory_space<vmem>>[vector<16xi32>, vector<16xi32>], vector<16xf32>,
          %swap3A_813 = arith.constant 15 : i32
          %swap3A_814 = arith.index_cast %swap3A_813 : i32 to index
          %swap3A_815 = arith.constant 0 : index
          %swap3A_816 = tpu.vector_load %arg14[%swap3A_814, %swap3A_815] {strides = array<i32>} : memref<16x128xf32, #tpu.memory_space<vmem>>, vector<16xf32>,
          tpu.vector_store %arg14[%swap3A_814, %swap3A_815], %gather3A_812 {strides = array<i32>} : memref<16x128xf32, #tpu.memory_space<vmem>>, vector<16xf32>,
          %add3A_817 = vector.broadcast %squeeze3A_809 : i32 to vector<16xi32>
          %add3A_818 = arith.addi %broadcast_in_dim3A_1, %add3A_817 : vector<16xi32>
          %gather3A_819 = tpu.vector_load_idx %arg12[%add3A_123, %add3A_818] : memref<64x512xf32, #tpu.memory_space<vmem>>[vector<16xi32>, vector<16xi32>], vector<16xf32>,
          %swap3A_820 = arith.constant 15 : i32
          %swap3A_821 = arith.index_cast %swap3A_820 : i32 to index
          %swap3A_822 = arith.constant 16 : index
          %swap3A_823 = tpu.vector_load %arg14[%swap3A_821, %swap3A_822] {strides = array<i32>} : memref<16x128xf32, #tpu.memory_space<vmem>>, vector<16xf32>,
          tpu.vector_store %arg14[%swap3A_821, %swap3A_822], %gather3A_819 {strides = array<i32>} : memref<16x128xf32, #tpu.memory_space<vmem>>, vector<16xf32>,
          %add3A_824 = vector.broadcast %squeeze3A_809 : i32 to vector<16xi32>
          %add3A_825 = arith.addi %broadcast_in_dim3A_1, %add3A_824 : vector<16xi32>
          %gather3A_826 = tpu.vector_load_idx %arg12[%add3A_126, %add3A_825] : memref<64x512xf32, #tpu.memory_space<vmem>>[vector<16xi32>, vector<16xi32>], vector<16xf32>,
          %swap3A_827 = arith.constant 15 : i32
          %swap3A_828 = arith.index_cast %swap3A_827 : i32 to index
          %swap3A_829 = arith.constant 32 : index
          %swap3A_830 = tpu.vector_load %arg14[%swap3A_828, %swap3A_829] {strides = array<i32>} : memref<16x128xf32, #tpu.memory_space<vmem>>, vector<16xf32>,
          tpu.vector_store %arg14[%swap3A_828, %swap3A_829], %gather3A_826 {strides = array<i32>} : memref<16x128xf32, #tpu.memory_space<vmem>>, vector<16xf32>,
          %add3A_831 = vector.broadcast %squeeze3A_809 : i32 to vector<16xi32>
          %add3A_832 = arith.addi %broadcast_in_dim3A_1, %add3A_831 : vector<16xi32>
          %gather3A_833 = tpu.vector_load_idx %arg12[%add3A_129, %add3A_832] : memref<64x512xf32, #tpu.memory_space<vmem>>[vector<16xi32>, vector<16xi32>], vector<16xf32>,
          %swap3A_834 = arith.constant 15 : i32
          %swap3A_835 = arith.index_cast %swap3A_834 : i32 to index
          %swap3A_836 = arith.constant 48 : index
          %swap3A_837 = tpu.vector_load %arg14[%swap3A_835, %swap3A_836] {strides = array<i32>} : memref<16x128xf32, #tpu.memory_space<vmem>>, vector<16xf32>,
          tpu.vector_store %arg14[%swap3A_835, %swap3A_836], %gather3A_833 {strides = array<i32>} : memref<16x128xf32, #tpu.memory_space<vmem>>, vector<16xf32>,
          %dma_start3A_838 = arith.constant 0 : i32
          %dma_start3A_839 = arith.constant 0 : i32
          %dma_start3A_840 = tpu.memref_slice %arg4[%dma_start3A_838, %dma_start3A_839] : memref<16448x128xf32, #tpu.memory_space<hbm>> -> memref<16448x128xf32, #tpu.memory_space<hbm>>
          tpu.enqueue_indirect_dma source(%arg14 : memref<16x128xf32, #tpu.memory_space<vmem>>) target(%dma_start3A_840 : memref<16448x128xf32, #tpu.memory_space<hbm>>) offsets(%arg16 : memref<16xi32, #tpu.memory_space<vmem>>) semaphore(%arg20 : memref<!tpu.dma_semaphore, #tpu.memory_space<semaphore_mem>>)
        }
        %while3A_329 = arith.constant 1 : i32
        scf.for %while3A_330 = %while3A_327 to %while3A_323 step %while3A_329  : i32 {
          %dma_wait3A_331 = arith.constant 0 : i32
          %dma_wait3A_332 = arith.constant 0 : i32
          %dma_wait3A_333 = tpu.memref_slice %arg4[%dma_wait3A_331, %dma_wait3A_332] : memref<16448x128xf32, #tpu.memory_space<hbm>> -> memref<16448x128xf32, #tpu.memory_space<hbm>>
          tpu.wait_indirect_dma semaphore(%arg20 : memref<!tpu.dma_semaphore, #tpu.memory_space<semaphore_mem>>) src(%arg14 : memref<16x128xf32, #tpu.memory_space<vmem>>) dst(%dma_wait3A_333 : memref<16448x128xf32, #tpu.memory_space<hbm>>)
          %mul3A_334 = arith.constant 16 : i32
          %mul3A_335 = arith.muli %mul3A_334, %while3A_330 : i32
          %add3A_336 = arith.addi %squeeze3A_291, %mul3A_335 : i32
          %get3A_337 = arith.index_cast %add3A_336 : i32 to index
          %get3A_338 = tpu.vector_load %arg6[%get3A_337] {strides = array<i32>} : memref<16400xi32, #tpu.memory_space<vmem>>, vector<16xi32>,
          %get3A_339 = arith.index_cast %add3A_336 : i32 to index
          %get3A_340 = tpu.vector_load %arg7[%get3A_339] {strides = array<i32>} : memref<16400xi32, #tpu.memory_space<vmem>>, vector<16xi32>,
          %mul3A_341 = arith.constant 16 : i32
          %mul3A_342 = arith.muli %mul3A_341, %while3A_330 : i32
          %add3A_343 = vector.broadcast %mul3A_342 : i32 to vector<16xi32>
          %add3A_344 = arith.addi %iota3A, %add3A_343 : vector<16xi32>
          %lt3A_345 = vector.broadcast %squeeze3A_288 : i32 to vector<16xi32>
          %lt3A_346 = arith.cmpi slt, %add3A_344, %lt3A_345 : vector<16xi32>
          %sub3A_347 = vector.broadcast %multiple_of3A_283 : i32 to vector<16xi32>
          %sub3A_348 = arith.subi %get3A_338, %sub3A_347 : vector<16xi32>
          %jit3A_349 = arith.constant 0 : i32
          %broadcast_in_dim3A_350 = vector.broadcast %jit3A_349 : i32 to vector<16xi32>
          %select_n3A_351 = arith.select %lt3A_346, %sub3A_348, %broadcast_in_dim3A_350 : vector<16xi1>, vector<16xi32>
          %add3A_352 = arith.constant 16384 : i32
          %add3A_353 = arith.addi %add3A_352, %add3A : i32
          %broadcast_in_dim3A_354 = vector.broadcast %add3A_353 : i32 to vector<16xi32>
          %select_n3A_355 = arith.select %lt3A_346, %get3A_340, %broadcast_in_dim3A_354 : vector<16xi1>, vector<16xi32>
          %swap3A_356 = arith.constant 0 : index
          %swap3A_357 = tpu.vector_load %arg16[%swap3A_356] {strides = array<i32>} : memref<16xi32, #tpu.memory_space<vmem>>, vector<16xi32>,
          tpu.vector_store %arg16[%swap3A_356], %select_n3A_355 {strides = array<i32>} : memref<16xi32, #tpu.memory_space<vmem>>, vector<16xi32>,
          %slice3A_358 = vector.extract_strided_slice %select_n3A_351 {offsets = [0], sizes = [1], strides = [1]} : vector<16xi32> to vector<1xi32>
          %squeeze3A_359 = vector.extract %slice3A_358[0] : i32 from vector<1xi32>
          %add3A_360 = vector.broadcast %squeeze3A_359 : i32 to vector<16xi32>
          %add3A_361 = arith.addi %broadcast_in_dim3A_1, %add3A_360 : vector<16xi32>
          %gather3A_362 = tpu.vector_load_idx %arg12[%add3A_120, %add3A_361] : memref<64x512xf32, #tpu.memory_space<vmem>>[vector<16xi32>, vector<16xi32>], vector<16xf32>,
          %swap3A_363 = arith.constant 0 : i32
          %swap3A_364 = arith.index_cast %swap3A_363 : i32 to index
          %swap3A_365 = arith.constant 0 : index
          %swap3A_366 = tpu.vector_load %arg14[%swap3A_364, %swap3A_365] {strides = array<i32>} : memref<16x128xf32, #tpu.memory_space<vmem>>, vector<16xf32>,
          tpu.vector_store %arg14[%swap3A_364, %swap3A_365], %gather3A_362 {strides = array<i32>} : memref<16x128xf32, #tpu.memory_space<vmem>>, vector<16xf32>,
          %add3A_367 = vector.broadcast %squeeze3A_359 : i32 to vector<16xi32>
          %add3A_368 = arith.addi %broadcast_in_dim3A_1, %add3A_367 : vector<16xi32>
          %gather3A_369 = tpu.vector_load_idx %arg12[%add3A_123, %add3A_368] : memref<64x512xf32, #tpu.memory_space<vmem>>[vector<16xi32>, vector<16xi32>], vector<16xf32>,
          %swap3A_370 = arith.constant 0 : i32
          %swap3A_371 = arith.index_cast %swap3A_370 : i32 to index
          %swap3A_372 = arith.constant 16 : index
          %swap3A_373 = tpu.vector_load %arg14[%swap3A_371, %swap3A_372] {strides = array<i32>} : memref<16x128xf32, #tpu.memory_space<vmem>>, vector<16xf32>,
          tpu.vector_store %arg14[%swap3A_371, %swap3A_372], %gather3A_369 {strides = array<i32>} : memref<16x128xf32, #tpu.memory_space<vmem>>, vector<16xf32>,
          %add3A_374 = vector.broadcast %squeeze3A_359 : i32 to vector<16xi32>
          %add3A_375 = arith.addi %broadcast_in_dim3A_1, %add3A_374 : vector<16xi32>
          %gather3A_376 = tpu.vector_load_idx %arg12[%add3A_126, %add3A_375] : memref<64x512xf32, #tpu.memory_space<vmem>>[vector<16xi32>, vector<16xi32>], vector<16xf32>,
          %swap3A_377 = arith.constant 0 : i32
          %swap3A_378 = arith.index_cast %swap3A_377 : i32 to index
          %swap3A_379 = arith.constant 32 : index
          %swap3A_380 = tpu.vector_load %arg14[%swap3A_378, %swap3A_379] {strides = array<i32>} : memref<16x128xf32, #tpu.memory_space<vmem>>, vector<16xf32>,
          tpu.vector_store %arg14[%swap3A_378, %swap3A_379], %gather3A_376 {strides = array<i32>} : memref<16x128xf32, #tpu.memory_space<vmem>>, vector<16xf32>,
          %add3A_381 = vector.broadcast %squeeze3A_359 : i32 to vector<16xi32>
          %add3A_382 = arith.addi %broadcast_in_dim3A_1, %add3A_381 : vector<16xi32>
          %gather3A_383 = tpu.vector_load_idx %arg12[%add3A_129, %add3A_382] : memref<64x512xf32, #tpu.memory_space<vmem>>[vector<16xi32>, vector<16xi32>], vector<16xf32>,
          %swap3A_384 = arith.constant 0 : i32
          %swap3A_385 = arith.index_cast %swap3A_384 : i32 to index
          %swap3A_386 = arith.constant 48 : index
          %swap3A_387 = tpu.vector_load %arg14[%swap3A_385, %swap3A_386] {strides = array<i32>} : memref<16x128xf32, #tpu.memory_space<vmem>>, vector<16xf32>,
          tpu.vector_store %arg14[%swap3A_385, %swap3A_386], %gather3A_383 {strides = array<i32>} : memref<16x128xf32, #tpu.memory_space<vmem>>, vector<16xf32>,
          %slice3A_388 = vector.extract_strided_slice %select_n3A_351 {offsets = [1], sizes = [1], strides = [1]} : vector<16xi32> to vector<1xi32>
          %squeeze3A_389 = vector.extract %slice3A_388[0] : i32 from vector<1xi32>
          %add3A_390 = vector.broadcast %squeeze3A_389 : i32 to vector<16xi32>
          %add3A_391 = arith.addi %broadcast_in_dim3A_1, %add3A_390 : vector<16xi32>
          %gather3A_392 = tpu.vector_load_idx %arg12[%add3A_120, %add3A_391] : memref<64x512xf32, #tpu.memory_space<vmem>>[vector<16xi32>, vector<16xi32>], vector<16xf32>,
          %swap3A_393 = arith.constant 1 : i32
          %swap3A_394 = arith.index_cast %swap3A_393 : i32 to index
          %swap3A_395 = arith.constant 0 : index
          %swap3A_396 = tpu.vector_load %arg14[%swap3A_394, %swap3A_395] {strides = array<i32>} : memref<16x128xf32, #tpu.memory_space<vmem>>, vector<16xf32>,
          tpu.vector_store %arg14[%swap3A_394, %swap3A_395], %gather3A_392 {strides = array<i32>} : memref<16x128xf32, #tpu.memory_space<vmem>>, vector<16xf32>,
          %add3A_397 = vector.broadcast %squeeze3A_389 : i32 to vector<16xi32>
          %add3A_398 = arith.addi %broadcast_in_dim3A_1, %add3A_397 : vector<16xi32>
          %gather3A_399 = tpu.vector_load_idx %arg12[%add3A_123, %add3A_398] : memref<64x512xf32, #tpu.memory_space<vmem>>[vector<16xi32>, vector<16xi32>], vector<16xf32>,
          %swap3A_400 = arith.constant 1 : i32
          %swap3A_401 = arith.index_cast %swap3A_400 : i32 to index
          %swap3A_402 = arith.constant 16 : index
          %swap3A_403 = tpu.vector_load %arg14[%swap3A_401, %swap3A_402] {strides = array<i32>} : memref<16x128xf32, #tpu.memory_space<vmem>>, vector<16xf32>,
          tpu.vector_store %arg14[%swap3A_401, %swap3A_402], %gather3A_399 {strides = array<i32>} : memref<16x128xf32, #tpu.memory_space<vmem>>, vector<16xf32>,
          %add3A_404 = vector.broadcast %squeeze3A_389 : i32 to vector<16xi32>
          %add3A_405 = arith.addi %broadcast_in_dim3A_1, %add3A_404 : vector<16xi32>
          %gather3A_406 = tpu.vector_load_idx %arg12[%add3A_126, %add3A_405] : memref<64x512xf32, #tpu.memory_space<vmem>>[vector<16xi32>, vector<16xi32>], vector<16xf32>,
          %swap3A_407 = arith.constant 1 : i32
          %swap3A_408 = arith.index_cast %swap3A_407 : i32 to index
          %swap3A_409 = arith.constant 32 : index
          %swap3A_410 = tpu.vector_load %arg14[%swap3A_408, %swap3A_409] {strides = array<i32>} : memref<16x128xf32, #tpu.memory_space<vmem>>, vector<16xf32>,
          tpu.vector_store %arg14[%swap3A_408, %swap3A_409], %gather3A_406 {strides = array<i32>} : memref<16x128xf32, #tpu.memory_space<vmem>>, vector<16xf32>,
          %add3A_411 = vector.broadcast %squeeze3A_389 : i32 to vector<16xi32>
          %add3A_412 = arith.addi %broadcast_in_dim3A_1, %add3A_411 : vector<16xi32>
          %gather3A_413 = tpu.vector_load_idx %arg12[%add3A_129, %add3A_412] : memref<64x512xf32, #tpu.memory_space<vmem>>[vector<16xi32>, vector<16xi32>], vector<16xf32>,
          %swap3A_414 = arith.constant 1 : i32
          %swap3A_415 = arith.index_cast %swap3A_414 : i32 to index
          %swap3A_416 = arith.constant 48 : index
          %swap3A_417 = tpu.vector_load %arg14[%swap3A_415, %swap3A_416] {strides = array<i32>} : memref<16x128xf32, #tpu.memory_space<vmem>>, vector<16xf32>,
          tpu.vector_store %arg14[%swap3A_415, %swap3A_416], %gather3A_413 {strides = array<i32>} : memref<16x128xf32, #tpu.memory_space<vmem>>, vector<16xf32>,
          %slice3A_418 = vector.extract_strided_slice %select_n3A_351 {offsets = [2], sizes = [1], strides = [1]} : vector<16xi32> to vector<1xi32>
          %squeeze3A_419 = vector.extract %slice3A_418[0] : i32 from vector<1xi32>
          %add3A_420 = vector.broadcast %squeeze3A_419 : i32 to vector<16xi32>
          %add3A_421 = arith.addi %broadcast_in_dim3A_1, %add3A_420 : vector<16xi32>
          %gather3A_422 = tpu.vector_load_idx %arg12[%add3A_120, %add3A_421] : memref<64x512xf32, #tpu.memory_space<vmem>>[vector<16xi32>, vector<16xi32>], vector<16xf32>,
          %swap3A_423 = arith.constant 2 : i32
          %swap3A_424 = arith.index_cast %swap3A_423 : i32 to index
          %swap3A_425 = arith.constant 0 : index
          %swap3A_426 = tpu.vector_load %arg14[%swap3A_424, %swap3A_425] {strides = array<i32>} : memref<16x128xf32, #tpu.memory_space<vmem>>, vector<16xf32>,
          tpu.vector_store %arg14[%swap3A_424, %swap3A_425], %gather3A_422 {strides = array<i32>} : memref<16x128xf32, #tpu.memory_space<vmem>>, vector<16xf32>,
          %add3A_427 = vector.broadcast %squeeze3A_419 : i32 to vector<16xi32>
          %add3A_428 = arith.addi %broadcast_in_dim3A_1, %add3A_427 : vector<16xi32>
          %gather3A_429 = tpu.vector_load_idx %arg12[%add3A_123, %add3A_428] : memref<64x512xf32, #tpu.memory_space<vmem>>[vector<16xi32>, vector<16xi32>], vector<16xf32>,
          %swap3A_430 = arith.constant 2 : i32
          %swap3A_431 = arith.index_cast %swap3A_430 : i32 to index
          %swap3A_432 = arith.constant 16 : index
          %swap3A_433 = tpu.vector_load %arg14[%swap3A_431, %swap3A_432] {strides = array<i32>} : memref<16x128xf32, #tpu.memory_space<vmem>>, vector<16xf32>,
          tpu.vector_store %arg14[%swap3A_431, %swap3A_432], %gather3A_429 {strides = array<i32>} : memref<16x128xf32, #tpu.memory_space<vmem>>, vector<16xf32>,
          %add3A_434 = vector.broadcast %squeeze3A_419 : i32 to vector<16xi32>
          %add3A_435 = arith.addi %broadcast_in_dim3A_1, %add3A_434 : vector<16xi32>
          %gather3A_436 = tpu.vector_load_idx %arg12[%add3A_126, %add3A_435] : memref<64x512xf32, #tpu.memory_space<vmem>>[vector<16xi32>, vector<16xi32>], vector<16xf32>,
          %swap3A_437 = arith.constant 2 : i32
          %swap3A_438 = arith.index_cast %swap3A_437 : i32 to index
          %swap3A_439 = arith.constant 32 : index
          %swap3A_440 = tpu.vector_load %arg14[%swap3A_438, %swap3A_439] {strides = array<i32>} : memref<16x128xf32, #tpu.memory_space<vmem>>, vector<16xf32>,
          tpu.vector_store %arg14[%swap3A_438, %swap3A_439], %gather3A_436 {strides = array<i32>} : memref<16x128xf32, #tpu.memory_space<vmem>>, vector<16xf32>,
          %add3A_441 = vector.broadcast %squeeze3A_419 : i32 to vector<16xi32>
          %add3A_442 = arith.addi %broadcast_in_dim3A_1, %add3A_441 : vector<16xi32>
          %gather3A_443 = tpu.vector_load_idx %arg12[%add3A_129, %add3A_442] : memref<64x512xf32, #tpu.memory_space<vmem>>[vector<16xi32>, vector<16xi32>], vector<16xf32>,
          %swap3A_444 = arith.constant 2 : i32
          %swap3A_445 = arith.index_cast %swap3A_444 : i32 to index
          %swap3A_446 = arith.constant 48 : index
          %swap3A_447 = tpu.vector_load %arg14[%swap3A_445, %swap3A_446] {strides = array<i32>} : memref<16x128xf32, #tpu.memory_space<vmem>>, vector<16xf32>,
          tpu.vector_store %arg14[%swap3A_445, %swap3A_446], %gather3A_443 {strides = array<i32>} : memref<16x128xf32, #tpu.memory_space<vmem>>, vector<16xf32>,
          %slice3A_448 = vector.extract_strided_slice %select_n3A_351 {offsets = [3], sizes = [1], strides = [1]} : vector<16xi32> to vector<1xi32>
          %squeeze3A_449 = vector.extract %slice3A_448[0] : i32 from vector<1xi32>
          %add3A_450 = vector.broadcast %squeeze3A_449 : i32 to vector<16xi32>
          %add3A_451 = arith.addi %broadcast_in_dim3A_1, %add3A_450 : vector<16xi32>
          %gather3A_452 = tpu.vector_load_idx %arg12[%add3A_120, %add3A_451] : memref<64x512xf32, #tpu.memory_space<vmem>>[vector<16xi32>, vector<16xi32>], vector<16xf32>,
          %swap3A_453 = arith.constant 3 : i32
          %swap3A_454 = arith.index_cast %swap3A_453 : i32 to index
          %swap3A_455 = arith.constant 0 : index
          %swap3A_456 = tpu.vector_load %arg14[%swap3A_454, %swap3A_455] {strides = array<i32>} : memref<16x128xf32, #tpu.memory_space<vmem>>, vector<16xf32>,
          tpu.vector_store %arg14[%swap3A_454, %swap3A_455], %gather3A_452 {strides = array<i32>} : memref<16x128xf32, #tpu.memory_space<vmem>>, vector<16xf32>,
          %add3A_457 = vector.broadcast %squeeze3A_449 : i32 to vector<16xi32>
          %add3A_458 = arith.addi %broadcast_in_dim3A_1, %add3A_457 : vector<16xi32>
          %gather3A_459 = tpu.vector_load_idx %arg12[%add3A_123, %add3A_458] : memref<64x512xf32, #tpu.memory_space<vmem>>[vector<16xi32>, vector<16xi32>], vector<16xf32>,
          %swap3A_460 = arith.constant 3 : i32
          %swap3A_461 = arith.index_cast %swap3A_460 : i32 to index
          %swap3A_462 = arith.constant 16 : index
          %swap3A_463 = tpu.vector_load %arg14[%swap3A_461, %swap3A_462] {strides = array<i32>} : memref<16x128xf32, #tpu.memory_space<vmem>>, vector<16xf32>,
          tpu.vector_store %arg14[%swap3A_461, %swap3A_462], %gather3A_459 {strides = array<i32>} : memref<16x128xf32, #tpu.memory_space<vmem>>, vector<16xf32>,
          %add3A_464 = vector.broadcast %squeeze3A_449 : i32 to vector<16xi32>
          %add3A_465 = arith.addi %broadcast_in_dim3A_1, %add3A_464 : vector<16xi32>
          %gather3A_466 = tpu.vector_load_idx %arg12[%add3A_126, %add3A_465] : memref<64x512xf32, #tpu.memory_space<vmem>>[vector<16xi32>, vector<16xi32>], vector<16xf32>,
          %swap3A_467 = arith.constant 3 : i32
          %swap3A_468 = arith.index_cast %swap3A_467 : i32 to index
          %swap3A_469 = arith.constant 32 : index
          %swap3A_470 = tpu.vector_load %arg14[%swap3A_468, %swap3A_469] {strides = array<i32>} : memref<16x128xf32, #tpu.memory_space<vmem>>, vector<16xf32>,
          tpu.vector_store %arg14[%swap3A_468, %swap3A_469], %gather3A_466 {strides = array<i32>} : memref<16x128xf32, #tpu.memory_space<vmem>>, vector<16xf32>,
          %add3A_471 = vector.broadcast %squeeze3A_449 : i32 to vector<16xi32>
          %add3A_472 = arith.addi %broadcast_in_dim3A_1, %add3A_471 : vector<16xi32>
          %gather3A_473 = tpu.vector_load_idx %arg12[%add3A_129, %add3A_472] : memref<64x512xf32, #tpu.memory_space<vmem>>[vector<16xi32>, vector<16xi32>], vector<16xf32>,
          %swap3A_474 = arith.constant 3 : i32
          %swap3A_475 = arith.index_cast %swap3A_474 : i32 to index
          %swap3A_476 = arith.constant 48 : index
          %swap3A_477 = tpu.vector_load %arg14[%swap3A_475, %swap3A_476] {strides = array<i32>} : memref<16x128xf32, #tpu.memory_space<vmem>>, vector<16xf32>,
          tpu.vector_store %arg14[%swap3A_475, %swap3A_476], %gather3A_473 {strides = array<i32>} : memref<16x128xf32, #tpu.memory_space<vmem>>, vector<16xf32>,
          %slice3A_478 = vector.extract_strided_slice %select_n3A_351 {offsets = [4], sizes = [1], strides = [1]} : vector<16xi32> to vector<1xi32>
          %squeeze3A_479 = vector.extract %slice3A_478[0] : i32 from vector<1xi32>
          %add3A_480 = vector.broadcast %squeeze3A_479 : i32 to vector<16xi32>
          %add3A_481 = arith.addi %broadcast_in_dim3A_1, %add3A_480 : vector<16xi32>
          %gather3A_482 = tpu.vector_load_idx %arg12[%add3A_120, %add3A_481] : memref<64x512xf32, #tpu.memory_space<vmem>>[vector<16xi32>, vector<16xi32>], vector<16xf32>,
          %swap3A_483 = arith.constant 4 : i32
          %swap3A_484 = arith.index_cast %swap3A_483 : i32 to index
          %swap3A_485 = arith.constant 0 : index
          %swap3A_486 = tpu.vector_load %arg14[%swap3A_484, %swap3A_485] {strides = array<i32>} : memref<16x128xf32, #tpu.memory_space<vmem>>, vector<16xf32>,
          tpu.vector_store %arg14[%swap3A_484, %swap3A_485], %gather3A_482 {strides = array<i32>} : memref<16x128xf32, #tpu.memory_space<vmem>>, vector<16xf32>,
          %add3A_487 = vector.broadcast %squeeze3A_479 : i32 to vector<16xi32>
          %add3A_488 = arith.addi %broadcast_in_dim3A_1, %add3A_487 : vector<16xi32>
          %gather3A_489 = tpu.vector_load_idx %arg12[%add3A_123, %add3A_488] : memref<64x512xf32, #tpu.memory_space<vmem>>[vector<16xi32>, vector<16xi32>], vector<16xf32>,
          %swap3A_490 = arith.constant 4 : i32
          %swap3A_491 = arith.index_cast %swap3A_490 : i32 to index
          %swap3A_492 = arith.constant 16 : index
          %swap3A_493 = tpu.vector_load %arg14[%swap3A_491, %swap3A_492] {strides = array<i32>} : memref<16x128xf32, #tpu.memory_space<vmem>>, vector<16xf32>,
          tpu.vector_store %arg14[%swap3A_491, %swap3A_492], %gather3A_489 {strides = array<i32>} : memref<16x128xf32, #tpu.memory_space<vmem>>, vector<16xf32>,
          %add3A_494 = vector.broadcast %squeeze3A_479 : i32 to vector<16xi32>
          %add3A_495 = arith.addi %broadcast_in_dim3A_1, %add3A_494 : vector<16xi32>
          %gather3A_496 = tpu.vector_load_idx %arg12[%add3A_126, %add3A_495] : memref<64x512xf32, #tpu.memory_space<vmem>>[vector<16xi32>, vector<16xi32>], vector<16xf32>,
          %swap3A_497 = arith.constant 4 : i32
          %swap3A_498 = arith.index_cast %swap3A_497 : i32 to index
          %swap3A_499 = arith.constant 32 : index
          %swap3A_500 = tpu.vector_load %arg14[%swap3A_498, %swap3A_499] {strides = array<i32>} : memref<16x128xf32, #tpu.memory_space<vmem>>, vector<16xf32>,
          tpu.vector_store %arg14[%swap3A_498, %swap3A_499], %gather3A_496 {strides = array<i32>} : memref<16x128xf32, #tpu.memory_space<vmem>>, vector<16xf32>,
          %add3A_501 = vector.broadcast %squeeze3A_479 : i32 to vector<16xi32>
          %add3A_502 = arith.addi %broadcast_in_dim3A_1, %add3A_501 : vector<16xi32>
          %gather3A_503 = tpu.vector_load_idx %arg12[%add3A_129, %add3A_502] : memref<64x512xf32, #tpu.memory_space<vmem>>[vector<16xi32>, vector<16xi32>], vector<16xf32>,
          %swap3A_504 = arith.constant 4 : i32
          %swap3A_505 = arith.index_cast %swap3A_504 : i32 to index
          %swap3A_506 = arith.constant 48 : index
          %swap3A_507 = tpu.vector_load %arg14[%swap3A_505, %swap3A_506] {strides = array<i32>} : memref<16x128xf32, #tpu.memory_space<vmem>>, vector<16xf32>,
          tpu.vector_store %arg14[%swap3A_505, %swap3A_506], %gather3A_503 {strides = array<i32>} : memref<16x128xf32, #tpu.memory_space<vmem>>, vector<16xf32>,
          %slice3A_508 = vector.extract_strided_slice %select_n3A_351 {offsets = [5], sizes = [1], strides = [1]} : vector<16xi32> to vector<1xi32>
          %squeeze3A_509 = vector.extract %slice3A_508[0] : i32 from vector<1xi32>
          %add3A_510 = vector.broadcast %squeeze3A_509 : i32 to vector<16xi32>
          %add3A_511 = arith.addi %broadcast_in_dim3A_1, %add3A_510 : vector<16xi32>
          %gather3A_512 = tpu.vector_load_idx %arg12[%add3A_120, %add3A_511] : memref<64x512xf32, #tpu.memory_space<vmem>>[vector<16xi32>, vector<16xi32>], vector<16xf32>,
          %swap3A_513 = arith.constant 5 : i32
          %swap3A_514 = arith.index_cast %swap3A_513 : i32 to index
          %swap3A_515 = arith.constant 0 : index
          %swap3A_516 = tpu.vector_load %arg14[%swap3A_514, %swap3A_515] {strides = array<i32>} : memref<16x128xf32, #tpu.memory_space<vmem>>, vector<16xf32>,
          tpu.vector_store %arg14[%swap3A_514, %swap3A_515], %gather3A_512 {strides = array<i32>} : memref<16x128xf32, #tpu.memory_space<vmem>>, vector<16xf32>,
          %add3A_517 = vector.broadcast %squeeze3A_509 : i32 to vector<16xi32>
          %add3A_518 = arith.addi %broadcast_in_dim3A_1, %add3A_517 : vector<16xi32>
          %gather3A_519 = tpu.vector_load_idx %arg12[%add3A_123, %add3A_518] : memref<64x512xf32, #tpu.memory_space<vmem>>[vector<16xi32>, vector<16xi32>], vector<16xf32>,
          %swap3A_520 = arith.constant 5 : i32
          %swap3A_521 = arith.index_cast %swap3A_520 : i32 to index
          %swap3A_522 = arith.constant 16 : index
          %swap3A_523 = tpu.vector_load %arg14[%swap3A_521, %swap3A_522] {strides = array<i32>} : memref<16x128xf32, #tpu.memory_space<vmem>>, vector<16xf32>,
          tpu.vector_store %arg14[%swap3A_521, %swap3A_522], %gather3A_519 {strides = array<i32>} : memref<16x128xf32, #tpu.memory_space<vmem>>, vector<16xf32>,
          %add3A_524 = vector.broadcast %squeeze3A_509 : i32 to vector<16xi32>
          %add3A_525 = arith.addi %broadcast_in_dim3A_1, %add3A_524 : vector<16xi32>
          %gather3A_526 = tpu.vector_load_idx %arg12[%add3A_126, %add3A_525] : memref<64x512xf32, #tpu.memory_space<vmem>>[vector<16xi32>, vector<16xi32>], vector<16xf32>,
          %swap3A_527 = arith.constant 5 : i32
          %swap3A_528 = arith.index_cast %swap3A_527 : i32 to index
          %swap3A_529 = arith.constant 32 : index
          %swap3A_530 = tpu.vector_load %arg14[%swap3A_528, %swap3A_529] {strides = array<i32>} : memref<16x128xf32, #tpu.memory_space<vmem>>, vector<16xf32>,
          tpu.vector_store %arg14[%swap3A_528, %swap3A_529], %gather3A_526 {strides = array<i32>} : memref<16x128xf32, #tpu.memory_space<vmem>>, vector<16xf32>,
          %add3A_531 = vector.broadcast %squeeze3A_509 : i32 to vector<16xi32>
          %add3A_532 = arith.addi %broadcast_in_dim3A_1, %add3A_531 : vector<16xi32>
          %gather3A_533 = tpu.vector_load_idx %arg12[%add3A_129, %add3A_532] : memref<64x512xf32, #tpu.memory_space<vmem>>[vector<16xi32>, vector<16xi32>], vector<16xf32>,
          %swap3A_534 = arith.constant 5 : i32
          %swap3A_535 = arith.index_cast %swap3A_534 : i32 to index
          %swap3A_536 = arith.constant 48 : index
          %swap3A_537 = tpu.vector_load %arg14[%swap3A_535, %swap3A_536] {strides = array<i32>} : memref<16x128xf32, #tpu.memory_space<vmem>>, vector<16xf32>,
          tpu.vector_store %arg14[%swap3A_535, %swap3A_536], %gather3A_533 {strides = array<i32>} : memref<16x128xf32, #tpu.memory_space<vmem>>, vector<16xf32>,
          %slice3A_538 = vector.extract_strided_slice %select_n3A_351 {offsets = [6], sizes = [1], strides = [1]} : vector<16xi32> to vector<1xi32>
          %squeeze3A_539 = vector.extract %slice3A_538[0] : i32 from vector<1xi32>
          %add3A_540 = vector.broadcast %squeeze3A_539 : i32 to vector<16xi32>
          %add3A_541 = arith.addi %broadcast_in_dim3A_1, %add3A_540 : vector<16xi32>
          %gather3A_542 = tpu.vector_load_idx %arg12[%add3A_120, %add3A_541] : memref<64x512xf32, #tpu.memory_space<vmem>>[vector<16xi32>, vector<16xi32>], vector<16xf32>,
          %swap3A_543 = arith.constant 6 : i32
          %swap3A_544 = arith.index_cast %swap3A_543 : i32 to index
          %swap3A_545 = arith.constant 0 : index
          %swap3A_546 = tpu.vector_load %arg14[%swap3A_544, %swap3A_545] {strides = array<i32>} : memref<16x128xf32, #tpu.memory_space<vmem>>, vector<16xf32>,
          tpu.vector_store %arg14[%swap3A_544, %swap3A_545], %gather3A_542 {strides = array<i32>} : memref<16x128xf32, #tpu.memory_space<vmem>>, vector<16xf32>,
          %add3A_547 = vector.broadcast %squeeze3A_539 : i32 to vector<16xi32>
          %add3A_548 = arith.addi %broadcast_in_dim3A_1, %add3A_547 : vector<16xi32>
          %gather3A_549 = tpu.vector_load_idx %arg12[%add3A_123, %add3A_548] : memref<64x512xf32, #tpu.memory_space<vmem>>[vector<16xi32>, vector<16xi32>], vector<16xf32>,
          %swap3A_550 = arith.constant 6 : i32
          %swap3A_551 = arith.index_cast %swap3A_550 : i32 to index
          %swap3A_552 = arith.constant 16 : index
          %swap3A_553 = tpu.vector_load %arg14[%swap3A_551, %swap3A_552] {strides = array<i32>} : memref<16x128xf32, #tpu.memory_space<vmem>>, vector<16xf32>,
          tpu.vector_store %arg14[%swap3A_551, %swap3A_552], %gather3A_549 {strides = array<i32>} : memref<16x128xf32, #tpu.memory_space<vmem>>, vector<16xf32>,
          %add3A_554 = vector.broadcast %squeeze3A_539 : i32 to vector<16xi32>
          %add3A_555 = arith.addi %broadcast_in_dim3A_1, %add3A_554 : vector<16xi32>
          %gather3A_556 = tpu.vector_load_idx %arg12[%add3A_126, %add3A_555] : memref<64x512xf32, #tpu.memory_space<vmem>>[vector<16xi32>, vector<16xi32>], vector<16xf32>,
          %swap3A_557 = arith.constant 6 : i32
          %swap3A_558 = arith.index_cast %swap3A_557 : i32 to index
          %swap3A_559 = arith.constant 32 : index
          %swap3A_560 = tpu.vector_load %arg14[%swap3A_558, %swap3A_559] {strides = array<i32>} : memref<16x128xf32, #tpu.memory_space<vmem>>, vector<16xf32>,
          tpu.vector_store %arg14[%swap3A_558, %swap3A_559], %gather3A_556 {strides = array<i32>} : memref<16x128xf32, #tpu.memory_space<vmem>>, vector<16xf32>,
          %add3A_561 = vector.broadcast %squeeze3A_539 : i32 to vector<16xi32>
          %add3A_562 = arith.addi %broadcast_in_dim3A_1, %add3A_561 : vector<16xi32>
          %gather3A_563 = tpu.vector_load_idx %arg12[%add3A_129, %add3A_562] : memref<64x512xf32, #tpu.memory_space<vmem>>[vector<16xi32>, vector<16xi32>], vector<16xf32>,
          %swap3A_564 = arith.constant 6 : i32
          %swap3A_565 = arith.index_cast %swap3A_564 : i32 to index
          %swap3A_566 = arith.constant 48 : index
          %swap3A_567 = tpu.vector_load %arg14[%swap3A_565, %swap3A_566] {strides = array<i32>} : memref<16x128xf32, #tpu.memory_space<vmem>>, vector<16xf32>,
          tpu.vector_store %arg14[%swap3A_565, %swap3A_566], %gather3A_563 {strides = array<i32>} : memref<16x128xf32, #tpu.memory_space<vmem>>, vector<16xf32>,
          %slice3A_568 = vector.extract_strided_slice %select_n3A_351 {offsets = [7], sizes = [1], strides = [1]} : vector<16xi32> to vector<1xi32>
          %squeeze3A_569 = vector.extract %slice3A_568[0] : i32 from vector<1xi32>
          %add3A_570 = vector.broadcast %squeeze3A_569 : i32 to vector<16xi32>
          %add3A_571 = arith.addi %broadcast_in_dim3A_1, %add3A_570 : vector<16xi32>
          %gather3A_572 = tpu.vector_load_idx %arg12[%add3A_120, %add3A_571] : memref<64x512xf32, #tpu.memory_space<vmem>>[vector<16xi32>, vector<16xi32>], vector<16xf32>,
          %swap3A_573 = arith.constant 7 : i32
          %swap3A_574 = arith.index_cast %swap3A_573 : i32 to index
          %swap3A_575 = arith.constant 0 : index
          %swap3A_576 = tpu.vector_load %arg14[%swap3A_574, %swap3A_575] {strides = array<i32>} : memref<16x128xf32, #tpu.memory_space<vmem>>, vector<16xf32>,
          tpu.vector_store %arg14[%swap3A_574, %swap3A_575], %gather3A_572 {strides = array<i32>} : memref<16x128xf32, #tpu.memory_space<vmem>>, vector<16xf32>,
          %add3A_577 = vector.broadcast %squeeze3A_569 : i32 to vector<16xi32>
          %add3A_578 = arith.addi %broadcast_in_dim3A_1, %add3A_577 : vector<16xi32>
          %gather3A_579 = tpu.vector_load_idx %arg12[%add3A_123, %add3A_578] : memref<64x512xf32, #tpu.memory_space<vmem>>[vector<16xi32>, vector<16xi32>], vector<16xf32>,
          %swap3A_580 = arith.constant 7 : i32
          %swap3A_581 = arith.index_cast %swap3A_580 : i32 to index
          %swap3A_582 = arith.constant 16 : index
          %swap3A_583 = tpu.vector_load %arg14[%swap3A_581, %swap3A_582] {strides = array<i32>} : memref<16x128xf32, #tpu.memory_space<vmem>>, vector<16xf32>,
          tpu.vector_store %arg14[%swap3A_581, %swap3A_582], %gather3A_579 {strides = array<i32>} : memref<16x128xf32, #tpu.memory_space<vmem>>, vector<16xf32>,
          %add3A_584 = vector.broadcast %squeeze3A_569 : i32 to vector<16xi32>
          %add3A_585 = arith.addi %broadcast_in_dim3A_1, %add3A_584 : vector<16xi32>
          %gather3A_586 = tpu.vector_load_idx %arg12[%add3A_126, %add3A_585] : memref<64x512xf32, #tpu.memory_space<vmem>>[vector<16xi32>, vector<16xi32>], vector<16xf32>,
          %swap3A_587 = arith.constant 7 : i32
          %swap3A_588 = arith.index_cast %swap3A_587 : i32 to index
          %swap3A_589 = arith.constant 32 : index
          %swap3A_590 = tpu.vector_load %arg14[%swap3A_588, %swap3A_589] {strides = array<i32>} : memref<16x128xf32, #tpu.memory_space<vmem>>, vector<16xf32>,
          tpu.vector_store %arg14[%swap3A_588, %swap3A_589], %gather3A_586 {strides = array<i32>} : memref<16x128xf32, #tpu.memory_space<vmem>>, vector<16xf32>,
          %add3A_591 = vector.broadcast %squeeze3A_569 : i32 to vector<16xi32>
          %add3A_592 = arith.addi %broadcast_in_dim3A_1, %add3A_591 : vector<16xi32>
          %gather3A_593 = tpu.vector_load_idx %arg12[%add3A_129, %add3A_592] : memref<64x512xf32, #tpu.memory_space<vmem>>[vector<16xi32>, vector<16xi32>], vector<16xf32>,
          %swap3A_594 = arith.constant 7 : i32
          %swap3A_595 = arith.index_cast %swap3A_594 : i32 to index
          %swap3A_596 = arith.constant 48 : index
          %swap3A_597 = tpu.vector_load %arg14[%swap3A_595, %swap3A_596] {strides = array<i32>} : memref<16x128xf32, #tpu.memory_space<vmem>>, vector<16xf32>,
          tpu.vector_store %arg14[%swap3A_595, %swap3A_596], %gather3A_593 {strides = array<i32>} : memref<16x128xf32, #tpu.memory_space<vmem>>, vector<16xf32>,
          %slice3A_598 = vector.extract_strided_slice %select_n3A_351 {offsets = [8], sizes = [1], strides = [1]} : vector<16xi32> to vector<1xi32>
          %squeeze3A_599 = vector.extract %slice3A_598[0] : i32 from vector<1xi32>
          %add3A_600 = vector.broadcast %squeeze3A_599 : i32 to vector<16xi32>
          %add3A_601 = arith.addi %broadcast_in_dim3A_1, %add3A_600 : vector<16xi32>
          %gather3A_602 = tpu.vector_load_idx %arg12[%add3A_120, %add3A_601] : memref<64x512xf32, #tpu.memory_space<vmem>>[vector<16xi32>, vector<16xi32>], vector<16xf32>,
          %swap3A_603 = arith.constant 8 : i32
          %swap3A_604 = arith.index_cast %swap3A_603 : i32 to index
          %swap3A_605 = arith.constant 0 : index
          %swap3A_606 = tpu.vector_load %arg14[%swap3A_604, %swap3A_605] {strides = array<i32>} : memref<16x128xf32, #tpu.memory_space<vmem>>, vector<16xf32>,
          tpu.vector_store %arg14[%swap3A_604, %swap3A_605], %gather3A_602 {strides = array<i32>} : memref<16x128xf32, #tpu.memory_space<vmem>>, vector<16xf32>,
          %add3A_607 = vector.broadcast %squeeze3A_599 : i32 to vector<16xi32>
          %add3A_608 = arith.addi %broadcast_in_dim3A_1, %add3A_607 : vector<16xi32>
          %gather3A_609 = tpu.vector_load_idx %arg12[%add3A_123, %add3A_608] : memref<64x512xf32, #tpu.memory_space<vmem>>[vector<16xi32>, vector<16xi32>], vector<16xf32>,
          %swap3A_610 = arith.constant 8 : i32
          %swap3A_611 = arith.index_cast %swap3A_610 : i32 to index
          %swap3A_612 = arith.constant 16 : index
          %swap3A_613 = tpu.vector_load %arg14[%swap3A_611, %swap3A_612] {strides = array<i32>} : memref<16x128xf32, #tpu.memory_space<vmem>>, vector<16xf32>,
          tpu.vector_store %arg14[%swap3A_611, %swap3A_612], %gather3A_609 {strides = array<i32>} : memref<16x128xf32, #tpu.memory_space<vmem>>, vector<16xf32>,
          %add3A_614 = vector.broadcast %squeeze3A_599 : i32 to vector<16xi32>
          %add3A_615 = arith.addi %broadcast_in_dim3A_1, %add3A_614 : vector<16xi32>
          %gather3A_616 = tpu.vector_load_idx %arg12[%add3A_126, %add3A_615] : memref<64x512xf32, #tpu.memory_space<vmem>>[vector<16xi32>, vector<16xi32>], vector<16xf32>,
          %swap3A_617 = arith.constant 8 : i32
          %swap3A_618 = arith.index_cast %swap3A_617 : i32 to index
          %swap3A_619 = arith.constant 32 : index
          %swap3A_620 = tpu.vector_load %arg14[%swap3A_618, %swap3A_619] {strides = array<i32>} : memref<16x128xf32, #tpu.memory_space<vmem>>, vector<16xf32>,
          tpu.vector_store %arg14[%swap3A_618, %swap3A_619], %gather3A_616 {strides = array<i32>} : memref<16x128xf32, #tpu.memory_space<vmem>>, vector<16xf32>,
          %add3A_621 = vector.broadcast %squeeze3A_599 : i32 to vector<16xi32>
          %add3A_622 = arith.addi %broadcast_in_dim3A_1, %add3A_621 : vector<16xi32>
          %gather3A_623 = tpu.vector_load_idx %arg12[%add3A_129, %add3A_622] : memref<64x512xf32, #tpu.memory_space<vmem>>[vector<16xi32>, vector<16xi32>], vector<16xf32>,
          %swap3A_624 = arith.constant 8 : i32
          %swap3A_625 = arith.index_cast %swap3A_624 : i32 to index
          %swap3A_626 = arith.constant 48 : index
          %swap3A_627 = tpu.vector_load %arg14[%swap3A_625, %swap3A_626] {strides = array<i32>} : memref<16x128xf32, #tpu.memory_space<vmem>>, vector<16xf32>,
          tpu.vector_store %arg14[%swap3A_625, %swap3A_626], %gather3A_623 {strides = array<i32>} : memref<16x128xf32, #tpu.memory_space<vmem>>, vector<16xf32>,
          %slice3A_628 = vector.extract_strided_slice %select_n3A_351 {offsets = [9], sizes = [1], strides = [1]} : vector<16xi32> to vector<1xi32>
          %squeeze3A_629 = vector.extract %slice3A_628[0] : i32 from vector<1xi32>
          %add3A_630 = vector.broadcast %squeeze3A_629 : i32 to vector<16xi32>
          %add3A_631 = arith.addi %broadcast_in_dim3A_1, %add3A_630 : vector<16xi32>
          %gather3A_632 = tpu.vector_load_idx %arg12[%add3A_120, %add3A_631] : memref<64x512xf32, #tpu.memory_space<vmem>>[vector<16xi32>, vector<16xi32>], vector<16xf32>,
          %swap3A_633 = arith.constant 9 : i32
          %swap3A_634 = arith.index_cast %swap3A_633 : i32 to index
          %swap3A_635 = arith.constant 0 : index
          %swap3A_636 = tpu.vector_load %arg14[%swap3A_634, %swap3A_635] {strides = array<i32>} : memref<16x128xf32, #tpu.memory_space<vmem>>, vector<16xf32>,
          tpu.vector_store %arg14[%swap3A_634, %swap3A_635], %gather3A_632 {strides = array<i32>} : memref<16x128xf32, #tpu.memory_space<vmem>>, vector<16xf32>,
          %add3A_637 = vector.broadcast %squeeze3A_629 : i32 to vector<16xi32>
          %add3A_638 = arith.addi %broadcast_in_dim3A_1, %add3A_637 : vector<16xi32>
          %gather3A_639 = tpu.vector_load_idx %arg12[%add3A_123, %add3A_638] : memref<64x512xf32, #tpu.memory_space<vmem>>[vector<16xi32>, vector<16xi32>], vector<16xf32>,
          %swap3A_640 = arith.constant 9 : i32
          %swap3A_641 = arith.index_cast %swap3A_640 : i32 to index
          %swap3A_642 = arith.constant 16 : index
          %swap3A_643 = tpu.vector_load %arg14[%swap3A_641, %swap3A_642] {strides = array<i32>} : memref<16x128xf32, #tpu.memory_space<vmem>>, vector<16xf32>,
          tpu.vector_store %arg14[%swap3A_641, %swap3A_642], %gather3A_639 {strides = array<i32>} : memref<16x128xf32, #tpu.memory_space<vmem>>, vector<16xf32>,
          %add3A_644 = vector.broadcast %squeeze3A_629 : i32 to vector<16xi32>
          %add3A_645 = arith.addi %broadcast_in_dim3A_1, %add3A_644 : vector<16xi32>
          %gather3A_646 = tpu.vector_load_idx %arg12[%add3A_126, %add3A_645] : memref<64x512xf32, #tpu.memory_space<vmem>>[vector<16xi32>, vector<16xi32>], vector<16xf32>,
          %swap3A_647 = arith.constant 9 : i32
          %swap3A_648 = arith.index_cast %swap3A_647 : i32 to index
          %swap3A_649 = arith.constant 32 : index
          %swap3A_650 = tpu.vector_load %arg14[%swap3A_648, %swap3A_649] {strides = array<i32>} : memref<16x128xf32, #tpu.memory_space<vmem>>, vector<16xf32>,
          tpu.vector_store %arg14[%swap3A_648, %swap3A_649], %gather3A_646 {strides = array<i32>} : memref<16x128xf32, #tpu.memory_space<vmem>>, vector<16xf32>,
          %add3A_651 = vector.broadcast %squeeze3A_629 : i32 to vector<16xi32>
          %add3A_652 = arith.addi %broadcast_in_dim3A_1, %add3A_651 : vector<16xi32>
          %gather3A_653 = tpu.vector_load_idx %arg12[%add3A_129, %add3A_652] : memref<64x512xf32, #tpu.memory_space<vmem>>[vector<16xi32>, vector<16xi32>], vector<16xf32>,
          %swap3A_654 = arith.constant 9 : i32
          %swap3A_655 = arith.index_cast %swap3A_654 : i32 to index
          %swap3A_656 = arith.constant 48 : index
          %swap3A_657 = tpu.vector_load %arg14[%swap3A_655, %swap3A_656] {strides = array<i32>} : memref<16x128xf32, #tpu.memory_space<vmem>>, vector<16xf32>,
          tpu.vector_store %arg14[%swap3A_655, %swap3A_656], %gather3A_653 {strides = array<i32>} : memref<16x128xf32, #tpu.memory_space<vmem>>, vector<16xf32>,
          %slice3A_658 = vector.extract_strided_slice %select_n3A_351 {offsets = [10], sizes = [1], strides = [1]} : vector<16xi32> to vector<1xi32>
          %squeeze3A_659 = vector.extract %slice3A_658[0] : i32 from vector<1xi32>
          %add3A_660 = vector.broadcast %squeeze3A_659 : i32 to vector<16xi32>
          %add3A_661 = arith.addi %broadcast_in_dim3A_1, %add3A_660 : vector<16xi32>
          %gather3A_662 = tpu.vector_load_idx %arg12[%add3A_120, %add3A_661] : memref<64x512xf32, #tpu.memory_space<vmem>>[vector<16xi32>, vector<16xi32>], vector<16xf32>,
          %swap3A_663 = arith.constant 10 : i32
          %swap3A_664 = arith.index_cast %swap3A_663 : i32 to index
          %swap3A_665 = arith.constant 0 : index
          %swap3A_666 = tpu.vector_load %arg14[%swap3A_664, %swap3A_665] {strides = array<i32>} : memref<16x128xf32, #tpu.memory_space<vmem>>, vector<16xf32>,
          tpu.vector_store %arg14[%swap3A_664, %swap3A_665], %gather3A_662 {strides = array<i32>} : memref<16x128xf32, #tpu.memory_space<vmem>>, vector<16xf32>,
          %add3A_667 = vector.broadcast %squeeze3A_659 : i32 to vector<16xi32>
          %add3A_668 = arith.addi %broadcast_in_dim3A_1, %add3A_667 : vector<16xi32>
          %gather3A_669 = tpu.vector_load_idx %arg12[%add3A_123, %add3A_668] : memref<64x512xf32, #tpu.memory_space<vmem>>[vector<16xi32>, vector<16xi32>], vector<16xf32>,
          %swap3A_670 = arith.constant 10 : i32
          %swap3A_671 = arith.index_cast %swap3A_670 : i32 to index
          %swap3A_672 = arith.constant 16 : index
          %swap3A_673 = tpu.vector_load %arg14[%swap3A_671, %swap3A_672] {strides = array<i32>} : memref<16x128xf32, #tpu.memory_space<vmem>>, vector<16xf32>,
          tpu.vector_store %arg14[%swap3A_671, %swap3A_672], %gather3A_669 {strides = array<i32>} : memref<16x128xf32, #tpu.memory_space<vmem>>, vector<16xf32>,
          %add3A_674 = vector.broadcast %squeeze3A_659 : i32 to vector<16xi32>
          %add3A_675 = arith.addi %broadcast_in_dim3A_1, %add3A_674 : vector<16xi32>
          %gather3A_676 = tpu.vector_load_idx %arg12[%add3A_126, %add3A_675] : memref<64x512xf32, #tpu.memory_space<vmem>>[vector<16xi32>, vector<16xi32>], vector<16xf32>,
          %swap3A_677 = arith.constant 10 : i32
          %swap3A_678 = arith.index_cast %swap3A_677 : i32 to index
          %swap3A_679 = arith.constant 32 : index
          %swap3A_680 = tpu.vector_load %arg14[%swap3A_678, %swap3A_679] {strides = array<i32>} : memref<16x128xf32, #tpu.memory_space<vmem>>, vector<16xf32>,
          tpu.vector_store %arg14[%swap3A_678, %swap3A_679], %gather3A_676 {strides = array<i32>} : memref<16x128xf32, #tpu.memory_space<vmem>>, vector<16xf32>,
          %add3A_681 = vector.broadcast %squeeze3A_659 : i32 to vector<16xi32>
          %add3A_682 = arith.addi %broadcast_in_dim3A_1, %add3A_681 : vector<16xi32>
          %gather3A_683 = tpu.vector_load_idx %arg12[%add3A_129, %add3A_682] : memref<64x512xf32, #tpu.memory_space<vmem>>[vector<16xi32>, vector<16xi32>], vector<16xf32>,
          %swap3A_684 = arith.constant 10 : i32
          %swap3A_685 = arith.index_cast %swap3A_684 : i32 to index
          %swap3A_686 = arith.constant 48 : index
          %swap3A_687 = tpu.vector_load %arg14[%swap3A_685, %swap3A_686] {strides = array<i32>} : memref<16x128xf32, #tpu.memory_space<vmem>>, vector<16xf32>,
          tpu.vector_store %arg14[%swap3A_685, %swap3A_686], %gather3A_683 {strides = array<i32>} : memref<16x128xf32, #tpu.memory_space<vmem>>, vector<16xf32>,
          %slice3A_688 = vector.extract_strided_slice %select_n3A_351 {offsets = [11], sizes = [1], strides = [1]} : vector<16xi32> to vector<1xi32>
          %squeeze3A_689 = vector.extract %slice3A_688[0] : i32 from vector<1xi32>
          %add3A_690 = vector.broadcast %squeeze3A_689 : i32 to vector<16xi32>
          %add3A_691 = arith.addi %broadcast_in_dim3A_1, %add3A_690 : vector<16xi32>
          %gather3A_692 = tpu.vector_load_idx %arg12[%add3A_120, %add3A_691] : memref<64x512xf32, #tpu.memory_space<vmem>>[vector<16xi32>, vector<16xi32>], vector<16xf32>,
          %swap3A_693 = arith.constant 11 : i32
          %swap3A_694 = arith.index_cast %swap3A_693 : i32 to index
          %swap3A_695 = arith.constant 0 : index
          %swap3A_696 = tpu.vector_load %arg14[%swap3A_694, %swap3A_695] {strides = array<i32>} : memref<16x128xf32, #tpu.memory_space<vmem>>, vector<16xf32>,
          tpu.vector_store %arg14[%swap3A_694, %swap3A_695], %gather3A_692 {strides = array<i32>} : memref<16x128xf32, #tpu.memory_space<vmem>>, vector<16xf32>,
          %add3A_697 = vector.broadcast %squeeze3A_689 : i32 to vector<16xi32>
          %add3A_698 = arith.addi %broadcast_in_dim3A_1, %add3A_697 : vector<16xi32>
          %gather3A_699 = tpu.vector_load_idx %arg12[%add3A_123, %add3A_698] : memref<64x512xf32, #tpu.memory_space<vmem>>[vector<16xi32>, vector<16xi32>], vector<16xf32>,
          %swap3A_700 = arith.constant 11 : i32
          %swap3A_701 = arith.index_cast %swap3A_700 : i32 to index
          %swap3A_702 = arith.constant 16 : index
          %swap3A_703 = tpu.vector_load %arg14[%swap3A_701, %swap3A_702] {strides = array<i32>} : memref<16x128xf32, #tpu.memory_space<vmem>>, vector<16xf32>,
          tpu.vector_store %arg14[%swap3A_701, %swap3A_702], %gather3A_699 {strides = array<i32>} : memref<16x128xf32, #tpu.memory_space<vmem>>, vector<16xf32>,
          %add3A_704 = vector.broadcast %squeeze3A_689 : i32 to vector<16xi32>
          %add3A_705 = arith.addi %broadcast_in_dim3A_1, %add3A_704 : vector<16xi32>
          %gather3A_706 = tpu.vector_load_idx %arg12[%add3A_126, %add3A_705] : memref<64x512xf32, #tpu.memory_space<vmem>>[vector<16xi32>, vector<16xi32>], vector<16xf32>,
          %swap3A_707 = arith.constant 11 : i32
          %swap3A_708 = arith.index_cast %swap3A_707 : i32 to index
          %swap3A_709 = arith.constant 32 : index
          %swap3A_710 = tpu.vector_load %arg14[%swap3A_708, %swap3A_709] {strides = array<i32>} : memref<16x128xf32, #tpu.memory_space<vmem>>, vector<16xf32>,
          tpu.vector_store %arg14[%swap3A_708, %swap3A_709], %gather3A_706 {strides = array<i32>} : memref<16x128xf32, #tpu.memory_space<vmem>>, vector<16xf32>,
          %add3A_711 = vector.broadcast %squeeze3A_689 : i32 to vector<16xi32>
          %add3A_712 = arith.addi %broadcast_in_dim3A_1, %add3A_711 : vector<16xi32>
          %gather3A_713 = tpu.vector_load_idx %arg12[%add3A_129, %add3A_712] : memref<64x512xf32, #tpu.memory_space<vmem>>[vector<16xi32>, vector<16xi32>], vector<16xf32>,
          %swap3A_714 = arith.constant 11 : i32
          %swap3A_715 = arith.index_cast %swap3A_714 : i32 to index
          %swap3A_716 = arith.constant 48 : index
          %swap3A_717 = tpu.vector_load %arg14[%swap3A_715, %swap3A_716] {strides = array<i32>} : memref<16x128xf32, #tpu.memory_space<vmem>>, vector<16xf32>,
          tpu.vector_store %arg14[%swap3A_715, %swap3A_716], %gather3A_713 {strides = array<i32>} : memref<16x128xf32, #tpu.memory_space<vmem>>, vector<16xf32>,
          %slice3A_718 = vector.extract_strided_slice %select_n3A_351 {offsets = [12], sizes = [1], strides = [1]} : vector<16xi32> to vector<1xi32>
          %squeeze3A_719 = vector.extract %slice3A_718[0] : i32 from vector<1xi32>
          %add3A_720 = vector.broadcast %squeeze3A_719 : i32 to vector<16xi32>
          %add3A_721 = arith.addi %broadcast_in_dim3A_1, %add3A_720 : vector<16xi32>
          %gather3A_722 = tpu.vector_load_idx %arg12[%add3A_120, %add3A_721] : memref<64x512xf32, #tpu.memory_space<vmem>>[vector<16xi32>, vector<16xi32>], vector<16xf32>,
          %swap3A_723 = arith.constant 12 : i32
          %swap3A_724 = arith.index_cast %swap3A_723 : i32 to index
          %swap3A_725 = arith.constant 0 : index
          %swap3A_726 = tpu.vector_load %arg14[%swap3A_724, %swap3A_725] {strides = array<i32>} : memref<16x128xf32, #tpu.memory_space<vmem>>, vector<16xf32>,
          tpu.vector_store %arg14[%swap3A_724, %swap3A_725], %gather3A_722 {strides = array<i32>} : memref<16x128xf32, #tpu.memory_space<vmem>>, vector<16xf32>,
          %add3A_727 = vector.broadcast %squeeze3A_719 : i32 to vector<16xi32>
          %add3A_728 = arith.addi %broadcast_in_dim3A_1, %add3A_727 : vector<16xi32>
          %gather3A_729 = tpu.vector_load_idx %arg12[%add3A_123, %add3A_728] : memref<64x512xf32, #tpu.memory_space<vmem>>[vector<16xi32>, vector<16xi32>], vector<16xf32>,
          %swap3A_730 = arith.constant 12 : i32
          %swap3A_731 = arith.index_cast %swap3A_730 : i32 to index
          %swap3A_732 = arith.constant 16 : index
          %swap3A_733 = tpu.vector_load %arg14[%swap3A_731, %swap3A_732] {strides = array<i32>} : memref<16x128xf32, #tpu.memory_space<vmem>>, vector<16xf32>,
          tpu.vector_store %arg14[%swap3A_731, %swap3A_732], %gather3A_729 {strides = array<i32>} : memref<16x128xf32, #tpu.memory_space<vmem>>, vector<16xf32>,
          %add3A_734 = vector.broadcast %squeeze3A_719 : i32 to vector<16xi32>
          %add3A_735 = arith.addi %broadcast_in_dim3A_1, %add3A_734 : vector<16xi32>
          %gather3A_736 = tpu.vector_load_idx %arg12[%add3A_126, %add3A_735] : memref<64x512xf32, #tpu.memory_space<vmem>>[vector<16xi32>, vector<16xi32>], vector<16xf32>,
          %swap3A_737 = arith.constant 12 : i32
          %swap3A_738 = arith.index_cast %swap3A_737 : i32 to index
          %swap3A_739 = arith.constant 32 : index
          %swap3A_740 = tpu.vector_load %arg14[%swap3A_738, %swap3A_739] {strides = array<i32>} : memref<16x128xf32, #tpu.memory_space<vmem>>, vector<16xf32>,
          tpu.vector_store %arg14[%swap3A_738, %swap3A_739], %gather3A_736 {strides = array<i32>} : memref<16x128xf32, #tpu.memory_space<vmem>>, vector<16xf32>,
          %add3A_741 = vector.broadcast %squeeze3A_719 : i32 to vector<16xi32>
          %add3A_742 = arith.addi %broadcast_in_dim3A_1, %add3A_741 : vector<16xi32>
          %gather3A_743 = tpu.vector_load_idx %arg12[%add3A_129, %add3A_742] : memref<64x512xf32, #tpu.memory_space<vmem>>[vector<16xi32>, vector<16xi32>], vector<16xf32>,
          %swap3A_744 = arith.constant 12 : i32
          %swap3A_745 = arith.index_cast %swap3A_744 : i32 to index
          %swap3A_746 = arith.constant 48 : index
          %swap3A_747 = tpu.vector_load %arg14[%swap3A_745, %swap3A_746] {strides = array<i32>} : memref<16x128xf32, #tpu.memory_space<vmem>>, vector<16xf32>,
          tpu.vector_store %arg14[%swap3A_745, %swap3A_746], %gather3A_743 {strides = array<i32>} : memref<16x128xf32, #tpu.memory_space<vmem>>, vector<16xf32>,
          %slice3A_748 = vector.extract_strided_slice %select_n3A_351 {offsets = [13], sizes = [1], strides = [1]} : vector<16xi32> to vector<1xi32>
          %squeeze3A_749 = vector.extract %slice3A_748[0] : i32 from vector<1xi32>
          %add3A_750 = vector.broadcast %squeeze3A_749 : i32 to vector<16xi32>
          %add3A_751 = arith.addi %broadcast_in_dim3A_1, %add3A_750 : vector<16xi32>
          %gather3A_752 = tpu.vector_load_idx %arg12[%add3A_120, %add3A_751] : memref<64x512xf32, #tpu.memory_space<vmem>>[vector<16xi32>, vector<16xi32>], vector<16xf32>,
          %swap3A_753 = arith.constant 13 : i32
          %swap3A_754 = arith.index_cast %swap3A_753 : i32 to index
          %swap3A_755 = arith.constant 0 : index
          %swap3A_756 = tpu.vector_load %arg14[%swap3A_754, %swap3A_755] {strides = array<i32>} : memref<16x128xf32, #tpu.memory_space<vmem>>, vector<16xf32>,
          tpu.vector_store %arg14[%swap3A_754, %swap3A_755], %gather3A_752 {strides = array<i32>} : memref<16x128xf32, #tpu.memory_space<vmem>>, vector<16xf32>,
          %add3A_757 = vector.broadcast %squeeze3A_749 : i32 to vector<16xi32>
          %add3A_758 = arith.addi %broadcast_in_dim3A_1, %add3A_757 : vector<16xi32>
          %gather3A_759 = tpu.vector_load_idx %arg12[%add3A_123, %add3A_758] : memref<64x512xf32, #tpu.memory_space<vmem>>[vector<16xi32>, vector<16xi32>], vector<16xf32>,
          %swap3A_760 = arith.constant 13 : i32
          %swap3A_761 = arith.index_cast %swap3A_760 : i32 to index
          %swap3A_762 = arith.constant 16 : index
          %swap3A_763 = tpu.vector_load %arg14[%swap3A_761, %swap3A_762] {strides = array<i32>} : memref<16x128xf32, #tpu.memory_space<vmem>>, vector<16xf32>,
          tpu.vector_store %arg14[%swap3A_761, %swap3A_762], %gather3A_759 {strides = array<i32>} : memref<16x128xf32, #tpu.memory_space<vmem>>, vector<16xf32>,
          %add3A_764 = vector.broadcast %squeeze3A_749 : i32 to vector<16xi32>
          %add3A_765 = arith.addi %broadcast_in_dim3A_1, %add3A_764 : vector<16xi32>
          %gather3A_766 = tpu.vector_load_idx %arg12[%add3A_126, %add3A_765] : memref<64x512xf32, #tpu.memory_space<vmem>>[vector<16xi32>, vector<16xi32>], vector<16xf32>,
          %swap3A_767 = arith.constant 13 : i32
          %swap3A_768 = arith.index_cast %swap3A_767 : i32 to index
          %swap3A_769 = arith.constant 32 : index
          %swap3A_770 = tpu.vector_load %arg14[%swap3A_768, %swap3A_769] {strides = array<i32>} : memref<16x128xf32, #tpu.memory_space<vmem>>, vector<16xf32>,
          tpu.vector_store %arg14[%swap3A_768, %swap3A_769], %gather3A_766 {strides = array<i32>} : memref<16x128xf32, #tpu.memory_space<vmem>>, vector<16xf32>,
          %add3A_771 = vector.broadcast %squeeze3A_749 : i32 to vector<16xi32>
          %add3A_772 = arith.addi %broadcast_in_dim3A_1, %add3A_771 : vector<16xi32>
          %gather3A_773 = tpu.vector_load_idx %arg12[%add3A_129, %add3A_772] : memref<64x512xf32, #tpu.memory_space<vmem>>[vector<16xi32>, vector<16xi32>], vector<16xf32>,
          %swap3A_774 = arith.constant 13 : i32
          %swap3A_775 = arith.index_cast %swap3A_774 : i32 to index
          %swap3A_776 = arith.constant 48 : index
          %swap3A_777 = tpu.vector_load %arg14[%swap3A_775, %swap3A_776] {strides = array<i32>} : memref<16x128xf32, #tpu.memory_space<vmem>>, vector<16xf32>,
          tpu.vector_store %arg14[%swap3A_775, %swap3A_776], %gather3A_773 {strides = array<i32>} : memref<16x128xf32, #tpu.memory_space<vmem>>, vector<16xf32>,
          %slice3A_778 = vector.extract_strided_slice %select_n3A_351 {offsets = [14], sizes = [1], strides = [1]} : vector<16xi32> to vector<1xi32>
          %squeeze3A_779 = vector.extract %slice3A_778[0] : i32 from vector<1xi32>
          %add3A_780 = vector.broadcast %squeeze3A_779 : i32 to vector<16xi32>
          %add3A_781 = arith.addi %broadcast_in_dim3A_1, %add3A_780 : vector<16xi32>
          %gather3A_782 = tpu.vector_load_idx %arg12[%add3A_120, %add3A_781] : memref<64x512xf32, #tpu.memory_space<vmem>>[vector<16xi32>, vector<16xi32>], vector<16xf32>,
          %swap3A_783 = arith.constant 14 : i32
          %swap3A_784 = arith.index_cast %swap3A_783 : i32 to index
          %swap3A_785 = arith.constant 0 : index
          %swap3A_786 = tpu.vector_load %arg14[%swap3A_784, %swap3A_785] {strides = array<i32>} : memref<16x128xf32, #tpu.memory_space<vmem>>, vector<16xf32>,
          tpu.vector_store %arg14[%swap3A_784, %swap3A_785], %gather3A_782 {strides = array<i32>} : memref<16x128xf32, #tpu.memory_space<vmem>>, vector<16xf32>,
          %add3A_787 = vector.broadcast %squeeze3A_779 : i32 to vector<16xi32>
          %add3A_788 = arith.addi %broadcast_in_dim3A_1, %add3A_787 : vector<16xi32>
          %gather3A_789 = tpu.vector_load_idx %arg12[%add3A_123, %add3A_788] : memref<64x512xf32, #tpu.memory_space<vmem>>[vector<16xi32>, vector<16xi32>], vector<16xf32>,
          %swap3A_790 = arith.constant 14 : i32
          %swap3A_791 = arith.index_cast %swap3A_790 : i32 to index
          %swap3A_792 = arith.constant 16 : index
          %swap3A_793 = tpu.vector_load %arg14[%swap3A_791, %swap3A_792] {strides = array<i32>} : memref<16x128xf32, #tpu.memory_space<vmem>>, vector<16xf32>,
          tpu.vector_store %arg14[%swap3A_791, %swap3A_792], %gather3A_789 {strides = array<i32>} : memref<16x128xf32, #tpu.memory_space<vmem>>, vector<16xf32>,
          %add3A_794 = vector.broadcast %squeeze3A_779 : i32 to vector<16xi32>
          %add3A_795 = arith.addi %broadcast_in_dim3A_1, %add3A_794 : vector<16xi32>
          %gather3A_796 = tpu.vector_load_idx %arg12[%add3A_126, %add3A_795] : memref<64x512xf32, #tpu.memory_space<vmem>>[vector<16xi32>, vector<16xi32>], vector<16xf32>,
          %swap3A_797 = arith.constant 14 : i32
          %swap3A_798 = arith.index_cast %swap3A_797 : i32 to index
          %swap3A_799 = arith.constant 32 : index
          %swap3A_800 = tpu.vector_load %arg14[%swap3A_798, %swap3A_799] {strides = array<i32>} : memref<16x128xf32, #tpu.memory_space<vmem>>, vector<16xf32>,
          tpu.vector_store %arg14[%swap3A_798, %swap3A_799], %gather3A_796 {strides = array<i32>} : memref<16x128xf32, #tpu.memory_space<vmem>>, vector<16xf32>,
          %add3A_801 = vector.broadcast %squeeze3A_779 : i32 to vector<16xi32>
          %add3A_802 = arith.addi %broadcast_in_dim3A_1, %add3A_801 : vector<16xi32>
          %gather3A_803 = tpu.vector_load_idx %arg12[%add3A_129, %add3A_802] : memref<64x512xf32, #tpu.memory_space<vmem>>[vector<16xi32>, vector<16xi32>], vector<16xf32>,
          %swap3A_804 = arith.constant 14 : i32
          %swap3A_805 = arith.index_cast %swap3A_804 : i32 to index
          %swap3A_806 = arith.constant 48 : index
          %swap3A_807 = tpu.vector_load %arg14[%swap3A_805, %swap3A_806] {strides = array<i32>} : memref<16x128xf32, #tpu.memory_space<vmem>>, vector<16xf32>,
          tpu.vector_store %arg14[%swap3A_805, %swap3A_806], %gather3A_803 {strides = array<i32>} : memref<16x128xf32, #tpu.memory_space<vmem>>, vector<16xf32>,
          %slice3A_808 = vector.extract_strided_slice %select_n3A_351 {offsets = [15], sizes = [1], strides = [1]} : vector<16xi32> to vector<1xi32>
          %squeeze3A_809 = vector.extract %slice3A_808[0] : i32 from vector<1xi32>
          %add3A_810 = vector.broadcast %squeeze3A_809 : i32 to vector<16xi32>
          %add3A_811 = arith.addi %broadcast_in_dim3A_1, %add3A_810 : vector<16xi32>
          %gather3A_812 = tpu.vector_load_idx %arg12[%add3A_120, %add3A_811] : memref<64x512xf32, #tpu.memory_space<vmem>>[vector<16xi32>, vector<16xi32>], vector<16xf32>,
          %swap3A_813 = arith.constant 15 : i32
          %swap3A_814 = arith.index_cast %swap3A_813 : i32 to index
          %swap3A_815 = arith.constant 0 : index
          %swap3A_816 = tpu.vector_load %arg14[%swap3A_814, %swap3A_815] {strides = array<i32>} : memref<16x128xf32, #tpu.memory_space<vmem>>, vector<16xf32>,
          tpu.vector_store %arg14[%swap3A_814, %swap3A_815], %gather3A_812 {strides = array<i32>} : memref<16x128xf32, #tpu.memory_space<vmem>>, vector<16xf32>,
          %add3A_817 = vector.broadcast %squeeze3A_809 : i32 to vector<16xi32>
          %add3A_818 = arith.addi %broadcast_in_dim3A_1, %add3A_817 : vector<16xi32>
          %gather3A_819 = tpu.vector_load_idx %arg12[%add3A_123, %add3A_818] : memref<64x512xf32, #tpu.memory_space<vmem>>[vector<16xi32>, vector<16xi32>], vector<16xf32>,
          %swap3A_820 = arith.constant 15 : i32
          %swap3A_821 = arith.index_cast %swap3A_820 : i32 to index
          %swap3A_822 = arith.constant 16 : index
          %swap3A_823 = tpu.vector_load %arg14[%swap3A_821, %swap3A_822] {strides = array<i32>} : memref<16x128xf32, #tpu.memory_space<vmem>>, vector<16xf32>,
          tpu.vector_store %arg14[%swap3A_821, %swap3A_822], %gather3A_819 {strides = array<i32>} : memref<16x128xf32, #tpu.memory_space<vmem>>, vector<16xf32>,
          %add3A_824 = vector.broadcast %squeeze3A_809 : i32 to vector<16xi32>
          %add3A_825 = arith.addi %broadcast_in_dim3A_1, %add3A_824 : vector<16xi32>
          %gather3A_826 = tpu.vector_load_idx %arg12[%add3A_126, %add3A_825] : memref<64x512xf32, #tpu.memory_space<vmem>>[vector<16xi32>, vector<16xi32>], vector<16xf32>,
          %swap3A_827 = arith.constant 15 : i32
          %swap3A_828 = arith.index_cast %swap3A_827 : i32 to index
          %swap3A_829 = arith.constant 32 : index
          %swap3A_830 = tpu.vector_load %arg14[%swap3A_828, %swap3A_829] {strides = array<i32>} : memref<16x128xf32, #tpu.memory_space<vmem>>, vector<16xf32>,
          tpu.vector_store %arg14[%swap3A_828, %swap3A_829], %gather3A_826 {strides = array<i32>} : memref<16x128xf32, #tpu.memory_space<vmem>>, vector<16xf32>,
          %add3A_831 = vector.broadcast %squeeze3A_809 : i32 to vector<16xi32>
          %add3A_832 = arith.addi %broadcast_in_dim3A_1, %add3A_831 : vector<16xi32>
          %gather3A_833 = tpu.vector_load_idx %arg12[%add3A_129, %add3A_832] : memref<64x512xf32, #tpu.memory_space<vmem>>[vector<16xi32>, vector<16xi32>], vector<16xf32>,
          %swap3A_834 = arith.constant 15 : i32
          %swap3A_835 = arith.index_cast %swap3A_834 : i32 to index
          %swap3A_836 = arith.constant 48 : index
          %swap3A_837 = tpu.vector_load %arg14[%swap3A_835, %swap3A_836] {strides = array<i32>} : memref<16x128xf32, #tpu.memory_space<vmem>>, vector<16xf32>,
          tpu.vector_store %arg14[%swap3A_835, %swap3A_836], %gather3A_833 {strides = array<i32>} : memref<16x128xf32, #tpu.memory_space<vmem>>, vector<16xf32>,
          %dma_start3A_838 = arith.constant 0 : i32
          %dma_start3A_839 = arith.constant 0 : i32
          %dma_start3A_840 = tpu.memref_slice %arg4[%dma_start3A_838, %dma_start3A_839] : memref<16448x128xf32, #tpu.memory_space<hbm>> -> memref<16448x128xf32, #tpu.memory_space<hbm>>
          tpu.enqueue_indirect_dma source(%arg14 : memref<16x128xf32, #tpu.memory_space<vmem>>) target(%dma_start3A_840 : memref<16448x128xf32, #tpu.memory_space<hbm>>) offsets(%arg16 : memref<16xi32, #tpu.memory_space<vmem>>) semaphore(%arg20 : memref<!tpu.dma_semaphore, #tpu.memory_space<semaphore_mem>>)
        }
      } else {
      }
    }
    %while3A_191 = arith.constant 1 : i32
    scf.for %while3A_197 = %while3A_189 to %while3A_185 step %while3A_191  : i32 {
      %mul3A_198 = arith.constant 2 : i32
      %mul3A_199 = arith.muli %mul3A_198, %while3A_197 : i32
      %mul3A_200 = arith.constant 2 : i32
      %mul3A_201 = arith.muli %mul3A_200, %while3A_197 : i32
      %add3A_202 = arith.constant 1 : i32
      %add3A_203 = arith.addi %mul3A_201, %add3A_202 : i32
      %lt3A = arith.cmpi slt, %add3A_203, %select_n3A : i32
      %convert_element_type3A = arith.extui %lt3A : i1 to i32
      %cond3A = arith.constant 0 : i32
      %cond3A_204 = arith.cmpi ne, %convert_element_type3A, %cond3A : i32
      scf.if %cond3A_204 {
        %mul3A_272 = arith.constant 32 : i32
        %mul3A_273 = arith.muli %mul3A_272, %add3A_203 : i32
        %add3A_274 = arith.addi %add3A, %mul3A_273 : i32
        %mul3A_275 = arith.constant 512 : i32
        %mul3A_276 = arith.muli %add3A_274, %mul3A_275 : i32
        %multiple_of3A_277 = tpu.assume_multiple %mul3A_276, 512 : i32
        %dma_start3A_278 = arith.constant 0 : i32
        %dma_start3A_279 = tpu.memref_slice %arg3[%dma_start3A_278, %multiple_of3A_277] : memref<64x1000000xf32, #tpu.memory_space<hbm>> -> memref<64x512xf32, #tpu.memory_space<hbm>>
        %dma_start3A_280 = arith.constant 0 : i32
        %dma_start3A_281 = tpu.memref_slice %arg3[%dma_start3A_280, %multiple_of3A_277] : memref<64x1000000xf32, #tpu.memory_space<hbm>> -> memref<64x512xf32, #tpu.memory_space<hbm>>
        tpu.enqueue_dma source(%dma_start3A_281 : memref<64x512xf32, #tpu.memory_space<hbm>>) target(%arg12 : memref<64x512xf32, #tpu.memory_space<vmem>>) target_semaphore(%arg18 : memref<!tpu.dma_semaphore, #tpu.memory_space<semaphore_mem>>)
      } else {
      }
      %dma_wait3A_205 = arith.constant 0 : i32
      %dma_wait3A_206 = arith.constant 0 : i32
      %dma_wait3A_207 = tpu.memref_slice %arg3[%dma_wait3A_205, %dma_wait3A_206] : memref<64x1000000xf32, #tpu.memory_space<hbm>> -> memref<64x512xf32, #tpu.memory_space<hbm>>
      %dma_wait3A_208 = arith.constant 0 : i32
      %dma_wait3A_209 = arith.constant 0 : i32
      %dma_wait3A_210 = tpu.memref_slice %arg3[%dma_wait3A_208, %dma_wait3A_209] : memref<64x1000000xf32, #tpu.memory_space<hbm>> -> memref<64x512xf32, #tpu.memory_space<hbm>>
      tpu.wait_dma2 semaphore(%arg17 : memref<!tpu.dma_semaphore, #tpu.memory_space<semaphore_mem>>) src(%dma_wait3A_210 : memref<64x512xf32, #tpu.memory_space<hbm>>) dst(%arg11 : memref<64x512xf32, #tpu.memory_space<vmem>>)
      %mul3A_211 = arith.constant 32 : i32
      %mul3A_212 = arith.muli %mul3A_211, %mul3A_199 : i32
      %add3A_213 = arith.addi %add3A, %mul3A_212 : i32
      %mul3A_214 = arith.constant 512 : i32
      %mul3A_215 = arith.muli %add3A_213, %mul3A_214 : i32
      %multiple_of3A_216 = tpu.assume_multiple %mul3A_215, 512 : i32
      %add3A_217 = vector.broadcast %mul3A_199 : i32 to vector<16xi32>
      %add3A_218 = arith.addi %broadcast_in_dim3A_1, %add3A_217 : vector<16xi32>
      %gather3A = tpu.vector_load_idx %arg8[%add3A_218] : memref<64xi32, #tpu.memory_space<vmem>>[vector<16xi32>], vector<16xi32>,
      %slice3A_219 = vector.extract_strided_slice %gather3A {offsets = [0], sizes = [1], strides = [1]} : vector<16xi32> to vector<1xi32>
      %squeeze3A_220 = vector.extract %slice3A_219[0] : i32 from vector<1xi32>
      %gather3A_221 = tpu.vector_load_idx %arg9[%add3A_218] : memref<64xi32, #tpu.memory_space<vmem>>[vector<16xi32>], vector<16xi32>,
      %slice3A_222 = vector.extract_strided_slice %gather3A_221 {offsets = [0], sizes = [1], strides = [1]} : vector<16xi32> to vector<1xi32>
      %squeeze3A_223 = vector.extract %slice3A_222[0] : i32 from vector<1xi32>
      %add3A_224 = arith.constant 16 : i32
      %add3A_225 = arith.addi %squeeze3A_220, %add3A_224 : i32
      %sub3A_226 = arith.constant 1 : i32
      %sub3A_227 = arith.subi %add3A_225, %sub3A_226 : i32
      %jit3A_228 = arith.constant 16 : i32
      %div3A_229 = arith.divsi %sub3A_227, %jit3A_228 : i32
      %sign3A_230 = arith.constant 0 : i32
      %sign3A_231 = arith.cmpi sgt, %sub3A_227, %sign3A_230 : i32
      %sign3A_232 = arith.extui %sign3A_231 : i1 to i32
      %sign3A_233 = arith.constant 0 : i32
      %sign3A_234 = arith.cmpi slt, %sub3A_227, %sign3A_233 : i32
      %sign3A_235 = arith.extui %sign3A_234 : i1 to i32
      %sign3A_236 = arith.subi %sign3A_232, %sign3A_235 : i32
      %sign3A_237 = arith.constant 0 : i32
      %sign3A_238 = arith.cmpi sgt, %jit3A_228, %sign3A_237 : i32
      %sign3A_239 = arith.extui %sign3A_238 : i1 to i32
      %sign3A_240 = arith.constant 0 : i32
      %sign3A_241 = arith.cmpi slt, %jit3A_228, %sign3A_240 : i32
      %sign3A_242 = arith.extui %sign3A_241 : i1 to i32
      %sign3A_243 = arith.subi %sign3A_239, %sign3A_242 : i32
      %ne3A_244 = arith.cmpi ne, %sign3A_236, %sign3A_243 : i32
      %rem3A_245 = arith.remsi %sub3A_227, %jit3A_228 : i32
      %ne3A_246 = arith.constant 0 : i32
      %ne3A_247 = arith.cmpi ne, %rem3A_245, %ne3A_246 : i32
      %and3A_248 = arith.andi %ne3A_244, %ne3A_247 : i1
      %sub3A_249 = arith.constant 1 : i32
      %sub3A_250 = arith.subi %div3A_229, %sub3A_249 : i32
      %select_n3A_251 = arith.select %and3A_248, %sub3A_250, %div3A_229 : i32
      %while3A_252 = arith.constant 0 : i32
      %while3A_253 = arith.constant 0 : i32
      %while3A_254 = arith.subi %select_n3A_251, %while3A_253 : i32
      %while3A_255 = arith.addi %while3A_253, %while3A_254 : i32
      %while3A_256 = arith.constant 1 : i32
      %while3A_257 = arith.divsi %while3A_254, %while3A_256 : i32
      %while3A_258 = arith.muli %while3A_257, %while3A_256 : i32
      %while3A_259 = arith.addi %while3A_253, %while3A_258 : i32
      %while3A_260 = arith.constant 1 : i32
      scf.for %while3A_272 = %while3A_253 to %while3A_259 step %while3A_260  : i32 {
        %dma_wait3A_273 = arith.constant 0 : i32
        %dma_wait3A_274 = arith.constant 0 : i32
        %dma_wait3A_275 = tpu.memref_slice %arg4[%dma_wait3A_273, %dma_wait3A_274] : memref<16448x128xf32, #tpu.memory_space<hbm>> -> memref<16448x128xf32, #tpu.memory_space<hbm>>
        tpu.wait_indirect_dma semaphore(%arg19 : memref<!tpu.dma_semaphore, #tpu.memory_space<semaphore_mem>>) src(%arg13 : memref<16x128xf32, #tpu.memory_space<vmem>>) dst(%dma_wait3A_275 : memref<16448x128xf32, #tpu.memory_space<hbm>>)
        %mul3A_276 = arith.constant 16 : i32
        %mul3A_277 = arith.muli %mul3A_276, %while3A_272 : i32
        %add3A_278 = arith.addi %squeeze3A_223, %mul3A_277 : i32
        %get3A_279 = arith.index_cast %add3A_278 : i32 to index
        %get3A_280 = tpu.vector_load %arg6[%get3A_279] {strides = array<i32>} : memref<16400xi32, #tpu.memory_space<vmem>>, vector<16xi32>,
        %get3A_281 = arith.index_cast %add3A_278 : i32 to index
        %get3A_282 = tpu.vector_load %arg7[%get3A_281] {strides = array<i32>} : memref<16400xi32, #tpu.memory_space<vmem>>, vector<16xi32>,
        %mul3A_283 = arith.constant 16 : i32
        %mul3A_284 = arith.muli %mul3A_283, %while3A_272 : i32
        %add3A_285 = vector.broadcast %mul3A_284 : i32 to vector<16xi32>
        %add3A_286 = arith.addi %iota3A, %add3A_285 : vector<16xi32>
        %lt3A_287 = vector.broadcast %squeeze3A_220 : i32 to vector<16xi32>
        %lt3A_288 = arith.cmpi slt, %add3A_286, %lt3A_287 : vector<16xi32>
        %sub3A_289 = vector.broadcast %multiple_of3A_216 : i32 to vector<16xi32>
        %sub3A_290 = arith.subi %get3A_280, %sub3A_289 : vector<16xi32>
        %jit3A_291 = arith.constant 0 : i32
        %broadcast_in_dim3A_292 = vector.broadcast %jit3A_291 : i32 to vector<16xi32>
        %select_n3A_293 = arith.select %lt3A_288, %sub3A_290, %broadcast_in_dim3A_292 : vector<16xi1>, vector<16xi32>
        %add3A_294 = arith.constant 16384 : i32
        %add3A_295 = arith.addi %add3A_294, %add3A : i32
        %broadcast_in_dim3A_296 = vector.broadcast %add3A_295 : i32 to vector<16xi32>
        %select_n3A_297 = arith.select %lt3A_288, %get3A_282, %broadcast_in_dim3A_296 : vector<16xi1>, vector<16xi32>
        %swap3A_298 = arith.constant 0 : index
        %swap3A_299 = tpu.vector_load %arg15[%swap3A_298] {strides = array<i32>} : memref<16xi32, #tpu.memory_space<vmem>>, vector<16xi32>,
        tpu.vector_store %arg15[%swap3A_298], %select_n3A_297 {strides = array<i32>} : memref<16xi32, #tpu.memory_space<vmem>>, vector<16xi32>,
        %slice3A_300 = vector.extract_strided_slice %select_n3A_293 {offsets = [0], sizes = [1], strides = [1]} : vector<16xi32> to vector<1xi32>
        %squeeze3A_301 = vector.extract %slice3A_300[0] : i32 from vector<1xi32>
        %add3A_302 = vector.broadcast %squeeze3A_301 : i32 to vector<16xi32>
        %add3A_303 = arith.addi %broadcast_in_dim3A_1, %add3A_302 : vector<16xi32>
        %gather3A_304 = tpu.vector_load_idx %arg11[%add3A_120, %add3A_303] : memref<64x512xf32, #tpu.memory_space<vmem>>[vector<16xi32>, vector<16xi32>], vector<16xf32>,
        %swap3A_305 = arith.constant 0 : i32
        %swap3A_306 = arith.index_cast %swap3A_305 : i32 to index
        %swap3A_307 = arith.constant 0 : index
        %swap3A_308 = tpu.vector_load %arg13[%swap3A_306, %swap3A_307] {strides = array<i32>} : memref<16x128xf32, #tpu.memory_space<vmem>>, vector<16xf32>,
        tpu.vector_store %arg13[%swap3A_306, %swap3A_307], %gather3A_304 {strides = array<i32>} : memref<16x128xf32, #tpu.memory_space<vmem>>, vector<16xf32>,
        %add3A_309 = vector.broadcast %squeeze3A_301 : i32 to vector<16xi32>
        %add3A_310 = arith.addi %broadcast_in_dim3A_1, %add3A_309 : vector<16xi32>
        %gather3A_311 = tpu.vector_load_idx %arg11[%add3A_123, %add3A_310] : memref<64x512xf32, #tpu.memory_space<vmem>>[vector<16xi32>, vector<16xi32>], vector<16xf32>,
        %swap3A_312 = arith.constant 0 : i32
        %swap3A_313 = arith.index_cast %swap3A_312 : i32 to index
        %swap3A_314 = arith.constant 16 : index
        %swap3A_315 = tpu.vector_load %arg13[%swap3A_313, %swap3A_314] {strides = array<i32>} : memref<16x128xf32, #tpu.memory_space<vmem>>, vector<16xf32>,
        tpu.vector_store %arg13[%swap3A_313, %swap3A_314], %gather3A_311 {strides = array<i32>} : memref<16x128xf32, #tpu.memory_space<vmem>>, vector<16xf32>,
        %add3A_316 = vector.broadcast %squeeze3A_301 : i32 to vector<16xi32>
        %add3A_317 = arith.addi %broadcast_in_dim3A_1, %add3A_316 : vector<16xi32>
        %gather3A_318 = tpu.vector_load_idx %arg11[%add3A_126, %add3A_317] : memref<64x512xf32, #tpu.memory_space<vmem>>[vector<16xi32>, vector<16xi32>], vector<16xf32>,
        %swap3A_319 = arith.constant 0 : i32
        %swap3A_320 = arith.index_cast %swap3A_319 : i32 to index
        %swap3A_321 = arith.constant 32 : index
        %swap3A_322 = tpu.vector_load %arg13[%swap3A_320, %swap3A_321] {strides = array<i32>} : memref<16x128xf32, #tpu.memory_space<vmem>>, vector<16xf32>,
        tpu.vector_store %arg13[%swap3A_320, %swap3A_321], %gather3A_318 {strides = array<i32>} : memref<16x128xf32, #tpu.memory_space<vmem>>, vector<16xf32>,
        %add3A_323 = vector.broadcast %squeeze3A_301 : i32 to vector<16xi32>
        %add3A_324 = arith.addi %broadcast_in_dim3A_1, %add3A_323 : vector<16xi32>
        %gather3A_325 = tpu.vector_load_idx %arg11[%add3A_129, %add3A_324] : memref<64x512xf32, #tpu.memory_space<vmem>>[vector<16xi32>, vector<16xi32>], vector<16xf32>,
        %swap3A_326 = arith.constant 0 : i32
        %swap3A_327 = arith.index_cast %swap3A_326 : i32 to index
        %swap3A_328 = arith.constant 48 : index
        %swap3A_329 = tpu.vector_load %arg13[%swap3A_327, %swap3A_328] {strides = array<i32>} : memref<16x128xf32, #tpu.memory_space<vmem>>, vector<16xf32>,
        tpu.vector_store %arg13[%swap3A_327, %swap3A_328], %gather3A_325 {strides = array<i32>} : memref<16x128xf32, #tpu.memory_space<vmem>>, vector<16xf32>,
        %slice3A_330 = vector.extract_strided_slice %select_n3A_293 {offsets = [1], sizes = [1], strides = [1]} : vector<16xi32> to vector<1xi32>
        %squeeze3A_331 = vector.extract %slice3A_330[0] : i32 from vector<1xi32>
        %add3A_332 = vector.broadcast %squeeze3A_331 : i32 to vector<16xi32>
        %add3A_333 = arith.addi %broadcast_in_dim3A_1, %add3A_332 : vector<16xi32>
        %gather3A_334 = tpu.vector_load_idx %arg11[%add3A_120, %add3A_333] : memref<64x512xf32, #tpu.memory_space<vmem>>[vector<16xi32>, vector<16xi32>], vector<16xf32>,
        %swap3A_335 = arith.constant 1 : i32
        %swap3A_336 = arith.index_cast %swap3A_335 : i32 to index
        %swap3A_337 = arith.constant 0 : index
        %swap3A_338 = tpu.vector_load %arg13[%swap3A_336, %swap3A_337] {strides = array<i32>} : memref<16x128xf32, #tpu.memory_space<vmem>>, vector<16xf32>,
        tpu.vector_store %arg13[%swap3A_336, %swap3A_337], %gather3A_334 {strides = array<i32>} : memref<16x128xf32, #tpu.memory_space<vmem>>, vector<16xf32>,
        %add3A_339 = vector.broadcast %squeeze3A_331 : i32 to vector<16xi32>
        %add3A_340 = arith.addi %broadcast_in_dim3A_1, %add3A_339 : vector<16xi32>
        %gather3A_341 = tpu.vector_load_idx %arg11[%add3A_123, %add3A_340] : memref<64x512xf32, #tpu.memory_space<vmem>>[vector<16xi32>, vector<16xi32>], vector<16xf32>,
        %swap3A_342 = arith.constant 1 : i32
        %swap3A_343 = arith.index_cast %swap3A_342 : i32 to index
        %swap3A_344 = arith.constant 16 : index
        %swap3A_345 = tpu.vector_load %arg13[%swap3A_343, %swap3A_344] {strides = array<i32>} : memref<16x128xf32, #tpu.memory_space<vmem>>, vector<16xf32>,
        tpu.vector_store %arg13[%swap3A_343, %swap3A_344], %gather3A_341 {strides = array<i32>} : memref<16x128xf32, #tpu.memory_space<vmem>>, vector<16xf32>,
        %add3A_346 = vector.broadcast %squeeze3A_331 : i32 to vector<16xi32>
        %add3A_347 = arith.addi %broadcast_in_dim3A_1, %add3A_346 : vector<16xi32>
        %gather3A_348 = tpu.vector_load_idx %arg11[%add3A_126, %add3A_347] : memref<64x512xf32, #tpu.memory_space<vmem>>[vector<16xi32>, vector<16xi32>], vector<16xf32>,
        %swap3A_349 = arith.constant 1 : i32
        %swap3A_350 = arith.index_cast %swap3A_349 : i32 to index
        %swap3A_351 = arith.constant 32 : index
        %swap3A_352 = tpu.vector_load %arg13[%swap3A_350, %swap3A_351] {strides = array<i32>} : memref<16x128xf32, #tpu.memory_space<vmem>>, vector<16xf32>,
        tpu.vector_store %arg13[%swap3A_350, %swap3A_351], %gather3A_348 {strides = array<i32>} : memref<16x128xf32, #tpu.memory_space<vmem>>, vector<16xf32>,
        %add3A_353 = vector.broadcast %squeeze3A_331 : i32 to vector<16xi32>
        %add3A_354 = arith.addi %broadcast_in_dim3A_1, %add3A_353 : vector<16xi32>
        %gather3A_355 = tpu.vector_load_idx %arg11[%add3A_129, %add3A_354] : memref<64x512xf32, #tpu.memory_space<vmem>>[vector<16xi32>, vector<16xi32>], vector<16xf32>,
        %swap3A_356 = arith.constant 1 : i32
        %swap3A_357 = arith.index_cast %swap3A_356 : i32 to index
        %swap3A_358 = arith.constant 48 : index
        %swap3A_359 = tpu.vector_load %arg13[%swap3A_357, %swap3A_358] {strides = array<i32>} : memref<16x128xf32, #tpu.memory_space<vmem>>, vector<16xf32>,
        tpu.vector_store %arg13[%swap3A_357, %swap3A_358], %gather3A_355 {strides = array<i32>} : memref<16x128xf32, #tpu.memory_space<vmem>>, vector<16xf32>,
        %slice3A_360 = vector.extract_strided_slice %select_n3A_293 {offsets = [2], sizes = [1], strides = [1]} : vector<16xi32> to vector<1xi32>
        %squeeze3A_361 = vector.extract %slice3A_360[0] : i32 from vector<1xi32>
        %add3A_362 = vector.broadcast %squeeze3A_361 : i32 to vector<16xi32>
        %add3A_363 = arith.addi %broadcast_in_dim3A_1, %add3A_362 : vector<16xi32>
        %gather3A_364 = tpu.vector_load_idx %arg11[%add3A_120, %add3A_363] : memref<64x512xf32, #tpu.memory_space<vmem>>[vector<16xi32>, vector<16xi32>], vector<16xf32>,
        %swap3A_365 = arith.constant 2 : i32
        %swap3A_366 = arith.index_cast %swap3A_365 : i32 to index
        %swap3A_367 = arith.constant 0 : index
        %swap3A_368 = tpu.vector_load %arg13[%swap3A_366, %swap3A_367] {strides = array<i32>} : memref<16x128xf32, #tpu.memory_space<vmem>>, vector<16xf32>,
        tpu.vector_store %arg13[%swap3A_366, %swap3A_367], %gather3A_364 {strides = array<i32>} : memref<16x128xf32, #tpu.memory_space<vmem>>, vector<16xf32>,
        %add3A_369 = vector.broadcast %squeeze3A_361 : i32 to vector<16xi32>
        %add3A_370 = arith.addi %broadcast_in_dim3A_1, %add3A_369 : vector<16xi32>
        %gather3A_371 = tpu.vector_load_idx %arg11[%add3A_123, %add3A_370] : memref<64x512xf32, #tpu.memory_space<vmem>>[vector<16xi32>, vector<16xi32>], vector<16xf32>,
        %swap3A_372 = arith.constant 2 : i32
        %swap3A_373 = arith.index_cast %swap3A_372 : i32 to index
        %swap3A_374 = arith.constant 16 : index
        %swap3A_375 = tpu.vector_load %arg13[%swap3A_373, %swap3A_374] {strides = array<i32>} : memref<16x128xf32, #tpu.memory_space<vmem>>, vector<16xf32>,
        tpu.vector_store %arg13[%swap3A_373, %swap3A_374], %gather3A_371 {strides = array<i32>} : memref<16x128xf32, #tpu.memory_space<vmem>>, vector<16xf32>,
        %add3A_376 = vector.broadcast %squeeze3A_361 : i32 to vector<16xi32>
        %add3A_377 = arith.addi %broadcast_in_dim3A_1, %add3A_376 : vector<16xi32>
        %gather3A_378 = tpu.vector_load_idx %arg11[%add3A_126, %add3A_377] : memref<64x512xf32, #tpu.memory_space<vmem>>[vector<16xi32>, vector<16xi32>], vector<16xf32>,
        %swap3A_379 = arith.constant 2 : i32
        %swap3A_380 = arith.index_cast %swap3A_379 : i32 to index
        %swap3A_381 = arith.constant 32 : index
        %swap3A_382 = tpu.vector_load %arg13[%swap3A_380, %swap3A_381] {strides = array<i32>} : memref<16x128xf32, #tpu.memory_space<vmem>>, vector<16xf32>,
        tpu.vector_store %arg13[%swap3A_380, %swap3A_381], %gather3A_378 {strides = array<i32>} : memref<16x128xf32, #tpu.memory_space<vmem>>, vector<16xf32>,
        %add3A_383 = vector.broadcast %squeeze3A_361 : i32 to vector<16xi32>
        %add3A_384 = arith.addi %broadcast_in_dim3A_1, %add3A_383 : vector<16xi32>
        %gather3A_385 = tpu.vector_load_idx %arg11[%add3A_129, %add3A_384] : memref<64x512xf32, #tpu.memory_space<vmem>>[vector<16xi32>, vector<16xi32>], vector<16xf32>,
        %swap3A_386 = arith.constant 2 : i32
        %swap3A_387 = arith.index_cast %swap3A_386 : i32 to index
        %swap3A_388 = arith.constant 48 : index
        %swap3A_389 = tpu.vector_load %arg13[%swap3A_387, %swap3A_388] {strides = array<i32>} : memref<16x128xf32, #tpu.memory_space<vmem>>, vector<16xf32>,
        tpu.vector_store %arg13[%swap3A_387, %swap3A_388], %gather3A_385 {strides = array<i32>} : memref<16x128xf32, #tpu.memory_space<vmem>>, vector<16xf32>,
        %slice3A_390 = vector.extract_strided_slice %select_n3A_293 {offsets = [3], sizes = [1], strides = [1]} : vector<16xi32> to vector<1xi32>
        %squeeze3A_391 = vector.extract %slice3A_390[0] : i32 from vector<1xi32>
        %add3A_392 = vector.broadcast %squeeze3A_391 : i32 to vector<16xi32>
        %add3A_393 = arith.addi %broadcast_in_dim3A_1, %add3A_392 : vector<16xi32>
        %gather3A_394 = tpu.vector_load_idx %arg11[%add3A_120, %add3A_393] : memref<64x512xf32, #tpu.memory_space<vmem>>[vector<16xi32>, vector<16xi32>], vector<16xf32>,
        %swap3A_395 = arith.constant 3 : i32
        %swap3A_396 = arith.index_cast %swap3A_395 : i32 to index
        %swap3A_397 = arith.constant 0 : index
        %swap3A_398 = tpu.vector_load %arg13[%swap3A_396, %swap3A_397] {strides = array<i32>} : memref<16x128xf32, #tpu.memory_space<vmem>>, vector<16xf32>,
        tpu.vector_store %arg13[%swap3A_396, %swap3A_397], %gather3A_394 {strides = array<i32>} : memref<16x128xf32, #tpu.memory_space<vmem>>, vector<16xf32>,
        %add3A_399 = vector.broadcast %squeeze3A_391 : i32 to vector<16xi32>
        %add3A_400 = arith.addi %broadcast_in_dim3A_1, %add3A_399 : vector<16xi32>
        %gather3A_401 = tpu.vector_load_idx %arg11[%add3A_123, %add3A_400] : memref<64x512xf32, #tpu.memory_space<vmem>>[vector<16xi32>, vector<16xi32>], vector<16xf32>,
        %swap3A_402 = arith.constant 3 : i32
        %swap3A_403 = arith.index_cast %swap3A_402 : i32 to index
        %swap3A_404 = arith.constant 16 : index
        %swap3A_405 = tpu.vector_load %arg13[%swap3A_403, %swap3A_404] {strides = array<i32>} : memref<16x128xf32, #tpu.memory_space<vmem>>, vector<16xf32>,
        tpu.vector_store %arg13[%swap3A_403, %swap3A_404], %gather3A_401 {strides = array<i32>} : memref<16x128xf32, #tpu.memory_space<vmem>>, vector<16xf32>,
        %add3A_406 = vector.broadcast %squeeze3A_391 : i32 to vector<16xi32>
        %add3A_407 = arith.addi %broadcast_in_dim3A_1, %add3A_406 : vector<16xi32>
        %gather3A_408 = tpu.vector_load_idx %arg11[%add3A_126, %add3A_407] : memref<64x512xf32, #tpu.memory_space<vmem>>[vector<16xi32>, vector<16xi32>], vector<16xf32>,
        %swap3A_409 = arith.constant 3 : i32
        %swap3A_410 = arith.index_cast %swap3A_409 : i32 to index
        %swap3A_411 = arith.constant 32 : index
        %swap3A_412 = tpu.vector_load %arg13[%swap3A_410, %swap3A_411] {strides = array<i32>} : memref<16x128xf32, #tpu.memory_space<vmem>>, vector<16xf32>,
        tpu.vector_store %arg13[%swap3A_410, %swap3A_411], %gather3A_408 {strides = array<i32>} : memref<16x128xf32, #tpu.memory_space<vmem>>, vector<16xf32>,
        %add3A_413 = vector.broadcast %squeeze3A_391 : i32 to vector<16xi32>
        %add3A_414 = arith.addi %broadcast_in_dim3A_1, %add3A_413 : vector<16xi32>
        %gather3A_415 = tpu.vector_load_idx %arg11[%add3A_129, %add3A_414] : memref<64x512xf32, #tpu.memory_space<vmem>>[vector<16xi32>, vector<16xi32>], vector<16xf32>,
        %swap3A_416 = arith.constant 3 : i32
        %swap3A_417 = arith.index_cast %swap3A_416 : i32 to index
        %swap3A_418 = arith.constant 48 : index
        %swap3A_419 = tpu.vector_load %arg13[%swap3A_417, %swap3A_418] {strides = array<i32>} : memref<16x128xf32, #tpu.memory_space<vmem>>, vector<16xf32>,
        tpu.vector_store %arg13[%swap3A_417, %swap3A_418], %gather3A_415 {strides = array<i32>} : memref<16x128xf32, #tpu.memory_space<vmem>>, vector<16xf32>,
        %slice3A_420 = vector.extract_strided_slice %select_n3A_293 {offsets = [4], sizes = [1], strides = [1]} : vector<16xi32> to vector<1xi32>
        %squeeze3A_421 = vector.extract %slice3A_420[0] : i32 from vector<1xi32>
        %add3A_422 = vector.broadcast %squeeze3A_421 : i32 to vector<16xi32>
        %add3A_423 = arith.addi %broadcast_in_dim3A_1, %add3A_422 : vector<16xi32>
        %gather3A_424 = tpu.vector_load_idx %arg11[%add3A_120, %add3A_423] : memref<64x512xf32, #tpu.memory_space<vmem>>[vector<16xi32>, vector<16xi32>], vector<16xf32>,
        %swap3A_425 = arith.constant 4 : i32
        %swap3A_426 = arith.index_cast %swap3A_425 : i32 to index
        %swap3A_427 = arith.constant 0 : index
        %swap3A_428 = tpu.vector_load %arg13[%swap3A_426, %swap3A_427] {strides = array<i32>} : memref<16x128xf32, #tpu.memory_space<vmem>>, vector<16xf32>,
        tpu.vector_store %arg13[%swap3A_426, %swap3A_427], %gather3A_424 {strides = array<i32>} : memref<16x128xf32, #tpu.memory_space<vmem>>, vector<16xf32>,
        %add3A_429 = vector.broadcast %squeeze3A_421 : i32 to vector<16xi32>
        %add3A_430 = arith.addi %broadcast_in_dim3A_1, %add3A_429 : vector<16xi32>
        %gather3A_431 = tpu.vector_load_idx %arg11[%add3A_123, %add3A_430] : memref<64x512xf32, #tpu.memory_space<vmem>>[vector<16xi32>, vector<16xi32>], vector<16xf32>,
        %swap3A_432 = arith.constant 4 : i32
        %swap3A_433 = arith.index_cast %swap3A_432 : i32 to index
        %swap3A_434 = arith.constant 16 : index
        %swap3A_435 = tpu.vector_load %arg13[%swap3A_433, %swap3A_434] {strides = array<i32>} : memref<16x128xf32, #tpu.memory_space<vmem>>, vector<16xf32>,
        tpu.vector_store %arg13[%swap3A_433, %swap3A_434], %gather3A_431 {strides = array<i32>} : memref<16x128xf32, #tpu.memory_space<vmem>>, vector<16xf32>,
        %add3A_436 = vector.broadcast %squeeze3A_421 : i32 to vector<16xi32>
        %add3A_437 = arith.addi %broadcast_in_dim3A_1, %add3A_436 : vector<16xi32>
        %gather3A_438 = tpu.vector_load_idx %arg11[%add3A_126, %add3A_437] : memref<64x512xf32, #tpu.memory_space<vmem>>[vector<16xi32>, vector<16xi32>], vector<16xf32>,
        %swap3A_439 = arith.constant 4 : i32
        %swap3A_440 = arith.index_cast %swap3A_439 : i32 to index
        %swap3A_441 = arith.constant 32 : index
        %swap3A_442 = tpu.vector_load %arg13[%swap3A_440, %swap3A_441] {strides = array<i32>} : memref<16x128xf32, #tpu.memory_space<vmem>>, vector<16xf32>,
        tpu.vector_store %arg13[%swap3A_440, %swap3A_441], %gather3A_438 {strides = array<i32>} : memref<16x128xf32, #tpu.memory_space<vmem>>, vector<16xf32>,
        %add3A_443 = vector.broadcast %squeeze3A_421 : i32 to vector<16xi32>
        %add3A_444 = arith.addi %broadcast_in_dim3A_1, %add3A_443 : vector<16xi32>
        %gather3A_445 = tpu.vector_load_idx %arg11[%add3A_129, %add3A_444] : memref<64x512xf32, #tpu.memory_space<vmem>>[vector<16xi32>, vector<16xi32>], vector<16xf32>,
        %swap3A_446 = arith.constant 4 : i32
        %swap3A_447 = arith.index_cast %swap3A_446 : i32 to index
        %swap3A_448 = arith.constant 48 : index
        %swap3A_449 = tpu.vector_load %arg13[%swap3A_447, %swap3A_448] {strides = array<i32>} : memref<16x128xf32, #tpu.memory_space<vmem>>, vector<16xf32>,
        tpu.vector_store %arg13[%swap3A_447, %swap3A_448], %gather3A_445 {strides = array<i32>} : memref<16x128xf32, #tpu.memory_space<vmem>>, vector<16xf32>,
        %slice3A_450 = vector.extract_strided_slice %select_n3A_293 {offsets = [5], sizes = [1], strides = [1]} : vector<16xi32> to vector<1xi32>
        %squeeze3A_451 = vector.extract %slice3A_450[0] : i32 from vector<1xi32>
        %add3A_452 = vector.broadcast %squeeze3A_451 : i32 to vector<16xi32>
        %add3A_453 = arith.addi %broadcast_in_dim3A_1, %add3A_452 : vector<16xi32>
        %gather3A_454 = tpu.vector_load_idx %arg11[%add3A_120, %add3A_453] : memref<64x512xf32, #tpu.memory_space<vmem>>[vector<16xi32>, vector<16xi32>], vector<16xf32>,
        %swap3A_455 = arith.constant 5 : i32
        %swap3A_456 = arith.index_cast %swap3A_455 : i32 to index
        %swap3A_457 = arith.constant 0 : index
        %swap3A_458 = tpu.vector_load %arg13[%swap3A_456, %swap3A_457] {strides = array<i32>} : memref<16x128xf32, #tpu.memory_space<vmem>>, vector<16xf32>,
        tpu.vector_store %arg13[%swap3A_456, %swap3A_457], %gather3A_454 {strides = array<i32>} : memref<16x128xf32, #tpu.memory_space<vmem>>, vector<16xf32>,
        %add3A_459 = vector.broadcast %squeeze3A_451 : i32 to vector<16xi32>
        %add3A_460 = arith.addi %broadcast_in_dim3A_1, %add3A_459 : vector<16xi32>
        %gather3A_461 = tpu.vector_load_idx %arg11[%add3A_123, %add3A_460] : memref<64x512xf32, #tpu.memory_space<vmem>>[vector<16xi32>, vector<16xi32>], vector<16xf32>,
        %swap3A_462 = arith.constant 5 : i32
        %swap3A_463 = arith.index_cast %swap3A_462 : i32 to index
        %swap3A_464 = arith.constant 16 : index
        %swap3A_465 = tpu.vector_load %arg13[%swap3A_463, %swap3A_464] {strides = array<i32>} : memref<16x128xf32, #tpu.memory_space<vmem>>, vector<16xf32>,
        tpu.vector_store %arg13[%swap3A_463, %swap3A_464], %gather3A_461 {strides = array<i32>} : memref<16x128xf32, #tpu.memory_space<vmem>>, vector<16xf32>,
        %add3A_466 = vector.broadcast %squeeze3A_451 : i32 to vector<16xi32>
        %add3A_467 = arith.addi %broadcast_in_dim3A_1, %add3A_466 : vector<16xi32>
        %gather3A_468 = tpu.vector_load_idx %arg11[%add3A_126, %add3A_467] : memref<64x512xf32, #tpu.memory_space<vmem>>[vector<16xi32>, vector<16xi32>], vector<16xf32>,
        %swap3A_469 = arith.constant 5 : i32
        %swap3A_470 = arith.index_cast %swap3A_469 : i32 to index
        %swap3A_471 = arith.constant 32 : index
        %swap3A_472 = tpu.vector_load %arg13[%swap3A_470, %swap3A_471] {strides = array<i32>} : memref<16x128xf32, #tpu.memory_space<vmem>>, vector<16xf32>,
        tpu.vector_store %arg13[%swap3A_470, %swap3A_471], %gather3A_468 {strides = array<i32>} : memref<16x128xf32, #tpu.memory_space<vmem>>, vector<16xf32>,
        %add3A_473 = vector.broadcast %squeeze3A_451 : i32 to vector<16xi32>
        %add3A_474 = arith.addi %broadcast_in_dim3A_1, %add3A_473 : vector<16xi32>
        %gather3A_475 = tpu.vector_load_idx %arg11[%add3A_129, %add3A_474] : memref<64x512xf32, #tpu.memory_space<vmem>>[vector<16xi32>, vector<16xi32>], vector<16xf32>,
        %swap3A_476 = arith.constant 5 : i32
        %swap3A_477 = arith.index_cast %swap3A_476 : i32 to index
        %swap3A_478 = arith.constant 48 : index
        %swap3A_479 = tpu.vector_load %arg13[%swap3A_477, %swap3A_478] {strides = array<i32>} : memref<16x128xf32, #tpu.memory_space<vmem>>, vector<16xf32>,
        tpu.vector_store %arg13[%swap3A_477, %swap3A_478], %gather3A_475 {strides = array<i32>} : memref<16x128xf32, #tpu.memory_space<vmem>>, vector<16xf32>,
        %slice3A_480 = vector.extract_strided_slice %select_n3A_293 {offsets = [6], sizes = [1], strides = [1]} : vector<16xi32> to vector<1xi32>
        %squeeze3A_481 = vector.extract %slice3A_480[0] : i32 from vector<1xi32>
        %add3A_482 = vector.broadcast %squeeze3A_481 : i32 to vector<16xi32>
        %add3A_483 = arith.addi %broadcast_in_dim3A_1, %add3A_482 : vector<16xi32>
        %gather3A_484 = tpu.vector_load_idx %arg11[%add3A_120, %add3A_483] : memref<64x512xf32, #tpu.memory_space<vmem>>[vector<16xi32>, vector<16xi32>], vector<16xf32>,
        %swap3A_485 = arith.constant 6 : i32
        %swap3A_486 = arith.index_cast %swap3A_485 : i32 to index
        %swap3A_487 = arith.constant 0 : index
        %swap3A_488 = tpu.vector_load %arg13[%swap3A_486, %swap3A_487] {strides = array<i32>} : memref<16x128xf32, #tpu.memory_space<vmem>>, vector<16xf32>,
        tpu.vector_store %arg13[%swap3A_486, %swap3A_487], %gather3A_484 {strides = array<i32>} : memref<16x128xf32, #tpu.memory_space<vmem>>, vector<16xf32>,
        %add3A_489 = vector.broadcast %squeeze3A_481 : i32 to vector<16xi32>
        %add3A_490 = arith.addi %broadcast_in_dim3A_1, %add3A_489 : vector<16xi32>
        %gather3A_491 = tpu.vector_load_idx %arg11[%add3A_123, %add3A_490] : memref<64x512xf32, #tpu.memory_space<vmem>>[vector<16xi32>, vector<16xi32>], vector<16xf32>,
        %swap3A_492 = arith.constant 6 : i32
        %swap3A_493 = arith.index_cast %swap3A_492 : i32 to index
        %swap3A_494 = arith.constant 16 : index
        %swap3A_495 = tpu.vector_load %arg13[%swap3A_493, %swap3A_494] {strides = array<i32>} : memref<16x128xf32, #tpu.memory_space<vmem>>, vector<16xf32>,
        tpu.vector_store %arg13[%swap3A_493, %swap3A_494], %gather3A_491 {strides = array<i32>} : memref<16x128xf32, #tpu.memory_space<vmem>>, vector<16xf32>,
        %add3A_496 = vector.broadcast %squeeze3A_481 : i32 to vector<16xi32>
        %add3A_497 = arith.addi %broadcast_in_dim3A_1, %add3A_496 : vector<16xi32>
        %gather3A_498 = tpu.vector_load_idx %arg11[%add3A_126, %add3A_497] : memref<64x512xf32, #tpu.memory_space<vmem>>[vector<16xi32>, vector<16xi32>], vector<16xf32>,
        %swap3A_499 = arith.constant 6 : i32
        %swap3A_500 = arith.index_cast %swap3A_499 : i32 to index
        %swap3A_501 = arith.constant 32 : index
        %swap3A_502 = tpu.vector_load %arg13[%swap3A_500, %swap3A_501] {strides = array<i32>} : memref<16x128xf32, #tpu.memory_space<vmem>>, vector<16xf32>,
        tpu.vector_store %arg13[%swap3A_500, %swap3A_501], %gather3A_498 {strides = array<i32>} : memref<16x128xf32, #tpu.memory_space<vmem>>, vector<16xf32>,
        %add3A_503 = vector.broadcast %squeeze3A_481 : i32 to vector<16xi32>
        %add3A_504 = arith.addi %broadcast_in_dim3A_1, %add3A_503 : vector<16xi32>
        %gather3A_505 = tpu.vector_load_idx %arg11[%add3A_129, %add3A_504] : memref<64x512xf32, #tpu.memory_space<vmem>>[vector<16xi32>, vector<16xi32>], vector<16xf32>,
        %swap3A_506 = arith.constant 6 : i32
        %swap3A_507 = arith.index_cast %swap3A_506 : i32 to index
        %swap3A_508 = arith.constant 48 : index
        %swap3A_509 = tpu.vector_load %arg13[%swap3A_507, %swap3A_508] {strides = array<i32>} : memref<16x128xf32, #tpu.memory_space<vmem>>, vector<16xf32>,
        tpu.vector_store %arg13[%swap3A_507, %swap3A_508], %gather3A_505 {strides = array<i32>} : memref<16x128xf32, #tpu.memory_space<vmem>>, vector<16xf32>,
        %slice3A_510 = vector.extract_strided_slice %select_n3A_293 {offsets = [7], sizes = [1], strides = [1]} : vector<16xi32> to vector<1xi32>
        %squeeze3A_511 = vector.extract %slice3A_510[0] : i32 from vector<1xi32>
        %add3A_512 = vector.broadcast %squeeze3A_511 : i32 to vector<16xi32>
        %add3A_513 = arith.addi %broadcast_in_dim3A_1, %add3A_512 : vector<16xi32>
        %gather3A_514 = tpu.vector_load_idx %arg11[%add3A_120, %add3A_513] : memref<64x512xf32, #tpu.memory_space<vmem>>[vector<16xi32>, vector<16xi32>], vector<16xf32>,
        %swap3A_515 = arith.constant 7 : i32
        %swap3A_516 = arith.index_cast %swap3A_515 : i32 to index
        %swap3A_517 = arith.constant 0 : index
        %swap3A_518 = tpu.vector_load %arg13[%swap3A_516, %swap3A_517] {strides = array<i32>} : memref<16x128xf32, #tpu.memory_space<vmem>>, vector<16xf32>,
        tpu.vector_store %arg13[%swap3A_516, %swap3A_517], %gather3A_514 {strides = array<i32>} : memref<16x128xf32, #tpu.memory_space<vmem>>, vector<16xf32>,
        %add3A_519 = vector.broadcast %squeeze3A_511 : i32 to vector<16xi32>
        %add3A_520 = arith.addi %broadcast_in_dim3A_1, %add3A_519 : vector<16xi32>
        %gather3A_521 = tpu.vector_load_idx %arg11[%add3A_123, %add3A_520] : memref<64x512xf32, #tpu.memory_space<vmem>>[vector<16xi32>, vector<16xi32>], vector<16xf32>,
        %swap3A_522 = arith.constant 7 : i32
        %swap3A_523 = arith.index_cast %swap3A_522 : i32 to index
        %swap3A_524 = arith.constant 16 : index
        %swap3A_525 = tpu.vector_load %arg13[%swap3A_523, %swap3A_524] {strides = array<i32>} : memref<16x128xf32, #tpu.memory_space<vmem>>, vector<16xf32>,
        tpu.vector_store %arg13[%swap3A_523, %swap3A_524], %gather3A_521 {strides = array<i32>} : memref<16x128xf32, #tpu.memory_space<vmem>>, vector<16xf32>,
        %add3A_526 = vector.broadcast %squeeze3A_511 : i32 to vector<16xi32>
        %add3A_527 = arith.addi %broadcast_in_dim3A_1, %add3A_526 : vector<16xi32>
        %gather3A_528 = tpu.vector_load_idx %arg11[%add3A_126, %add3A_527] : memref<64x512xf32, #tpu.memory_space<vmem>>[vector<16xi32>, vector<16xi32>], vector<16xf32>,
        %swap3A_529 = arith.constant 7 : i32
        %swap3A_530 = arith.index_cast %swap3A_529 : i32 to index
        %swap3A_531 = arith.constant 32 : index
        %swap3A_532 = tpu.vector_load %arg13[%swap3A_530, %swap3A_531] {strides = array<i32>} : memref<16x128xf32, #tpu.memory_space<vmem>>, vector<16xf32>,
        tpu.vector_store %arg13[%swap3A_530, %swap3A_531], %gather3A_528 {strides = array<i32>} : memref<16x128xf32, #tpu.memory_space<vmem>>, vector<16xf32>,
        %add3A_533 = vector.broadcast %squeeze3A_511 : i32 to vector<16xi32>
        %add3A_534 = arith.addi %broadcast_in_dim3A_1, %add3A_533 : vector<16xi32>
        %gather3A_535 = tpu.vector_load_idx %arg11[%add3A_129, %add3A_534] : memref<64x512xf32, #tpu.memory_space<vmem>>[vector<16xi32>, vector<16xi32>], vector<16xf32>,
        %swap3A_536 = arith.constant 7 : i32
        %swap3A_537 = arith.index_cast %swap3A_536 : i32 to index
        %swap3A_538 = arith.constant 48 : index
        %swap3A_539 = tpu.vector_load %arg13[%swap3A_537, %swap3A_538] {strides = array<i32>} : memref<16x128xf32, #tpu.memory_space<vmem>>, vector<16xf32>,
        tpu.vector_store %arg13[%swap3A_537, %swap3A_538], %gather3A_535 {strides = array<i32>} : memref<16x128xf32, #tpu.memory_space<vmem>>, vector<16xf32>,
        %slice3A_540 = vector.extract_strided_slice %select_n3A_293 {offsets = [8], sizes = [1], strides = [1]} : vector<16xi32> to vector<1xi32>
        %squeeze3A_541 = vector.extract %slice3A_540[0] : i32 from vector<1xi32>
        %add3A_542 = vector.broadcast %squeeze3A_541 : i32 to vector<16xi32>
        %add3A_543 = arith.addi %broadcast_in_dim3A_1, %add3A_542 : vector<16xi32>
        %gather3A_544 = tpu.vector_load_idx %arg11[%add3A_120, %add3A_543] : memref<64x512xf32, #tpu.memory_space<vmem>>[vector<16xi32>, vector<16xi32>], vector<16xf32>,
        %swap3A_545 = arith.constant 8 : i32
        %swap3A_546 = arith.index_cast %swap3A_545 : i32 to index
        %swap3A_547 = arith.constant 0 : index
        %swap3A_548 = tpu.vector_load %arg13[%swap3A_546, %swap3A_547] {strides = array<i32>} : memref<16x128xf32, #tpu.memory_space<vmem>>, vector<16xf32>,
        tpu.vector_store %arg13[%swap3A_546, %swap3A_547], %gather3A_544 {strides = array<i32>} : memref<16x128xf32, #tpu.memory_space<vmem>>, vector<16xf32>,
        %add3A_549 = vector.broadcast %squeeze3A_541 : i32 to vector<16xi32>
        %add3A_550 = arith.addi %broadcast_in_dim3A_1, %add3A_549 : vector<16xi32>
        %gather3A_551 = tpu.vector_load_idx %arg11[%add3A_123, %add3A_550] : memref<64x512xf32, #tpu.memory_space<vmem>>[vector<16xi32>, vector<16xi32>], vector<16xf32>,
        %swap3A_552 = arith.constant 8 : i32
        %swap3A_553 = arith.index_cast %swap3A_552 : i32 to index
        %swap3A_554 = arith.constant 16 : index
        %swap3A_555 = tpu.vector_load %arg13[%swap3A_553, %swap3A_554] {strides = array<i32>} : memref<16x128xf32, #tpu.memory_space<vmem>>, vector<16xf32>,
        tpu.vector_store %arg13[%swap3A_553, %swap3A_554], %gather3A_551 {strides = array<i32>} : memref<16x128xf32, #tpu.memory_space<vmem>>, vector<16xf32>,
        %add3A_556 = vector.broadcast %squeeze3A_541 : i32 to vector<16xi32>
        %add3A_557 = arith.addi %broadcast_in_dim3A_1, %add3A_556 : vector<16xi32>
        %gather3A_558 = tpu.vector_load_idx %arg11[%add3A_126, %add3A_557] : memref<64x512xf32, #tpu.memory_space<vmem>>[vector<16xi32>, vector<16xi32>], vector<16xf32>,
        %swap3A_559 = arith.constant 8 : i32
        %swap3A_560 = arith.index_cast %swap3A_559 : i32 to index
        %swap3A_561 = arith.constant 32 : index
        %swap3A_562 = tpu.vector_load %arg13[%swap3A_560, %swap3A_561] {strides = array<i32>} : memref<16x128xf32, #tpu.memory_space<vmem>>, vector<16xf32>,
        tpu.vector_store %arg13[%swap3A_560, %swap3A_561], %gather3A_558 {strides = array<i32>} : memref<16x128xf32, #tpu.memory_space<vmem>>, vector<16xf32>,
        %add3A_563 = vector.broadcast %squeeze3A_541 : i32 to vector<16xi32>
        %add3A_564 = arith.addi %broadcast_in_dim3A_1, %add3A_563 : vector<16xi32>
        %gather3A_565 = tpu.vector_load_idx %arg11[%add3A_129, %add3A_564] : memref<64x512xf32, #tpu.memory_space<vmem>>[vector<16xi32>, vector<16xi32>], vector<16xf32>,
        %swap3A_566 = arith.constant 8 : i32
        %swap3A_567 = arith.index_cast %swap3A_566 : i32 to index
        %swap3A_568 = arith.constant 48 : index
        %swap3A_569 = tpu.vector_load %arg13[%swap3A_567, %swap3A_568] {strides = array<i32>} : memref<16x128xf32, #tpu.memory_space<vmem>>, vector<16xf32>,
        tpu.vector_store %arg13[%swap3A_567, %swap3A_568], %gather3A_565 {strides = array<i32>} : memref<16x128xf32, #tpu.memory_space<vmem>>, vector<16xf32>,
        %slice3A_570 = vector.extract_strided_slice %select_n3A_293 {offsets = [9], sizes = [1], strides = [1]} : vector<16xi32> to vector<1xi32>
        %squeeze3A_571 = vector.extract %slice3A_570[0] : i32 from vector<1xi32>
        %add3A_572 = vector.broadcast %squeeze3A_571 : i32 to vector<16xi32>
        %add3A_573 = arith.addi %broadcast_in_dim3A_1, %add3A_572 : vector<16xi32>
        %gather3A_574 = tpu.vector_load_idx %arg11[%add3A_120, %add3A_573] : memref<64x512xf32, #tpu.memory_space<vmem>>[vector<16xi32>, vector<16xi32>], vector<16xf32>,
        %swap3A_575 = arith.constant 9 : i32
        %swap3A_576 = arith.index_cast %swap3A_575 : i32 to index
        %swap3A_577 = arith.constant 0 : index
        %swap3A_578 = tpu.vector_load %arg13[%swap3A_576, %swap3A_577] {strides = array<i32>} : memref<16x128xf32, #tpu.memory_space<vmem>>, vector<16xf32>,
        tpu.vector_store %arg13[%swap3A_576, %swap3A_577], %gather3A_574 {strides = array<i32>} : memref<16x128xf32, #tpu.memory_space<vmem>>, vector<16xf32>,
        %add3A_579 = vector.broadcast %squeeze3A_571 : i32 to vector<16xi32>
        %add3A_580 = arith.addi %broadcast_in_dim3A_1, %add3A_579 : vector<16xi32>
        %gather3A_581 = tpu.vector_load_idx %arg11[%add3A_123, %add3A_580] : memref<64x512xf32, #tpu.memory_space<vmem>>[vector<16xi32>, vector<16xi32>], vector<16xf32>,
        %swap3A_582 = arith.constant 9 : i32
        %swap3A_583 = arith.index_cast %swap3A_582 : i32 to index
        %swap3A_584 = arith.constant 16 : index
        %swap3A_585 = tpu.vector_load %arg13[%swap3A_583, %swap3A_584] {strides = array<i32>} : memref<16x128xf32, #tpu.memory_space<vmem>>, vector<16xf32>,
        tpu.vector_store %arg13[%swap3A_583, %swap3A_584], %gather3A_581 {strides = array<i32>} : memref<16x128xf32, #tpu.memory_space<vmem>>, vector<16xf32>,
        %add3A_586 = vector.broadcast %squeeze3A_571 : i32 to vector<16xi32>
        %add3A_587 = arith.addi %broadcast_in_dim3A_1, %add3A_586 : vector<16xi32>
        %gather3A_588 = tpu.vector_load_idx %arg11[%add3A_126, %add3A_587] : memref<64x512xf32, #tpu.memory_space<vmem>>[vector<16xi32>, vector<16xi32>], vector<16xf32>,
        %swap3A_589 = arith.constant 9 : i32
        %swap3A_590 = arith.index_cast %swap3A_589 : i32 to index
        %swap3A_591 = arith.constant 32 : index
        %swap3A_592 = tpu.vector_load %arg13[%swap3A_590, %swap3A_591] {strides = array<i32>} : memref<16x128xf32, #tpu.memory_space<vmem>>, vector<16xf32>,
        tpu.vector_store %arg13[%swap3A_590, %swap3A_591], %gather3A_588 {strides = array<i32>} : memref<16x128xf32, #tpu.memory_space<vmem>>, vector<16xf32>,
        %add3A_593 = vector.broadcast %squeeze3A_571 : i32 to vector<16xi32>
        %add3A_594 = arith.addi %broadcast_in_dim3A_1, %add3A_593 : vector<16xi32>
        %gather3A_595 = tpu.vector_load_idx %arg11[%add3A_129, %add3A_594] : memref<64x512xf32, #tpu.memory_space<vmem>>[vector<16xi32>, vector<16xi32>], vector<16xf32>,
        %swap3A_596 = arith.constant 9 : i32
        %swap3A_597 = arith.index_cast %swap3A_596 : i32 to index
        %swap3A_598 = arith.constant 48 : index
        %swap3A_599 = tpu.vector_load %arg13[%swap3A_597, %swap3A_598] {strides = array<i32>} : memref<16x128xf32, #tpu.memory_space<vmem>>, vector<16xf32>,
        tpu.vector_store %arg13[%swap3A_597, %swap3A_598], %gather3A_595 {strides = array<i32>} : memref<16x128xf32, #tpu.memory_space<vmem>>, vector<16xf32>,
        %slice3A_600 = vector.extract_strided_slice %select_n3A_293 {offsets = [10], sizes = [1], strides = [1]} : vector<16xi32> to vector<1xi32>
        %squeeze3A_601 = vector.extract %slice3A_600[0] : i32 from vector<1xi32>
        %add3A_602 = vector.broadcast %squeeze3A_601 : i32 to vector<16xi32>
        %add3A_603 = arith.addi %broadcast_in_dim3A_1, %add3A_602 : vector<16xi32>
        %gather3A_604 = tpu.vector_load_idx %arg11[%add3A_120, %add3A_603] : memref<64x512xf32, #tpu.memory_space<vmem>>[vector<16xi32>, vector<16xi32>], vector<16xf32>,
        %swap3A_605 = arith.constant 10 : i32
        %swap3A_606 = arith.index_cast %swap3A_605 : i32 to index
        %swap3A_607 = arith.constant 0 : index
        %swap3A_608 = tpu.vector_load %arg13[%swap3A_606, %swap3A_607] {strides = array<i32>} : memref<16x128xf32, #tpu.memory_space<vmem>>, vector<16xf32>,
        tpu.vector_store %arg13[%swap3A_606, %swap3A_607], %gather3A_604 {strides = array<i32>} : memref<16x128xf32, #tpu.memory_space<vmem>>, vector<16xf32>,
        %add3A_609 = vector.broadcast %squeeze3A_601 : i32 to vector<16xi32>
        %add3A_610 = arith.addi %broadcast_in_dim3A_1, %add3A_609 : vector<16xi32>
        %gather3A_611 = tpu.vector_load_idx %arg11[%add3A_123, %add3A_610] : memref<64x512xf32, #tpu.memory_space<vmem>>[vector<16xi32>, vector<16xi32>], vector<16xf32>,
        %swap3A_612 = arith.constant 10 : i32
        %swap3A_613 = arith.index_cast %swap3A_612 : i32 to index
        %swap3A_614 = arith.constant 16 : index
        %swap3A_615 = tpu.vector_load %arg13[%swap3A_613, %swap3A_614] {strides = array<i32>} : memref<16x128xf32, #tpu.memory_space<vmem>>, vector<16xf32>,
        tpu.vector_store %arg13[%swap3A_613, %swap3A_614], %gather3A_611 {strides = array<i32>} : memref<16x128xf32, #tpu.memory_space<vmem>>, vector<16xf32>,
        %add3A_616 = vector.broadcast %squeeze3A_601 : i32 to vector<16xi32>
        %add3A_617 = arith.addi %broadcast_in_dim3A_1, %add3A_616 : vector<16xi32>
        %gather3A_618 = tpu.vector_load_idx %arg11[%add3A_126, %add3A_617] : memref<64x512xf32, #tpu.memory_space<vmem>>[vector<16xi32>, vector<16xi32>], vector<16xf32>,
        %swap3A_619 = arith.constant 10 : i32
        %swap3A_620 = arith.index_cast %swap3A_619 : i32 to index
        %swap3A_621 = arith.constant 32 : index
        %swap3A_622 = tpu.vector_load %arg13[%swap3A_620, %swap3A_621] {strides = array<i32>} : memref<16x128xf32, #tpu.memory_space<vmem>>, vector<16xf32>,
        tpu.vector_store %arg13[%swap3A_620, %swap3A_621], %gather3A_618 {strides = array<i32>} : memref<16x128xf32, #tpu.memory_space<vmem>>, vector<16xf32>,
        %add3A_623 = vector.broadcast %squeeze3A_601 : i32 to vector<16xi32>
        %add3A_624 = arith.addi %broadcast_in_dim3A_1, %add3A_623 : vector<16xi32>
        %gather3A_625 = tpu.vector_load_idx %arg11[%add3A_129, %add3A_624] : memref<64x512xf32, #tpu.memory_space<vmem>>[vector<16xi32>, vector<16xi32>], vector<16xf32>,
        %swap3A_626 = arith.constant 10 : i32
        %swap3A_627 = arith.index_cast %swap3A_626 : i32 to index
        %swap3A_628 = arith.constant 48 : index
        %swap3A_629 = tpu.vector_load %arg13[%swap3A_627, %swap3A_628] {strides = array<i32>} : memref<16x128xf32, #tpu.memory_space<vmem>>, vector<16xf32>,
        tpu.vector_store %arg13[%swap3A_627, %swap3A_628], %gather3A_625 {strides = array<i32>} : memref<16x128xf32, #tpu.memory_space<vmem>>, vector<16xf32>,
        %slice3A_630 = vector.extract_strided_slice %select_n3A_293 {offsets = [11], sizes = [1], strides = [1]} : vector<16xi32> to vector<1xi32>
        %squeeze3A_631 = vector.extract %slice3A_630[0] : i32 from vector<1xi32>
        %add3A_632 = vector.broadcast %squeeze3A_631 : i32 to vector<16xi32>
        %add3A_633 = arith.addi %broadcast_in_dim3A_1, %add3A_632 : vector<16xi32>
        %gather3A_634 = tpu.vector_load_idx %arg11[%add3A_120, %add3A_633] : memref<64x512xf32, #tpu.memory_space<vmem>>[vector<16xi32>, vector<16xi32>], vector<16xf32>,
        %swap3A_635 = arith.constant 11 : i32
        %swap3A_636 = arith.index_cast %swap3A_635 : i32 to index
        %swap3A_637 = arith.constant 0 : index
        %swap3A_638 = tpu.vector_load %arg13[%swap3A_636, %swap3A_637] {strides = array<i32>} : memref<16x128xf32, #tpu.memory_space<vmem>>, vector<16xf32>,
        tpu.vector_store %arg13[%swap3A_636, %swap3A_637], %gather3A_634 {strides = array<i32>} : memref<16x128xf32, #tpu.memory_space<vmem>>, vector<16xf32>,
        %add3A_639 = vector.broadcast %squeeze3A_631 : i32 to vector<16xi32>
        %add3A_640 = arith.addi %broadcast_in_dim3A_1, %add3A_639 : vector<16xi32>
        %gather3A_641 = tpu.vector_load_idx %arg11[%add3A_123, %add3A_640] : memref<64x512xf32, #tpu.memory_space<vmem>>[vector<16xi32>, vector<16xi32>], vector<16xf32>,
        %swap3A_642 = arith.constant 11 : i32
        %swap3A_643 = arith.index_cast %swap3A_642 : i32 to index
        %swap3A_644 = arith.constant 16 : index
        %swap3A_645 = tpu.vector_load %arg13[%swap3A_643, %swap3A_644] {strides = array<i32>} : memref<16x128xf32, #tpu.memory_space<vmem>>, vector<16xf32>,
        tpu.vector_store %arg13[%swap3A_643, %swap3A_644], %gather3A_641 {strides = array<i32>} : memref<16x128xf32, #tpu.memory_space<vmem>>, vector<16xf32>,
        %add3A_646 = vector.broadcast %squeeze3A_631 : i32 to vector<16xi32>
        %add3A_647 = arith.addi %broadcast_in_dim3A_1, %add3A_646 : vector<16xi32>
        %gather3A_648 = tpu.vector_load_idx %arg11[%add3A_126, %add3A_647] : memref<64x512xf32, #tpu.memory_space<vmem>>[vector<16xi32>, vector<16xi32>], vector<16xf32>,
        %swap3A_649 = arith.constant 11 : i32
        %swap3A_650 = arith.index_cast %swap3A_649 : i32 to index
        %swap3A_651 = arith.constant 32 : index
        %swap3A_652 = tpu.vector_load %arg13[%swap3A_650, %swap3A_651] {strides = array<i32>} : memref<16x128xf32, #tpu.memory_space<vmem>>, vector<16xf32>,
        tpu.vector_store %arg13[%swap3A_650, %swap3A_651], %gather3A_648 {strides = array<i32>} : memref<16x128xf32, #tpu.memory_space<vmem>>, vector<16xf32>,
        %add3A_653 = vector.broadcast %squeeze3A_631 : i32 to vector<16xi32>
        %add3A_654 = arith.addi %broadcast_in_dim3A_1, %add3A_653 : vector<16xi32>
        %gather3A_655 = tpu.vector_load_idx %arg11[%add3A_129, %add3A_654] : memref<64x512xf32, #tpu.memory_space<vmem>>[vector<16xi32>, vector<16xi32>], vector<16xf32>,
        %swap3A_656 = arith.constant 11 : i32
        %swap3A_657 = arith.index_cast %swap3A_656 : i32 to index
        %swap3A_658 = arith.constant 48 : index
        %swap3A_659 = tpu.vector_load %arg13[%swap3A_657, %swap3A_658] {strides = array<i32>} : memref<16x128xf32, #tpu.memory_space<vmem>>, vector<16xf32>,
        tpu.vector_store %arg13[%swap3A_657, %swap3A_658], %gather3A_655 {strides = array<i32>} : memref<16x128xf32, #tpu.memory_space<vmem>>, vector<16xf32>,
        %slice3A_660 = vector.extract_strided_slice %select_n3A_293 {offsets = [12], sizes = [1], strides = [1]} : vector<16xi32> to vector<1xi32>
        %squeeze3A_661 = vector.extract %slice3A_660[0] : i32 from vector<1xi32>
        %add3A_662 = vector.broadcast %squeeze3A_661 : i32 to vector<16xi32>
        %add3A_663 = arith.addi %broadcast_in_dim3A_1, %add3A_662 : vector<16xi32>
        %gather3A_664 = tpu.vector_load_idx %arg11[%add3A_120, %add3A_663] : memref<64x512xf32, #tpu.memory_space<vmem>>[vector<16xi32>, vector<16xi32>], vector<16xf32>,
        %swap3A_665 = arith.constant 12 : i32
        %swap3A_666 = arith.index_cast %swap3A_665 : i32 to index
        %swap3A_667 = arith.constant 0 : index
        %swap3A_668 = tpu.vector_load %arg13[%swap3A_666, %swap3A_667] {strides = array<i32>} : memref<16x128xf32, #tpu.memory_space<vmem>>, vector<16xf32>,
        tpu.vector_store %arg13[%swap3A_666, %swap3A_667], %gather3A_664 {strides = array<i32>} : memref<16x128xf32, #tpu.memory_space<vmem>>, vector<16xf32>,
        %add3A_669 = vector.broadcast %squeeze3A_661 : i32 to vector<16xi32>
        %add3A_670 = arith.addi %broadcast_in_dim3A_1, %add3A_669 : vector<16xi32>
        %gather3A_671 = tpu.vector_load_idx %arg11[%add3A_123, %add3A_670] : memref<64x512xf32, #tpu.memory_space<vmem>>[vector<16xi32>, vector<16xi32>], vector<16xf32>,
        %swap3A_672 = arith.constant 12 : i32
        %swap3A_673 = arith.index_cast %swap3A_672 : i32 to index
        %swap3A_674 = arith.constant 16 : index
        %swap3A_675 = tpu.vector_load %arg13[%swap3A_673, %swap3A_674] {strides = array<i32>} : memref<16x128xf32, #tpu.memory_space<vmem>>, vector<16xf32>,
        tpu.vector_store %arg13[%swap3A_673, %swap3A_674], %gather3A_671 {strides = array<i32>} : memref<16x128xf32, #tpu.memory_space<vmem>>, vector<16xf32>,
        %add3A_676 = vector.broadcast %squeeze3A_661 : i32 to vector<16xi32>
        %add3A_677 = arith.addi %broadcast_in_dim3A_1, %add3A_676 : vector<16xi32>
        %gather3A_678 = tpu.vector_load_idx %arg11[%add3A_126, %add3A_677] : memref<64x512xf32, #tpu.memory_space<vmem>>[vector<16xi32>, vector<16xi32>], vector<16xf32>,
        %swap3A_679 = arith.constant 12 : i32
        %swap3A_680 = arith.index_cast %swap3A_679 : i32 to index
        %swap3A_681 = arith.constant 32 : index
        %swap3A_682 = tpu.vector_load %arg13[%swap3A_680, %swap3A_681] {strides = array<i32>} : memref<16x128xf32, #tpu.memory_space<vmem>>, vector<16xf32>,
        tpu.vector_store %arg13[%swap3A_680, %swap3A_681], %gather3A_678 {strides = array<i32>} : memref<16x128xf32, #tpu.memory_space<vmem>>, vector<16xf32>,
        %add3A_683 = vector.broadcast %squeeze3A_661 : i32 to vector<16xi32>
        %add3A_684 = arith.addi %broadcast_in_dim3A_1, %add3A_683 : vector<16xi32>
        %gather3A_685 = tpu.vector_load_idx %arg11[%add3A_129, %add3A_684] : memref<64x512xf32, #tpu.memory_space<vmem>>[vector<16xi32>, vector<16xi32>], vector<16xf32>,
        %swap3A_686 = arith.constant 12 : i32
        %swap3A_687 = arith.index_cast %swap3A_686 : i32 to index
        %swap3A_688 = arith.constant 48 : index
        %swap3A_689 = tpu.vector_load %arg13[%swap3A_687, %swap3A_688] {strides = array<i32>} : memref<16x128xf32, #tpu.memory_space<vmem>>, vector<16xf32>,
        tpu.vector_store %arg13[%swap3A_687, %swap3A_688], %gather3A_685 {strides = array<i32>} : memref<16x128xf32, #tpu.memory_space<vmem>>, vector<16xf32>,
        %slice3A_690 = vector.extract_strided_slice %select_n3A_293 {offsets = [13], sizes = [1], strides = [1]} : vector<16xi32> to vector<1xi32>
        %squeeze3A_691 = vector.extract %slice3A_690[0] : i32 from vector<1xi32>
        %add3A_692 = vector.broadcast %squeeze3A_691 : i32 to vector<16xi32>
        %add3A_693 = arith.addi %broadcast_in_dim3A_1, %add3A_692 : vector<16xi32>
        %gather3A_694 = tpu.vector_load_idx %arg11[%add3A_120, %add3A_693] : memref<64x512xf32, #tpu.memory_space<vmem>>[vector<16xi32>, vector<16xi32>], vector<16xf32>,
        %swap3A_695 = arith.constant 13 : i32
        %swap3A_696 = arith.index_cast %swap3A_695 : i32 to index
        %swap3A_697 = arith.constant 0 : index
        %swap3A_698 = tpu.vector_load %arg13[%swap3A_696, %swap3A_697] {strides = array<i32>} : memref<16x128xf32, #tpu.memory_space<vmem>>, vector<16xf32>,
        tpu.vector_store %arg13[%swap3A_696, %swap3A_697], %gather3A_694 {strides = array<i32>} : memref<16x128xf32, #tpu.memory_space<vmem>>, vector<16xf32>,
        %add3A_699 = vector.broadcast %squeeze3A_691 : i32 to vector<16xi32>
        %add3A_700 = arith.addi %broadcast_in_dim3A_1, %add3A_699 : vector<16xi32>
        %gather3A_701 = tpu.vector_load_idx %arg11[%add3A_123, %add3A_700] : memref<64x512xf32, #tpu.memory_space<vmem>>[vector<16xi32>, vector<16xi32>], vector<16xf32>,
        %swap3A_702 = arith.constant 13 : i32
        %swap3A_703 = arith.index_cast %swap3A_702 : i32 to index
        %swap3A_704 = arith.constant 16 : index
        %swap3A_705 = tpu.vector_load %arg13[%swap3A_703, %swap3A_704] {strides = array<i32>} : memref<16x128xf32, #tpu.memory_space<vmem>>, vector<16xf32>,
        tpu.vector_store %arg13[%swap3A_703, %swap3A_704], %gather3A_701 {strides = array<i32>} : memref<16x128xf32, #tpu.memory_space<vmem>>, vector<16xf32>,
        %add3A_706 = vector.broadcast %squeeze3A_691 : i32 to vector<16xi32>
        %add3A_707 = arith.addi %broadcast_in_dim3A_1, %add3A_706 : vector<16xi32>
        %gather3A_708 = tpu.vector_load_idx %arg11[%add3A_126, %add3A_707] : memref<64x512xf32, #tpu.memory_space<vmem>>[vector<16xi32>, vector<16xi32>], vector<16xf32>,
        %swap3A_709 = arith.constant 13 : i32
        %swap3A_710 = arith.index_cast %swap3A_709 : i32 to index
        %swap3A_711 = arith.constant 32 : index
        %swap3A_712 = tpu.vector_load %arg13[%swap3A_710, %swap3A_711] {strides = array<i32>} : memref<16x128xf32, #tpu.memory_space<vmem>>, vector<16xf32>,
        tpu.vector_store %arg13[%swap3A_710, %swap3A_711], %gather3A_708 {strides = array<i32>} : memref<16x128xf32, #tpu.memory_space<vmem>>, vector<16xf32>,
        %add3A_713 = vector.broadcast %squeeze3A_691 : i32 to vector<16xi32>
        %add3A_714 = arith.addi %broadcast_in_dim3A_1, %add3A_713 : vector<16xi32>
        %gather3A_715 = tpu.vector_load_idx %arg11[%add3A_129, %add3A_714] : memref<64x512xf32, #tpu.memory_space<vmem>>[vector<16xi32>, vector<16xi32>], vector<16xf32>,
        %swap3A_716 = arith.constant 13 : i32
        %swap3A_717 = arith.index_cast %swap3A_716 : i32 to index
        %swap3A_718 = arith.constant 48 : index
        %swap3A_719 = tpu.vector_load %arg13[%swap3A_717, %swap3A_718] {strides = array<i32>} : memref<16x128xf32, #tpu.memory_space<vmem>>, vector<16xf32>,
        tpu.vector_store %arg13[%swap3A_717, %swap3A_718], %gather3A_715 {strides = array<i32>} : memref<16x128xf32, #tpu.memory_space<vmem>>, vector<16xf32>,
        %slice3A_720 = vector.extract_strided_slice %select_n3A_293 {offsets = [14], sizes = [1], strides = [1]} : vector<16xi32> to vector<1xi32>
        %squeeze3A_721 = vector.extract %slice3A_720[0] : i32 from vector<1xi32>
        %add3A_722 = vector.broadcast %squeeze3A_721 : i32 to vector<16xi32>
        %add3A_723 = arith.addi %broadcast_in_dim3A_1, %add3A_722 : vector<16xi32>
        %gather3A_724 = tpu.vector_load_idx %arg11[%add3A_120, %add3A_723] : memref<64x512xf32, #tpu.memory_space<vmem>>[vector<16xi32>, vector<16xi32>], vector<16xf32>,
        %swap3A_725 = arith.constant 14 : i32
        %swap3A_726 = arith.index_cast %swap3A_725 : i32 to index
        %swap3A_727 = arith.constant 0 : index
        %swap3A_728 = tpu.vector_load %arg13[%swap3A_726, %swap3A_727] {strides = array<i32>} : memref<16x128xf32, #tpu.memory_space<vmem>>, vector<16xf32>,
        tpu.vector_store %arg13[%swap3A_726, %swap3A_727], %gather3A_724 {strides = array<i32>} : memref<16x128xf32, #tpu.memory_space<vmem>>, vector<16xf32>,
        %add3A_729 = vector.broadcast %squeeze3A_721 : i32 to vector<16xi32>
        %add3A_730 = arith.addi %broadcast_in_dim3A_1, %add3A_729 : vector<16xi32>
        %gather3A_731 = tpu.vector_load_idx %arg11[%add3A_123, %add3A_730] : memref<64x512xf32, #tpu.memory_space<vmem>>[vector<16xi32>, vector<16xi32>], vector<16xf32>,
        %swap3A_732 = arith.constant 14 : i32
        %swap3A_733 = arith.index_cast %swap3A_732 : i32 to index
        %swap3A_734 = arith.constant 16 : index
        %swap3A_735 = tpu.vector_load %arg13[%swap3A_733, %swap3A_734] {strides = array<i32>} : memref<16x128xf32, #tpu.memory_space<vmem>>, vector<16xf32>,
        tpu.vector_store %arg13[%swap3A_733, %swap3A_734], %gather3A_731 {strides = array<i32>} : memref<16x128xf32, #tpu.memory_space<vmem>>, vector<16xf32>,
        %add3A_736 = vector.broadcast %squeeze3A_721 : i32 to vector<16xi32>
        %add3A_737 = arith.addi %broadcast_in_dim3A_1, %add3A_736 : vector<16xi32>
        %gather3A_738 = tpu.vector_load_idx %arg11[%add3A_126, %add3A_737] : memref<64x512xf32, #tpu.memory_space<vmem>>[vector<16xi32>, vector<16xi32>], vector<16xf32>,
        %swap3A_739 = arith.constant 14 : i32
        %swap3A_740 = arith.index_cast %swap3A_739 : i32 to index
        %swap3A_741 = arith.constant 32 : index
        %swap3A_742 = tpu.vector_load %arg13[%swap3A_740, %swap3A_741] {strides = array<i32>} : memref<16x128xf32, #tpu.memory_space<vmem>>, vector<16xf32>,
        tpu.vector_store %arg13[%swap3A_740, %swap3A_741], %gather3A_738 {strides = array<i32>} : memref<16x128xf32, #tpu.memory_space<vmem>>, vector<16xf32>,
        %add3A_743 = vector.broadcast %squeeze3A_721 : i32 to vector<16xi32>
        %add3A_744 = arith.addi %broadcast_in_dim3A_1, %add3A_743 : vector<16xi32>
        %gather3A_745 = tpu.vector_load_idx %arg11[%add3A_129, %add3A_744] : memref<64x512xf32, #tpu.memory_space<vmem>>[vector<16xi32>, vector<16xi32>], vector<16xf32>,
        %swap3A_746 = arith.constant 14 : i32
        %swap3A_747 = arith.index_cast %swap3A_746 : i32 to index
        %swap3A_748 = arith.constant 48 : index
        %swap3A_749 = tpu.vector_load %arg13[%swap3A_747, %swap3A_748] {strides = array<i32>} : memref<16x128xf32, #tpu.memory_space<vmem>>, vector<16xf32>,
        tpu.vector_store %arg13[%swap3A_747, %swap3A_748], %gather3A_745 {strides = array<i32>} : memref<16x128xf32, #tpu.memory_space<vmem>>, vector<16xf32>,
        %slice3A_750 = vector.extract_strided_slice %select_n3A_293 {offsets = [15], sizes = [1], strides = [1]} : vector<16xi32> to vector<1xi32>
        %squeeze3A_751 = vector.extract %slice3A_750[0] : i32 from vector<1xi32>
        %add3A_752 = vector.broadcast %squeeze3A_751 : i32 to vector<16xi32>
        %add3A_753 = arith.addi %broadcast_in_dim3A_1, %add3A_752 : vector<16xi32>
        %gather3A_754 = tpu.vector_load_idx %arg11[%add3A_120, %add3A_753] : memref<64x512xf32, #tpu.memory_space<vmem>>[vector<16xi32>, vector<16xi32>], vector<16xf32>,
        %swap3A_755 = arith.constant 15 : i32
        %swap3A_756 = arith.index_cast %swap3A_755 : i32 to index
        %swap3A_757 = arith.constant 0 : index
        %swap3A_758 = tpu.vector_load %arg13[%swap3A_756, %swap3A_757] {strides = array<i32>} : memref<16x128xf32, #tpu.memory_space<vmem>>, vector<16xf32>,
        tpu.vector_store %arg13[%swap3A_756, %swap3A_757], %gather3A_754 {strides = array<i32>} : memref<16x128xf32, #tpu.memory_space<vmem>>, vector<16xf32>,
        %add3A_759 = vector.broadcast %squeeze3A_751 : i32 to vector<16xi32>
        %add3A_760 = arith.addi %broadcast_in_dim3A_1, %add3A_759 : vector<16xi32>
        %gather3A_761 = tpu.vector_load_idx %arg11[%add3A_123, %add3A_760] : memref<64x512xf32, #tpu.memory_space<vmem>>[vector<16xi32>, vector<16xi32>], vector<16xf32>,
        %swap3A_762 = arith.constant 15 : i32
        %swap3A_763 = arith.index_cast %swap3A_762 : i32 to index
        %swap3A_764 = arith.constant 16 : index
        %swap3A_765 = tpu.vector_load %arg13[%swap3A_763, %swap3A_764] {strides = array<i32>} : memref<16x128xf32, #tpu.memory_space<vmem>>, vector<16xf32>,
        tpu.vector_store %arg13[%swap3A_763, %swap3A_764], %gather3A_761 {strides = array<i32>} : memref<16x128xf32, #tpu.memory_space<vmem>>, vector<16xf32>,
        %add3A_766 = vector.broadcast %squeeze3A_751 : i32 to vector<16xi32>
        %add3A_767 = arith.addi %broadcast_in_dim3A_1, %add3A_766 : vector<16xi32>
        %gather3A_768 = tpu.vector_load_idx %arg11[%add3A_126, %add3A_767] : memref<64x512xf32, #tpu.memory_space<vmem>>[vector<16xi32>, vector<16xi32>], vector<16xf32>,
        %swap3A_769 = arith.constant 15 : i32
        %swap3A_770 = arith.index_cast %swap3A_769 : i32 to index
        %swap3A_771 = arith.constant 32 : index
        %swap3A_772 = tpu.vector_load %arg13[%swap3A_770, %swap3A_771] {strides = array<i32>} : memref<16x128xf32, #tpu.memory_space<vmem>>, vector<16xf32>,
        tpu.vector_store %arg13[%swap3A_770, %swap3A_771], %gather3A_768 {strides = array<i32>} : memref<16x128xf32, #tpu.memory_space<vmem>>, vector<16xf32>,
        %add3A_773 = vector.broadcast %squeeze3A_751 : i32 to vector<16xi32>
        %add3A_774 = arith.addi %broadcast_in_dim3A_1, %add3A_773 : vector<16xi32>
        %gather3A_775 = tpu.vector_load_idx %arg11[%add3A_129, %add3A_774] : memref<64x512xf32, #tpu.memory_space<vmem>>[vector<16xi32>, vector<16xi32>], vector<16xf32>,
        %swap3A_776 = arith.constant 15 : i32
        %swap3A_777 = arith.index_cast %swap3A_776 : i32 to index
        %swap3A_778 = arith.constant 48 : index
        %swap3A_779 = tpu.vector_load %arg13[%swap3A_777, %swap3A_778] {strides = array<i32>} : memref<16x128xf32, #tpu.memory_space<vmem>>, vector<16xf32>,
        tpu.vector_store %arg13[%swap3A_777, %swap3A_778], %gather3A_775 {strides = array<i32>} : memref<16x128xf32, #tpu.memory_space<vmem>>, vector<16xf32>,
        %dma_start3A_780 = arith.constant 0 : i32
        %dma_start3A_781 = arith.constant 0 : i32
        %dma_start3A_782 = tpu.memref_slice %arg4[%dma_start3A_780, %dma_start3A_781] : memref<16448x128xf32, #tpu.memory_space<hbm>> -> memref<16448x128xf32, #tpu.memory_space<hbm>>
        tpu.enqueue_indirect_dma source(%arg13 : memref<16x128xf32, #tpu.memory_space<vmem>>) target(%dma_start3A_782 : memref<16448x128xf32, #tpu.memory_space<hbm>>) offsets(%arg15 : memref<16xi32, #tpu.memory_space<vmem>>) semaphore(%arg19 : memref<!tpu.dma_semaphore, #tpu.memory_space<semaphore_mem>>)
      }
      %while3A_261 = arith.constant 1 : i32
      scf.for %while3A_272 = %while3A_259 to %while3A_255 step %while3A_261  : i32 {
        %dma_wait3A_273 = arith.constant 0 : i32
        %dma_wait3A_274 = arith.constant 0 : i32
        %dma_wait3A_275 = tpu.memref_slice %arg4[%dma_wait3A_273, %dma_wait3A_274] : memref<16448x128xf32, #tpu.memory_space<hbm>> -> memref<16448x128xf32, #tpu.memory_space<hbm>>
        tpu.wait_indirect_dma semaphore(%arg19 : memref<!tpu.dma_semaphore, #tpu.memory_space<semaphore_mem>>) src(%arg13 : memref<16x128xf32, #tpu.memory_space<vmem>>) dst(%dma_wait3A_275 : memref<16448x128xf32, #tpu.memory_space<hbm>>)
        %mul3A_276 = arith.constant 16 : i32
        %mul3A_277 = arith.muli %mul3A_276, %while3A_272 : i32
        %add3A_278 = arith.addi %squeeze3A_223, %mul3A_277 : i32
        %get3A_279 = arith.index_cast %add3A_278 : i32 to index
        %get3A_280 = tpu.vector_load %arg6[%get3A_279] {strides = array<i32>} : memref<16400xi32, #tpu.memory_space<vmem>>, vector<16xi32>,
        %get3A_281 = arith.index_cast %add3A_278 : i32 to index
        %get3A_282 = tpu.vector_load %arg7[%get3A_281] {strides = array<i32>} : memref<16400xi32, #tpu.memory_space<vmem>>, vector<16xi32>,
        %mul3A_283 = arith.constant 16 : i32
        %mul3A_284 = arith.muli %mul3A_283, %while3A_272 : i32
        %add3A_285 = vector.broadcast %mul3A_284 : i32 to vector<16xi32>
        %add3A_286 = arith.addi %iota3A, %add3A_285 : vector<16xi32>
        %lt3A_287 = vector.broadcast %squeeze3A_220 : i32 to vector<16xi32>
        %lt3A_288 = arith.cmpi slt, %add3A_286, %lt3A_287 : vector<16xi32>
        %sub3A_289 = vector.broadcast %multiple_of3A_216 : i32 to vector<16xi32>
        %sub3A_290 = arith.subi %get3A_280, %sub3A_289 : vector<16xi32>
        %jit3A_291 = arith.constant 0 : i32
        %broadcast_in_dim3A_292 = vector.broadcast %jit3A_291 : i32 to vector<16xi32>
        %select_n3A_293 = arith.select %lt3A_288, %sub3A_290, %broadcast_in_dim3A_292 : vector<16xi1>, vector<16xi32>
        %add3A_294 = arith.constant 16384 : i32
        %add3A_295 = arith.addi %add3A_294, %add3A : i32
        %broadcast_in_dim3A_296 = vector.broadcast %add3A_295 : i32 to vector<16xi32>
        %select_n3A_297 = arith.select %lt3A_288, %get3A_282, %broadcast_in_dim3A_296 : vector<16xi1>, vector<16xi32>
        %swap3A_298 = arith.constant 0 : index
        %swap3A_299 = tpu.vector_load %arg15[%swap3A_298] {strides = array<i32>} : memref<16xi32, #tpu.memory_space<vmem>>, vector<16xi32>,
        tpu.vector_store %arg15[%swap3A_298], %select_n3A_297 {strides = array<i32>} : memref<16xi32, #tpu.memory_space<vmem>>, vector<16xi32>,
        %slice3A_300 = vector.extract_strided_slice %select_n3A_293 {offsets = [0], sizes = [1], strides = [1]} : vector<16xi32> to vector<1xi32>
        %squeeze3A_301 = vector.extract %slice3A_300[0] : i32 from vector<1xi32>
        %add3A_302 = vector.broadcast %squeeze3A_301 : i32 to vector<16xi32>
        %add3A_303 = arith.addi %broadcast_in_dim3A_1, %add3A_302 : vector<16xi32>
        %gather3A_304 = tpu.vector_load_idx %arg11[%add3A_120, %add3A_303] : memref<64x512xf32, #tpu.memory_space<vmem>>[vector<16xi32>, vector<16xi32>], vector<16xf32>,
        %swap3A_305 = arith.constant 0 : i32
        %swap3A_306 = arith.index_cast %swap3A_305 : i32 to index
        %swap3A_307 = arith.constant 0 : index
        %swap3A_308 = tpu.vector_load %arg13[%swap3A_306, %swap3A_307] {strides = array<i32>} : memref<16x128xf32, #tpu.memory_space<vmem>>, vector<16xf32>,
        tpu.vector_store %arg13[%swap3A_306, %swap3A_307], %gather3A_304 {strides = array<i32>} : memref<16x128xf32, #tpu.memory_space<vmem>>, vector<16xf32>,
        %add3A_309 = vector.broadcast %squeeze3A_301 : i32 to vector<16xi32>
        %add3A_310 = arith.addi %broadcast_in_dim3A_1, %add3A_309 : vector<16xi32>
        %gather3A_311 = tpu.vector_load_idx %arg11[%add3A_123, %add3A_310] : memref<64x512xf32, #tpu.memory_space<vmem>>[vector<16xi32>, vector<16xi32>], vector<16xf32>,
        %swap3A_312 = arith.constant 0 : i32
        %swap3A_313 = arith.index_cast %swap3A_312 : i32 to index
        %swap3A_314 = arith.constant 16 : index
        %swap3A_315 = tpu.vector_load %arg13[%swap3A_313, %swap3A_314] {strides = array<i32>} : memref<16x128xf32, #tpu.memory_space<vmem>>, vector<16xf32>,
        tpu.vector_store %arg13[%swap3A_313, %swap3A_314], %gather3A_311 {strides = array<i32>} : memref<16x128xf32, #tpu.memory_space<vmem>>, vector<16xf32>,
        %add3A_316 = vector.broadcast %squeeze3A_301 : i32 to vector<16xi32>
        %add3A_317 = arith.addi %broadcast_in_dim3A_1, %add3A_316 : vector<16xi32>
        %gather3A_318 = tpu.vector_load_idx %arg11[%add3A_126, %add3A_317] : memref<64x512xf32, #tpu.memory_space<vmem>>[vector<16xi32>, vector<16xi32>], vector<16xf32>,
        %swap3A_319 = arith.constant 0 : i32
        %swap3A_320 = arith.index_cast %swap3A_319 : i32 to index
        %swap3A_321 = arith.constant 32 : index
        %swap3A_322 = tpu.vector_load %arg13[%swap3A_320, %swap3A_321] {strides = array<i32>} : memref<16x128xf32, #tpu.memory_space<vmem>>, vector<16xf32>,
        tpu.vector_store %arg13[%swap3A_320, %swap3A_321], %gather3A_318 {strides = array<i32>} : memref<16x128xf32, #tpu.memory_space<vmem>>, vector<16xf32>,
        %add3A_323 = vector.broadcast %squeeze3A_301 : i32 to vector<16xi32>
        %add3A_324 = arith.addi %broadcast_in_dim3A_1, %add3A_323 : vector<16xi32>
        %gather3A_325 = tpu.vector_load_idx %arg11[%add3A_129, %add3A_324] : memref<64x512xf32, #tpu.memory_space<vmem>>[vector<16xi32>, vector<16xi32>], vector<16xf32>,
        %swap3A_326 = arith.constant 0 : i32
        %swap3A_327 = arith.index_cast %swap3A_326 : i32 to index
        %swap3A_328 = arith.constant 48 : index
        %swap3A_329 = tpu.vector_load %arg13[%swap3A_327, %swap3A_328] {strides = array<i32>} : memref<16x128xf32, #tpu.memory_space<vmem>>, vector<16xf32>,
        tpu.vector_store %arg13[%swap3A_327, %swap3A_328], %gather3A_325 {strides = array<i32>} : memref<16x128xf32, #tpu.memory_space<vmem>>, vector<16xf32>,
        %slice3A_330 = vector.extract_strided_slice %select_n3A_293 {offsets = [1], sizes = [1], strides = [1]} : vector<16xi32> to vector<1xi32>
        %squeeze3A_331 = vector.extract %slice3A_330[0] : i32 from vector<1xi32>
        %add3A_332 = vector.broadcast %squeeze3A_331 : i32 to vector<16xi32>
        %add3A_333 = arith.addi %broadcast_in_dim3A_1, %add3A_332 : vector<16xi32>
        %gather3A_334 = tpu.vector_load_idx %arg11[%add3A_120, %add3A_333] : memref<64x512xf32, #tpu.memory_space<vmem>>[vector<16xi32>, vector<16xi32>], vector<16xf32>,
        %swap3A_335 = arith.constant 1 : i32
        %swap3A_336 = arith.index_cast %swap3A_335 : i32 to index
        %swap3A_337 = arith.constant 0 : index
        %swap3A_338 = tpu.vector_load %arg13[%swap3A_336, %swap3A_337] {strides = array<i32>} : memref<16x128xf32, #tpu.memory_space<vmem>>, vector<16xf32>,
        tpu.vector_store %arg13[%swap3A_336, %swap3A_337], %gather3A_334 {strides = array<i32>} : memref<16x128xf32, #tpu.memory_space<vmem>>, vector<16xf32>,
        %add3A_339 = vector.broadcast %squeeze3A_331 : i32 to vector<16xi32>
        %add3A_340 = arith.addi %broadcast_in_dim3A_1, %add3A_339 : vector<16xi32>
        %gather3A_341 = tpu.vector_load_idx %arg11[%add3A_123, %add3A_340] : memref<64x512xf32, #tpu.memory_space<vmem>>[vector<16xi32>, vector<16xi32>], vector<16xf32>,
        %swap3A_342 = arith.constant 1 : i32
        %swap3A_343 = arith.index_cast %swap3A_342 : i32 to index
        %swap3A_344 = arith.constant 16 : index
        %swap3A_345 = tpu.vector_load %arg13[%swap3A_343, %swap3A_344] {strides = array<i32>} : memref<16x128xf32, #tpu.memory_space<vmem>>, vector<16xf32>,
        tpu.vector_store %arg13[%swap3A_343, %swap3A_344], %gather3A_341 {strides = array<i32>} : memref<16x128xf32, #tpu.memory_space<vmem>>, vector<16xf32>,
        %add3A_346 = vector.broadcast %squeeze3A_331 : i32 to vector<16xi32>
        %add3A_347 = arith.addi %broadcast_in_dim3A_1, %add3A_346 : vector<16xi32>
        %gather3A_348 = tpu.vector_load_idx %arg11[%add3A_126, %add3A_347] : memref<64x512xf32, #tpu.memory_space<vmem>>[vector<16xi32>, vector<16xi32>], vector<16xf32>,
        %swap3A_349 = arith.constant 1 : i32
        %swap3A_350 = arith.index_cast %swap3A_349 : i32 to index
        %swap3A_351 = arith.constant 32 : index
        %swap3A_352 = tpu.vector_load %arg13[%swap3A_350, %swap3A_351] {strides = array<i32>} : memref<16x128xf32, #tpu.memory_space<vmem>>, vector<16xf32>,
        tpu.vector_store %arg13[%swap3A_350, %swap3A_351], %gather3A_348 {strides = array<i32>} : memref<16x128xf32, #tpu.memory_space<vmem>>, vector<16xf32>,
        %add3A_353 = vector.broadcast %squeeze3A_331 : i32 to vector<16xi32>
        %add3A_354 = arith.addi %broadcast_in_dim3A_1, %add3A_353 : vector<16xi32>
        %gather3A_355 = tpu.vector_load_idx %arg11[%add3A_129, %add3A_354] : memref<64x512xf32, #tpu.memory_space<vmem>>[vector<16xi32>, vector<16xi32>], vector<16xf32>,
        %swap3A_356 = arith.constant 1 : i32
        %swap3A_357 = arith.index_cast %swap3A_356 : i32 to index
        %swap3A_358 = arith.constant 48 : index
        %swap3A_359 = tpu.vector_load %arg13[%swap3A_357, %swap3A_358] {strides = array<i32>} : memref<16x128xf32, #tpu.memory_space<vmem>>, vector<16xf32>,
        tpu.vector_store %arg13[%swap3A_357, %swap3A_358], %gather3A_355 {strides = array<i32>} : memref<16x128xf32, #tpu.memory_space<vmem>>, vector<16xf32>,
        %slice3A_360 = vector.extract_strided_slice %select_n3A_293 {offsets = [2], sizes = [1], strides = [1]} : vector<16xi32> to vector<1xi32>
        %squeeze3A_361 = vector.extract %slice3A_360[0] : i32 from vector<1xi32>
        %add3A_362 = vector.broadcast %squeeze3A_361 : i32 to vector<16xi32>
        %add3A_363 = arith.addi %broadcast_in_dim3A_1, %add3A_362 : vector<16xi32>
        %gather3A_364 = tpu.vector_load_idx %arg11[%add3A_120, %add3A_363] : memref<64x512xf32, #tpu.memory_space<vmem>>[vector<16xi32>, vector<16xi32>], vector<16xf32>,
        %swap3A_365 = arith.constant 2 : i32
        %swap3A_366 = arith.index_cast %swap3A_365 : i32 to index
        %swap3A_367 = arith.constant 0 : index
        %swap3A_368 = tpu.vector_load %arg13[%swap3A_366, %swap3A_367] {strides = array<i32>} : memref<16x128xf32, #tpu.memory_space<vmem>>, vector<16xf32>,
        tpu.vector_store %arg13[%swap3A_366, %swap3A_367], %gather3A_364 {strides = array<i32>} : memref<16x128xf32, #tpu.memory_space<vmem>>, vector<16xf32>,
        %add3A_369 = vector.broadcast %squeeze3A_361 : i32 to vector<16xi32>
        %add3A_370 = arith.addi %broadcast_in_dim3A_1, %add3A_369 : vector<16xi32>
        %gather3A_371 = tpu.vector_load_idx %arg11[%add3A_123, %add3A_370] : memref<64x512xf32, #tpu.memory_space<vmem>>[vector<16xi32>, vector<16xi32>], vector<16xf32>,
        %swap3A_372 = arith.constant 2 : i32
        %swap3A_373 = arith.index_cast %swap3A_372 : i32 to index
        %swap3A_374 = arith.constant 16 : index
        %swap3A_375 = tpu.vector_load %arg13[%swap3A_373, %swap3A_374] {strides = array<i32>} : memref<16x128xf32, #tpu.memory_space<vmem>>, vector<16xf32>,
        tpu.vector_store %arg13[%swap3A_373, %swap3A_374], %gather3A_371 {strides = array<i32>} : memref<16x128xf32, #tpu.memory_space<vmem>>, vector<16xf32>,
        %add3A_376 = vector.broadcast %squeeze3A_361 : i32 to vector<16xi32>
        %add3A_377 = arith.addi %broadcast_in_dim3A_1, %add3A_376 : vector<16xi32>
        %gather3A_378 = tpu.vector_load_idx %arg11[%add3A_126, %add3A_377] : memref<64x512xf32, #tpu.memory_space<vmem>>[vector<16xi32>, vector<16xi32>], vector<16xf32>,
        %swap3A_379 = arith.constant 2 : i32
        %swap3A_380 = arith.index_cast %swap3A_379 : i32 to index
        %swap3A_381 = arith.constant 32 : index
        %swap3A_382 = tpu.vector_load %arg13[%swap3A_380, %swap3A_381] {strides = array<i32>} : memref<16x128xf32, #tpu.memory_space<vmem>>, vector<16xf32>,
        tpu.vector_store %arg13[%swap3A_380, %swap3A_381], %gather3A_378 {strides = array<i32>} : memref<16x128xf32, #tpu.memory_space<vmem>>, vector<16xf32>,
        %add3A_383 = vector.broadcast %squeeze3A_361 : i32 to vector<16xi32>
        %add3A_384 = arith.addi %broadcast_in_dim3A_1, %add3A_383 : vector<16xi32>
        %gather3A_385 = tpu.vector_load_idx %arg11[%add3A_129, %add3A_384] : memref<64x512xf32, #tpu.memory_space<vmem>>[vector<16xi32>, vector<16xi32>], vector<16xf32>,
        %swap3A_386 = arith.constant 2 : i32
        %swap3A_387 = arith.index_cast %swap3A_386 : i32 to index
        %swap3A_388 = arith.constant 48 : index
        %swap3A_389 = tpu.vector_load %arg13[%swap3A_387, %swap3A_388] {strides = array<i32>} : memref<16x128xf32, #tpu.memory_space<vmem>>, vector<16xf32>,
        tpu.vector_store %arg13[%swap3A_387, %swap3A_388], %gather3A_385 {strides = array<i32>} : memref<16x128xf32, #tpu.memory_space<vmem>>, vector<16xf32>,
        %slice3A_390 = vector.extract_strided_slice %select_n3A_293 {offsets = [3], sizes = [1], strides = [1]} : vector<16xi32> to vector<1xi32>
        %squeeze3A_391 = vector.extract %slice3A_390[0] : i32 from vector<1xi32>
        %add3A_392 = vector.broadcast %squeeze3A_391 : i32 to vector<16xi32>
        %add3A_393 = arith.addi %broadcast_in_dim3A_1, %add3A_392 : vector<16xi32>
        %gather3A_394 = tpu.vector_load_idx %arg11[%add3A_120, %add3A_393] : memref<64x512xf32, #tpu.memory_space<vmem>>[vector<16xi32>, vector<16xi32>], vector<16xf32>,
        %swap3A_395 = arith.constant 3 : i32
        %swap3A_396 = arith.index_cast %swap3A_395 : i32 to index
        %swap3A_397 = arith.constant 0 : index
        %swap3A_398 = tpu.vector_load %arg13[%swap3A_396, %swap3A_397] {strides = array<i32>} : memref<16x128xf32, #tpu.memory_space<vmem>>, vector<16xf32>,
        tpu.vector_store %arg13[%swap3A_396, %swap3A_397], %gather3A_394 {strides = array<i32>} : memref<16x128xf32, #tpu.memory_space<vmem>>, vector<16xf32>,
        %add3A_399 = vector.broadcast %squeeze3A_391 : i32 to vector<16xi32>
        %add3A_400 = arith.addi %broadcast_in_dim3A_1, %add3A_399 : vector<16xi32>
        %gather3A_401 = tpu.vector_load_idx %arg11[%add3A_123, %add3A_400] : memref<64x512xf32, #tpu.memory_space<vmem>>[vector<16xi32>, vector<16xi32>], vector<16xf32>,
        %swap3A_402 = arith.constant 3 : i32
        %swap3A_403 = arith.index_cast %swap3A_402 : i32 to index
        %swap3A_404 = arith.constant 16 : index
        %swap3A_405 = tpu.vector_load %arg13[%swap3A_403, %swap3A_404] {strides = array<i32>} : memref<16x128xf32, #tpu.memory_space<vmem>>, vector<16xf32>,
        tpu.vector_store %arg13[%swap3A_403, %swap3A_404], %gather3A_401 {strides = array<i32>} : memref<16x128xf32, #tpu.memory_space<vmem>>, vector<16xf32>,
        %add3A_406 = vector.broadcast %squeeze3A_391 : i32 to vector<16xi32>
        %add3A_407 = arith.addi %broadcast_in_dim3A_1, %add3A_406 : vector<16xi32>
        %gather3A_408 = tpu.vector_load_idx %arg11[%add3A_126, %add3A_407] : memref<64x512xf32, #tpu.memory_space<vmem>>[vector<16xi32>, vector<16xi32>], vector<16xf32>,
        %swap3A_409 = arith.constant 3 : i32
        %swap3A_410 = arith.index_cast %swap3A_409 : i32 to index
        %swap3A_411 = arith.constant 32 : index
        %swap3A_412 = tpu.vector_load %arg13[%swap3A_410, %swap3A_411] {strides = array<i32>} : memref<16x128xf32, #tpu.memory_space<vmem>>, vector<16xf32>,
        tpu.vector_store %arg13[%swap3A_410, %swap3A_411], %gather3A_408 {strides = array<i32>} : memref<16x128xf32, #tpu.memory_space<vmem>>, vector<16xf32>,
        %add3A_413 = vector.broadcast %squeeze3A_391 : i32 to vector<16xi32>
        %add3A_414 = arith.addi %broadcast_in_dim3A_1, %add3A_413 : vector<16xi32>
        %gather3A_415 = tpu.vector_load_idx %arg11[%add3A_129, %add3A_414] : memref<64x512xf32, #tpu.memory_space<vmem>>[vector<16xi32>, vector<16xi32>], vector<16xf32>,
        %swap3A_416 = arith.constant 3 : i32
        %swap3A_417 = arith.index_cast %swap3A_416 : i32 to index
        %swap3A_418 = arith.constant 48 : index
        %swap3A_419 = tpu.vector_load %arg13[%swap3A_417, %swap3A_418] {strides = array<i32>} : memref<16x128xf32, #tpu.memory_space<vmem>>, vector<16xf32>,
        tpu.vector_store %arg13[%swap3A_417, %swap3A_418], %gather3A_415 {strides = array<i32>} : memref<16x128xf32, #tpu.memory_space<vmem>>, vector<16xf32>,
        %slice3A_420 = vector.extract_strided_slice %select_n3A_293 {offsets = [4], sizes = [1], strides = [1]} : vector<16xi32> to vector<1xi32>
        %squeeze3A_421 = vector.extract %slice3A_420[0] : i32 from vector<1xi32>
        %add3A_422 = vector.broadcast %squeeze3A_421 : i32 to vector<16xi32>
        %add3A_423 = arith.addi %broadcast_in_dim3A_1, %add3A_422 : vector<16xi32>
        %gather3A_424 = tpu.vector_load_idx %arg11[%add3A_120, %add3A_423] : memref<64x512xf32, #tpu.memory_space<vmem>>[vector<16xi32>, vector<16xi32>], vector<16xf32>,
        %swap3A_425 = arith.constant 4 : i32
        %swap3A_426 = arith.index_cast %swap3A_425 : i32 to index
        %swap3A_427 = arith.constant 0 : index
        %swap3A_428 = tpu.vector_load %arg13[%swap3A_426, %swap3A_427] {strides = array<i32>} : memref<16x128xf32, #tpu.memory_space<vmem>>, vector<16xf32>,
        tpu.vector_store %arg13[%swap3A_426, %swap3A_427], %gather3A_424 {strides = array<i32>} : memref<16x128xf32, #tpu.memory_space<vmem>>, vector<16xf32>,
        %add3A_429 = vector.broadcast %squeeze3A_421 : i32 to vector<16xi32>
        %add3A_430 = arith.addi %broadcast_in_dim3A_1, %add3A_429 : vector<16xi32>
        %gather3A_431 = tpu.vector_load_idx %arg11[%add3A_123, %add3A_430] : memref<64x512xf32, #tpu.memory_space<vmem>>[vector<16xi32>, vector<16xi32>], vector<16xf32>,
        %swap3A_432 = arith.constant 4 : i32
        %swap3A_433 = arith.index_cast %swap3A_432 : i32 to index
        %swap3A_434 = arith.constant 16 : index
        %swap3A_435 = tpu.vector_load %arg13[%swap3A_433, %swap3A_434] {strides = array<i32>} : memref<16x128xf32, #tpu.memory_space<vmem>>, vector<16xf32>,
        tpu.vector_store %arg13[%swap3A_433, %swap3A_434], %gather3A_431 {strides = array<i32>} : memref<16x128xf32, #tpu.memory_space<vmem>>, vector<16xf32>,
        %add3A_436 = vector.broadcast %squeeze3A_421 : i32 to vector<16xi32>
        %add3A_437 = arith.addi %broadcast_in_dim3A_1, %add3A_436 : vector<16xi32>
        %gather3A_438 = tpu.vector_load_idx %arg11[%add3A_126, %add3A_437] : memref<64x512xf32, #tpu.memory_space<vmem>>[vector<16xi32>, vector<16xi32>], vector<16xf32>,
        %swap3A_439 = arith.constant 4 : i32
        %swap3A_440 = arith.index_cast %swap3A_439 : i32 to index
        %swap3A_441 = arith.constant 32 : index
        %swap3A_442 = tpu.vector_load %arg13[%swap3A_440, %swap3A_441] {strides = array<i32>} : memref<16x128xf32, #tpu.memory_space<vmem>>, vector<16xf32>,
        tpu.vector_store %arg13[%swap3A_440, %swap3A_441], %gather3A_438 {strides = array<i32>} : memref<16x128xf32, #tpu.memory_space<vmem>>, vector<16xf32>,
        %add3A_443 = vector.broadcast %squeeze3A_421 : i32 to vector<16xi32>
        %add3A_444 = arith.addi %broadcast_in_dim3A_1, %add3A_443 : vector<16xi32>
        %gather3A_445 = tpu.vector_load_idx %arg11[%add3A_129, %add3A_444] : memref<64x512xf32, #tpu.memory_space<vmem>>[vector<16xi32>, vector<16xi32>], vector<16xf32>,
        %swap3A_446 = arith.constant 4 : i32
        %swap3A_447 = arith.index_cast %swap3A_446 : i32 to index
        %swap3A_448 = arith.constant 48 : index
        %swap3A_449 = tpu.vector_load %arg13[%swap3A_447, %swap3A_448] {strides = array<i32>} : memref<16x128xf32, #tpu.memory_space<vmem>>, vector<16xf32>,
        tpu.vector_store %arg13[%swap3A_447, %swap3A_448], %gather3A_445 {strides = array<i32>} : memref<16x128xf32, #tpu.memory_space<vmem>>, vector<16xf32>,
        %slice3A_450 = vector.extract_strided_slice %select_n3A_293 {offsets = [5], sizes = [1], strides = [1]} : vector<16xi32> to vector<1xi32>
        %squeeze3A_451 = vector.extract %slice3A_450[0] : i32 from vector<1xi32>
        %add3A_452 = vector.broadcast %squeeze3A_451 : i32 to vector<16xi32>
        %add3A_453 = arith.addi %broadcast_in_dim3A_1, %add3A_452 : vector<16xi32>
        %gather3A_454 = tpu.vector_load_idx %arg11[%add3A_120, %add3A_453] : memref<64x512xf32, #tpu.memory_space<vmem>>[vector<16xi32>, vector<16xi32>], vector<16xf32>,
        %swap3A_455 = arith.constant 5 : i32
        %swap3A_456 = arith.index_cast %swap3A_455 : i32 to index
        %swap3A_457 = arith.constant 0 : index
        %swap3A_458 = tpu.vector_load %arg13[%swap3A_456, %swap3A_457] {strides = array<i32>} : memref<16x128xf32, #tpu.memory_space<vmem>>, vector<16xf32>,
        tpu.vector_store %arg13[%swap3A_456, %swap3A_457], %gather3A_454 {strides = array<i32>} : memref<16x128xf32, #tpu.memory_space<vmem>>, vector<16xf32>,
        %add3A_459 = vector.broadcast %squeeze3A_451 : i32 to vector<16xi32>
        %add3A_460 = arith.addi %broadcast_in_dim3A_1, %add3A_459 : vector<16xi32>
        %gather3A_461 = tpu.vector_load_idx %arg11[%add3A_123, %add3A_460] : memref<64x512xf32, #tpu.memory_space<vmem>>[vector<16xi32>, vector<16xi32>], vector<16xf32>,
        %swap3A_462 = arith.constant 5 : i32
        %swap3A_463 = arith.index_cast %swap3A_462 : i32 to index
        %swap3A_464 = arith.constant 16 : index
        %swap3A_465 = tpu.vector_load %arg13[%swap3A_463, %swap3A_464] {strides = array<i32>} : memref<16x128xf32, #tpu.memory_space<vmem>>, vector<16xf32>,
        tpu.vector_store %arg13[%swap3A_463, %swap3A_464], %gather3A_461 {strides = array<i32>} : memref<16x128xf32, #tpu.memory_space<vmem>>, vector<16xf32>,
        %add3A_466 = vector.broadcast %squeeze3A_451 : i32 to vector<16xi32>
        %add3A_467 = arith.addi %broadcast_in_dim3A_1, %add3A_466 : vector<16xi32>
        %gather3A_468 = tpu.vector_load_idx %arg11[%add3A_126, %add3A_467] : memref<64x512xf32, #tpu.memory_space<vmem>>[vector<16xi32>, vector<16xi32>], vector<16xf32>,
        %swap3A_469 = arith.constant 5 : i32
        %swap3A_470 = arith.index_cast %swap3A_469 : i32 to index
        %swap3A_471 = arith.constant 32 : index
        %swap3A_472 = tpu.vector_load %arg13[%swap3A_470, %swap3A_471] {strides = array<i32>} : memref<16x128xf32, #tpu.memory_space<vmem>>, vector<16xf32>,
        tpu.vector_store %arg13[%swap3A_470, %swap3A_471], %gather3A_468 {strides = array<i32>} : memref<16x128xf32, #tpu.memory_space<vmem>>, vector<16xf32>,
        %add3A_473 = vector.broadcast %squeeze3A_451 : i32 to vector<16xi32>
        %add3A_474 = arith.addi %broadcast_in_dim3A_1, %add3A_473 : vector<16xi32>
        %gather3A_475 = tpu.vector_load_idx %arg11[%add3A_129, %add3A_474] : memref<64x512xf32, #tpu.memory_space<vmem>>[vector<16xi32>, vector<16xi32>], vector<16xf32>,
        %swap3A_476 = arith.constant 5 : i32
        %swap3A_477 = arith.index_cast %swap3A_476 : i32 to index
        %swap3A_478 = arith.constant 48 : index
        %swap3A_479 = tpu.vector_load %arg13[%swap3A_477, %swap3A_478] {strides = array<i32>} : memref<16x128xf32, #tpu.memory_space<vmem>>, vector<16xf32>,
        tpu.vector_store %arg13[%swap3A_477, %swap3A_478], %gather3A_475 {strides = array<i32>} : memref<16x128xf32, #tpu.memory_space<vmem>>, vector<16xf32>,
        %slice3A_480 = vector.extract_strided_slice %select_n3A_293 {offsets = [6], sizes = [1], strides = [1]} : vector<16xi32> to vector<1xi32>
        %squeeze3A_481 = vector.extract %slice3A_480[0] : i32 from vector<1xi32>
        %add3A_482 = vector.broadcast %squeeze3A_481 : i32 to vector<16xi32>
        %add3A_483 = arith.addi %broadcast_in_dim3A_1, %add3A_482 : vector<16xi32>
        %gather3A_484 = tpu.vector_load_idx %arg11[%add3A_120, %add3A_483] : memref<64x512xf32, #tpu.memory_space<vmem>>[vector<16xi32>, vector<16xi32>], vector<16xf32>,
        %swap3A_485 = arith.constant 6 : i32
        %swap3A_486 = arith.index_cast %swap3A_485 : i32 to index
        %swap3A_487 = arith.constant 0 : index
        %swap3A_488 = tpu.vector_load %arg13[%swap3A_486, %swap3A_487] {strides = array<i32>} : memref<16x128xf32, #tpu.memory_space<vmem>>, vector<16xf32>,
        tpu.vector_store %arg13[%swap3A_486, %swap3A_487], %gather3A_484 {strides = array<i32>} : memref<16x128xf32, #tpu.memory_space<vmem>>, vector<16xf32>,
        %add3A_489 = vector.broadcast %squeeze3A_481 : i32 to vector<16xi32>
        %add3A_490 = arith.addi %broadcast_in_dim3A_1, %add3A_489 : vector<16xi32>
        %gather3A_491 = tpu.vector_load_idx %arg11[%add3A_123, %add3A_490] : memref<64x512xf32, #tpu.memory_space<vmem>>[vector<16xi32>, vector<16xi32>], vector<16xf32>,
        %swap3A_492 = arith.constant 6 : i32
        %swap3A_493 = arith.index_cast %swap3A_492 : i32 to index
        %swap3A_494 = arith.constant 16 : index
        %swap3A_495 = tpu.vector_load %arg13[%swap3A_493, %swap3A_494] {strides = array<i32>} : memref<16x128xf32, #tpu.memory_space<vmem>>, vector<16xf32>,
        tpu.vector_store %arg13[%swap3A_493, %swap3A_494], %gather3A_491 {strides = array<i32>} : memref<16x128xf32, #tpu.memory_space<vmem>>, vector<16xf32>,
        %add3A_496 = vector.broadcast %squeeze3A_481 : i32 to vector<16xi32>
        %add3A_497 = arith.addi %broadcast_in_dim3A_1, %add3A_496 : vector<16xi32>
        %gather3A_498 = tpu.vector_load_idx %arg11[%add3A_126, %add3A_497] : memref<64x512xf32, #tpu.memory_space<vmem>>[vector<16xi32>, vector<16xi32>], vector<16xf32>,
        %swap3A_499 = arith.constant 6 : i32
        %swap3A_500 = arith.index_cast %swap3A_499 : i32 to index
        %swap3A_501 = arith.constant 32 : index
        %swap3A_502 = tpu.vector_load %arg13[%swap3A_500, %swap3A_501] {strides = array<i32>} : memref<16x128xf32, #tpu.memory_space<vmem>>, vector<16xf32>,
        tpu.vector_store %arg13[%swap3A_500, %swap3A_501], %gather3A_498 {strides = array<i32>} : memref<16x128xf32, #tpu.memory_space<vmem>>, vector<16xf32>,
        %add3A_503 = vector.broadcast %squeeze3A_481 : i32 to vector<16xi32>
        %add3A_504 = arith.addi %broadcast_in_dim3A_1, %add3A_503 : vector<16xi32>
        %gather3A_505 = tpu.vector_load_idx %arg11[%add3A_129, %add3A_504] : memref<64x512xf32, #tpu.memory_space<vmem>>[vector<16xi32>, vector<16xi32>], vector<16xf32>,
        %swap3A_506 = arith.constant 6 : i32
        %swap3A_507 = arith.index_cast %swap3A_506 : i32 to index
        %swap3A_508 = arith.constant 48 : index
        %swap3A_509 = tpu.vector_load %arg13[%swap3A_507, %swap3A_508] {strides = array<i32>} : memref<16x128xf32, #tpu.memory_space<vmem>>, vector<16xf32>,
        tpu.vector_store %arg13[%swap3A_507, %swap3A_508], %gather3A_505 {strides = array<i32>} : memref<16x128xf32, #tpu.memory_space<vmem>>, vector<16xf32>,
        %slice3A_510 = vector.extract_strided_slice %select_n3A_293 {offsets = [7], sizes = [1], strides = [1]} : vector<16xi32> to vector<1xi32>
        %squeeze3A_511 = vector.extract %slice3A_510[0] : i32 from vector<1xi32>
        %add3A_512 = vector.broadcast %squeeze3A_511 : i32 to vector<16xi32>
        %add3A_513 = arith.addi %broadcast_in_dim3A_1, %add3A_512 : vector<16xi32>
        %gather3A_514 = tpu.vector_load_idx %arg11[%add3A_120, %add3A_513] : memref<64x512xf32, #tpu.memory_space<vmem>>[vector<16xi32>, vector<16xi32>], vector<16xf32>,
        %swap3A_515 = arith.constant 7 : i32
        %swap3A_516 = arith.index_cast %swap3A_515 : i32 to index
        %swap3A_517 = arith.constant 0 : index
        %swap3A_518 = tpu.vector_load %arg13[%swap3A_516, %swap3A_517] {strides = array<i32>} : memref<16x128xf32, #tpu.memory_space<vmem>>, vector<16xf32>,
        tpu.vector_store %arg13[%swap3A_516, %swap3A_517], %gather3A_514 {strides = array<i32>} : memref<16x128xf32, #tpu.memory_space<vmem>>, vector<16xf32>,
        %add3A_519 = vector.broadcast %squeeze3A_511 : i32 to vector<16xi32>
        %add3A_520 = arith.addi %broadcast_in_dim3A_1, %add3A_519 : vector<16xi32>
        %gather3A_521 = tpu.vector_load_idx %arg11[%add3A_123, %add3A_520] : memref<64x512xf32, #tpu.memory_space<vmem>>[vector<16xi32>, vector<16xi32>], vector<16xf32>,
        %swap3A_522 = arith.constant 7 : i32
        %swap3A_523 = arith.index_cast %swap3A_522 : i32 to index
        %swap3A_524 = arith.constant 16 : index
        %swap3A_525 = tpu.vector_load %arg13[%swap3A_523, %swap3A_524] {strides = array<i32>} : memref<16x128xf32, #tpu.memory_space<vmem>>, vector<16xf32>,
        tpu.vector_store %arg13[%swap3A_523, %swap3A_524], %gather3A_521 {strides = array<i32>} : memref<16x128xf32, #tpu.memory_space<vmem>>, vector<16xf32>,
        %add3A_526 = vector.broadcast %squeeze3A_511 : i32 to vector<16xi32>
        %add3A_527 = arith.addi %broadcast_in_dim3A_1, %add3A_526 : vector<16xi32>
        %gather3A_528 = tpu.vector_load_idx %arg11[%add3A_126, %add3A_527] : memref<64x512xf32, #tpu.memory_space<vmem>>[vector<16xi32>, vector<16xi32>], vector<16xf32>,
        %swap3A_529 = arith.constant 7 : i32
        %swap3A_530 = arith.index_cast %swap3A_529 : i32 to index
        %swap3A_531 = arith.constant 32 : index
        %swap3A_532 = tpu.vector_load %arg13[%swap3A_530, %swap3A_531] {strides = array<i32>} : memref<16x128xf32, #tpu.memory_space<vmem>>, vector<16xf32>,
        tpu.vector_store %arg13[%swap3A_530, %swap3A_531], %gather3A_528 {strides = array<i32>} : memref<16x128xf32, #tpu.memory_space<vmem>>, vector<16xf32>,
        %add3A_533 = vector.broadcast %squeeze3A_511 : i32 to vector<16xi32>
        %add3A_534 = arith.addi %broadcast_in_dim3A_1, %add3A_533 : vector<16xi32>
        %gather3A_535 = tpu.vector_load_idx %arg11[%add3A_129, %add3A_534] : memref<64x512xf32, #tpu.memory_space<vmem>>[vector<16xi32>, vector<16xi32>], vector<16xf32>,
        %swap3A_536 = arith.constant 7 : i32
        %swap3A_537 = arith.index_cast %swap3A_536 : i32 to index
        %swap3A_538 = arith.constant 48 : index
        %swap3A_539 = tpu.vector_load %arg13[%swap3A_537, %swap3A_538] {strides = array<i32>} : memref<16x128xf32, #tpu.memory_space<vmem>>, vector<16xf32>,
        tpu.vector_store %arg13[%swap3A_537, %swap3A_538], %gather3A_535 {strides = array<i32>} : memref<16x128xf32, #tpu.memory_space<vmem>>, vector<16xf32>,
        %slice3A_540 = vector.extract_strided_slice %select_n3A_293 {offsets = [8], sizes = [1], strides = [1]} : vector<16xi32> to vector<1xi32>
        %squeeze3A_541 = vector.extract %slice3A_540[0] : i32 from vector<1xi32>
        %add3A_542 = vector.broadcast %squeeze3A_541 : i32 to vector<16xi32>
        %add3A_543 = arith.addi %broadcast_in_dim3A_1, %add3A_542 : vector<16xi32>
        %gather3A_544 = tpu.vector_load_idx %arg11[%add3A_120, %add3A_543] : memref<64x512xf32, #tpu.memory_space<vmem>>[vector<16xi32>, vector<16xi32>], vector<16xf32>,
        %swap3A_545 = arith.constant 8 : i32
        %swap3A_546 = arith.index_cast %swap3A_545 : i32 to index
        %swap3A_547 = arith.constant 0 : index
        %swap3A_548 = tpu.vector_load %arg13[%swap3A_546, %swap3A_547] {strides = array<i32>} : memref<16x128xf32, #tpu.memory_space<vmem>>, vector<16xf32>,
        tpu.vector_store %arg13[%swap3A_546, %swap3A_547], %gather3A_544 {strides = array<i32>} : memref<16x128xf32, #tpu.memory_space<vmem>>, vector<16xf32>,
        %add3A_549 = vector.broadcast %squeeze3A_541 : i32 to vector<16xi32>
        %add3A_550 = arith.addi %broadcast_in_dim3A_1, %add3A_549 : vector<16xi32>
        %gather3A_551 = tpu.vector_load_idx %arg11[%add3A_123, %add3A_550] : memref<64x512xf32, #tpu.memory_space<vmem>>[vector<16xi32>, vector<16xi32>], vector<16xf32>,
        %swap3A_552 = arith.constant 8 : i32
        %swap3A_553 = arith.index_cast %swap3A_552 : i32 to index
        %swap3A_554 = arith.constant 16 : index
        %swap3A_555 = tpu.vector_load %arg13[%swap3A_553, %swap3A_554] {strides = array<i32>} : memref<16x128xf32, #tpu.memory_space<vmem>>, vector<16xf32>,
        tpu.vector_store %arg13[%swap3A_553, %swap3A_554], %gather3A_551 {strides = array<i32>} : memref<16x128xf32, #tpu.memory_space<vmem>>, vector<16xf32>,
        %add3A_556 = vector.broadcast %squeeze3A_541 : i32 to vector<16xi32>
        %add3A_557 = arith.addi %broadcast_in_dim3A_1, %add3A_556 : vector<16xi32>
        %gather3A_558 = tpu.vector_load_idx %arg11[%add3A_126, %add3A_557] : memref<64x512xf32, #tpu.memory_space<vmem>>[vector<16xi32>, vector<16xi32>], vector<16xf32>,
        %swap3A_559 = arith.constant 8 : i32
        %swap3A_560 = arith.index_cast %swap3A_559 : i32 to index
        %swap3A_561 = arith.constant 32 : index
        %swap3A_562 = tpu.vector_load %arg13[%swap3A_560, %swap3A_561] {strides = array<i32>} : memref<16x128xf32, #tpu.memory_space<vmem>>, vector<16xf32>,
        tpu.vector_store %arg13[%swap3A_560, %swap3A_561], %gather3A_558 {strides = array<i32>} : memref<16x128xf32, #tpu.memory_space<vmem>>, vector<16xf32>,
        %add3A_563 = vector.broadcast %squeeze3A_541 : i32 to vector<16xi32>
        %add3A_564 = arith.addi %broadcast_in_dim3A_1, %add3A_563 : vector<16xi32>
        %gather3A_565 = tpu.vector_load_idx %arg11[%add3A_129, %add3A_564] : memref<64x512xf32, #tpu.memory_space<vmem>>[vector<16xi32>, vector<16xi32>], vector<16xf32>,
        %swap3A_566 = arith.constant 8 : i32
        %swap3A_567 = arith.index_cast %swap3A_566 : i32 to index
        %swap3A_568 = arith.constant 48 : index
        %swap3A_569 = tpu.vector_load %arg13[%swap3A_567, %swap3A_568] {strides = array<i32>} : memref<16x128xf32, #tpu.memory_space<vmem>>, vector<16xf32>,
        tpu.vector_store %arg13[%swap3A_567, %swap3A_568], %gather3A_565 {strides = array<i32>} : memref<16x128xf32, #tpu.memory_space<vmem>>, vector<16xf32>,
        %slice3A_570 = vector.extract_strided_slice %select_n3A_293 {offsets = [9], sizes = [1], strides = [1]} : vector<16xi32> to vector<1xi32>
        %squeeze3A_571 = vector.extract %slice3A_570[0] : i32 from vector<1xi32>
        %add3A_572 = vector.broadcast %squeeze3A_571 : i32 to vector<16xi32>
        %add3A_573 = arith.addi %broadcast_in_dim3A_1, %add3A_572 : vector<16xi32>
        %gather3A_574 = tpu.vector_load_idx %arg11[%add3A_120, %add3A_573] : memref<64x512xf32, #tpu.memory_space<vmem>>[vector<16xi32>, vector<16xi32>], vector<16xf32>,
        %swap3A_575 = arith.constant 9 : i32
        %swap3A_576 = arith.index_cast %swap3A_575 : i32 to index
        %swap3A_577 = arith.constant 0 : index
        %swap3A_578 = tpu.vector_load %arg13[%swap3A_576, %swap3A_577] {strides = array<i32>} : memref<16x128xf32, #tpu.memory_space<vmem>>, vector<16xf32>,
        tpu.vector_store %arg13[%swap3A_576, %swap3A_577], %gather3A_574 {strides = array<i32>} : memref<16x128xf32, #tpu.memory_space<vmem>>, vector<16xf32>,
        %add3A_579 = vector.broadcast %squeeze3A_571 : i32 to vector<16xi32>
        %add3A_580 = arith.addi %broadcast_in_dim3A_1, %add3A_579 : vector<16xi32>
        %gather3A_581 = tpu.vector_load_idx %arg11[%add3A_123, %add3A_580] : memref<64x512xf32, #tpu.memory_space<vmem>>[vector<16xi32>, vector<16xi32>], vector<16xf32>,
        %swap3A_582 = arith.constant 9 : i32
        %swap3A_583 = arith.index_cast %swap3A_582 : i32 to index
        %swap3A_584 = arith.constant 16 : index
        %swap3A_585 = tpu.vector_load %arg13[%swap3A_583, %swap3A_584] {strides = array<i32>} : memref<16x128xf32, #tpu.memory_space<vmem>>, vector<16xf32>,
        tpu.vector_store %arg13[%swap3A_583, %swap3A_584], %gather3A_581 {strides = array<i32>} : memref<16x128xf32, #tpu.memory_space<vmem>>, vector<16xf32>,
        %add3A_586 = vector.broadcast %squeeze3A_571 : i32 to vector<16xi32>
        %add3A_587 = arith.addi %broadcast_in_dim3A_1, %add3A_586 : vector<16xi32>
        %gather3A_588 = tpu.vector_load_idx %arg11[%add3A_126, %add3A_587] : memref<64x512xf32, #tpu.memory_space<vmem>>[vector<16xi32>, vector<16xi32>], vector<16xf32>,
        %swap3A_589 = arith.constant 9 : i32
        %swap3A_590 = arith.index_cast %swap3A_589 : i32 to index
        %swap3A_591 = arith.constant 32 : index
        %swap3A_592 = tpu.vector_load %arg13[%swap3A_590, %swap3A_591] {strides = array<i32>} : memref<16x128xf32, #tpu.memory_space<vmem>>, vector<16xf32>,
        tpu.vector_store %arg13[%swap3A_590, %swap3A_591], %gather3A_588 {strides = array<i32>} : memref<16x128xf32, #tpu.memory_space<vmem>>, vector<16xf32>,
        %add3A_593 = vector.broadcast %squeeze3A_571 : i32 to vector<16xi32>
        %add3A_594 = arith.addi %broadcast_in_dim3A_1, %add3A_593 : vector<16xi32>
        %gather3A_595 = tpu.vector_load_idx %arg11[%add3A_129, %add3A_594] : memref<64x512xf32, #tpu.memory_space<vmem>>[vector<16xi32>, vector<16xi32>], vector<16xf32>,
        %swap3A_596 = arith.constant 9 : i32
        %swap3A_597 = arith.index_cast %swap3A_596 : i32 to index
        %swap3A_598 = arith.constant 48 : index
        %swap3A_599 = tpu.vector_load %arg13[%swap3A_597, %swap3A_598] {strides = array<i32>} : memref<16x128xf32, #tpu.memory_space<vmem>>, vector<16xf32>,
        tpu.vector_store %arg13[%swap3A_597, %swap3A_598], %gather3A_595 {strides = array<i32>} : memref<16x128xf32, #tpu.memory_space<vmem>>, vector<16xf32>,
        %slice3A_600 = vector.extract_strided_slice %select_n3A_293 {offsets = [10], sizes = [1], strides = [1]} : vector<16xi32> to vector<1xi32>
        %squeeze3A_601 = vector.extract %slice3A_600[0] : i32 from vector<1xi32>
        %add3A_602 = vector.broadcast %squeeze3A_601 : i32 to vector<16xi32>
        %add3A_603 = arith.addi %broadcast_in_dim3A_1, %add3A_602 : vector<16xi32>
        %gather3A_604 = tpu.vector_load_idx %arg11[%add3A_120, %add3A_603] : memref<64x512xf32, #tpu.memory_space<vmem>>[vector<16xi32>, vector<16xi32>], vector<16xf32>,
        %swap3A_605 = arith.constant 10 : i32
        %swap3A_606 = arith.index_cast %swap3A_605 : i32 to index
        %swap3A_607 = arith.constant 0 : index
        %swap3A_608 = tpu.vector_load %arg13[%swap3A_606, %swap3A_607] {strides = array<i32>} : memref<16x128xf32, #tpu.memory_space<vmem>>, vector<16xf32>,
        tpu.vector_store %arg13[%swap3A_606, %swap3A_607], %gather3A_604 {strides = array<i32>} : memref<16x128xf32, #tpu.memory_space<vmem>>, vector<16xf32>,
        %add3A_609 = vector.broadcast %squeeze3A_601 : i32 to vector<16xi32>
        %add3A_610 = arith.addi %broadcast_in_dim3A_1, %add3A_609 : vector<16xi32>
        %gather3A_611 = tpu.vector_load_idx %arg11[%add3A_123, %add3A_610] : memref<64x512xf32, #tpu.memory_space<vmem>>[vector<16xi32>, vector<16xi32>], vector<16xf32>,
        %swap3A_612 = arith.constant 10 : i32
        %swap3A_613 = arith.index_cast %swap3A_612 : i32 to index
        %swap3A_614 = arith.constant 16 : index
        %swap3A_615 = tpu.vector_load %arg13[%swap3A_613, %swap3A_614] {strides = array<i32>} : memref<16x128xf32, #tpu.memory_space<vmem>>, vector<16xf32>,
        tpu.vector_store %arg13[%swap3A_613, %swap3A_614], %gather3A_611 {strides = array<i32>} : memref<16x128xf32, #tpu.memory_space<vmem>>, vector<16xf32>,
        %add3A_616 = vector.broadcast %squeeze3A_601 : i32 to vector<16xi32>
        %add3A_617 = arith.addi %broadcast_in_dim3A_1, %add3A_616 : vector<16xi32>
        %gather3A_618 = tpu.vector_load_idx %arg11[%add3A_126, %add3A_617] : memref<64x512xf32, #tpu.memory_space<vmem>>[vector<16xi32>, vector<16xi32>], vector<16xf32>,
        %swap3A_619 = arith.constant 10 : i32
        %swap3A_620 = arith.index_cast %swap3A_619 : i32 to index
        %swap3A_621 = arith.constant 32 : index
        %swap3A_622 = tpu.vector_load %arg13[%swap3A_620, %swap3A_621] {strides = array<i32>} : memref<16x128xf32, #tpu.memory_space<vmem>>, vector<16xf32>,
        tpu.vector_store %arg13[%swap3A_620, %swap3A_621], %gather3A_618 {strides = array<i32>} : memref<16x128xf32, #tpu.memory_space<vmem>>, vector<16xf32>,
        %add3A_623 = vector.broadcast %squeeze3A_601 : i32 to vector<16xi32>
        %add3A_624 = arith.addi %broadcast_in_dim3A_1, %add3A_623 : vector<16xi32>
        %gather3A_625 = tpu.vector_load_idx %arg11[%add3A_129, %add3A_624] : memref<64x512xf32, #tpu.memory_space<vmem>>[vector<16xi32>, vector<16xi32>], vector<16xf32>,
        %swap3A_626 = arith.constant 10 : i32
        %swap3A_627 = arith.index_cast %swap3A_626 : i32 to index
        %swap3A_628 = arith.constant 48 : index
        %swap3A_629 = tpu.vector_load %arg13[%swap3A_627, %swap3A_628] {strides = array<i32>} : memref<16x128xf32, #tpu.memory_space<vmem>>, vector<16xf32>,
        tpu.vector_store %arg13[%swap3A_627, %swap3A_628], %gather3A_625 {strides = array<i32>} : memref<16x128xf32, #tpu.memory_space<vmem>>, vector<16xf32>,
        %slice3A_630 = vector.extract_strided_slice %select_n3A_293 {offsets = [11], sizes = [1], strides = [1]} : vector<16xi32> to vector<1xi32>
        %squeeze3A_631 = vector.extract %slice3A_630[0] : i32 from vector<1xi32>
        %add3A_632 = vector.broadcast %squeeze3A_631 : i32 to vector<16xi32>
        %add3A_633 = arith.addi %broadcast_in_dim3A_1, %add3A_632 : vector<16xi32>
        %gather3A_634 = tpu.vector_load_idx %arg11[%add3A_120, %add3A_633] : memref<64x512xf32, #tpu.memory_space<vmem>>[vector<16xi32>, vector<16xi32>], vector<16xf32>,
        %swap3A_635 = arith.constant 11 : i32
        %swap3A_636 = arith.index_cast %swap3A_635 : i32 to index
        %swap3A_637 = arith.constant 0 : index
        %swap3A_638 = tpu.vector_load %arg13[%swap3A_636, %swap3A_637] {strides = array<i32>} : memref<16x128xf32, #tpu.memory_space<vmem>>, vector<16xf32>,
        tpu.vector_store %arg13[%swap3A_636, %swap3A_637], %gather3A_634 {strides = array<i32>} : memref<16x128xf32, #tpu.memory_space<vmem>>, vector<16xf32>,
        %add3A_639 = vector.broadcast %squeeze3A_631 : i32 to vector<16xi32>
        %add3A_640 = arith.addi %broadcast_in_dim3A_1, %add3A_639 : vector<16xi32>
        %gather3A_641 = tpu.vector_load_idx %arg11[%add3A_123, %add3A_640] : memref<64x512xf32, #tpu.memory_space<vmem>>[vector<16xi32>, vector<16xi32>], vector<16xf32>,
        %swap3A_642 = arith.constant 11 : i32
        %swap3A_643 = arith.index_cast %swap3A_642 : i32 to index
        %swap3A_644 = arith.constant 16 : index
        %swap3A_645 = tpu.vector_load %arg13[%swap3A_643, %swap3A_644] {strides = array<i32>} : memref<16x128xf32, #tpu.memory_space<vmem>>, vector<16xf32>,
        tpu.vector_store %arg13[%swap3A_643, %swap3A_644], %gather3A_641 {strides = array<i32>} : memref<16x128xf32, #tpu.memory_space<vmem>>, vector<16xf32>,
        %add3A_646 = vector.broadcast %squeeze3A_631 : i32 to vector<16xi32>
        %add3A_647 = arith.addi %broadcast_in_dim3A_1, %add3A_646 : vector<16xi32>
        %gather3A_648 = tpu.vector_load_idx %arg11[%add3A_126, %add3A_647] : memref<64x512xf32, #tpu.memory_space<vmem>>[vector<16xi32>, vector<16xi32>], vector<16xf32>,
        %swap3A_649 = arith.constant 11 : i32
        %swap3A_650 = arith.index_cast %swap3A_649 : i32 to index
        %swap3A_651 = arith.constant 32 : index
        %swap3A_652 = tpu.vector_load %arg13[%swap3A_650, %swap3A_651] {strides = array<i32>} : memref<16x128xf32, #tpu.memory_space<vmem>>, vector<16xf32>,
        tpu.vector_store %arg13[%swap3A_650, %swap3A_651], %gather3A_648 {strides = array<i32>} : memref<16x128xf32, #tpu.memory_space<vmem>>, vector<16xf32>,
        %add3A_653 = vector.broadcast %squeeze3A_631 : i32 to vector<16xi32>
        %add3A_654 = arith.addi %broadcast_in_dim3A_1, %add3A_653 : vector<16xi32>
        %gather3A_655 = tpu.vector_load_idx %arg11[%add3A_129, %add3A_654] : memref<64x512xf32, #tpu.memory_space<vmem>>[vector<16xi32>, vector<16xi32>], vector<16xf32>,
        %swap3A_656 = arith.constant 11 : i32
        %swap3A_657 = arith.index_cast %swap3A_656 : i32 to index
        %swap3A_658 = arith.constant 48 : index
        %swap3A_659 = tpu.vector_load %arg13[%swap3A_657, %swap3A_658] {strides = array<i32>} : memref<16x128xf32, #tpu.memory_space<vmem>>, vector<16xf32>,
        tpu.vector_store %arg13[%swap3A_657, %swap3A_658], %gather3A_655 {strides = array<i32>} : memref<16x128xf32, #tpu.memory_space<vmem>>, vector<16xf32>,
        %slice3A_660 = vector.extract_strided_slice %select_n3A_293 {offsets = [12], sizes = [1], strides = [1]} : vector<16xi32> to vector<1xi32>
        %squeeze3A_661 = vector.extract %slice3A_660[0] : i32 from vector<1xi32>
        %add3A_662 = vector.broadcast %squeeze3A_661 : i32 to vector<16xi32>
        %add3A_663 = arith.addi %broadcast_in_dim3A_1, %add3A_662 : vector<16xi32>
        %gather3A_664 = tpu.vector_load_idx %arg11[%add3A_120, %add3A_663] : memref<64x512xf32, #tpu.memory_space<vmem>>[vector<16xi32>, vector<16xi32>], vector<16xf32>,
        %swap3A_665 = arith.constant 12 : i32
        %swap3A_666 = arith.index_cast %swap3A_665 : i32 to index
        %swap3A_667 = arith.constant 0 : index
        %swap3A_668 = tpu.vector_load %arg13[%swap3A_666, %swap3A_667] {strides = array<i32>} : memref<16x128xf32, #tpu.memory_space<vmem>>, vector<16xf32>,
        tpu.vector_store %arg13[%swap3A_666, %swap3A_667], %gather3A_664 {strides = array<i32>} : memref<16x128xf32, #tpu.memory_space<vmem>>, vector<16xf32>,
        %add3A_669 = vector.broadcast %squeeze3A_661 : i32 to vector<16xi32>
        %add3A_670 = arith.addi %broadcast_in_dim3A_1, %add3A_669 : vector<16xi32>
        %gather3A_671 = tpu.vector_load_idx %arg11[%add3A_123, %add3A_670] : memref<64x512xf32, #tpu.memory_space<vmem>>[vector<16xi32>, vector<16xi32>], vector<16xf32>,
        %swap3A_672 = arith.constant 12 : i32
        %swap3A_673 = arith.index_cast %swap3A_672 : i32 to index
        %swap3A_674 = arith.constant 16 : index
        %swap3A_675 = tpu.vector_load %arg13[%swap3A_673, %swap3A_674] {strides = array<i32>} : memref<16x128xf32, #tpu.memory_space<vmem>>, vector<16xf32>,
        tpu.vector_store %arg13[%swap3A_673, %swap3A_674], %gather3A_671 {strides = array<i32>} : memref<16x128xf32, #tpu.memory_space<vmem>>, vector<16xf32>,
        %add3A_676 = vector.broadcast %squeeze3A_661 : i32 to vector<16xi32>
        %add3A_677 = arith.addi %broadcast_in_dim3A_1, %add3A_676 : vector<16xi32>
        %gather3A_678 = tpu.vector_load_idx %arg11[%add3A_126, %add3A_677] : memref<64x512xf32, #tpu.memory_space<vmem>>[vector<16xi32>, vector<16xi32>], vector<16xf32>,
        %swap3A_679 = arith.constant 12 : i32
        %swap3A_680 = arith.index_cast %swap3A_679 : i32 to index
        %swap3A_681 = arith.constant 32 : index
        %swap3A_682 = tpu.vector_load %arg13[%swap3A_680, %swap3A_681] {strides = array<i32>} : memref<16x128xf32, #tpu.memory_space<vmem>>, vector<16xf32>,
        tpu.vector_store %arg13[%swap3A_680, %swap3A_681], %gather3A_678 {strides = array<i32>} : memref<16x128xf32, #tpu.memory_space<vmem>>, vector<16xf32>,
        %add3A_683 = vector.broadcast %squeeze3A_661 : i32 to vector<16xi32>
        %add3A_684 = arith.addi %broadcast_in_dim3A_1, %add3A_683 : vector<16xi32>
        %gather3A_685 = tpu.vector_load_idx %arg11[%add3A_129, %add3A_684] : memref<64x512xf32, #tpu.memory_space<vmem>>[vector<16xi32>, vector<16xi32>], vector<16xf32>,
        %swap3A_686 = arith.constant 12 : i32
        %swap3A_687 = arith.index_cast %swap3A_686 : i32 to index
        %swap3A_688 = arith.constant 48 : index
        %swap3A_689 = tpu.vector_load %arg13[%swap3A_687, %swap3A_688] {strides = array<i32>} : memref<16x128xf32, #tpu.memory_space<vmem>>, vector<16xf32>,
        tpu.vector_store %arg13[%swap3A_687, %swap3A_688], %gather3A_685 {strides = array<i32>} : memref<16x128xf32, #tpu.memory_space<vmem>>, vector<16xf32>,
        %slice3A_690 = vector.extract_strided_slice %select_n3A_293 {offsets = [13], sizes = [1], strides = [1]} : vector<16xi32> to vector<1xi32>
        %squeeze3A_691 = vector.extract %slice3A_690[0] : i32 from vector<1xi32>
        %add3A_692 = vector.broadcast %squeeze3A_691 : i32 to vector<16xi32>
        %add3A_693 = arith.addi %broadcast_in_dim3A_1, %add3A_692 : vector<16xi32>
        %gather3A_694 = tpu.vector_load_idx %arg11[%add3A_120, %add3A_693] : memref<64x512xf32, #tpu.memory_space<vmem>>[vector<16xi32>, vector<16xi32>], vector<16xf32>,
        %swap3A_695 = arith.constant 13 : i32
        %swap3A_696 = arith.index_cast %swap3A_695 : i32 to index
        %swap3A_697 = arith.constant 0 : index
        %swap3A_698 = tpu.vector_load %arg13[%swap3A_696, %swap3A_697] {strides = array<i32>} : memref<16x128xf32, #tpu.memory_space<vmem>>, vector<16xf32>,
        tpu.vector_store %arg13[%swap3A_696, %swap3A_697], %gather3A_694 {strides = array<i32>} : memref<16x128xf32, #tpu.memory_space<vmem>>, vector<16xf32>,
        %add3A_699 = vector.broadcast %squeeze3A_691 : i32 to vector<16xi32>
        %add3A_700 = arith.addi %broadcast_in_dim3A_1, %add3A_699 : vector<16xi32>
        %gather3A_701 = tpu.vector_load_idx %arg11[%add3A_123, %add3A_700] : memref<64x512xf32, #tpu.memory_space<vmem>>[vector<16xi32>, vector<16xi32>], vector<16xf32>,
        %swap3A_702 = arith.constant 13 : i32
        %swap3A_703 = arith.index_cast %swap3A_702 : i32 to index
        %swap3A_704 = arith.constant 16 : index
        %swap3A_705 = tpu.vector_load %arg13[%swap3A_703, %swap3A_704] {strides = array<i32>} : memref<16x128xf32, #tpu.memory_space<vmem>>, vector<16xf32>,
        tpu.vector_store %arg13[%swap3A_703, %swap3A_704], %gather3A_701 {strides = array<i32>} : memref<16x128xf32, #tpu.memory_space<vmem>>, vector<16xf32>,
        %add3A_706 = vector.broadcast %squeeze3A_691 : i32 to vector<16xi32>
        %add3A_707 = arith.addi %broadcast_in_dim3A_1, %add3A_706 : vector<16xi32>
        %gather3A_708 = tpu.vector_load_idx %arg11[%add3A_126, %add3A_707] : memref<64x512xf32, #tpu.memory_space<vmem>>[vector<16xi32>, vector<16xi32>], vector<16xf32>,
        %swap3A_709 = arith.constant 13 : i32
        %swap3A_710 = arith.index_cast %swap3A_709 : i32 to index
        %swap3A_711 = arith.constant 32 : index
        %swap3A_712 = tpu.vector_load %arg13[%swap3A_710, %swap3A_711] {strides = array<i32>} : memref<16x128xf32, #tpu.memory_space<vmem>>, vector<16xf32>,
        tpu.vector_store %arg13[%swap3A_710, %swap3A_711], %gather3A_708 {strides = array<i32>} : memref<16x128xf32, #tpu.memory_space<vmem>>, vector<16xf32>,
        %add3A_713 = vector.broadcast %squeeze3A_691 : i32 to vector<16xi32>
        %add3A_714 = arith.addi %broadcast_in_dim3A_1, %add3A_713 : vector<16xi32>
        %gather3A_715 = tpu.vector_load_idx %arg11[%add3A_129, %add3A_714] : memref<64x512xf32, #tpu.memory_space<vmem>>[vector<16xi32>, vector<16xi32>], vector<16xf32>,
        %swap3A_716 = arith.constant 13 : i32
        %swap3A_717 = arith.index_cast %swap3A_716 : i32 to index
        %swap3A_718 = arith.constant 48 : index
        %swap3A_719 = tpu.vector_load %arg13[%swap3A_717, %swap3A_718] {strides = array<i32>} : memref<16x128xf32, #tpu.memory_space<vmem>>, vector<16xf32>,
        tpu.vector_store %arg13[%swap3A_717, %swap3A_718], %gather3A_715 {strides = array<i32>} : memref<16x128xf32, #tpu.memory_space<vmem>>, vector<16xf32>,
        %slice3A_720 = vector.extract_strided_slice %select_n3A_293 {offsets = [14], sizes = [1], strides = [1]} : vector<16xi32> to vector<1xi32>
        %squeeze3A_721 = vector.extract %slice3A_720[0] : i32 from vector<1xi32>
        %add3A_722 = vector.broadcast %squeeze3A_721 : i32 to vector<16xi32>
        %add3A_723 = arith.addi %broadcast_in_dim3A_1, %add3A_722 : vector<16xi32>
        %gather3A_724 = tpu.vector_load_idx %arg11[%add3A_120, %add3A_723] : memref<64x512xf32, #tpu.memory_space<vmem>>[vector<16xi32>, vector<16xi32>], vector<16xf32>,
        %swap3A_725 = arith.constant 14 : i32
        %swap3A_726 = arith.index_cast %swap3A_725 : i32 to index
        %swap3A_727 = arith.constant 0 : index
        %swap3A_728 = tpu.vector_load %arg13[%swap3A_726, %swap3A_727] {strides = array<i32>} : memref<16x128xf32, #tpu.memory_space<vmem>>, vector<16xf32>,
        tpu.vector_store %arg13[%swap3A_726, %swap3A_727], %gather3A_724 {strides = array<i32>} : memref<16x128xf32, #tpu.memory_space<vmem>>, vector<16xf32>,
        %add3A_729 = vector.broadcast %squeeze3A_721 : i32 to vector<16xi32>
        %add3A_730 = arith.addi %broadcast_in_dim3A_1, %add3A_729 : vector<16xi32>
        %gather3A_731 = tpu.vector_load_idx %arg11[%add3A_123, %add3A_730] : memref<64x512xf32, #tpu.memory_space<vmem>>[vector<16xi32>, vector<16xi32>], vector<16xf32>,
        %swap3A_732 = arith.constant 14 : i32
        %swap3A_733 = arith.index_cast %swap3A_732 : i32 to index
        %swap3A_734 = arith.constant 16 : index
        %swap3A_735 = tpu.vector_load %arg13[%swap3A_733, %swap3A_734] {strides = array<i32>} : memref<16x128xf32, #tpu.memory_space<vmem>>, vector<16xf32>,
        tpu.vector_store %arg13[%swap3A_733, %swap3A_734], %gather3A_731 {strides = array<i32>} : memref<16x128xf32, #tpu.memory_space<vmem>>, vector<16xf32>,
        %add3A_736 = vector.broadcast %squeeze3A_721 : i32 to vector<16xi32>
        %add3A_737 = arith.addi %broadcast_in_dim3A_1, %add3A_736 : vector<16xi32>
        %gather3A_738 = tpu.vector_load_idx %arg11[%add3A_126, %add3A_737] : memref<64x512xf32, #tpu.memory_space<vmem>>[vector<16xi32>, vector<16xi32>], vector<16xf32>,
        %swap3A_739 = arith.constant 14 : i32
        %swap3A_740 = arith.index_cast %swap3A_739 : i32 to index
        %swap3A_741 = arith.constant 32 : index
        %swap3A_742 = tpu.vector_load %arg13[%swap3A_740, %swap3A_741] {strides = array<i32>} : memref<16x128xf32, #tpu.memory_space<vmem>>, vector<16xf32>,
        tpu.vector_store %arg13[%swap3A_740, %swap3A_741], %gather3A_738 {strides = array<i32>} : memref<16x128xf32, #tpu.memory_space<vmem>>, vector<16xf32>,
        %add3A_743 = vector.broadcast %squeeze3A_721 : i32 to vector<16xi32>
        %add3A_744 = arith.addi %broadcast_in_dim3A_1, %add3A_743 : vector<16xi32>
        %gather3A_745 = tpu.vector_load_idx %arg11[%add3A_129, %add3A_744] : memref<64x512xf32, #tpu.memory_space<vmem>>[vector<16xi32>, vector<16xi32>], vector<16xf32>,
        %swap3A_746 = arith.constant 14 : i32
        %swap3A_747 = arith.index_cast %swap3A_746 : i32 to index
        %swap3A_748 = arith.constant 48 : index
        %swap3A_749 = tpu.vector_load %arg13[%swap3A_747, %swap3A_748] {strides = array<i32>} : memref<16x128xf32, #tpu.memory_space<vmem>>, vector<16xf32>,
        tpu.vector_store %arg13[%swap3A_747, %swap3A_748], %gather3A_745 {strides = array<i32>} : memref<16x128xf32, #tpu.memory_space<vmem>>, vector<16xf32>,
        %slice3A_750 = vector.extract_strided_slice %select_n3A_293 {offsets = [15], sizes = [1], strides = [1]} : vector<16xi32> to vector<1xi32>
        %squeeze3A_751 = vector.extract %slice3A_750[0] : i32 from vector<1xi32>
        %add3A_752 = vector.broadcast %squeeze3A_751 : i32 to vector<16xi32>
        %add3A_753 = arith.addi %broadcast_in_dim3A_1, %add3A_752 : vector<16xi32>
        %gather3A_754 = tpu.vector_load_idx %arg11[%add3A_120, %add3A_753] : memref<64x512xf32, #tpu.memory_space<vmem>>[vector<16xi32>, vector<16xi32>], vector<16xf32>,
        %swap3A_755 = arith.constant 15 : i32
        %swap3A_756 = arith.index_cast %swap3A_755 : i32 to index
        %swap3A_757 = arith.constant 0 : index
        %swap3A_758 = tpu.vector_load %arg13[%swap3A_756, %swap3A_757] {strides = array<i32>} : memref<16x128xf32, #tpu.memory_space<vmem>>, vector<16xf32>,
        tpu.vector_store %arg13[%swap3A_756, %swap3A_757], %gather3A_754 {strides = array<i32>} : memref<16x128xf32, #tpu.memory_space<vmem>>, vector<16xf32>,
        %add3A_759 = vector.broadcast %squeeze3A_751 : i32 to vector<16xi32>
        %add3A_760 = arith.addi %broadcast_in_dim3A_1, %add3A_759 : vector<16xi32>
        %gather3A_761 = tpu.vector_load_idx %arg11[%add3A_123, %add3A_760] : memref<64x512xf32, #tpu.memory_space<vmem>>[vector<16xi32>, vector<16xi32>], vector<16xf32>,
        %swap3A_762 = arith.constant 15 : i32
        %swap3A_763 = arith.index_cast %swap3A_762 : i32 to index
        %swap3A_764 = arith.constant 16 : index
        %swap3A_765 = tpu.vector_load %arg13[%swap3A_763, %swap3A_764] {strides = array<i32>} : memref<16x128xf32, #tpu.memory_space<vmem>>, vector<16xf32>,
        tpu.vector_store %arg13[%swap3A_763, %swap3A_764], %gather3A_761 {strides = array<i32>} : memref<16x128xf32, #tpu.memory_space<vmem>>, vector<16xf32>,
        %add3A_766 = vector.broadcast %squeeze3A_751 : i32 to vector<16xi32>
        %add3A_767 = arith.addi %broadcast_in_dim3A_1, %add3A_766 : vector<16xi32>
        %gather3A_768 = tpu.vector_load_idx %arg11[%add3A_126, %add3A_767] : memref<64x512xf32, #tpu.memory_space<vmem>>[vector<16xi32>, vector<16xi32>], vector<16xf32>,
        %swap3A_769 = arith.constant 15 : i32
        %swap3A_770 = arith.index_cast %swap3A_769 : i32 to index
        %swap3A_771 = arith.constant 32 : index
        %swap3A_772 = tpu.vector_load %arg13[%swap3A_770, %swap3A_771] {strides = array<i32>} : memref<16x128xf32, #tpu.memory_space<vmem>>, vector<16xf32>,
        tpu.vector_store %arg13[%swap3A_770, %swap3A_771], %gather3A_768 {strides = array<i32>} : memref<16x128xf32, #tpu.memory_space<vmem>>, vector<16xf32>,
        %add3A_773 = vector.broadcast %squeeze3A_751 : i32 to vector<16xi32>
        %add3A_774 = arith.addi %broadcast_in_dim3A_1, %add3A_773 : vector<16xi32>
        %gather3A_775 = tpu.vector_load_idx %arg11[%add3A_129, %add3A_774] : memref<64x512xf32, #tpu.memory_space<vmem>>[vector<16xi32>, vector<16xi32>], vector<16xf32>,
        %swap3A_776 = arith.constant 15 : i32
        %swap3A_777 = arith.index_cast %swap3A_776 : i32 to index
        %swap3A_778 = arith.constant 48 : index
        %swap3A_779 = tpu.vector_load %arg13[%swap3A_777, %swap3A_778] {strides = array<i32>} : memref<16x128xf32, #tpu.memory_space<vmem>>, vector<16xf32>,
        tpu.vector_store %arg13[%swap3A_777, %swap3A_778], %gather3A_775 {strides = array<i32>} : memref<16x128xf32, #tpu.memory_space<vmem>>, vector<16xf32>,
        %dma_start3A_780 = arith.constant 0 : i32
        %dma_start3A_781 = arith.constant 0 : i32
        %dma_start3A_782 = tpu.memref_slice %arg4[%dma_start3A_780, %dma_start3A_781] : memref<16448x128xf32, #tpu.memory_space<hbm>> -> memref<16448x128xf32, #tpu.memory_space<hbm>>
        tpu.enqueue_indirect_dma source(%arg13 : memref<16x128xf32, #tpu.memory_space<vmem>>) target(%dma_start3A_782 : memref<16448x128xf32, #tpu.memory_space<hbm>>) offsets(%arg15 : memref<16xi32, #tpu.memory_space<vmem>>) semaphore(%arg19 : memref<!tpu.dma_semaphore, #tpu.memory_space<semaphore_mem>>)
      }
      %add3A_262 = arith.constant 2 : i32
      %add3A_263 = arith.addi %mul3A_199, %add3A_262 : i32
      %lt3A_264 = arith.cmpi slt, %add3A_263, %select_n3A : i32
      %convert_element_type3A_265 = arith.extui %lt3A_264 : i1 to i32
      %cond3A_266 = arith.constant 0 : i32
      %cond3A_267 = arith.cmpi ne, %convert_element_type3A_265, %cond3A_266 : i32
      scf.if %cond3A_267 {
        %add3A_272 = arith.constant 2 : i32
        %add3A_273 = arith.addi %mul3A_199, %add3A_272 : i32
        %mul3A_274 = arith.constant 32 : i32
        %mul3A_275 = arith.muli %mul3A_274, %add3A_273 : i32
        %add3A_276 = arith.addi %add3A, %mul3A_275 : i32
        %mul3A_277 = arith.constant 512 : i32
        %mul3A_278 = arith.muli %add3A_276, %mul3A_277 : i32
        %multiple_of3A_279 = tpu.assume_multiple %mul3A_278, 512 : i32
        %dma_start3A_280 = arith.constant 0 : i32
        %dma_start3A_281 = tpu.memref_slice %arg3[%dma_start3A_280, %multiple_of3A_279] : memref<64x1000000xf32, #tpu.memory_space<hbm>> -> memref<64x512xf32, #tpu.memory_space<hbm>>
        %dma_start3A_282 = arith.constant 0 : i32
        %dma_start3A_283 = tpu.memref_slice %arg3[%dma_start3A_282, %multiple_of3A_279] : memref<64x1000000xf32, #tpu.memory_space<hbm>> -> memref<64x512xf32, #tpu.memory_space<hbm>>
        tpu.enqueue_dma source(%dma_start3A_283 : memref<64x512xf32, #tpu.memory_space<hbm>>) target(%arg11 : memref<64x512xf32, #tpu.memory_space<vmem>>) target_semaphore(%arg17 : memref<!tpu.dma_semaphore, #tpu.memory_space<semaphore_mem>>)
      } else {
      }
      %lt3A_268 = arith.cmpi slt, %add3A_203, %select_n3A : i32
      %convert_element_type3A_269 = arith.extui %lt3A_268 : i1 to i32
      %cond3A_270 = arith.constant 0 : i32
      %cond3A_271 = arith.cmpi ne, %convert_element_type3A_269, %cond3A_270 : i32
      scf.if %cond3A_271 {
        %dma_wait3A_272 = arith.constant 0 : i32
        %dma_wait3A_273 = arith.constant 0 : i32
        %dma_wait3A_274 = tpu.memref_slice %arg3[%dma_wait3A_272, %dma_wait3A_273] : memref<64x1000000xf32, #tpu.memory_space<hbm>> -> memref<64x512xf32, #tpu.memory_space<hbm>>
        %dma_wait3A_275 = arith.constant 0 : i32
        %dma_wait3A_276 = arith.constant 0 : i32
        %dma_wait3A_277 = tpu.memref_slice %arg3[%dma_wait3A_275, %dma_wait3A_276] : memref<64x1000000xf32, #tpu.memory_space<hbm>> -> memref<64x512xf32, #tpu.memory_space<hbm>>
        tpu.wait_dma2 semaphore(%arg18 : memref<!tpu.dma_semaphore, #tpu.memory_space<semaphore_mem>>) src(%dma_wait3A_277 : memref<64x512xf32, #tpu.memory_space<hbm>>) dst(%arg12 : memref<64x512xf32, #tpu.memory_space<vmem>>)
        %mul3A_278 = arith.constant 32 : i32
        %mul3A_279 = arith.muli %mul3A_278, %add3A_203 : i32
        %add3A_280 = arith.addi %add3A, %mul3A_279 : i32
        %mul3A_281 = arith.constant 512 : i32
        %mul3A_282 = arith.muli %add3A_280, %mul3A_281 : i32
        %multiple_of3A_283 = tpu.assume_multiple %mul3A_282, 512 : i32
        %add3A_284 = vector.broadcast %add3A_203 : i32 to vector<16xi32>
        %add3A_285 = arith.addi %broadcast_in_dim3A_1, %add3A_284 : vector<16xi32>
        %gather3A_286 = tpu.vector_load_idx %arg8[%add3A_285] : memref<64xi32, #tpu.memory_space<vmem>>[vector<16xi32>], vector<16xi32>,
        %slice3A_287 = vector.extract_strided_slice %gather3A_286 {offsets = [0], sizes = [1], strides = [1]} : vector<16xi32> to vector<1xi32>
        %squeeze3A_288 = vector.extract %slice3A_287[0] : i32 from vector<1xi32>
        %gather3A_289 = tpu.vector_load_idx %arg9[%add3A_285] : memref<64xi32, #tpu.memory_space<vmem>>[vector<16xi32>], vector<16xi32>,
        %slice3A_290 = vector.extract_strided_slice %gather3A_289 {offsets = [0], sizes = [1], strides = [1]} : vector<16xi32> to vector<1xi32>
        %squeeze3A_291 = vector.extract %slice3A_290[0] : i32 from vector<1xi32>
        %add3A_292 = arith.constant 16 : i32
        %add3A_293 = arith.addi %squeeze3A_288, %add3A_292 : i32
        %sub3A_294 = arith.constant 1 : i32
        %sub3A_295 = arith.subi %add3A_293, %sub3A_294 : i32
        %jit3A_296 = arith.constant 16 : i32
        %div3A_297 = arith.divsi %sub3A_295, %jit3A_296 : i32
        %sign3A_298 = arith.constant 0 : i32
        %sign3A_299 = arith.cmpi sgt, %sub3A_295, %sign3A_298 : i32
        %sign3A_300 = arith.extui %sign3A_299 : i1 to i32
        %sign3A_301 = arith.constant 0 : i32
        %sign3A_302 = arith.cmpi slt, %sub3A_295, %sign3A_301 : i32
        %sign3A_303 = arith.extui %sign3A_302 : i1 to i32
        %sign3A_304 = arith.subi %sign3A_300, %sign3A_303 : i32
        %sign3A_305 = arith.constant 0 : i32
        %sign3A_306 = arith.cmpi sgt, %jit3A_296, %sign3A_305 : i32
        %sign3A_307 = arith.extui %sign3A_306 : i1 to i32
        %sign3A_308 = arith.constant 0 : i32
        %sign3A_309 = arith.cmpi slt, %jit3A_296, %sign3A_308 : i32
        %sign3A_310 = arith.extui %sign3A_309 : i1 to i32
        %sign3A_311 = arith.subi %sign3A_307, %sign3A_310 : i32
        %ne3A_312 = arith.cmpi ne, %sign3A_304, %sign3A_311 : i32
        %rem3A_313 = arith.remsi %sub3A_295, %jit3A_296 : i32
        %ne3A_314 = arith.constant 0 : i32
        %ne3A_315 = arith.cmpi ne, %rem3A_313, %ne3A_314 : i32
        %and3A_316 = arith.andi %ne3A_312, %ne3A_315 : i1
        %sub3A_317 = arith.constant 1 : i32
        %sub3A_318 = arith.subi %div3A_297, %sub3A_317 : i32
        %select_n3A_319 = arith.select %and3A_316, %sub3A_318, %div3A_297 : i32
        %while3A_320 = arith.constant 0 : i32
        %while3A_321 = arith.constant 0 : i32
        %while3A_322 = arith.subi %select_n3A_319, %while3A_321 : i32
        %while3A_323 = arith.addi %while3A_321, %while3A_322 : i32
        %while3A_324 = arith.constant 1 : i32
        %while3A_325 = arith.divsi %while3A_322, %while3A_324 : i32
        %while3A_326 = arith.muli %while3A_325, %while3A_324 : i32
        %while3A_327 = arith.addi %while3A_321, %while3A_326 : i32
        %while3A_328 = arith.constant 1 : i32
        scf.for %while3A_330 = %while3A_321 to %while3A_327 step %while3A_328  : i32 {
          %dma_wait3A_331 = arith.constant 0 : i32
          %dma_wait3A_332 = arith.constant 0 : i32
          %dma_wait3A_333 = tpu.memref_slice %arg4[%dma_wait3A_331, %dma_wait3A_332] : memref<16448x128xf32, #tpu.memory_space<hbm>> -> memref<16448x128xf32, #tpu.memory_space<hbm>>
          tpu.wait_indirect_dma semaphore(%arg20 : memref<!tpu.dma_semaphore, #tpu.memory_space<semaphore_mem>>) src(%arg14 : memref<16x128xf32, #tpu.memory_space<vmem>>) dst(%dma_wait3A_333 : memref<16448x128xf32, #tpu.memory_space<hbm>>)
          %mul3A_334 = arith.constant 16 : i32
          %mul3A_335 = arith.muli %mul3A_334, %while3A_330 : i32
          %add3A_336 = arith.addi %squeeze3A_291, %mul3A_335 : i32
          %get3A_337 = arith.index_cast %add3A_336 : i32 to index
          %get3A_338 = tpu.vector_load %arg6[%get3A_337] {strides = array<i32>} : memref<16400xi32, #tpu.memory_space<vmem>>, vector<16xi32>,
          %get3A_339 = arith.index_cast %add3A_336 : i32 to index
          %get3A_340 = tpu.vector_load %arg7[%get3A_339] {strides = array<i32>} : memref<16400xi32, #tpu.memory_space<vmem>>, vector<16xi32>,
          %mul3A_341 = arith.constant 16 : i32
          %mul3A_342 = arith.muli %mul3A_341, %while3A_330 : i32
          %add3A_343 = vector.broadcast %mul3A_342 : i32 to vector<16xi32>
          %add3A_344 = arith.addi %iota3A, %add3A_343 : vector<16xi32>
          %lt3A_345 = vector.broadcast %squeeze3A_288 : i32 to vector<16xi32>
          %lt3A_346 = arith.cmpi slt, %add3A_344, %lt3A_345 : vector<16xi32>
          %sub3A_347 = vector.broadcast %multiple_of3A_283 : i32 to vector<16xi32>
          %sub3A_348 = arith.subi %get3A_338, %sub3A_347 : vector<16xi32>
          %jit3A_349 = arith.constant 0 : i32
          %broadcast_in_dim3A_350 = vector.broadcast %jit3A_349 : i32 to vector<16xi32>
          %select_n3A_351 = arith.select %lt3A_346, %sub3A_348, %broadcast_in_dim3A_350 : vector<16xi1>, vector<16xi32>
          %add3A_352 = arith.constant 16384 : i32
          %add3A_353 = arith.addi %add3A_352, %add3A : i32
          %broadcast_in_dim3A_354 = vector.broadcast %add3A_353 : i32 to vector<16xi32>
          %select_n3A_355 = arith.select %lt3A_346, %get3A_340, %broadcast_in_dim3A_354 : vector<16xi1>, vector<16xi32>
          %swap3A_356 = arith.constant 0 : index
          %swap3A_357 = tpu.vector_load %arg16[%swap3A_356] {strides = array<i32>} : memref<16xi32, #tpu.memory_space<vmem>>, vector<16xi32>,
          tpu.vector_store %arg16[%swap3A_356], %select_n3A_355 {strides = array<i32>} : memref<16xi32, #tpu.memory_space<vmem>>, vector<16xi32>,
          %slice3A_358 = vector.extract_strided_slice %select_n3A_351 {offsets = [0], sizes = [1], strides = [1]} : vector<16xi32> to vector<1xi32>
          %squeeze3A_359 = vector.extract %slice3A_358[0] : i32 from vector<1xi32>
          %add3A_360 = vector.broadcast %squeeze3A_359 : i32 to vector<16xi32>
          %add3A_361 = arith.addi %broadcast_in_dim3A_1, %add3A_360 : vector<16xi32>
          %gather3A_362 = tpu.vector_load_idx %arg12[%add3A_120, %add3A_361] : memref<64x512xf32, #tpu.memory_space<vmem>>[vector<16xi32>, vector<16xi32>], vector<16xf32>,
          %swap3A_363 = arith.constant 0 : i32
          %swap3A_364 = arith.index_cast %swap3A_363 : i32 to index
          %swap3A_365 = arith.constant 0 : index
          %swap3A_366 = tpu.vector_load %arg14[%swap3A_364, %swap3A_365] {strides = array<i32>} : memref<16x128xf32, #tpu.memory_space<vmem>>, vector<16xf32>,
          tpu.vector_store %arg14[%swap3A_364, %swap3A_365], %gather3A_362 {strides = array<i32>} : memref<16x128xf32, #tpu.memory_space<vmem>>, vector<16xf32>,
          %add3A_367 = vector.broadcast %squeeze3A_359 : i32 to vector<16xi32>
          %add3A_368 = arith.addi %broadcast_in_dim3A_1, %add3A_367 : vector<16xi32>
          %gather3A_369 = tpu.vector_load_idx %arg12[%add3A_123, %add3A_368] : memref<64x512xf32, #tpu.memory_space<vmem>>[vector<16xi32>, vector<16xi32>], vector<16xf32>,
          %swap3A_370 = arith.constant 0 : i32
          %swap3A_371 = arith.index_cast %swap3A_370 : i32 to index
          %swap3A_372 = arith.constant 16 : index
          %swap3A_373 = tpu.vector_load %arg14[%swap3A_371, %swap3A_372] {strides = array<i32>} : memref<16x128xf32, #tpu.memory_space<vmem>>, vector<16xf32>,
          tpu.vector_store %arg14[%swap3A_371, %swap3A_372], %gather3A_369 {strides = array<i32>} : memref<16x128xf32, #tpu.memory_space<vmem>>, vector<16xf32>,
          %add3A_374 = vector.broadcast %squeeze3A_359 : i32 to vector<16xi32>
          %add3A_375 = arith.addi %broadcast_in_dim3A_1, %add3A_374 : vector<16xi32>
          %gather3A_376 = tpu.vector_load_idx %arg12[%add3A_126, %add3A_375] : memref<64x512xf32, #tpu.memory_space<vmem>>[vector<16xi32>, vector<16xi32>], vector<16xf32>,
          %swap3A_377 = arith.constant 0 : i32
          %swap3A_378 = arith.index_cast %swap3A_377 : i32 to index
          %swap3A_379 = arith.constant 32 : index
          %swap3A_380 = tpu.vector_load %arg14[%swap3A_378, %swap3A_379] {strides = array<i32>} : memref<16x128xf32, #tpu.memory_space<vmem>>, vector<16xf32>,
          tpu.vector_store %arg14[%swap3A_378, %swap3A_379], %gather3A_376 {strides = array<i32>} : memref<16x128xf32, #tpu.memory_space<vmem>>, vector<16xf32>,
          %add3A_381 = vector.broadcast %squeeze3A_359 : i32 to vector<16xi32>
          %add3A_382 = arith.addi %broadcast_in_dim3A_1, %add3A_381 : vector<16xi32>
          %gather3A_383 = tpu.vector_load_idx %arg12[%add3A_129, %add3A_382] : memref<64x512xf32, #tpu.memory_space<vmem>>[vector<16xi32>, vector<16xi32>], vector<16xf32>,
          %swap3A_384 = arith.constant 0 : i32
          %swap3A_385 = arith.index_cast %swap3A_384 : i32 to index
          %swap3A_386 = arith.constant 48 : index
          %swap3A_387 = tpu.vector_load %arg14[%swap3A_385, %swap3A_386] {strides = array<i32>} : memref<16x128xf32, #tpu.memory_space<vmem>>, vector<16xf32>,
          tpu.vector_store %arg14[%swap3A_385, %swap3A_386], %gather3A_383 {strides = array<i32>} : memref<16x128xf32, #tpu.memory_space<vmem>>, vector<16xf32>,
          %slice3A_388 = vector.extract_strided_slice %select_n3A_351 {offsets = [1], sizes = [1], strides = [1]} : vector<16xi32> to vector<1xi32>
          %squeeze3A_389 = vector.extract %slice3A_388[0] : i32 from vector<1xi32>
          %add3A_390 = vector.broadcast %squeeze3A_389 : i32 to vector<16xi32>
          %add3A_391 = arith.addi %broadcast_in_dim3A_1, %add3A_390 : vector<16xi32>
          %gather3A_392 = tpu.vector_load_idx %arg12[%add3A_120, %add3A_391] : memref<64x512xf32, #tpu.memory_space<vmem>>[vector<16xi32>, vector<16xi32>], vector<16xf32>,
          %swap3A_393 = arith.constant 1 : i32
          %swap3A_394 = arith.index_cast %swap3A_393 : i32 to index
          %swap3A_395 = arith.constant 0 : index
          %swap3A_396 = tpu.vector_load %arg14[%swap3A_394, %swap3A_395] {strides = array<i32>} : memref<16x128xf32, #tpu.memory_space<vmem>>, vector<16xf32>,
          tpu.vector_store %arg14[%swap3A_394, %swap3A_395], %gather3A_392 {strides = array<i32>} : memref<16x128xf32, #tpu.memory_space<vmem>>, vector<16xf32>,
          %add3A_397 = vector.broadcast %squeeze3A_389 : i32 to vector<16xi32>
          %add3A_398 = arith.addi %broadcast_in_dim3A_1, %add3A_397 : vector<16xi32>
          %gather3A_399 = tpu.vector_load_idx %arg12[%add3A_123, %add3A_398] : memref<64x512xf32, #tpu.memory_space<vmem>>[vector<16xi32>, vector<16xi32>], vector<16xf32>,
          %swap3A_400 = arith.constant 1 : i32
          %swap3A_401 = arith.index_cast %swap3A_400 : i32 to index
          %swap3A_402 = arith.constant 16 : index
          %swap3A_403 = tpu.vector_load %arg14[%swap3A_401, %swap3A_402] {strides = array<i32>} : memref<16x128xf32, #tpu.memory_space<vmem>>, vector<16xf32>,
          tpu.vector_store %arg14[%swap3A_401, %swap3A_402], %gather3A_399 {strides = array<i32>} : memref<16x128xf32, #tpu.memory_space<vmem>>, vector<16xf32>,
          %add3A_404 = vector.broadcast %squeeze3A_389 : i32 to vector<16xi32>
          %add3A_405 = arith.addi %broadcast_in_dim3A_1, %add3A_404 : vector<16xi32>
          %gather3A_406 = tpu.vector_load_idx %arg12[%add3A_126, %add3A_405] : memref<64x512xf32, #tpu.memory_space<vmem>>[vector<16xi32>, vector<16xi32>], vector<16xf32>,
          %swap3A_407 = arith.constant 1 : i32
          %swap3A_408 = arith.index_cast %swap3A_407 : i32 to index
          %swap3A_409 = arith.constant 32 : index
          %swap3A_410 = tpu.vector_load %arg14[%swap3A_408, %swap3A_409] {strides = array<i32>} : memref<16x128xf32, #tpu.memory_space<vmem>>, vector<16xf32>,
          tpu.vector_store %arg14[%swap3A_408, %swap3A_409], %gather3A_406 {strides = array<i32>} : memref<16x128xf32, #tpu.memory_space<vmem>>, vector<16xf32>,
          %add3A_411 = vector.broadcast %squeeze3A_389 : i32 to vector<16xi32>
          %add3A_412 = arith.addi %broadcast_in_dim3A_1, %add3A_411 : vector<16xi32>
          %gather3A_413 = tpu.vector_load_idx %arg12[%add3A_129, %add3A_412] : memref<64x512xf32, #tpu.memory_space<vmem>>[vector<16xi32>, vector<16xi32>], vector<16xf32>,
          %swap3A_414 = arith.constant 1 : i32
          %swap3A_415 = arith.index_cast %swap3A_414 : i32 to index
          %swap3A_416 = arith.constant 48 : index
          %swap3A_417 = tpu.vector_load %arg14[%swap3A_415, %swap3A_416] {strides = array<i32>} : memref<16x128xf32, #tpu.memory_space<vmem>>, vector<16xf32>,
          tpu.vector_store %arg14[%swap3A_415, %swap3A_416], %gather3A_413 {strides = array<i32>} : memref<16x128xf32, #tpu.memory_space<vmem>>, vector<16xf32>,
          %slice3A_418 = vector.extract_strided_slice %select_n3A_351 {offsets = [2], sizes = [1], strides = [1]} : vector<16xi32> to vector<1xi32>
          %squeeze3A_419 = vector.extract %slice3A_418[0] : i32 from vector<1xi32>
          %add3A_420 = vector.broadcast %squeeze3A_419 : i32 to vector<16xi32>
          %add3A_421 = arith.addi %broadcast_in_dim3A_1, %add3A_420 : vector<16xi32>
          %gather3A_422 = tpu.vector_load_idx %arg12[%add3A_120, %add3A_421] : memref<64x512xf32, #tpu.memory_space<vmem>>[vector<16xi32>, vector<16xi32>], vector<16xf32>,
          %swap3A_423 = arith.constant 2 : i32
          %swap3A_424 = arith.index_cast %swap3A_423 : i32 to index
          %swap3A_425 = arith.constant 0 : index
          %swap3A_426 = tpu.vector_load %arg14[%swap3A_424, %swap3A_425] {strides = array<i32>} : memref<16x128xf32, #tpu.memory_space<vmem>>, vector<16xf32>,
          tpu.vector_store %arg14[%swap3A_424, %swap3A_425], %gather3A_422 {strides = array<i32>} : memref<16x128xf32, #tpu.memory_space<vmem>>, vector<16xf32>,
          %add3A_427 = vector.broadcast %squeeze3A_419 : i32 to vector<16xi32>
          %add3A_428 = arith.addi %broadcast_in_dim3A_1, %add3A_427 : vector<16xi32>
          %gather3A_429 = tpu.vector_load_idx %arg12[%add3A_123, %add3A_428] : memref<64x512xf32, #tpu.memory_space<vmem>>[vector<16xi32>, vector<16xi32>], vector<16xf32>,
          %swap3A_430 = arith.constant 2 : i32
          %swap3A_431 = arith.index_cast %swap3A_430 : i32 to index
          %swap3A_432 = arith.constant 16 : index
          %swap3A_433 = tpu.vector_load %arg14[%swap3A_431, %swap3A_432] {strides = array<i32>} : memref<16x128xf32, #tpu.memory_space<vmem>>, vector<16xf32>,
          tpu.vector_store %arg14[%swap3A_431, %swap3A_432], %gather3A_429 {strides = array<i32>} : memref<16x128xf32, #tpu.memory_space<vmem>>, vector<16xf32>,
          %add3A_434 = vector.broadcast %squeeze3A_419 : i32 to vector<16xi32>
          %add3A_435 = arith.addi %broadcast_in_dim3A_1, %add3A_434 : vector<16xi32>
          %gather3A_436 = tpu.vector_load_idx %arg12[%add3A_126, %add3A_435] : memref<64x512xf32, #tpu.memory_space<vmem>>[vector<16xi32>, vector<16xi32>], vector<16xf32>,
          %swap3A_437 = arith.constant 2 : i32
          %swap3A_438 = arith.index_cast %swap3A_437 : i32 to index
          %swap3A_439 = arith.constant 32 : index
          %swap3A_440 = tpu.vector_load %arg14[%swap3A_438, %swap3A_439] {strides = array<i32>} : memref<16x128xf32, #tpu.memory_space<vmem>>, vector<16xf32>,
          tpu.vector_store %arg14[%swap3A_438, %swap3A_439], %gather3A_436 {strides = array<i32>} : memref<16x128xf32, #tpu.memory_space<vmem>>, vector<16xf32>,
          %add3A_441 = vector.broadcast %squeeze3A_419 : i32 to vector<16xi32>
          %add3A_442 = arith.addi %broadcast_in_dim3A_1, %add3A_441 : vector<16xi32>
          %gather3A_443 = tpu.vector_load_idx %arg12[%add3A_129, %add3A_442] : memref<64x512xf32, #tpu.memory_space<vmem>>[vector<16xi32>, vector<16xi32>], vector<16xf32>,
          %swap3A_444 = arith.constant 2 : i32
          %swap3A_445 = arith.index_cast %swap3A_444 : i32 to index
          %swap3A_446 = arith.constant 48 : index
          %swap3A_447 = tpu.vector_load %arg14[%swap3A_445, %swap3A_446] {strides = array<i32>} : memref<16x128xf32, #tpu.memory_space<vmem>>, vector<16xf32>,
          tpu.vector_store %arg14[%swap3A_445, %swap3A_446], %gather3A_443 {strides = array<i32>} : memref<16x128xf32, #tpu.memory_space<vmem>>, vector<16xf32>,
          %slice3A_448 = vector.extract_strided_slice %select_n3A_351 {offsets = [3], sizes = [1], strides = [1]} : vector<16xi32> to vector<1xi32>
          %squeeze3A_449 = vector.extract %slice3A_448[0] : i32 from vector<1xi32>
          %add3A_450 = vector.broadcast %squeeze3A_449 : i32 to vector<16xi32>
          %add3A_451 = arith.addi %broadcast_in_dim3A_1, %add3A_450 : vector<16xi32>
          %gather3A_452 = tpu.vector_load_idx %arg12[%add3A_120, %add3A_451] : memref<64x512xf32, #tpu.memory_space<vmem>>[vector<16xi32>, vector<16xi32>], vector<16xf32>,
          %swap3A_453 = arith.constant 3 : i32
          %swap3A_454 = arith.index_cast %swap3A_453 : i32 to index
          %swap3A_455 = arith.constant 0 : index
          %swap3A_456 = tpu.vector_load %arg14[%swap3A_454, %swap3A_455] {strides = array<i32>} : memref<16x128xf32, #tpu.memory_space<vmem>>, vector<16xf32>,
          tpu.vector_store %arg14[%swap3A_454, %swap3A_455], %gather3A_452 {strides = array<i32>} : memref<16x128xf32, #tpu.memory_space<vmem>>, vector<16xf32>,
          %add3A_457 = vector.broadcast %squeeze3A_449 : i32 to vector<16xi32>
          %add3A_458 = arith.addi %broadcast_in_dim3A_1, %add3A_457 : vector<16xi32>
          %gather3A_459 = tpu.vector_load_idx %arg12[%add3A_123, %add3A_458] : memref<64x512xf32, #tpu.memory_space<vmem>>[vector<16xi32>, vector<16xi32>], vector<16xf32>,
          %swap3A_460 = arith.constant 3 : i32
          %swap3A_461 = arith.index_cast %swap3A_460 : i32 to index
          %swap3A_462 = arith.constant 16 : index
          %swap3A_463 = tpu.vector_load %arg14[%swap3A_461, %swap3A_462] {strides = array<i32>} : memref<16x128xf32, #tpu.memory_space<vmem>>, vector<16xf32>,
          tpu.vector_store %arg14[%swap3A_461, %swap3A_462], %gather3A_459 {strides = array<i32>} : memref<16x128xf32, #tpu.memory_space<vmem>>, vector<16xf32>,
          %add3A_464 = vector.broadcast %squeeze3A_449 : i32 to vector<16xi32>
          %add3A_465 = arith.addi %broadcast_in_dim3A_1, %add3A_464 : vector<16xi32>
          %gather3A_466 = tpu.vector_load_idx %arg12[%add3A_126, %add3A_465] : memref<64x512xf32, #tpu.memory_space<vmem>>[vector<16xi32>, vector<16xi32>], vector<16xf32>,
          %swap3A_467 = arith.constant 3 : i32
          %swap3A_468 = arith.index_cast %swap3A_467 : i32 to index
          %swap3A_469 = arith.constant 32 : index
          %swap3A_470 = tpu.vector_load %arg14[%swap3A_468, %swap3A_469] {strides = array<i32>} : memref<16x128xf32, #tpu.memory_space<vmem>>, vector<16xf32>,
          tpu.vector_store %arg14[%swap3A_468, %swap3A_469], %gather3A_466 {strides = array<i32>} : memref<16x128xf32, #tpu.memory_space<vmem>>, vector<16xf32>,
          %add3A_471 = vector.broadcast %squeeze3A_449 : i32 to vector<16xi32>
          %add3A_472 = arith.addi %broadcast_in_dim3A_1, %add3A_471 : vector<16xi32>
          %gather3A_473 = tpu.vector_load_idx %arg12[%add3A_129, %add3A_472] : memref<64x512xf32, #tpu.memory_space<vmem>>[vector<16xi32>, vector<16xi32>], vector<16xf32>,
          %swap3A_474 = arith.constant 3 : i32
          %swap3A_475 = arith.index_cast %swap3A_474 : i32 to index
          %swap3A_476 = arith.constant 48 : index
          %swap3A_477 = tpu.vector_load %arg14[%swap3A_475, %swap3A_476] {strides = array<i32>} : memref<16x128xf32, #tpu.memory_space<vmem>>, vector<16xf32>,
          tpu.vector_store %arg14[%swap3A_475, %swap3A_476], %gather3A_473 {strides = array<i32>} : memref<16x128xf32, #tpu.memory_space<vmem>>, vector<16xf32>,
          %slice3A_478 = vector.extract_strided_slice %select_n3A_351 {offsets = [4], sizes = [1], strides = [1]} : vector<16xi32> to vector<1xi32>
          %squeeze3A_479 = vector.extract %slice3A_478[0] : i32 from vector<1xi32>
          %add3A_480 = vector.broadcast %squeeze3A_479 : i32 to vector<16xi32>
          %add3A_481 = arith.addi %broadcast_in_dim3A_1, %add3A_480 : vector<16xi32>
          %gather3A_482 = tpu.vector_load_idx %arg12[%add3A_120, %add3A_481] : memref<64x512xf32, #tpu.memory_space<vmem>>[vector<16xi32>, vector<16xi32>], vector<16xf32>,
          %swap3A_483 = arith.constant 4 : i32
          %swap3A_484 = arith.index_cast %swap3A_483 : i32 to index
          %swap3A_485 = arith.constant 0 : index
          %swap3A_486 = tpu.vector_load %arg14[%swap3A_484, %swap3A_485] {strides = array<i32>} : memref<16x128xf32, #tpu.memory_space<vmem>>, vector<16xf32>,
          tpu.vector_store %arg14[%swap3A_484, %swap3A_485], %gather3A_482 {strides = array<i32>} : memref<16x128xf32, #tpu.memory_space<vmem>>, vector<16xf32>,
          %add3A_487 = vector.broadcast %squeeze3A_479 : i32 to vector<16xi32>
          %add3A_488 = arith.addi %broadcast_in_dim3A_1, %add3A_487 : vector<16xi32>
          %gather3A_489 = tpu.vector_load_idx %arg12[%add3A_123, %add3A_488] : memref<64x512xf32, #tpu.memory_space<vmem>>[vector<16xi32>, vector<16xi32>], vector<16xf32>,
          %swap3A_490 = arith.constant 4 : i32
          %swap3A_491 = arith.index_cast %swap3A_490 : i32 to index
          %swap3A_492 = arith.constant 16 : index
          %swap3A_493 = tpu.vector_load %arg14[%swap3A_491, %swap3A_492] {strides = array<i32>} : memref<16x128xf32, #tpu.memory_space<vmem>>, vector<16xf32>,
          tpu.vector_store %arg14[%swap3A_491, %swap3A_492], %gather3A_489 {strides = array<i32>} : memref<16x128xf32, #tpu.memory_space<vmem>>, vector<16xf32>,
          %add3A_494 = vector.broadcast %squeeze3A_479 : i32 to vector<16xi32>
          %add3A_495 = arith.addi %broadcast_in_dim3A_1, %add3A_494 : vector<16xi32>
          %gather3A_496 = tpu.vector_load_idx %arg12[%add3A_126, %add3A_495] : memref<64x512xf32, #tpu.memory_space<vmem>>[vector<16xi32>, vector<16xi32>], vector<16xf32>,
          %swap3A_497 = arith.constant 4 : i32
          %swap3A_498 = arith.index_cast %swap3A_497 : i32 to index
          %swap3A_499 = arith.constant 32 : index
          %swap3A_500 = tpu.vector_load %arg14[%swap3A_498, %swap3A_499] {strides = array<i32>} : memref<16x128xf32, #tpu.memory_space<vmem>>, vector<16xf32>,
          tpu.vector_store %arg14[%swap3A_498, %swap3A_499], %gather3A_496 {strides = array<i32>} : memref<16x128xf32, #tpu.memory_space<vmem>>, vector<16xf32>,
          %add3A_501 = vector.broadcast %squeeze3A_479 : i32 to vector<16xi32>
          %add3A_502 = arith.addi %broadcast_in_dim3A_1, %add3A_501 : vector<16xi32>
          %gather3A_503 = tpu.vector_load_idx %arg12[%add3A_129, %add3A_502] : memref<64x512xf32, #tpu.memory_space<vmem>>[vector<16xi32>, vector<16xi32>], vector<16xf32>,
          %swap3A_504 = arith.constant 4 : i32
          %swap3A_505 = arith.index_cast %swap3A_504 : i32 to index
          %swap3A_506 = arith.constant 48 : index
          %swap3A_507 = tpu.vector_load %arg14[%swap3A_505, %swap3A_506] {strides = array<i32>} : memref<16x128xf32, #tpu.memory_space<vmem>>, vector<16xf32>,
          tpu.vector_store %arg14[%swap3A_505, %swap3A_506], %gather3A_503 {strides = array<i32>} : memref<16x128xf32, #tpu.memory_space<vmem>>, vector<16xf32>,
          %slice3A_508 = vector.extract_strided_slice %select_n3A_351 {offsets = [5], sizes = [1], strides = [1]} : vector<16xi32> to vector<1xi32>
          %squeeze3A_509 = vector.extract %slice3A_508[0] : i32 from vector<1xi32>
          %add3A_510 = vector.broadcast %squeeze3A_509 : i32 to vector<16xi32>
          %add3A_511 = arith.addi %broadcast_in_dim3A_1, %add3A_510 : vector<16xi32>
          %gather3A_512 = tpu.vector_load_idx %arg12[%add3A_120, %add3A_511] : memref<64x512xf32, #tpu.memory_space<vmem>>[vector<16xi32>, vector<16xi32>], vector<16xf32>,
          %swap3A_513 = arith.constant 5 : i32
          %swap3A_514 = arith.index_cast %swap3A_513 : i32 to index
          %swap3A_515 = arith.constant 0 : index
          %swap3A_516 = tpu.vector_load %arg14[%swap3A_514, %swap3A_515] {strides = array<i32>} : memref<16x128xf32, #tpu.memory_space<vmem>>, vector<16xf32>,
          tpu.vector_store %arg14[%swap3A_514, %swap3A_515], %gather3A_512 {strides = array<i32>} : memref<16x128xf32, #tpu.memory_space<vmem>>, vector<16xf32>,
          %add3A_517 = vector.broadcast %squeeze3A_509 : i32 to vector<16xi32>
          %add3A_518 = arith.addi %broadcast_in_dim3A_1, %add3A_517 : vector<16xi32>
          %gather3A_519 = tpu.vector_load_idx %arg12[%add3A_123, %add3A_518] : memref<64x512xf32, #tpu.memory_space<vmem>>[vector<16xi32>, vector<16xi32>], vector<16xf32>,
          %swap3A_520 = arith.constant 5 : i32
          %swap3A_521 = arith.index_cast %swap3A_520 : i32 to index
          %swap3A_522 = arith.constant 16 : index
          %swap3A_523 = tpu.vector_load %arg14[%swap3A_521, %swap3A_522] {strides = array<i32>} : memref<16x128xf32, #tpu.memory_space<vmem>>, vector<16xf32>,
          tpu.vector_store %arg14[%swap3A_521, %swap3A_522], %gather3A_519 {strides = array<i32>} : memref<16x128xf32, #tpu.memory_space<vmem>>, vector<16xf32>,
          %add3A_524 = vector.broadcast %squeeze3A_509 : i32 to vector<16xi32>
          %add3A_525 = arith.addi %broadcast_in_dim3A_1, %add3A_524 : vector<16xi32>
          %gather3A_526 = tpu.vector_load_idx %arg12[%add3A_126, %add3A_525] : memref<64x512xf32, #tpu.memory_space<vmem>>[vector<16xi32>, vector<16xi32>], vector<16xf32>,
          %swap3A_527 = arith.constant 5 : i32
          %swap3A_528 = arith.index_cast %swap3A_527 : i32 to index
          %swap3A_529 = arith.constant 32 : index
          %swap3A_530 = tpu.vector_load %arg14[%swap3A_528, %swap3A_529] {strides = array<i32>} : memref<16x128xf32, #tpu.memory_space<vmem>>, vector<16xf32>,
          tpu.vector_store %arg14[%swap3A_528, %swap3A_529], %gather3A_526 {strides = array<i32>} : memref<16x128xf32, #tpu.memory_space<vmem>>, vector<16xf32>,
          %add3A_531 = vector.broadcast %squeeze3A_509 : i32 to vector<16xi32>
          %add3A_532 = arith.addi %broadcast_in_dim3A_1, %add3A_531 : vector<16xi32>
          %gather3A_533 = tpu.vector_load_idx %arg12[%add3A_129, %add3A_532] : memref<64x512xf32, #tpu.memory_space<vmem>>[vector<16xi32>, vector<16xi32>], vector<16xf32>,
          %swap3A_534 = arith.constant 5 : i32
          %swap3A_535 = arith.index_cast %swap3A_534 : i32 to index
          %swap3A_536 = arith.constant 48 : index
          %swap3A_537 = tpu.vector_load %arg14[%swap3A_535, %swap3A_536] {strides = array<i32>} : memref<16x128xf32, #tpu.memory_space<vmem>>, vector<16xf32>,
          tpu.vector_store %arg14[%swap3A_535, %swap3A_536], %gather3A_533 {strides = array<i32>} : memref<16x128xf32, #tpu.memory_space<vmem>>, vector<16xf32>,
          %slice3A_538 = vector.extract_strided_slice %select_n3A_351 {offsets = [6], sizes = [1], strides = [1]} : vector<16xi32> to vector<1xi32>
          %squeeze3A_539 = vector.extract %slice3A_538[0] : i32 from vector<1xi32>
          %add3A_540 = vector.broadcast %squeeze3A_539 : i32 to vector<16xi32>
          %add3A_541 = arith.addi %broadcast_in_dim3A_1, %add3A_540 : vector<16xi32>
          %gather3A_542 = tpu.vector_load_idx %arg12[%add3A_120, %add3A_541] : memref<64x512xf32, #tpu.memory_space<vmem>>[vector<16xi32>, vector<16xi32>], vector<16xf32>,
          %swap3A_543 = arith.constant 6 : i32
          %swap3A_544 = arith.index_cast %swap3A_543 : i32 to index
          %swap3A_545 = arith.constant 0 : index
          %swap3A_546 = tpu.vector_load %arg14[%swap3A_544, %swap3A_545] {strides = array<i32>} : memref<16x128xf32, #tpu.memory_space<vmem>>, vector<16xf32>,
          tpu.vector_store %arg14[%swap3A_544, %swap3A_545], %gather3A_542 {strides = array<i32>} : memref<16x128xf32, #tpu.memory_space<vmem>>, vector<16xf32>,
          %add3A_547 = vector.broadcast %squeeze3A_539 : i32 to vector<16xi32>
          %add3A_548 = arith.addi %broadcast_in_dim3A_1, %add3A_547 : vector<16xi32>
          %gather3A_549 = tpu.vector_load_idx %arg12[%add3A_123, %add3A_548] : memref<64x512xf32, #tpu.memory_space<vmem>>[vector<16xi32>, vector<16xi32>], vector<16xf32>,
          %swap3A_550 = arith.constant 6 : i32
          %swap3A_551 = arith.index_cast %swap3A_550 : i32 to index
          %swap3A_552 = arith.constant 16 : index
          %swap3A_553 = tpu.vector_load %arg14[%swap3A_551, %swap3A_552] {strides = array<i32>} : memref<16x128xf32, #tpu.memory_space<vmem>>, vector<16xf32>,
          tpu.vector_store %arg14[%swap3A_551, %swap3A_552], %gather3A_549 {strides = array<i32>} : memref<16x128xf32, #tpu.memory_space<vmem>>, vector<16xf32>,
          %add3A_554 = vector.broadcast %squeeze3A_539 : i32 to vector<16xi32>
          %add3A_555 = arith.addi %broadcast_in_dim3A_1, %add3A_554 : vector<16xi32>
          %gather3A_556 = tpu.vector_load_idx %arg12[%add3A_126, %add3A_555] : memref<64x512xf32, #tpu.memory_space<vmem>>[vector<16xi32>, vector<16xi32>], vector<16xf32>,
          %swap3A_557 = arith.constant 6 : i32
          %swap3A_558 = arith.index_cast %swap3A_557 : i32 to index
          %swap3A_559 = arith.constant 32 : index
          %swap3A_560 = tpu.vector_load %arg14[%swap3A_558, %swap3A_559] {strides = array<i32>} : memref<16x128xf32, #tpu.memory_space<vmem>>, vector<16xf32>,
          tpu.vector_store %arg14[%swap3A_558, %swap3A_559], %gather3A_556 {strides = array<i32>} : memref<16x128xf32, #tpu.memory_space<vmem>>, vector<16xf32>,
          %add3A_561 = vector.broadcast %squeeze3A_539 : i32 to vector<16xi32>
          %add3A_562 = arith.addi %broadcast_in_dim3A_1, %add3A_561 : vector<16xi32>
          %gather3A_563 = tpu.vector_load_idx %arg12[%add3A_129, %add3A_562] : memref<64x512xf32, #tpu.memory_space<vmem>>[vector<16xi32>, vector<16xi32>], vector<16xf32>,
          %swap3A_564 = arith.constant 6 : i32
          %swap3A_565 = arith.index_cast %swap3A_564 : i32 to index
          %swap3A_566 = arith.constant 48 : index
          %swap3A_567 = tpu.vector_load %arg14[%swap3A_565, %swap3A_566] {strides = array<i32>} : memref<16x128xf32, #tpu.memory_space<vmem>>, vector<16xf32>,
          tpu.vector_store %arg14[%swap3A_565, %swap3A_566], %gather3A_563 {strides = array<i32>} : memref<16x128xf32, #tpu.memory_space<vmem>>, vector<16xf32>,
          %slice3A_568 = vector.extract_strided_slice %select_n3A_351 {offsets = [7], sizes = [1], strides = [1]} : vector<16xi32> to vector<1xi32>
          %squeeze3A_569 = vector.extract %slice3A_568[0] : i32 from vector<1xi32>
          %add3A_570 = vector.broadcast %squeeze3A_569 : i32 to vector<16xi32>
          %add3A_571 = arith.addi %broadcast_in_dim3A_1, %add3A_570 : vector<16xi32>
          %gather3A_572 = tpu.vector_load_idx %arg12[%add3A_120, %add3A_571] : memref<64x512xf32, #tpu.memory_space<vmem>>[vector<16xi32>, vector<16xi32>], vector<16xf32>,
          %swap3A_573 = arith.constant 7 : i32
          %swap3A_574 = arith.index_cast %swap3A_573 : i32 to index
          %swap3A_575 = arith.constant 0 : index
          %swap3A_576 = tpu.vector_load %arg14[%swap3A_574, %swap3A_575] {strides = array<i32>} : memref<16x128xf32, #tpu.memory_space<vmem>>, vector<16xf32>,
          tpu.vector_store %arg14[%swap3A_574, %swap3A_575], %gather3A_572 {strides = array<i32>} : memref<16x128xf32, #tpu.memory_space<vmem>>, vector<16xf32>,
          %add3A_577 = vector.broadcast %squeeze3A_569 : i32 to vector<16xi32>
          %add3A_578 = arith.addi %broadcast_in_dim3A_1, %add3A_577 : vector<16xi32>
          %gather3A_579 = tpu.vector_load_idx %arg12[%add3A_123, %add3A_578] : memref<64x512xf32, #tpu.memory_space<vmem>>[vector<16xi32>, vector<16xi32>], vector<16xf32>,
          %swap3A_580 = arith.constant 7 : i32
          %swap3A_581 = arith.index_cast %swap3A_580 : i32 to index
          %swap3A_582 = arith.constant 16 : index
          %swap3A_583 = tpu.vector_load %arg14[%swap3A_581, %swap3A_582] {strides = array<i32>} : memref<16x128xf32, #tpu.memory_space<vmem>>, vector<16xf32>,
          tpu.vector_store %arg14[%swap3A_581, %swap3A_582], %gather3A_579 {strides = array<i32>} : memref<16x128xf32, #tpu.memory_space<vmem>>, vector<16xf32>,
          %add3A_584 = vector.broadcast %squeeze3A_569 : i32 to vector<16xi32>
          %add3A_585 = arith.addi %broadcast_in_dim3A_1, %add3A_584 : vector<16xi32>
          %gather3A_586 = tpu.vector_load_idx %arg12[%add3A_126, %add3A_585] : memref<64x512xf32, #tpu.memory_space<vmem>>[vector<16xi32>, vector<16xi32>], vector<16xf32>,
          %swap3A_587 = arith.constant 7 : i32
          %swap3A_588 = arith.index_cast %swap3A_587 : i32 to index
          %swap3A_589 = arith.constant 32 : index
          %swap3A_590 = tpu.vector_load %arg14[%swap3A_588, %swap3A_589] {strides = array<i32>} : memref<16x128xf32, #tpu.memory_space<vmem>>, vector<16xf32>,
          tpu.vector_store %arg14[%swap3A_588, %swap3A_589], %gather3A_586 {strides = array<i32>} : memref<16x128xf32, #tpu.memory_space<vmem>>, vector<16xf32>,
          %add3A_591 = vector.broadcast %squeeze3A_569 : i32 to vector<16xi32>
          %add3A_592 = arith.addi %broadcast_in_dim3A_1, %add3A_591 : vector<16xi32>
          %gather3A_593 = tpu.vector_load_idx %arg12[%add3A_129, %add3A_592] : memref<64x512xf32, #tpu.memory_space<vmem>>[vector<16xi32>, vector<16xi32>], vector<16xf32>,
          %swap3A_594 = arith.constant 7 : i32
          %swap3A_595 = arith.index_cast %swap3A_594 : i32 to index
          %swap3A_596 = arith.constant 48 : index
          %swap3A_597 = tpu.vector_load %arg14[%swap3A_595, %swap3A_596] {strides = array<i32>} : memref<16x128xf32, #tpu.memory_space<vmem>>, vector<16xf32>,
          tpu.vector_store %arg14[%swap3A_595, %swap3A_596], %gather3A_593 {strides = array<i32>} : memref<16x128xf32, #tpu.memory_space<vmem>>, vector<16xf32>,
          %slice3A_598 = vector.extract_strided_slice %select_n3A_351 {offsets = [8], sizes = [1], strides = [1]} : vector<16xi32> to vector<1xi32>
          %squeeze3A_599 = vector.extract %slice3A_598[0] : i32 from vector<1xi32>
          %add3A_600 = vector.broadcast %squeeze3A_599 : i32 to vector<16xi32>
          %add3A_601 = arith.addi %broadcast_in_dim3A_1, %add3A_600 : vector<16xi32>
          %gather3A_602 = tpu.vector_load_idx %arg12[%add3A_120, %add3A_601] : memref<64x512xf32, #tpu.memory_space<vmem>>[vector<16xi32>, vector<16xi32>], vector<16xf32>,
          %swap3A_603 = arith.constant 8 : i32
          %swap3A_604 = arith.index_cast %swap3A_603 : i32 to index
          %swap3A_605 = arith.constant 0 : index
          %swap3A_606 = tpu.vector_load %arg14[%swap3A_604, %swap3A_605] {strides = array<i32>} : memref<16x128xf32, #tpu.memory_space<vmem>>, vector<16xf32>,
          tpu.vector_store %arg14[%swap3A_604, %swap3A_605], %gather3A_602 {strides = array<i32>} : memref<16x128xf32, #tpu.memory_space<vmem>>, vector<16xf32>,
          %add3A_607 = vector.broadcast %squeeze3A_599 : i32 to vector<16xi32>
          %add3A_608 = arith.addi %broadcast_in_dim3A_1, %add3A_607 : vector<16xi32>
          %gather3A_609 = tpu.vector_load_idx %arg12[%add3A_123, %add3A_608] : memref<64x512xf32, #tpu.memory_space<vmem>>[vector<16xi32>, vector<16xi32>], vector<16xf32>,
          %swap3A_610 = arith.constant 8 : i32
          %swap3A_611 = arith.index_cast %swap3A_610 : i32 to index
          %swap3A_612 = arith.constant 16 : index
          %swap3A_613 = tpu.vector_load %arg14[%swap3A_611, %swap3A_612] {strides = array<i32>} : memref<16x128xf32, #tpu.memory_space<vmem>>, vector<16xf32>,
          tpu.vector_store %arg14[%swap3A_611, %swap3A_612], %gather3A_609 {strides = array<i32>} : memref<16x128xf32, #tpu.memory_space<vmem>>, vector<16xf32>,
          %add3A_614 = vector.broadcast %squeeze3A_599 : i32 to vector<16xi32>
          %add3A_615 = arith.addi %broadcast_in_dim3A_1, %add3A_614 : vector<16xi32>
          %gather3A_616 = tpu.vector_load_idx %arg12[%add3A_126, %add3A_615] : memref<64x512xf32, #tpu.memory_space<vmem>>[vector<16xi32>, vector<16xi32>], vector<16xf32>,
          %swap3A_617 = arith.constant 8 : i32
          %swap3A_618 = arith.index_cast %swap3A_617 : i32 to index
          %swap3A_619 = arith.constant 32 : index
          %swap3A_620 = tpu.vector_load %arg14[%swap3A_618, %swap3A_619] {strides = array<i32>} : memref<16x128xf32, #tpu.memory_space<vmem>>, vector<16xf32>,
          tpu.vector_store %arg14[%swap3A_618, %swap3A_619], %gather3A_616 {strides = array<i32>} : memref<16x128xf32, #tpu.memory_space<vmem>>, vector<16xf32>,
          %add3A_621 = vector.broadcast %squeeze3A_599 : i32 to vector<16xi32>
          %add3A_622 = arith.addi %broadcast_in_dim3A_1, %add3A_621 : vector<16xi32>
          %gather3A_623 = tpu.vector_load_idx %arg12[%add3A_129, %add3A_622] : memref<64x512xf32, #tpu.memory_space<vmem>>[vector<16xi32>, vector<16xi32>], vector<16xf32>,
          %swap3A_624 = arith.constant 8 : i32
          %swap3A_625 = arith.index_cast %swap3A_624 : i32 to index
          %swap3A_626 = arith.constant 48 : index
          %swap3A_627 = tpu.vector_load %arg14[%swap3A_625, %swap3A_626] {strides = array<i32>} : memref<16x128xf32, #tpu.memory_space<vmem>>, vector<16xf32>,
          tpu.vector_store %arg14[%swap3A_625, %swap3A_626], %gather3A_623 {strides = array<i32>} : memref<16x128xf32, #tpu.memory_space<vmem>>, vector<16xf32>,
          %slice3A_628 = vector.extract_strided_slice %select_n3A_351 {offsets = [9], sizes = [1], strides = [1]} : vector<16xi32> to vector<1xi32>
          %squeeze3A_629 = vector.extract %slice3A_628[0] : i32 from vector<1xi32>
          %add3A_630 = vector.broadcast %squeeze3A_629 : i32 to vector<16xi32>
          %add3A_631 = arith.addi %broadcast_in_dim3A_1, %add3A_630 : vector<16xi32>
          %gather3A_632 = tpu.vector_load_idx %arg12[%add3A_120, %add3A_631] : memref<64x512xf32, #tpu.memory_space<vmem>>[vector<16xi32>, vector<16xi32>], vector<16xf32>,
          %swap3A_633 = arith.constant 9 : i32
          %swap3A_634 = arith.index_cast %swap3A_633 : i32 to index
          %swap3A_635 = arith.constant 0 : index
          %swap3A_636 = tpu.vector_load %arg14[%swap3A_634, %swap3A_635] {strides = array<i32>} : memref<16x128xf32, #tpu.memory_space<vmem>>, vector<16xf32>,
          tpu.vector_store %arg14[%swap3A_634, %swap3A_635], %gather3A_632 {strides = array<i32>} : memref<16x128xf32, #tpu.memory_space<vmem>>, vector<16xf32>,
          %add3A_637 = vector.broadcast %squeeze3A_629 : i32 to vector<16xi32>
          %add3A_638 = arith.addi %broadcast_in_dim3A_1, %add3A_637 : vector<16xi32>
          %gather3A_639 = tpu.vector_load_idx %arg12[%add3A_123, %add3A_638] : memref<64x512xf32, #tpu.memory_space<vmem>>[vector<16xi32>, vector<16xi32>], vector<16xf32>,
          %swap3A_640 = arith.constant 9 : i32
          %swap3A_641 = arith.index_cast %swap3A_640 : i32 to index
          %swap3A_642 = arith.constant 16 : index
          %swap3A_643 = tpu.vector_load %arg14[%swap3A_641, %swap3A_642] {strides = array<i32>} : memref<16x128xf32, #tpu.memory_space<vmem>>, vector<16xf32>,
          tpu.vector_store %arg14[%swap3A_641, %swap3A_642], %gather3A_639 {strides = array<i32>} : memref<16x128xf32, #tpu.memory_space<vmem>>, vector<16xf32>,
          %add3A_644 = vector.broadcast %squeeze3A_629 : i32 to vector<16xi32>
          %add3A_645 = arith.addi %broadcast_in_dim3A_1, %add3A_644 : vector<16xi32>
          %gather3A_646 = tpu.vector_load_idx %arg12[%add3A_126, %add3A_645] : memref<64x512xf32, #tpu.memory_space<vmem>>[vector<16xi32>, vector<16xi32>], vector<16xf32>,
          %swap3A_647 = arith.constant 9 : i32
          %swap3A_648 = arith.index_cast %swap3A_647 : i32 to index
          %swap3A_649 = arith.constant 32 : index
          %swap3A_650 = tpu.vector_load %arg14[%swap3A_648, %swap3A_649] {strides = array<i32>} : memref<16x128xf32, #tpu.memory_space<vmem>>, vector<16xf32>,
          tpu.vector_store %arg14[%swap3A_648, %swap3A_649], %gather3A_646 {strides = array<i32>} : memref<16x128xf32, #tpu.memory_space<vmem>>, vector<16xf32>,
          %add3A_651 = vector.broadcast %squeeze3A_629 : i32 to vector<16xi32>
          %add3A_652 = arith.addi %broadcast_in_dim3A_1, %add3A_651 : vector<16xi32>
          %gather3A_653 = tpu.vector_load_idx %arg12[%add3A_129, %add3A_652] : memref<64x512xf32, #tpu.memory_space<vmem>>[vector<16xi32>, vector<16xi32>], vector<16xf32>,
          %swap3A_654 = arith.constant 9 : i32
          %swap3A_655 = arith.index_cast %swap3A_654 : i32 to index
          %swap3A_656 = arith.constant 48 : index
          %swap3A_657 = tpu.vector_load %arg14[%swap3A_655, %swap3A_656] {strides = array<i32>} : memref<16x128xf32, #tpu.memory_space<vmem>>, vector<16xf32>,
          tpu.vector_store %arg14[%swap3A_655, %swap3A_656], %gather3A_653 {strides = array<i32>} : memref<16x128xf32, #tpu.memory_space<vmem>>, vector<16xf32>,
          %slice3A_658 = vector.extract_strided_slice %select_n3A_351 {offsets = [10], sizes = [1], strides = [1]} : vector<16xi32> to vector<1xi32>
          %squeeze3A_659 = vector.extract %slice3A_658[0] : i32 from vector<1xi32>
          %add3A_660 = vector.broadcast %squeeze3A_659 : i32 to vector<16xi32>
          %add3A_661 = arith.addi %broadcast_in_dim3A_1, %add3A_660 : vector<16xi32>
          %gather3A_662 = tpu.vector_load_idx %arg12[%add3A_120, %add3A_661] : memref<64x512xf32, #tpu.memory_space<vmem>>[vector<16xi32>, vector<16xi32>], vector<16xf32>,
          %swap3A_663 = arith.constant 10 : i32
          %swap3A_664 = arith.index_cast %swap3A_663 : i32 to index
          %swap3A_665 = arith.constant 0 : index
          %swap3A_666 = tpu.vector_load %arg14[%swap3A_664, %swap3A_665] {strides = array<i32>} : memref<16x128xf32, #tpu.memory_space<vmem>>, vector<16xf32>,
          tpu.vector_store %arg14[%swap3A_664, %swap3A_665], %gather3A_662 {strides = array<i32>} : memref<16x128xf32, #tpu.memory_space<vmem>>, vector<16xf32>,
          %add3A_667 = vector.broadcast %squeeze3A_659 : i32 to vector<16xi32>
          %add3A_668 = arith.addi %broadcast_in_dim3A_1, %add3A_667 : vector<16xi32>
          %gather3A_669 = tpu.vector_load_idx %arg12[%add3A_123, %add3A_668] : memref<64x512xf32, #tpu.memory_space<vmem>>[vector<16xi32>, vector<16xi32>], vector<16xf32>,
          %swap3A_670 = arith.constant 10 : i32
          %swap3A_671 = arith.index_cast %swap3A_670 : i32 to index
          %swap3A_672 = arith.constant 16 : index
          %swap3A_673 = tpu.vector_load %arg14[%swap3A_671, %swap3A_672] {strides = array<i32>} : memref<16x128xf32, #tpu.memory_space<vmem>>, vector<16xf32>,
          tpu.vector_store %arg14[%swap3A_671, %swap3A_672], %gather3A_669 {strides = array<i32>} : memref<16x128xf32, #tpu.memory_space<vmem>>, vector<16xf32>,
          %add3A_674 = vector.broadcast %squeeze3A_659 : i32 to vector<16xi32>
          %add3A_675 = arith.addi %broadcast_in_dim3A_1, %add3A_674 : vector<16xi32>
          %gather3A_676 = tpu.vector_load_idx %arg12[%add3A_126, %add3A_675] : memref<64x512xf32, #tpu.memory_space<vmem>>[vector<16xi32>, vector<16xi32>], vector<16xf32>,
          %swap3A_677 = arith.constant 10 : i32
          %swap3A_678 = arith.index_cast %swap3A_677 : i32 to index
          %swap3A_679 = arith.constant 32 : index
          %swap3A_680 = tpu.vector_load %arg14[%swap3A_678, %swap3A_679] {strides = array<i32>} : memref<16x128xf32, #tpu.memory_space<vmem>>, vector<16xf32>,
          tpu.vector_store %arg14[%swap3A_678, %swap3A_679], %gather3A_676 {strides = array<i32>} : memref<16x128xf32, #tpu.memory_space<vmem>>, vector<16xf32>,
          %add3A_681 = vector.broadcast %squeeze3A_659 : i32 to vector<16xi32>
          %add3A_682 = arith.addi %broadcast_in_dim3A_1, %add3A_681 : vector<16xi32>
          %gather3A_683 = tpu.vector_load_idx %arg12[%add3A_129, %add3A_682] : memref<64x512xf32, #tpu.memory_space<vmem>>[vector<16xi32>, vector<16xi32>], vector<16xf32>,
          %swap3A_684 = arith.constant 10 : i32
          %swap3A_685 = arith.index_cast %swap3A_684 : i32 to index
          %swap3A_686 = arith.constant 48 : index
          %swap3A_687 = tpu.vector_load %arg14[%swap3A_685, %swap3A_686] {strides = array<i32>} : memref<16x128xf32, #tpu.memory_space<vmem>>, vector<16xf32>,
          tpu.vector_store %arg14[%swap3A_685, %swap3A_686], %gather3A_683 {strides = array<i32>} : memref<16x128xf32, #tpu.memory_space<vmem>>, vector<16xf32>,
          %slice3A_688 = vector.extract_strided_slice %select_n3A_351 {offsets = [11], sizes = [1], strides = [1]} : vector<16xi32> to vector<1xi32>
          %squeeze3A_689 = vector.extract %slice3A_688[0] : i32 from vector<1xi32>
          %add3A_690 = vector.broadcast %squeeze3A_689 : i32 to vector<16xi32>
          %add3A_691 = arith.addi %broadcast_in_dim3A_1, %add3A_690 : vector<16xi32>
          %gather3A_692 = tpu.vector_load_idx %arg12[%add3A_120, %add3A_691] : memref<64x512xf32, #tpu.memory_space<vmem>>[vector<16xi32>, vector<16xi32>], vector<16xf32>,
          %swap3A_693 = arith.constant 11 : i32
          %swap3A_694 = arith.index_cast %swap3A_693 : i32 to index
          %swap3A_695 = arith.constant 0 : index
          %swap3A_696 = tpu.vector_load %arg14[%swap3A_694, %swap3A_695] {strides = array<i32>} : memref<16x128xf32, #tpu.memory_space<vmem>>, vector<16xf32>,
          tpu.vector_store %arg14[%swap3A_694, %swap3A_695], %gather3A_692 {strides = array<i32>} : memref<16x128xf32, #tpu.memory_space<vmem>>, vector<16xf32>,
          %add3A_697 = vector.broadcast %squeeze3A_689 : i32 to vector<16xi32>
          %add3A_698 = arith.addi %broadcast_in_dim3A_1, %add3A_697 : vector<16xi32>
          %gather3A_699 = tpu.vector_load_idx %arg12[%add3A_123, %add3A_698] : memref<64x512xf32, #tpu.memory_space<vmem>>[vector<16xi32>, vector<16xi32>], vector<16xf32>,
          %swap3A_700 = arith.constant 11 : i32
          %swap3A_701 = arith.index_cast %swap3A_700 : i32 to index
          %swap3A_702 = arith.constant 16 : index
          %swap3A_703 = tpu.vector_load %arg14[%swap3A_701, %swap3A_702] {strides = array<i32>} : memref<16x128xf32, #tpu.memory_space<vmem>>, vector<16xf32>,
          tpu.vector_store %arg14[%swap3A_701, %swap3A_702], %gather3A_699 {strides = array<i32>} : memref<16x128xf32, #tpu.memory_space<vmem>>, vector<16xf32>,
          %add3A_704 = vector.broadcast %squeeze3A_689 : i32 to vector<16xi32>
          %add3A_705 = arith.addi %broadcast_in_dim3A_1, %add3A_704 : vector<16xi32>
          %gather3A_706 = tpu.vector_load_idx %arg12[%add3A_126, %add3A_705] : memref<64x512xf32, #tpu.memory_space<vmem>>[vector<16xi32>, vector<16xi32>], vector<16xf32>,
          %swap3A_707 = arith.constant 11 : i32
          %swap3A_708 = arith.index_cast %swap3A_707 : i32 to index
          %swap3A_709 = arith.constant 32 : index
          %swap3A_710 = tpu.vector_load %arg14[%swap3A_708, %swap3A_709] {strides = array<i32>} : memref<16x128xf32, #tpu.memory_space<vmem>>, vector<16xf32>,
          tpu.vector_store %arg14[%swap3A_708, %swap3A_709], %gather3A_706 {strides = array<i32>} : memref<16x128xf32, #tpu.memory_space<vmem>>, vector<16xf32>,
          %add3A_711 = vector.broadcast %squeeze3A_689 : i32 to vector<16xi32>
          %add3A_712 = arith.addi %broadcast_in_dim3A_1, %add3A_711 : vector<16xi32>
          %gather3A_713 = tpu.vector_load_idx %arg12[%add3A_129, %add3A_712] : memref<64x512xf32, #tpu.memory_space<vmem>>[vector<16xi32>, vector<16xi32>], vector<16xf32>,
          %swap3A_714 = arith.constant 11 : i32
          %swap3A_715 = arith.index_cast %swap3A_714 : i32 to index
          %swap3A_716 = arith.constant 48 : index
          %swap3A_717 = tpu.vector_load %arg14[%swap3A_715, %swap3A_716] {strides = array<i32>} : memref<16x128xf32, #tpu.memory_space<vmem>>, vector<16xf32>,
          tpu.vector_store %arg14[%swap3A_715, %swap3A_716], %gather3A_713 {strides = array<i32>} : memref<16x128xf32, #tpu.memory_space<vmem>>, vector<16xf32>,
          %slice3A_718 = vector.extract_strided_slice %select_n3A_351 {offsets = [12], sizes = [1], strides = [1]} : vector<16xi32> to vector<1xi32>
          %squeeze3A_719 = vector.extract %slice3A_718[0] : i32 from vector<1xi32>
          %add3A_720 = vector.broadcast %squeeze3A_719 : i32 to vector<16xi32>
          %add3A_721 = arith.addi %broadcast_in_dim3A_1, %add3A_720 : vector<16xi32>
          %gather3A_722 = tpu.vector_load_idx %arg12[%add3A_120, %add3A_721] : memref<64x512xf32, #tpu.memory_space<vmem>>[vector<16xi32>, vector<16xi32>], vector<16xf32>,
          %swap3A_723 = arith.constant 12 : i32
          %swap3A_724 = arith.index_cast %swap3A_723 : i32 to index
          %swap3A_725 = arith.constant 0 : index
          %swap3A_726 = tpu.vector_load %arg14[%swap3A_724, %swap3A_725] {strides = array<i32>} : memref<16x128xf32, #tpu.memory_space<vmem>>, vector<16xf32>,
          tpu.vector_store %arg14[%swap3A_724, %swap3A_725], %gather3A_722 {strides = array<i32>} : memref<16x128xf32, #tpu.memory_space<vmem>>, vector<16xf32>,
          %add3A_727 = vector.broadcast %squeeze3A_719 : i32 to vector<16xi32>
          %add3A_728 = arith.addi %broadcast_in_dim3A_1, %add3A_727 : vector<16xi32>
          %gather3A_729 = tpu.vector_load_idx %arg12[%add3A_123, %add3A_728] : memref<64x512xf32, #tpu.memory_space<vmem>>[vector<16xi32>, vector<16xi32>], vector<16xf32>,
          %swap3A_730 = arith.constant 12 : i32
          %swap3A_731 = arith.index_cast %swap3A_730 : i32 to index
          %swap3A_732 = arith.constant 16 : index
          %swap3A_733 = tpu.vector_load %arg14[%swap3A_731, %swap3A_732] {strides = array<i32>} : memref<16x128xf32, #tpu.memory_space<vmem>>, vector<16xf32>,
          tpu.vector_store %arg14[%swap3A_731, %swap3A_732], %gather3A_729 {strides = array<i32>} : memref<16x128xf32, #tpu.memory_space<vmem>>, vector<16xf32>,
          %add3A_734 = vector.broadcast %squeeze3A_719 : i32 to vector<16xi32>
          %add3A_735 = arith.addi %broadcast_in_dim3A_1, %add3A_734 : vector<16xi32>
          %gather3A_736 = tpu.vector_load_idx %arg12[%add3A_126, %add3A_735] : memref<64x512xf32, #tpu.memory_space<vmem>>[vector<16xi32>, vector<16xi32>], vector<16xf32>,
          %swap3A_737 = arith.constant 12 : i32
          %swap3A_738 = arith.index_cast %swap3A_737 : i32 to index
          %swap3A_739 = arith.constant 32 : index
          %swap3A_740 = tpu.vector_load %arg14[%swap3A_738, %swap3A_739] {strides = array<i32>} : memref<16x128xf32, #tpu.memory_space<vmem>>, vector<16xf32>,
          tpu.vector_store %arg14[%swap3A_738, %swap3A_739], %gather3A_736 {strides = array<i32>} : memref<16x128xf32, #tpu.memory_space<vmem>>, vector<16xf32>,
          %add3A_741 = vector.broadcast %squeeze3A_719 : i32 to vector<16xi32>
          %add3A_742 = arith.addi %broadcast_in_dim3A_1, %add3A_741 : vector<16xi32>
          %gather3A_743 = tpu.vector_load_idx %arg12[%add3A_129, %add3A_742] : memref<64x512xf32, #tpu.memory_space<vmem>>[vector<16xi32>, vector<16xi32>], vector<16xf32>,
          %swap3A_744 = arith.constant 12 : i32
          %swap3A_745 = arith.index_cast %swap3A_744 : i32 to index
          %swap3A_746 = arith.constant 48 : index
          %swap3A_747 = tpu.vector_load %arg14[%swap3A_745, %swap3A_746] {strides = array<i32>} : memref<16x128xf32, #tpu.memory_space<vmem>>, vector<16xf32>,
          tpu.vector_store %arg14[%swap3A_745, %swap3A_746], %gather3A_743 {strides = array<i32>} : memref<16x128xf32, #tpu.memory_space<vmem>>, vector<16xf32>,
          %slice3A_748 = vector.extract_strided_slice %select_n3A_351 {offsets = [13], sizes = [1], strides = [1]} : vector<16xi32> to vector<1xi32>
          %squeeze3A_749 = vector.extract %slice3A_748[0] : i32 from vector<1xi32>
          %add3A_750 = vector.broadcast %squeeze3A_749 : i32 to vector<16xi32>
          %add3A_751 = arith.addi %broadcast_in_dim3A_1, %add3A_750 : vector<16xi32>
          %gather3A_752 = tpu.vector_load_idx %arg12[%add3A_120, %add3A_751] : memref<64x512xf32, #tpu.memory_space<vmem>>[vector<16xi32>, vector<16xi32>], vector<16xf32>,
          %swap3A_753 = arith.constant 13 : i32
          %swap3A_754 = arith.index_cast %swap3A_753 : i32 to index
          %swap3A_755 = arith.constant 0 : index
          %swap3A_756 = tpu.vector_load %arg14[%swap3A_754, %swap3A_755] {strides = array<i32>} : memref<16x128xf32, #tpu.memory_space<vmem>>, vector<16xf32>,
          tpu.vector_store %arg14[%swap3A_754, %swap3A_755], %gather3A_752 {strides = array<i32>} : memref<16x128xf32, #tpu.memory_space<vmem>>, vector<16xf32>,
          %add3A_757 = vector.broadcast %squeeze3A_749 : i32 to vector<16xi32>
          %add3A_758 = arith.addi %broadcast_in_dim3A_1, %add3A_757 : vector<16xi32>
          %gather3A_759 = tpu.vector_load_idx %arg12[%add3A_123, %add3A_758] : memref<64x512xf32, #tpu.memory_space<vmem>>[vector<16xi32>, vector<16xi32>], vector<16xf32>,
          %swap3A_760 = arith.constant 13 : i32
          %swap3A_761 = arith.index_cast %swap3A_760 : i32 to index
          %swap3A_762 = arith.constant 16 : index
          %swap3A_763 = tpu.vector_load %arg14[%swap3A_761, %swap3A_762] {strides = array<i32>} : memref<16x128xf32, #tpu.memory_space<vmem>>, vector<16xf32>,
          tpu.vector_store %arg14[%swap3A_761, %swap3A_762], %gather3A_759 {strides = array<i32>} : memref<16x128xf32, #tpu.memory_space<vmem>>, vector<16xf32>,
          %add3A_764 = vector.broadcast %squeeze3A_749 : i32 to vector<16xi32>
          %add3A_765 = arith.addi %broadcast_in_dim3A_1, %add3A_764 : vector<16xi32>
          %gather3A_766 = tpu.vector_load_idx %arg12[%add3A_126, %add3A_765] : memref<64x512xf32, #tpu.memory_space<vmem>>[vector<16xi32>, vector<16xi32>], vector<16xf32>,
          %swap3A_767 = arith.constant 13 : i32
          %swap3A_768 = arith.index_cast %swap3A_767 : i32 to index
          %swap3A_769 = arith.constant 32 : index
          %swap3A_770 = tpu.vector_load %arg14[%swap3A_768, %swap3A_769] {strides = array<i32>} : memref<16x128xf32, #tpu.memory_space<vmem>>, vector<16xf32>,
          tpu.vector_store %arg14[%swap3A_768, %swap3A_769], %gather3A_766 {strides = array<i32>} : memref<16x128xf32, #tpu.memory_space<vmem>>, vector<16xf32>,
          %add3A_771 = vector.broadcast %squeeze3A_749 : i32 to vector<16xi32>
          %add3A_772 = arith.addi %broadcast_in_dim3A_1, %add3A_771 : vector<16xi32>
          %gather3A_773 = tpu.vector_load_idx %arg12[%add3A_129, %add3A_772] : memref<64x512xf32, #tpu.memory_space<vmem>>[vector<16xi32>, vector<16xi32>], vector<16xf32>,
          %swap3A_774 = arith.constant 13 : i32
          %swap3A_775 = arith.index_cast %swap3A_774 : i32 to index
          %swap3A_776 = arith.constant 48 : index
          %swap3A_777 = tpu.vector_load %arg14[%swap3A_775, %swap3A_776] {strides = array<i32>} : memref<16x128xf32, #tpu.memory_space<vmem>>, vector<16xf32>,
          tpu.vector_store %arg14[%swap3A_775, %swap3A_776], %gather3A_773 {strides = array<i32>} : memref<16x128xf32, #tpu.memory_space<vmem>>, vector<16xf32>,
          %slice3A_778 = vector.extract_strided_slice %select_n3A_351 {offsets = [14], sizes = [1], strides = [1]} : vector<16xi32> to vector<1xi32>
          %squeeze3A_779 = vector.extract %slice3A_778[0] : i32 from vector<1xi32>
          %add3A_780 = vector.broadcast %squeeze3A_779 : i32 to vector<16xi32>
          %add3A_781 = arith.addi %broadcast_in_dim3A_1, %add3A_780 : vector<16xi32>
          %gather3A_782 = tpu.vector_load_idx %arg12[%add3A_120, %add3A_781] : memref<64x512xf32, #tpu.memory_space<vmem>>[vector<16xi32>, vector<16xi32>], vector<16xf32>,
          %swap3A_783 = arith.constant 14 : i32
          %swap3A_784 = arith.index_cast %swap3A_783 : i32 to index
          %swap3A_785 = arith.constant 0 : index
          %swap3A_786 = tpu.vector_load %arg14[%swap3A_784, %swap3A_785] {strides = array<i32>} : memref<16x128xf32, #tpu.memory_space<vmem>>, vector<16xf32>,
          tpu.vector_store %arg14[%swap3A_784, %swap3A_785], %gather3A_782 {strides = array<i32>} : memref<16x128xf32, #tpu.memory_space<vmem>>, vector<16xf32>,
          %add3A_787 = vector.broadcast %squeeze3A_779 : i32 to vector<16xi32>
          %add3A_788 = arith.addi %broadcast_in_dim3A_1, %add3A_787 : vector<16xi32>
          %gather3A_789 = tpu.vector_load_idx %arg12[%add3A_123, %add3A_788] : memref<64x512xf32, #tpu.memory_space<vmem>>[vector<16xi32>, vector<16xi32>], vector<16xf32>,
          %swap3A_790 = arith.constant 14 : i32
          %swap3A_791 = arith.index_cast %swap3A_790 : i32 to index
          %swap3A_792 = arith.constant 16 : index
          %swap3A_793 = tpu.vector_load %arg14[%swap3A_791, %swap3A_792] {strides = array<i32>} : memref<16x128xf32, #tpu.memory_space<vmem>>, vector<16xf32>,
          tpu.vector_store %arg14[%swap3A_791, %swap3A_792], %gather3A_789 {strides = array<i32>} : memref<16x128xf32, #tpu.memory_space<vmem>>, vector<16xf32>,
          %add3A_794 = vector.broadcast %squeeze3A_779 : i32 to vector<16xi32>
          %add3A_795 = arith.addi %broadcast_in_dim3A_1, %add3A_794 : vector<16xi32>
          %gather3A_796 = tpu.vector_load_idx %arg12[%add3A_126, %add3A_795] : memref<64x512xf32, #tpu.memory_space<vmem>>[vector<16xi32>, vector<16xi32>], vector<16xf32>,
          %swap3A_797 = arith.constant 14 : i32
          %swap3A_798 = arith.index_cast %swap3A_797 : i32 to index
          %swap3A_799 = arith.constant 32 : index
          %swap3A_800 = tpu.vector_load %arg14[%swap3A_798, %swap3A_799] {strides = array<i32>} : memref<16x128xf32, #tpu.memory_space<vmem>>, vector<16xf32>,
          tpu.vector_store %arg14[%swap3A_798, %swap3A_799], %gather3A_796 {strides = array<i32>} : memref<16x128xf32, #tpu.memory_space<vmem>>, vector<16xf32>,
          %add3A_801 = vector.broadcast %squeeze3A_779 : i32 to vector<16xi32>
          %add3A_802 = arith.addi %broadcast_in_dim3A_1, %add3A_801 : vector<16xi32>
          %gather3A_803 = tpu.vector_load_idx %arg12[%add3A_129, %add3A_802] : memref<64x512xf32, #tpu.memory_space<vmem>>[vector<16xi32>, vector<16xi32>], vector<16xf32>,
          %swap3A_804 = arith.constant 14 : i32
          %swap3A_805 = arith.index_cast %swap3A_804 : i32 to index
          %swap3A_806 = arith.constant 48 : index
          %swap3A_807 = tpu.vector_load %arg14[%swap3A_805, %swap3A_806] {strides = array<i32>} : memref<16x128xf32, #tpu.memory_space<vmem>>, vector<16xf32>,
          tpu.vector_store %arg14[%swap3A_805, %swap3A_806], %gather3A_803 {strides = array<i32>} : memref<16x128xf32, #tpu.memory_space<vmem>>, vector<16xf32>,
          %slice3A_808 = vector.extract_strided_slice %select_n3A_351 {offsets = [15], sizes = [1], strides = [1]} : vector<16xi32> to vector<1xi32>
          %squeeze3A_809 = vector.extract %slice3A_808[0] : i32 from vector<1xi32>
          %add3A_810 = vector.broadcast %squeeze3A_809 : i32 to vector<16xi32>
          %add3A_811 = arith.addi %broadcast_in_dim3A_1, %add3A_810 : vector<16xi32>
          %gather3A_812 = tpu.vector_load_idx %arg12[%add3A_120, %add3A_811] : memref<64x512xf32, #tpu.memory_space<vmem>>[vector<16xi32>, vector<16xi32>], vector<16xf32>,
          %swap3A_813 = arith.constant 15 : i32
          %swap3A_814 = arith.index_cast %swap3A_813 : i32 to index
          %swap3A_815 = arith.constant 0 : index
          %swap3A_816 = tpu.vector_load %arg14[%swap3A_814, %swap3A_815] {strides = array<i32>} : memref<16x128xf32, #tpu.memory_space<vmem>>, vector<16xf32>,
          tpu.vector_store %arg14[%swap3A_814, %swap3A_815], %gather3A_812 {strides = array<i32>} : memref<16x128xf32, #tpu.memory_space<vmem>>, vector<16xf32>,
          %add3A_817 = vector.broadcast %squeeze3A_809 : i32 to vector<16xi32>
          %add3A_818 = arith.addi %broadcast_in_dim3A_1, %add3A_817 : vector<16xi32>
          %gather3A_819 = tpu.vector_load_idx %arg12[%add3A_123, %add3A_818] : memref<64x512xf32, #tpu.memory_space<vmem>>[vector<16xi32>, vector<16xi32>], vector<16xf32>,
          %swap3A_820 = arith.constant 15 : i32
          %swap3A_821 = arith.index_cast %swap3A_820 : i32 to index
          %swap3A_822 = arith.constant 16 : index
          %swap3A_823 = tpu.vector_load %arg14[%swap3A_821, %swap3A_822] {strides = array<i32>} : memref<16x128xf32, #tpu.memory_space<vmem>>, vector<16xf32>,
          tpu.vector_store %arg14[%swap3A_821, %swap3A_822], %gather3A_819 {strides = array<i32>} : memref<16x128xf32, #tpu.memory_space<vmem>>, vector<16xf32>,
          %add3A_824 = vector.broadcast %squeeze3A_809 : i32 to vector<16xi32>
          %add3A_825 = arith.addi %broadcast_in_dim3A_1, %add3A_824 : vector<16xi32>
          %gather3A_826 = tpu.vector_load_idx %arg12[%add3A_126, %add3A_825] : memref<64x512xf32, #tpu.memory_space<vmem>>[vector<16xi32>, vector<16xi32>], vector<16xf32>,
          %swap3A_827 = arith.constant 15 : i32
          %swap3A_828 = arith.index_cast %swap3A_827 : i32 to index
          %swap3A_829 = arith.constant 32 : index
          %swap3A_830 = tpu.vector_load %arg14[%swap3A_828, %swap3A_829] {strides = array<i32>} : memref<16x128xf32, #tpu.memory_space<vmem>>, vector<16xf32>,
          tpu.vector_store %arg14[%swap3A_828, %swap3A_829], %gather3A_826 {strides = array<i32>} : memref<16x128xf32, #tpu.memory_space<vmem>>, vector<16xf32>,
          %add3A_831 = vector.broadcast %squeeze3A_809 : i32 to vector<16xi32>
          %add3A_832 = arith.addi %broadcast_in_dim3A_1, %add3A_831 : vector<16xi32>
          %gather3A_833 = tpu.vector_load_idx %arg12[%add3A_129, %add3A_832] : memref<64x512xf32, #tpu.memory_space<vmem>>[vector<16xi32>, vector<16xi32>], vector<16xf32>,
          %swap3A_834 = arith.constant 15 : i32
          %swap3A_835 = arith.index_cast %swap3A_834 : i32 to index
          %swap3A_836 = arith.constant 48 : index
          %swap3A_837 = tpu.vector_load %arg14[%swap3A_835, %swap3A_836] {strides = array<i32>} : memref<16x128xf32, #tpu.memory_space<vmem>>, vector<16xf32>,
          tpu.vector_store %arg14[%swap3A_835, %swap3A_836], %gather3A_833 {strides = array<i32>} : memref<16x128xf32, #tpu.memory_space<vmem>>, vector<16xf32>,
          %dma_start3A_838 = arith.constant 0 : i32
          %dma_start3A_839 = arith.constant 0 : i32
          %dma_start3A_840 = tpu.memref_slice %arg4[%dma_start3A_838, %dma_start3A_839] : memref<16448x128xf32, #tpu.memory_space<hbm>> -> memref<16448x128xf32, #tpu.memory_space<hbm>>
          tpu.enqueue_indirect_dma source(%arg14 : memref<16x128xf32, #tpu.memory_space<vmem>>) target(%dma_start3A_840 : memref<16448x128xf32, #tpu.memory_space<hbm>>) offsets(%arg16 : memref<16xi32, #tpu.memory_space<vmem>>) semaphore(%arg20 : memref<!tpu.dma_semaphore, #tpu.memory_space<semaphore_mem>>)
        }
        %while3A_329 = arith.constant 1 : i32
        scf.for %while3A_330 = %while3A_327 to %while3A_323 step %while3A_329  : i32 {
          %dma_wait3A_331 = arith.constant 0 : i32
          %dma_wait3A_332 = arith.constant 0 : i32
          %dma_wait3A_333 = tpu.memref_slice %arg4[%dma_wait3A_331, %dma_wait3A_332] : memref<16448x128xf32, #tpu.memory_space<hbm>> -> memref<16448x128xf32, #tpu.memory_space<hbm>>
          tpu.wait_indirect_dma semaphore(%arg20 : memref<!tpu.dma_semaphore, #tpu.memory_space<semaphore_mem>>) src(%arg14 : memref<16x128xf32, #tpu.memory_space<vmem>>) dst(%dma_wait3A_333 : memref<16448x128xf32, #tpu.memory_space<hbm>>)
          %mul3A_334 = arith.constant 16 : i32
          %mul3A_335 = arith.muli %mul3A_334, %while3A_330 : i32
          %add3A_336 = arith.addi %squeeze3A_291, %mul3A_335 : i32
          %get3A_337 = arith.index_cast %add3A_336 : i32 to index
          %get3A_338 = tpu.vector_load %arg6[%get3A_337] {strides = array<i32>} : memref<16400xi32, #tpu.memory_space<vmem>>, vector<16xi32>,
          %get3A_339 = arith.index_cast %add3A_336 : i32 to index
          %get3A_340 = tpu.vector_load %arg7[%get3A_339] {strides = array<i32>} : memref<16400xi32, #tpu.memory_space<vmem>>, vector<16xi32>,
          %mul3A_341 = arith.constant 16 : i32
          %mul3A_342 = arith.muli %mul3A_341, %while3A_330 : i32
          %add3A_343 = vector.broadcast %mul3A_342 : i32 to vector<16xi32>
          %add3A_344 = arith.addi %iota3A, %add3A_343 : vector<16xi32>
          %lt3A_345 = vector.broadcast %squeeze3A_288 : i32 to vector<16xi32>
          %lt3A_346 = arith.cmpi slt, %add3A_344, %lt3A_345 : vector<16xi32>
          %sub3A_347 = vector.broadcast %multiple_of3A_283 : i32 to vector<16xi32>
          %sub3A_348 = arith.subi %get3A_338, %sub3A_347 : vector<16xi32>
          %jit3A_349 = arith.constant 0 : i32
          %broadcast_in_dim3A_350 = vector.broadcast %jit3A_349 : i32 to vector<16xi32>
          %select_n3A_351 = arith.select %lt3A_346, %sub3A_348, %broadcast_in_dim3A_350 : vector<16xi1>, vector<16xi32>
          %add3A_352 = arith.constant 16384 : i32
          %add3A_353 = arith.addi %add3A_352, %add3A : i32
          %broadcast_in_dim3A_354 = vector.broadcast %add3A_353 : i32 to vector<16xi32>
          %select_n3A_355 = arith.select %lt3A_346, %get3A_340, %broadcast_in_dim3A_354 : vector<16xi1>, vector<16xi32>
          %swap3A_356 = arith.constant 0 : index
          %swap3A_357 = tpu.vector_load %arg16[%swap3A_356] {strides = array<i32>} : memref<16xi32, #tpu.memory_space<vmem>>, vector<16xi32>,
          tpu.vector_store %arg16[%swap3A_356], %select_n3A_355 {strides = array<i32>} : memref<16xi32, #tpu.memory_space<vmem>>, vector<16xi32>,
          %slice3A_358 = vector.extract_strided_slice %select_n3A_351 {offsets = [0], sizes = [1], strides = [1]} : vector<16xi32> to vector<1xi32>
          %squeeze3A_359 = vector.extract %slice3A_358[0] : i32 from vector<1xi32>
          %add3A_360 = vector.broadcast %squeeze3A_359 : i32 to vector<16xi32>
          %add3A_361 = arith.addi %broadcast_in_dim3A_1, %add3A_360 : vector<16xi32>
          %gather3A_362 = tpu.vector_load_idx %arg12[%add3A_120, %add3A_361] : memref<64x512xf32, #tpu.memory_space<vmem>>[vector<16xi32>, vector<16xi32>], vector<16xf32>,
          %swap3A_363 = arith.constant 0 : i32
          %swap3A_364 = arith.index_cast %swap3A_363 : i32 to index
          %swap3A_365 = arith.constant 0 : index
          %swap3A_366 = tpu.vector_load %arg14[%swap3A_364, %swap3A_365] {strides = array<i32>} : memref<16x128xf32, #tpu.memory_space<vmem>>, vector<16xf32>,
          tpu.vector_store %arg14[%swap3A_364, %swap3A_365], %gather3A_362 {strides = array<i32>} : memref<16x128xf32, #tpu.memory_space<vmem>>, vector<16xf32>,
          %add3A_367 = vector.broadcast %squeeze3A_359 : i32 to vector<16xi32>
          %add3A_368 = arith.addi %broadcast_in_dim3A_1, %add3A_367 : vector<16xi32>
          %gather3A_369 = tpu.vector_load_idx %arg12[%add3A_123, %add3A_368] : memref<64x512xf32, #tpu.memory_space<vmem>>[vector<16xi32>, vector<16xi32>], vector<16xf32>,
          %swap3A_370 = arith.constant 0 : i32
          %swap3A_371 = arith.index_cast %swap3A_370 : i32 to index
          %swap3A_372 = arith.constant 16 : index
          %swap3A_373 = tpu.vector_load %arg14[%swap3A_371, %swap3A_372] {strides = array<i32>} : memref<16x128xf32, #tpu.memory_space<vmem>>, vector<16xf32>,
          tpu.vector_store %arg14[%swap3A_371, %swap3A_372], %gather3A_369 {strides = array<i32>} : memref<16x128xf32, #tpu.memory_space<vmem>>, vector<16xf32>,
          %add3A_374 = vector.broadcast %squeeze3A_359 : i32 to vector<16xi32>
          %add3A_375 = arith.addi %broadcast_in_dim3A_1, %add3A_374 : vector<16xi32>
          %gather3A_376 = tpu.vector_load_idx %arg12[%add3A_126, %add3A_375] : memref<64x512xf32, #tpu.memory_space<vmem>>[vector<16xi32>, vector<16xi32>], vector<16xf32>,
          %swap3A_377 = arith.constant 0 : i32
          %swap3A_378 = arith.index_cast %swap3A_377 : i32 to index
          %swap3A_379 = arith.constant 32 : index
          %swap3A_380 = tpu.vector_load %arg14[%swap3A_378, %swap3A_379] {strides = array<i32>} : memref<16x128xf32, #tpu.memory_space<vmem>>, vector<16xf32>,
          tpu.vector_store %arg14[%swap3A_378, %swap3A_379], %gather3A_376 {strides = array<i32>} : memref<16x128xf32, #tpu.memory_space<vmem>>, vector<16xf32>,
          %add3A_381 = vector.broadcast %squeeze3A_359 : i32 to vector<16xi32>
          %add3A_382 = arith.addi %broadcast_in_dim3A_1, %add3A_381 : vector<16xi32>
          %gather3A_383 = tpu.vector_load_idx %arg12[%add3A_129, %add3A_382] : memref<64x512xf32, #tpu.memory_space<vmem>>[vector<16xi32>, vector<16xi32>], vector<16xf32>,
          %swap3A_384 = arith.constant 0 : i32
          %swap3A_385 = arith.index_cast %swap3A_384 : i32 to index
          %swap3A_386 = arith.constant 48 : index
          %swap3A_387 = tpu.vector_load %arg14[%swap3A_385, %swap3A_386] {strides = array<i32>} : memref<16x128xf32, #tpu.memory_space<vmem>>, vector<16xf32>,
          tpu.vector_store %arg14[%swap3A_385, %swap3A_386], %gather3A_383 {strides = array<i32>} : memref<16x128xf32, #tpu.memory_space<vmem>>, vector<16xf32>,
          %slice3A_388 = vector.extract_strided_slice %select_n3A_351 {offsets = [1], sizes = [1], strides = [1]} : vector<16xi32> to vector<1xi32>
          %squeeze3A_389 = vector.extract %slice3A_388[0] : i32 from vector<1xi32>
          %add3A_390 = vector.broadcast %squeeze3A_389 : i32 to vector<16xi32>
          %add3A_391 = arith.addi %broadcast_in_dim3A_1, %add3A_390 : vector<16xi32>
          %gather3A_392 = tpu.vector_load_idx %arg12[%add3A_120, %add3A_391] : memref<64x512xf32, #tpu.memory_space<vmem>>[vector<16xi32>, vector<16xi32>], vector<16xf32>,
          %swap3A_393 = arith.constant 1 : i32
          %swap3A_394 = arith.index_cast %swap3A_393 : i32 to index
          %swap3A_395 = arith.constant 0 : index
          %swap3A_396 = tpu.vector_load %arg14[%swap3A_394, %swap3A_395] {strides = array<i32>} : memref<16x128xf32, #tpu.memory_space<vmem>>, vector<16xf32>,
          tpu.vector_store %arg14[%swap3A_394, %swap3A_395], %gather3A_392 {strides = array<i32>} : memref<16x128xf32, #tpu.memory_space<vmem>>, vector<16xf32>,
          %add3A_397 = vector.broadcast %squeeze3A_389 : i32 to vector<16xi32>
          %add3A_398 = arith.addi %broadcast_in_dim3A_1, %add3A_397 : vector<16xi32>
          %gather3A_399 = tpu.vector_load_idx %arg12[%add3A_123, %add3A_398] : memref<64x512xf32, #tpu.memory_space<vmem>>[vector<16xi32>, vector<16xi32>], vector<16xf32>,
          %swap3A_400 = arith.constant 1 : i32
          %swap3A_401 = arith.index_cast %swap3A_400 : i32 to index
          %swap3A_402 = arith.constant 16 : index
          %swap3A_403 = tpu.vector_load %arg14[%swap3A_401, %swap3A_402] {strides = array<i32>} : memref<16x128xf32, #tpu.memory_space<vmem>>, vector<16xf32>,
          tpu.vector_store %arg14[%swap3A_401, %swap3A_402], %gather3A_399 {strides = array<i32>} : memref<16x128xf32, #tpu.memory_space<vmem>>, vector<16xf32>,
          %add3A_404 = vector.broadcast %squeeze3A_389 : i32 to vector<16xi32>
          %add3A_405 = arith.addi %broadcast_in_dim3A_1, %add3A_404 : vector<16xi32>
          %gather3A_406 = tpu.vector_load_idx %arg12[%add3A_126, %add3A_405] : memref<64x512xf32, #tpu.memory_space<vmem>>[vector<16xi32>, vector<16xi32>], vector<16xf32>,
          %swap3A_407 = arith.constant 1 : i32
          %swap3A_408 = arith.index_cast %swap3A_407 : i32 to index
          %swap3A_409 = arith.constant 32 : index
          %swap3A_410 = tpu.vector_load %arg14[%swap3A_408, %swap3A_409] {strides = array<i32>} : memref<16x128xf32, #tpu.memory_space<vmem>>, vector<16xf32>,
          tpu.vector_store %arg14[%swap3A_408, %swap3A_409], %gather3A_406 {strides = array<i32>} : memref<16x128xf32, #tpu.memory_space<vmem>>, vector<16xf32>,
          %add3A_411 = vector.broadcast %squeeze3A_389 : i32 to vector<16xi32>
          %add3A_412 = arith.addi %broadcast_in_dim3A_1, %add3A_411 : vector<16xi32>
          %gather3A_413 = tpu.vector_load_idx %arg12[%add3A_129, %add3A_412] : memref<64x512xf32, #tpu.memory_space<vmem>>[vector<16xi32>, vector<16xi32>], vector<16xf32>,
          %swap3A_414 = arith.constant 1 : i32
          %swap3A_415 = arith.index_cast %swap3A_414 : i32 to index
          %swap3A_416 = arith.constant 48 : index
          %swap3A_417 = tpu.vector_load %arg14[%swap3A_415, %swap3A_416] {strides = array<i32>} : memref<16x128xf32, #tpu.memory_space<vmem>>, vector<16xf32>,
          tpu.vector_store %arg14[%swap3A_415, %swap3A_416], %gather3A_413 {strides = array<i32>} : memref<16x128xf32, #tpu.memory_space<vmem>>, vector<16xf32>,
          %slice3A_418 = vector.extract_strided_slice %select_n3A_351 {offsets = [2], sizes = [1], strides = [1]} : vector<16xi32> to vector<1xi32>
          %squeeze3A_419 = vector.extract %slice3A_418[0] : i32 from vector<1xi32>
          %add3A_420 = vector.broadcast %squeeze3A_419 : i32 to vector<16xi32>
          %add3A_421 = arith.addi %broadcast_in_dim3A_1, %add3A_420 : vector<16xi32>
          %gather3A_422 = tpu.vector_load_idx %arg12[%add3A_120, %add3A_421] : memref<64x512xf32, #tpu.memory_space<vmem>>[vector<16xi32>, vector<16xi32>], vector<16xf32>,
          %swap3A_423 = arith.constant 2 : i32
          %swap3A_424 = arith.index_cast %swap3A_423 : i32 to index
          %swap3A_425 = arith.constant 0 : index
          %swap3A_426 = tpu.vector_load %arg14[%swap3A_424, %swap3A_425] {strides = array<i32>} : memref<16x128xf32, #tpu.memory_space<vmem>>, vector<16xf32>,
          tpu.vector_store %arg14[%swap3A_424, %swap3A_425], %gather3A_422 {strides = array<i32>} : memref<16x128xf32, #tpu.memory_space<vmem>>, vector<16xf32>,
          %add3A_427 = vector.broadcast %squeeze3A_419 : i32 to vector<16xi32>
          %add3A_428 = arith.addi %broadcast_in_dim3A_1, %add3A_427 : vector<16xi32>
          %gather3A_429 = tpu.vector_load_idx %arg12[%add3A_123, %add3A_428] : memref<64x512xf32, #tpu.memory_space<vmem>>[vector<16xi32>, vector<16xi32>], vector<16xf32>,
          %swap3A_430 = arith.constant 2 : i32
          %swap3A_431 = arith.index_cast %swap3A_430 : i32 to index
          %swap3A_432 = arith.constant 16 : index
          %swap3A_433 = tpu.vector_load %arg14[%swap3A_431, %swap3A_432] {strides = array<i32>} : memref<16x128xf32, #tpu.memory_space<vmem>>, vector<16xf32>,
          tpu.vector_store %arg14[%swap3A_431, %swap3A_432], %gather3A_429 {strides = array<i32>} : memref<16x128xf32, #tpu.memory_space<vmem>>, vector<16xf32>,
          %add3A_434 = vector.broadcast %squeeze3A_419 : i32 to vector<16xi32>
          %add3A_435 = arith.addi %broadcast_in_dim3A_1, %add3A_434 : vector<16xi32>
          %gather3A_436 = tpu.vector_load_idx %arg12[%add3A_126, %add3A_435] : memref<64x512xf32, #tpu.memory_space<vmem>>[vector<16xi32>, vector<16xi32>], vector<16xf32>,
          %swap3A_437 = arith.constant 2 : i32
          %swap3A_438 = arith.index_cast %swap3A_437 : i32 to index
          %swap3A_439 = arith.constant 32 : index
          %swap3A_440 = tpu.vector_load %arg14[%swap3A_438, %swap3A_439] {strides = array<i32>} : memref<16x128xf32, #tpu.memory_space<vmem>>, vector<16xf32>,
          tpu.vector_store %arg14[%swap3A_438, %swap3A_439], %gather3A_436 {strides = array<i32>} : memref<16x128xf32, #tpu.memory_space<vmem>>, vector<16xf32>,
          %add3A_441 = vector.broadcast %squeeze3A_419 : i32 to vector<16xi32>
          %add3A_442 = arith.addi %broadcast_in_dim3A_1, %add3A_441 : vector<16xi32>
          %gather3A_443 = tpu.vector_load_idx %arg12[%add3A_129, %add3A_442] : memref<64x512xf32, #tpu.memory_space<vmem>>[vector<16xi32>, vector<16xi32>], vector<16xf32>,
          %swap3A_444 = arith.constant 2 : i32
          %swap3A_445 = arith.index_cast %swap3A_444 : i32 to index
          %swap3A_446 = arith.constant 48 : index
          %swap3A_447 = tpu.vector_load %arg14[%swap3A_445, %swap3A_446] {strides = array<i32>} : memref<16x128xf32, #tpu.memory_space<vmem>>, vector<16xf32>,
          tpu.vector_store %arg14[%swap3A_445, %swap3A_446], %gather3A_443 {strides = array<i32>} : memref<16x128xf32, #tpu.memory_space<vmem>>, vector<16xf32>,
          %slice3A_448 = vector.extract_strided_slice %select_n3A_351 {offsets = [3], sizes = [1], strides = [1]} : vector<16xi32> to vector<1xi32>
          %squeeze3A_449 = vector.extract %slice3A_448[0] : i32 from vector<1xi32>
          %add3A_450 = vector.broadcast %squeeze3A_449 : i32 to vector<16xi32>
          %add3A_451 = arith.addi %broadcast_in_dim3A_1, %add3A_450 : vector<16xi32>
          %gather3A_452 = tpu.vector_load_idx %arg12[%add3A_120, %add3A_451] : memref<64x512xf32, #tpu.memory_space<vmem>>[vector<16xi32>, vector<16xi32>], vector<16xf32>,
          %swap3A_453 = arith.constant 3 : i32
          %swap3A_454 = arith.index_cast %swap3A_453 : i32 to index
          %swap3A_455 = arith.constant 0 : index
          %swap3A_456 = tpu.vector_load %arg14[%swap3A_454, %swap3A_455] {strides = array<i32>} : memref<16x128xf32, #tpu.memory_space<vmem>>, vector<16xf32>,
          tpu.vector_store %arg14[%swap3A_454, %swap3A_455], %gather3A_452 {strides = array<i32>} : memref<16x128xf32, #tpu.memory_space<vmem>>, vector<16xf32>,
          %add3A_457 = vector.broadcast %squeeze3A_449 : i32 to vector<16xi32>
          %add3A_458 = arith.addi %broadcast_in_dim3A_1, %add3A_457 : vector<16xi32>
          %gather3A_459 = tpu.vector_load_idx %arg12[%add3A_123, %add3A_458] : memref<64x512xf32, #tpu.memory_space<vmem>>[vector<16xi32>, vector<16xi32>], vector<16xf32>,
          %swap3A_460 = arith.constant 3 : i32
          %swap3A_461 = arith.index_cast %swap3A_460 : i32 to index
          %swap3A_462 = arith.constant 16 : index
          %swap3A_463 = tpu.vector_load %arg14[%swap3A_461, %swap3A_462] {strides = array<i32>} : memref<16x128xf32, #tpu.memory_space<vmem>>, vector<16xf32>,
          tpu.vector_store %arg14[%swap3A_461, %swap3A_462], %gather3A_459 {strides = array<i32>} : memref<16x128xf32, #tpu.memory_space<vmem>>, vector<16xf32>,
          %add3A_464 = vector.broadcast %squeeze3A_449 : i32 to vector<16xi32>
          %add3A_465 = arith.addi %broadcast_in_dim3A_1, %add3A_464 : vector<16xi32>
          %gather3A_466 = tpu.vector_load_idx %arg12[%add3A_126, %add3A_465] : memref<64x512xf32, #tpu.memory_space<vmem>>[vector<16xi32>, vector<16xi32>], vector<16xf32>,
          %swap3A_467 = arith.constant 3 : i32
          %swap3A_468 = arith.index_cast %swap3A_467 : i32 to index
          %swap3A_469 = arith.constant 32 : index
          %swap3A_470 = tpu.vector_load %arg14[%swap3A_468, %swap3A_469] {strides = array<i32>} : memref<16x128xf32, #tpu.memory_space<vmem>>, vector<16xf32>,
          tpu.vector_store %arg14[%swap3A_468, %swap3A_469], %gather3A_466 {strides = array<i32>} : memref<16x128xf32, #tpu.memory_space<vmem>>, vector<16xf32>,
          %add3A_471 = vector.broadcast %squeeze3A_449 : i32 to vector<16xi32>
          %add3A_472 = arith.addi %broadcast_in_dim3A_1, %add3A_471 : vector<16xi32>
          %gather3A_473 = tpu.vector_load_idx %arg12[%add3A_129, %add3A_472] : memref<64x512xf32, #tpu.memory_space<vmem>>[vector<16xi32>, vector<16xi32>], vector<16xf32>,
          %swap3A_474 = arith.constant 3 : i32
          %swap3A_475 = arith.index_cast %swap3A_474 : i32 to index
          %swap3A_476 = arith.constant 48 : index
          %swap3A_477 = tpu.vector_load %arg14[%swap3A_475, %swap3A_476] {strides = array<i32>} : memref<16x128xf32, #tpu.memory_space<vmem>>, vector<16xf32>,
          tpu.vector_store %arg14[%swap3A_475, %swap3A_476], %gather3A_473 {strides = array<i32>} : memref<16x128xf32, #tpu.memory_space<vmem>>, vector<16xf32>,
          %slice3A_478 = vector.extract_strided_slice %select_n3A_351 {offsets = [4], sizes = [1], strides = [1]} : vector<16xi32> to vector<1xi32>
          %squeeze3A_479 = vector.extract %slice3A_478[0] : i32 from vector<1xi32>
          %add3A_480 = vector.broadcast %squeeze3A_479 : i32 to vector<16xi32>
          %add3A_481 = arith.addi %broadcast_in_dim3A_1, %add3A_480 : vector<16xi32>
          %gather3A_482 = tpu.vector_load_idx %arg12[%add3A_120, %add3A_481] : memref<64x512xf32, #tpu.memory_space<vmem>>[vector<16xi32>, vector<16xi32>], vector<16xf32>,
          %swap3A_483 = arith.constant 4 : i32
          %swap3A_484 = arith.index_cast %swap3A_483 : i32 to index
          %swap3A_485 = arith.constant 0 : index
          %swap3A_486 = tpu.vector_load %arg14[%swap3A_484, %swap3A_485] {strides = array<i32>} : memref<16x128xf32, #tpu.memory_space<vmem>>, vector<16xf32>,
          tpu.vector_store %arg14[%swap3A_484, %swap3A_485], %gather3A_482 {strides = array<i32>} : memref<16x128xf32, #tpu.memory_space<vmem>>, vector<16xf32>,
          %add3A_487 = vector.broadcast %squeeze3A_479 : i32 to vector<16xi32>
          %add3A_488 = arith.addi %broadcast_in_dim3A_1, %add3A_487 : vector<16xi32>
          %gather3A_489 = tpu.vector_load_idx %arg12[%add3A_123, %add3A_488] : memref<64x512xf32, #tpu.memory_space<vmem>>[vector<16xi32>, vector<16xi32>], vector<16xf32>,
          %swap3A_490 = arith.constant 4 : i32
          %swap3A_491 = arith.index_cast %swap3A_490 : i32 to index
          %swap3A_492 = arith.constant 16 : index
          %swap3A_493 = tpu.vector_load %arg14[%swap3A_491, %swap3A_492] {strides = array<i32>} : memref<16x128xf32, #tpu.memory_space<vmem>>, vector<16xf32>,
          tpu.vector_store %arg14[%swap3A_491, %swap3A_492], %gather3A_489 {strides = array<i32>} : memref<16x128xf32, #tpu.memory_space<vmem>>, vector<16xf32>,
          %add3A_494 = vector.broadcast %squeeze3A_479 : i32 to vector<16xi32>
          %add3A_495 = arith.addi %broadcast_in_dim3A_1, %add3A_494 : vector<16xi32>
          %gather3A_496 = tpu.vector_load_idx %arg12[%add3A_126, %add3A_495] : memref<64x512xf32, #tpu.memory_space<vmem>>[vector<16xi32>, vector<16xi32>], vector<16xf32>,
          %swap3A_497 = arith.constant 4 : i32
          %swap3A_498 = arith.index_cast %swap3A_497 : i32 to index
          %swap3A_499 = arith.constant 32 : index
          %swap3A_500 = tpu.vector_load %arg14[%swap3A_498, %swap3A_499] {strides = array<i32>} : memref<16x128xf32, #tpu.memory_space<vmem>>, vector<16xf32>,
          tpu.vector_store %arg14[%swap3A_498, %swap3A_499], %gather3A_496 {strides = array<i32>} : memref<16x128xf32, #tpu.memory_space<vmem>>, vector<16xf32>,
          %add3A_501 = vector.broadcast %squeeze3A_479 : i32 to vector<16xi32>
          %add3A_502 = arith.addi %broadcast_in_dim3A_1, %add3A_501 : vector<16xi32>
          %gather3A_503 = tpu.vector_load_idx %arg12[%add3A_129, %add3A_502] : memref<64x512xf32, #tpu.memory_space<vmem>>[vector<16xi32>, vector<16xi32>], vector<16xf32>,
          %swap3A_504 = arith.constant 4 : i32
          %swap3A_505 = arith.index_cast %swap3A_504 : i32 to index
          %swap3A_506 = arith.constant 48 : index
          %swap3A_507 = tpu.vector_load %arg14[%swap3A_505, %swap3A_506] {strides = array<i32>} : memref<16x128xf32, #tpu.memory_space<vmem>>, vector<16xf32>,
          tpu.vector_store %arg14[%swap3A_505, %swap3A_506], %gather3A_503 {strides = array<i32>} : memref<16x128xf32, #tpu.memory_space<vmem>>, vector<16xf32>,
          %slice3A_508 = vector.extract_strided_slice %select_n3A_351 {offsets = [5], sizes = [1], strides = [1]} : vector<16xi32> to vector<1xi32>
          %squeeze3A_509 = vector.extract %slice3A_508[0] : i32 from vector<1xi32>
          %add3A_510 = vector.broadcast %squeeze3A_509 : i32 to vector<16xi32>
          %add3A_511 = arith.addi %broadcast_in_dim3A_1, %add3A_510 : vector<16xi32>
          %gather3A_512 = tpu.vector_load_idx %arg12[%add3A_120, %add3A_511] : memref<64x512xf32, #tpu.memory_space<vmem>>[vector<16xi32>, vector<16xi32>], vector<16xf32>,
          %swap3A_513 = arith.constant 5 : i32
          %swap3A_514 = arith.index_cast %swap3A_513 : i32 to index
          %swap3A_515 = arith.constant 0 : index
          %swap3A_516 = tpu.vector_load %arg14[%swap3A_514, %swap3A_515] {strides = array<i32>} : memref<16x128xf32, #tpu.memory_space<vmem>>, vector<16xf32>,
          tpu.vector_store %arg14[%swap3A_514, %swap3A_515], %gather3A_512 {strides = array<i32>} : memref<16x128xf32, #tpu.memory_space<vmem>>, vector<16xf32>,
          %add3A_517 = vector.broadcast %squeeze3A_509 : i32 to vector<16xi32>
          %add3A_518 = arith.addi %broadcast_in_dim3A_1, %add3A_517 : vector<16xi32>
          %gather3A_519 = tpu.vector_load_idx %arg12[%add3A_123, %add3A_518] : memref<64x512xf32, #tpu.memory_space<vmem>>[vector<16xi32>, vector<16xi32>], vector<16xf32>,
          %swap3A_520 = arith.constant 5 : i32
          %swap3A_521 = arith.index_cast %swap3A_520 : i32 to index
          %swap3A_522 = arith.constant 16 : index
          %swap3A_523 = tpu.vector_load %arg14[%swap3A_521, %swap3A_522] {strides = array<i32>} : memref<16x128xf32, #tpu.memory_space<vmem>>, vector<16xf32>,
          tpu.vector_store %arg14[%swap3A_521, %swap3A_522], %gather3A_519 {strides = array<i32>} : memref<16x128xf32, #tpu.memory_space<vmem>>, vector<16xf32>,
          %add3A_524 = vector.broadcast %squeeze3A_509 : i32 to vector<16xi32>
          %add3A_525 = arith.addi %broadcast_in_dim3A_1, %add3A_524 : vector<16xi32>
          %gather3A_526 = tpu.vector_load_idx %arg12[%add3A_126, %add3A_525] : memref<64x512xf32, #tpu.memory_space<vmem>>[vector<16xi32>, vector<16xi32>], vector<16xf32>,
          %swap3A_527 = arith.constant 5 : i32
          %swap3A_528 = arith.index_cast %swap3A_527 : i32 to index
          %swap3A_529 = arith.constant 32 : index
          %swap3A_530 = tpu.vector_load %arg14[%swap3A_528, %swap3A_529] {strides = array<i32>} : memref<16x128xf32, #tpu.memory_space<vmem>>, vector<16xf32>,
          tpu.vector_store %arg14[%swap3A_528, %swap3A_529], %gather3A_526 {strides = array<i32>} : memref<16x128xf32, #tpu.memory_space<vmem>>, vector<16xf32>,
          %add3A_531 = vector.broadcast %squeeze3A_509 : i32 to vector<16xi32>
          %add3A_532 = arith.addi %broadcast_in_dim3A_1, %add3A_531 : vector<16xi32>
          %gather3A_533 = tpu.vector_load_idx %arg12[%add3A_129, %add3A_532] : memref<64x512xf32, #tpu.memory_space<vmem>>[vector<16xi32>, vector<16xi32>], vector<16xf32>,
          %swap3A_534 = arith.constant 5 : i32
          %swap3A_535 = arith.index_cast %swap3A_534 : i32 to index
          %swap3A_536 = arith.constant 48 : index
          %swap3A_537 = tpu.vector_load %arg14[%swap3A_535, %swap3A_536] {strides = array<i32>} : memref<16x128xf32, #tpu.memory_space<vmem>>, vector<16xf32>,
          tpu.vector_store %arg14[%swap3A_535, %swap3A_536], %gather3A_533 {strides = array<i32>} : memref<16x128xf32, #tpu.memory_space<vmem>>, vector<16xf32>,
          %slice3A_538 = vector.extract_strided_slice %select_n3A_351 {offsets = [6], sizes = [1], strides = [1]} : vector<16xi32> to vector<1xi32>
          %squeeze3A_539 = vector.extract %slice3A_538[0] : i32 from vector<1xi32>
          %add3A_540 = vector.broadcast %squeeze3A_539 : i32 to vector<16xi32>
          %add3A_541 = arith.addi %broadcast_in_dim3A_1, %add3A_540 : vector<16xi32>
          %gather3A_542 = tpu.vector_load_idx %arg12[%add3A_120, %add3A_541] : memref<64x512xf32, #tpu.memory_space<vmem>>[vector<16xi32>, vector<16xi32>], vector<16xf32>,
          %swap3A_543 = arith.constant 6 : i32
          %swap3A_544 = arith.index_cast %swap3A_543 : i32 to index
          %swap3A_545 = arith.constant 0 : index
          %swap3A_546 = tpu.vector_load %arg14[%swap3A_544, %swap3A_545] {strides = array<i32>} : memref<16x128xf32, #tpu.memory_space<vmem>>, vector<16xf32>,
          tpu.vector_store %arg14[%swap3A_544, %swap3A_545], %gather3A_542 {strides = array<i32>} : memref<16x128xf32, #tpu.memory_space<vmem>>, vector<16xf32>,
          %add3A_547 = vector.broadcast %squeeze3A_539 : i32 to vector<16xi32>
          %add3A_548 = arith.addi %broadcast_in_dim3A_1, %add3A_547 : vector<16xi32>
          %gather3A_549 = tpu.vector_load_idx %arg12[%add3A_123, %add3A_548] : memref<64x512xf32, #tpu.memory_space<vmem>>[vector<16xi32>, vector<16xi32>], vector<16xf32>,
          %swap3A_550 = arith.constant 6 : i32
          %swap3A_551 = arith.index_cast %swap3A_550 : i32 to index
          %swap3A_552 = arith.constant 16 : index
          %swap3A_553 = tpu.vector_load %arg14[%swap3A_551, %swap3A_552] {strides = array<i32>} : memref<16x128xf32, #tpu.memory_space<vmem>>, vector<16xf32>,
          tpu.vector_store %arg14[%swap3A_551, %swap3A_552], %gather3A_549 {strides = array<i32>} : memref<16x128xf32, #tpu.memory_space<vmem>>, vector<16xf32>,
          %add3A_554 = vector.broadcast %squeeze3A_539 : i32 to vector<16xi32>
          %add3A_555 = arith.addi %broadcast_in_dim3A_1, %add3A_554 : vector<16xi32>
          %gather3A_556 = tpu.vector_load_idx %arg12[%add3A_126, %add3A_555] : memref<64x512xf32, #tpu.memory_space<vmem>>[vector<16xi32>, vector<16xi32>], vector<16xf32>,
          %swap3A_557 = arith.constant 6 : i32
          %swap3A_558 = arith.index_cast %swap3A_557 : i32 to index
          %swap3A_559 = arith.constant 32 : index
          %swap3A_560 = tpu.vector_load %arg14[%swap3A_558, %swap3A_559] {strides = array<i32>} : memref<16x128xf32, #tpu.memory_space<vmem>>, vector<16xf32>,
          tpu.vector_store %arg14[%swap3A_558, %swap3A_559], %gather3A_556 {strides = array<i32>} : memref<16x128xf32, #tpu.memory_space<vmem>>, vector<16xf32>,
          %add3A_561 = vector.broadcast %squeeze3A_539 : i32 to vector<16xi32>
          %add3A_562 = arith.addi %broadcast_in_dim3A_1, %add3A_561 : vector<16xi32>
          %gather3A_563 = tpu.vector_load_idx %arg12[%add3A_129, %add3A_562] : memref<64x512xf32, #tpu.memory_space<vmem>>[vector<16xi32>, vector<16xi32>], vector<16xf32>,
          %swap3A_564 = arith.constant 6 : i32
          %swap3A_565 = arith.index_cast %swap3A_564 : i32 to index
          %swap3A_566 = arith.constant 48 : index
          %swap3A_567 = tpu.vector_load %arg14[%swap3A_565, %swap3A_566] {strides = array<i32>} : memref<16x128xf32, #tpu.memory_space<vmem>>, vector<16xf32>,
          tpu.vector_store %arg14[%swap3A_565, %swap3A_566], %gather3A_563 {strides = array<i32>} : memref<16x128xf32, #tpu.memory_space<vmem>>, vector<16xf32>,
          %slice3A_568 = vector.extract_strided_slice %select_n3A_351 {offsets = [7], sizes = [1], strides = [1]} : vector<16xi32> to vector<1xi32>
          %squeeze3A_569 = vector.extract %slice3A_568[0] : i32 from vector<1xi32>
          %add3A_570 = vector.broadcast %squeeze3A_569 : i32 to vector<16xi32>
          %add3A_571 = arith.addi %broadcast_in_dim3A_1, %add3A_570 : vector<16xi32>
          %gather3A_572 = tpu.vector_load_idx %arg12[%add3A_120, %add3A_571] : memref<64x512xf32, #tpu.memory_space<vmem>>[vector<16xi32>, vector<16xi32>], vector<16xf32>,
          %swap3A_573 = arith.constant 7 : i32
          %swap3A_574 = arith.index_cast %swap3A_573 : i32 to index
          %swap3A_575 = arith.constant 0 : index
          %swap3A_576 = tpu.vector_load %arg14[%swap3A_574, %swap3A_575] {strides = array<i32>} : memref<16x128xf32, #tpu.memory_space<vmem>>, vector<16xf32>,
          tpu.vector_store %arg14[%swap3A_574, %swap3A_575], %gather3A_572 {strides = array<i32>} : memref<16x128xf32, #tpu.memory_space<vmem>>, vector<16xf32>,
          %add3A_577 = vector.broadcast %squeeze3A_569 : i32 to vector<16xi32>
          %add3A_578 = arith.addi %broadcast_in_dim3A_1, %add3A_577 : vector<16xi32>
          %gather3A_579 = tpu.vector_load_idx %arg12[%add3A_123, %add3A_578] : memref<64x512xf32, #tpu.memory_space<vmem>>[vector<16xi32>, vector<16xi32>], vector<16xf32>,
          %swap3A_580 = arith.constant 7 : i32
          %swap3A_581 = arith.index_cast %swap3A_580 : i32 to index
          %swap3A_582 = arith.constant 16 : index
          %swap3A_583 = tpu.vector_load %arg14[%swap3A_581, %swap3A_582] {strides = array<i32>} : memref<16x128xf32, #tpu.memory_space<vmem>>, vector<16xf32>,
          tpu.vector_store %arg14[%swap3A_581, %swap3A_582], %gather3A_579 {strides = array<i32>} : memref<16x128xf32, #tpu.memory_space<vmem>>, vector<16xf32>,
          %add3A_584 = vector.broadcast %squeeze3A_569 : i32 to vector<16xi32>
          %add3A_585 = arith.addi %broadcast_in_dim3A_1, %add3A_584 : vector<16xi32>
          %gather3A_586 = tpu.vector_load_idx %arg12[%add3A_126, %add3A_585] : memref<64x512xf32, #tpu.memory_space<vmem>>[vector<16xi32>, vector<16xi32>], vector<16xf32>,
          %swap3A_587 = arith.constant 7 : i32
          %swap3A_588 = arith.index_cast %swap3A_587 : i32 to index
          %swap3A_589 = arith.constant 32 : index
          %swap3A_590 = tpu.vector_load %arg14[%swap3A_588, %swap3A_589] {strides = array<i32>} : memref<16x128xf32, #tpu.memory_space<vmem>>, vector<16xf32>,
          tpu.vector_store %arg14[%swap3A_588, %swap3A_589], %gather3A_586 {strides = array<i32>} : memref<16x128xf32, #tpu.memory_space<vmem>>, vector<16xf32>,
          %add3A_591 = vector.broadcast %squeeze3A_569 : i32 to vector<16xi32>
          %add3A_592 = arith.addi %broadcast_in_dim3A_1, %add3A_591 : vector<16xi32>
          %gather3A_593 = tpu.vector_load_idx %arg12[%add3A_129, %add3A_592] : memref<64x512xf32, #tpu.memory_space<vmem>>[vector<16xi32>, vector<16xi32>], vector<16xf32>,
          %swap3A_594 = arith.constant 7 : i32
          %swap3A_595 = arith.index_cast %swap3A_594 : i32 to index
          %swap3A_596 = arith.constant 48 : index
          %swap3A_597 = tpu.vector_load %arg14[%swap3A_595, %swap3A_596] {strides = array<i32>} : memref<16x128xf32, #tpu.memory_space<vmem>>, vector<16xf32>,
          tpu.vector_store %arg14[%swap3A_595, %swap3A_596], %gather3A_593 {strides = array<i32>} : memref<16x128xf32, #tpu.memory_space<vmem>>, vector<16xf32>,
          %slice3A_598 = vector.extract_strided_slice %select_n3A_351 {offsets = [8], sizes = [1], strides = [1]} : vector<16xi32> to vector<1xi32>
          %squeeze3A_599 = vector.extract %slice3A_598[0] : i32 from vector<1xi32>
          %add3A_600 = vector.broadcast %squeeze3A_599 : i32 to vector<16xi32>
          %add3A_601 = arith.addi %broadcast_in_dim3A_1, %add3A_600 : vector<16xi32>
          %gather3A_602 = tpu.vector_load_idx %arg12[%add3A_120, %add3A_601] : memref<64x512xf32, #tpu.memory_space<vmem>>[vector<16xi32>, vector<16xi32>], vector<16xf32>,
          %swap3A_603 = arith.constant 8 : i32
          %swap3A_604 = arith.index_cast %swap3A_603 : i32 to index
          %swap3A_605 = arith.constant 0 : index
          %swap3A_606 = tpu.vector_load %arg14[%swap3A_604, %swap3A_605] {strides = array<i32>} : memref<16x128xf32, #tpu.memory_space<vmem>>, vector<16xf32>,
          tpu.vector_store %arg14[%swap3A_604, %swap3A_605], %gather3A_602 {strides = array<i32>} : memref<16x128xf32, #tpu.memory_space<vmem>>, vector<16xf32>,
          %add3A_607 = vector.broadcast %squeeze3A_599 : i32 to vector<16xi32>
          %add3A_608 = arith.addi %broadcast_in_dim3A_1, %add3A_607 : vector<16xi32>
          %gather3A_609 = tpu.vector_load_idx %arg12[%add3A_123, %add3A_608] : memref<64x512xf32, #tpu.memory_space<vmem>>[vector<16xi32>, vector<16xi32>], vector<16xf32>,
          %swap3A_610 = arith.constant 8 : i32
          %swap3A_611 = arith.index_cast %swap3A_610 : i32 to index
          %swap3A_612 = arith.constant 16 : index
          %swap3A_613 = tpu.vector_load %arg14[%swap3A_611, %swap3A_612] {strides = array<i32>} : memref<16x128xf32, #tpu.memory_space<vmem>>, vector<16xf32>,
          tpu.vector_store %arg14[%swap3A_611, %swap3A_612], %gather3A_609 {strides = array<i32>} : memref<16x128xf32, #tpu.memory_space<vmem>>, vector<16xf32>,
          %add3A_614 = vector.broadcast %squeeze3A_599 : i32 to vector<16xi32>
          %add3A_615 = arith.addi %broadcast_in_dim3A_1, %add3A_614 : vector<16xi32>
          %gather3A_616 = tpu.vector_load_idx %arg12[%add3A_126, %add3A_615] : memref<64x512xf32, #tpu.memory_space<vmem>>[vector<16xi32>, vector<16xi32>], vector<16xf32>,
          %swap3A_617 = arith.constant 8 : i32
          %swap3A_618 = arith.index_cast %swap3A_617 : i32 to index
          %swap3A_619 = arith.constant 32 : index
          %swap3A_620 = tpu.vector_load %arg14[%swap3A_618, %swap3A_619] {strides = array<i32>} : memref<16x128xf32, #tpu.memory_space<vmem>>, vector<16xf32>,
          tpu.vector_store %arg14[%swap3A_618, %swap3A_619], %gather3A_616 {strides = array<i32>} : memref<16x128xf32, #tpu.memory_space<vmem>>, vector<16xf32>,
          %add3A_621 = vector.broadcast %squeeze3A_599 : i32 to vector<16xi32>
          %add3A_622 = arith.addi %broadcast_in_dim3A_1, %add3A_621 : vector<16xi32>
          %gather3A_623 = tpu.vector_load_idx %arg12[%add3A_129, %add3A_622] : memref<64x512xf32, #tpu.memory_space<vmem>>[vector<16xi32>, vector<16xi32>], vector<16xf32>,
          %swap3A_624 = arith.constant 8 : i32
          %swap3A_625 = arith.index_cast %swap3A_624 : i32 to index
          %swap3A_626 = arith.constant 48 : index
          %swap3A_627 = tpu.vector_load %arg14[%swap3A_625, %swap3A_626] {strides = array<i32>} : memref<16x128xf32, #tpu.memory_space<vmem>>, vector<16xf32>,
          tpu.vector_store %arg14[%swap3A_625, %swap3A_626], %gather3A_623 {strides = array<i32>} : memref<16x128xf32, #tpu.memory_space<vmem>>, vector<16xf32>,
          %slice3A_628 = vector.extract_strided_slice %select_n3A_351 {offsets = [9], sizes = [1], strides = [1]} : vector<16xi32> to vector<1xi32>
          %squeeze3A_629 = vector.extract %slice3A_628[0] : i32 from vector<1xi32>
          %add3A_630 = vector.broadcast %squeeze3A_629 : i32 to vector<16xi32>
          %add3A_631 = arith.addi %broadcast_in_dim3A_1, %add3A_630 : vector<16xi32>
          %gather3A_632 = tpu.vector_load_idx %arg12[%add3A_120, %add3A_631] : memref<64x512xf32, #tpu.memory_space<vmem>>[vector<16xi32>, vector<16xi32>], vector<16xf32>,
          %swap3A_633 = arith.constant 9 : i32
          %swap3A_634 = arith.index_cast %swap3A_633 : i32 to index
          %swap3A_635 = arith.constant 0 : index
          %swap3A_636 = tpu.vector_load %arg14[%swap3A_634, %swap3A_635] {strides = array<i32>} : memref<16x128xf32, #tpu.memory_space<vmem>>, vector<16xf32>,
          tpu.vector_store %arg14[%swap3A_634, %swap3A_635], %gather3A_632 {strides = array<i32>} : memref<16x128xf32, #tpu.memory_space<vmem>>, vector<16xf32>,
          %add3A_637 = vector.broadcast %squeeze3A_629 : i32 to vector<16xi32>
          %add3A_638 = arith.addi %broadcast_in_dim3A_1, %add3A_637 : vector<16xi32>
          %gather3A_639 = tpu.vector_load_idx %arg12[%add3A_123, %add3A_638] : memref<64x512xf32, #tpu.memory_space<vmem>>[vector<16xi32>, vector<16xi32>], vector<16xf32>,
          %swap3A_640 = arith.constant 9 : i32
          %swap3A_641 = arith.index_cast %swap3A_640 : i32 to index
          %swap3A_642 = arith.constant 16 : index
          %swap3A_643 = tpu.vector_load %arg14[%swap3A_641, %swap3A_642] {strides = array<i32>} : memref<16x128xf32, #tpu.memory_space<vmem>>, vector<16xf32>,
          tpu.vector_store %arg14[%swap3A_641, %swap3A_642], %gather3A_639 {strides = array<i32>} : memref<16x128xf32, #tpu.memory_space<vmem>>, vector<16xf32>,
          %add3A_644 = vector.broadcast %squeeze3A_629 : i32 to vector<16xi32>
          %add3A_645 = arith.addi %broadcast_in_dim3A_1, %add3A_644 : vector<16xi32>
          %gather3A_646 = tpu.vector_load_idx %arg12[%add3A_126, %add3A_645] : memref<64x512xf32, #tpu.memory_space<vmem>>[vector<16xi32>, vector<16xi32>], vector<16xf32>,
          %swap3A_647 = arith.constant 9 : i32
          %swap3A_648 = arith.index_cast %swap3A_647 : i32 to index
          %swap3A_649 = arith.constant 32 : index
          %swap3A_650 = tpu.vector_load %arg14[%swap3A_648, %swap3A_649] {strides = array<i32>} : memref<16x128xf32, #tpu.memory_space<vmem>>, vector<16xf32>,
          tpu.vector_store %arg14[%swap3A_648, %swap3A_649], %gather3A_646 {strides = array<i32>} : memref<16x128xf32, #tpu.memory_space<vmem>>, vector<16xf32>,
          %add3A_651 = vector.broadcast %squeeze3A_629 : i32 to vector<16xi32>
          %add3A_652 = arith.addi %broadcast_in_dim3A_1, %add3A_651 : vector<16xi32>
          %gather3A_653 = tpu.vector_load_idx %arg12[%add3A_129, %add3A_652] : memref<64x512xf32, #tpu.memory_space<vmem>>[vector<16xi32>, vector<16xi32>], vector<16xf32>,
          %swap3A_654 = arith.constant 9 : i32
          %swap3A_655 = arith.index_cast %swap3A_654 : i32 to index
          %swap3A_656 = arith.constant 48 : index
          %swap3A_657 = tpu.vector_load %arg14[%swap3A_655, %swap3A_656] {strides = array<i32>} : memref<16x128xf32, #tpu.memory_space<vmem>>, vector<16xf32>,
          tpu.vector_store %arg14[%swap3A_655, %swap3A_656], %gather3A_653 {strides = array<i32>} : memref<16x128xf32, #tpu.memory_space<vmem>>, vector<16xf32>,
          %slice3A_658 = vector.extract_strided_slice %select_n3A_351 {offsets = [10], sizes = [1], strides = [1]} : vector<16xi32> to vector<1xi32>
          %squeeze3A_659 = vector.extract %slice3A_658[0] : i32 from vector<1xi32>
          %add3A_660 = vector.broadcast %squeeze3A_659 : i32 to vector<16xi32>
          %add3A_661 = arith.addi %broadcast_in_dim3A_1, %add3A_660 : vector<16xi32>
          %gather3A_662 = tpu.vector_load_idx %arg12[%add3A_120, %add3A_661] : memref<64x512xf32, #tpu.memory_space<vmem>>[vector<16xi32>, vector<16xi32>], vector<16xf32>,
          %swap3A_663 = arith.constant 10 : i32
          %swap3A_664 = arith.index_cast %swap3A_663 : i32 to index
          %swap3A_665 = arith.constant 0 : index
          %swap3A_666 = tpu.vector_load %arg14[%swap3A_664, %swap3A_665] {strides = array<i32>} : memref<16x128xf32, #tpu.memory_space<vmem>>, vector<16xf32>,
          tpu.vector_store %arg14[%swap3A_664, %swap3A_665], %gather3A_662 {strides = array<i32>} : memref<16x128xf32, #tpu.memory_space<vmem>>, vector<16xf32>,
          %add3A_667 = vector.broadcast %squeeze3A_659 : i32 to vector<16xi32>
          %add3A_668 = arith.addi %broadcast_in_dim3A_1, %add3A_667 : vector<16xi32>
          %gather3A_669 = tpu.vector_load_idx %arg12[%add3A_123, %add3A_668] : memref<64x512xf32, #tpu.memory_space<vmem>>[vector<16xi32>, vector<16xi32>], vector<16xf32>,
          %swap3A_670 = arith.constant 10 : i32
          %swap3A_671 = arith.index_cast %swap3A_670 : i32 to index
          %swap3A_672 = arith.constant 16 : index
          %swap3A_673 = tpu.vector_load %arg14[%swap3A_671, %swap3A_672] {strides = array<i32>} : memref<16x128xf32, #tpu.memory_space<vmem>>, vector<16xf32>,
          tpu.vector_store %arg14[%swap3A_671, %swap3A_672], %gather3A_669 {strides = array<i32>} : memref<16x128xf32, #tpu.memory_space<vmem>>, vector<16xf32>,
          %add3A_674 = vector.broadcast %squeeze3A_659 : i32 to vector<16xi32>
          %add3A_675 = arith.addi %broadcast_in_dim3A_1, %add3A_674 : vector<16xi32>
          %gather3A_676 = tpu.vector_load_idx %arg12[%add3A_126, %add3A_675] : memref<64x512xf32, #tpu.memory_space<vmem>>[vector<16xi32>, vector<16xi32>], vector<16xf32>,
          %swap3A_677 = arith.constant 10 : i32
          %swap3A_678 = arith.index_cast %swap3A_677 : i32 to index
          %swap3A_679 = arith.constant 32 : index
          %swap3A_680 = tpu.vector_load %arg14[%swap3A_678, %swap3A_679] {strides = array<i32>} : memref<16x128xf32, #tpu.memory_space<vmem>>, vector<16xf32>,
          tpu.vector_store %arg14[%swap3A_678, %swap3A_679], %gather3A_676 {strides = array<i32>} : memref<16x128xf32, #tpu.memory_space<vmem>>, vector<16xf32>,
          %add3A_681 = vector.broadcast %squeeze3A_659 : i32 to vector<16xi32>
          %add3A_682 = arith.addi %broadcast_in_dim3A_1, %add3A_681 : vector<16xi32>
          %gather3A_683 = tpu.vector_load_idx %arg12[%add3A_129, %add3A_682] : memref<64x512xf32, #tpu.memory_space<vmem>>[vector<16xi32>, vector<16xi32>], vector<16xf32>,
          %swap3A_684 = arith.constant 10 : i32
          %swap3A_685 = arith.index_cast %swap3A_684 : i32 to index
          %swap3A_686 = arith.constant 48 : index
          %swap3A_687 = tpu.vector_load %arg14[%swap3A_685, %swap3A_686] {strides = array<i32>} : memref<16x128xf32, #tpu.memory_space<vmem>>, vector<16xf32>,
          tpu.vector_store %arg14[%swap3A_685, %swap3A_686], %gather3A_683 {strides = array<i32>} : memref<16x128xf32, #tpu.memory_space<vmem>>, vector<16xf32>,
          %slice3A_688 = vector.extract_strided_slice %select_n3A_351 {offsets = [11], sizes = [1], strides = [1]} : vector<16xi32> to vector<1xi32>
          %squeeze3A_689 = vector.extract %slice3A_688[0] : i32 from vector<1xi32>
          %add3A_690 = vector.broadcast %squeeze3A_689 : i32 to vector<16xi32>
          %add3A_691 = arith.addi %broadcast_in_dim3A_1, %add3A_690 : vector<16xi32>
          %gather3A_692 = tpu.vector_load_idx %arg12[%add3A_120, %add3A_691] : memref<64x512xf32, #tpu.memory_space<vmem>>[vector<16xi32>, vector<16xi32>], vector<16xf32>,
          %swap3A_693 = arith.constant 11 : i32
          %swap3A_694 = arith.index_cast %swap3A_693 : i32 to index
          %swap3A_695 = arith.constant 0 : index
          %swap3A_696 = tpu.vector_load %arg14[%swap3A_694, %swap3A_695] {strides = array<i32>} : memref<16x128xf32, #tpu.memory_space<vmem>>, vector<16xf32>,
          tpu.vector_store %arg14[%swap3A_694, %swap3A_695], %gather3A_692 {strides = array<i32>} : memref<16x128xf32, #tpu.memory_space<vmem>>, vector<16xf32>,
          %add3A_697 = vector.broadcast %squeeze3A_689 : i32 to vector<16xi32>
          %add3A_698 = arith.addi %broadcast_in_dim3A_1, %add3A_697 : vector<16xi32>
          %gather3A_699 = tpu.vector_load_idx %arg12[%add3A_123, %add3A_698] : memref<64x512xf32, #tpu.memory_space<vmem>>[vector<16xi32>, vector<16xi32>], vector<16xf32>,
          %swap3A_700 = arith.constant 11 : i32
          %swap3A_701 = arith.index_cast %swap3A_700 : i32 to index
          %swap3A_702 = arith.constant 16 : index
          %swap3A_703 = tpu.vector_load %arg14[%swap3A_701, %swap3A_702] {strides = array<i32>} : memref<16x128xf32, #tpu.memory_space<vmem>>, vector<16xf32>,
          tpu.vector_store %arg14[%swap3A_701, %swap3A_702], %gather3A_699 {strides = array<i32>} : memref<16x128xf32, #tpu.memory_space<vmem>>, vector<16xf32>,
          %add3A_704 = vector.broadcast %squeeze3A_689 : i32 to vector<16xi32>
          %add3A_705 = arith.addi %broadcast_in_dim3A_1, %add3A_704 : vector<16xi32>
          %gather3A_706 = tpu.vector_load_idx %arg12[%add3A_126, %add3A_705] : memref<64x512xf32, #tpu.memory_space<vmem>>[vector<16xi32>, vector<16xi32>], vector<16xf32>,
          %swap3A_707 = arith.constant 11 : i32
          %swap3A_708 = arith.index_cast %swap3A_707 : i32 to index
          %swap3A_709 = arith.constant 32 : index
          %swap3A_710 = tpu.vector_load %arg14[%swap3A_708, %swap3A_709] {strides = array<i32>} : memref<16x128xf32, #tpu.memory_space<vmem>>, vector<16xf32>,
          tpu.vector_store %arg14[%swap3A_708, %swap3A_709], %gather3A_706 {strides = array<i32>} : memref<16x128xf32, #tpu.memory_space<vmem>>, vector<16xf32>,
          %add3A_711 = vector.broadcast %squeeze3A_689 : i32 to vector<16xi32>
          %add3A_712 = arith.addi %broadcast_in_dim3A_1, %add3A_711 : vector<16xi32>
          %gather3A_713 = tpu.vector_load_idx %arg12[%add3A_129, %add3A_712] : memref<64x512xf32, #tpu.memory_space<vmem>>[vector<16xi32>, vector<16xi32>], vector<16xf32>,
          %swap3A_714 = arith.constant 11 : i32
          %swap3A_715 = arith.index_cast %swap3A_714 : i32 to index
          %swap3A_716 = arith.constant 48 : index
          %swap3A_717 = tpu.vector_load %arg14[%swap3A_715, %swap3A_716] {strides = array<i32>} : memref<16x128xf32, #tpu.memory_space<vmem>>, vector<16xf32>,
          tpu.vector_store %arg14[%swap3A_715, %swap3A_716], %gather3A_713 {strides = array<i32>} : memref<16x128xf32, #tpu.memory_space<vmem>>, vector<16xf32>,
          %slice3A_718 = vector.extract_strided_slice %select_n3A_351 {offsets = [12], sizes = [1], strides = [1]} : vector<16xi32> to vector<1xi32>
          %squeeze3A_719 = vector.extract %slice3A_718[0] : i32 from vector<1xi32>
          %add3A_720 = vector.broadcast %squeeze3A_719 : i32 to vector<16xi32>
          %add3A_721 = arith.addi %broadcast_in_dim3A_1, %add3A_720 : vector<16xi32>
          %gather3A_722 = tpu.vector_load_idx %arg12[%add3A_120, %add3A_721] : memref<64x512xf32, #tpu.memory_space<vmem>>[vector<16xi32>, vector<16xi32>], vector<16xf32>,
          %swap3A_723 = arith.constant 12 : i32
          %swap3A_724 = arith.index_cast %swap3A_723 : i32 to index
          %swap3A_725 = arith.constant 0 : index
          %swap3A_726 = tpu.vector_load %arg14[%swap3A_724, %swap3A_725] {strides = array<i32>} : memref<16x128xf32, #tpu.memory_space<vmem>>, vector<16xf32>,
          tpu.vector_store %arg14[%swap3A_724, %swap3A_725], %gather3A_722 {strides = array<i32>} : memref<16x128xf32, #tpu.memory_space<vmem>>, vector<16xf32>,
          %add3A_727 = vector.broadcast %squeeze3A_719 : i32 to vector<16xi32>
          %add3A_728 = arith.addi %broadcast_in_dim3A_1, %add3A_727 : vector<16xi32>
          %gather3A_729 = tpu.vector_load_idx %arg12[%add3A_123, %add3A_728] : memref<64x512xf32, #tpu.memory_space<vmem>>[vector<16xi32>, vector<16xi32>], vector<16xf32>,
          %swap3A_730 = arith.constant 12 : i32
          %swap3A_731 = arith.index_cast %swap3A_730 : i32 to index
          %swap3A_732 = arith.constant 16 : index
          %swap3A_733 = tpu.vector_load %arg14[%swap3A_731, %swap3A_732] {strides = array<i32>} : memref<16x128xf32, #tpu.memory_space<vmem>>, vector<16xf32>,
          tpu.vector_store %arg14[%swap3A_731, %swap3A_732], %gather3A_729 {strides = array<i32>} : memref<16x128xf32, #tpu.memory_space<vmem>>, vector<16xf32>,
          %add3A_734 = vector.broadcast %squeeze3A_719 : i32 to vector<16xi32>
          %add3A_735 = arith.addi %broadcast_in_dim3A_1, %add3A_734 : vector<16xi32>
          %gather3A_736 = tpu.vector_load_idx %arg12[%add3A_126, %add3A_735] : memref<64x512xf32, #tpu.memory_space<vmem>>[vector<16xi32>, vector<16xi32>], vector<16xf32>,
          %swap3A_737 = arith.constant 12 : i32
          %swap3A_738 = arith.index_cast %swap3A_737 : i32 to index
          %swap3A_739 = arith.constant 32 : index
          %swap3A_740 = tpu.vector_load %arg14[%swap3A_738, %swap3A_739] {strides = array<i32>} : memref<16x128xf32, #tpu.memory_space<vmem>>, vector<16xf32>,
          tpu.vector_store %arg14[%swap3A_738, %swap3A_739], %gather3A_736 {strides = array<i32>} : memref<16x128xf32, #tpu.memory_space<vmem>>, vector<16xf32>,
          %add3A_741 = vector.broadcast %squeeze3A_719 : i32 to vector<16xi32>
          %add3A_742 = arith.addi %broadcast_in_dim3A_1, %add3A_741 : vector<16xi32>
          %gather3A_743 = tpu.vector_load_idx %arg12[%add3A_129, %add3A_742] : memref<64x512xf32, #tpu.memory_space<vmem>>[vector<16xi32>, vector<16xi32>], vector<16xf32>,
          %swap3A_744 = arith.constant 12 : i32
          %swap3A_745 = arith.index_cast %swap3A_744 : i32 to index
          %swap3A_746 = arith.constant 48 : index
          %swap3A_747 = tpu.vector_load %arg14[%swap3A_745, %swap3A_746] {strides = array<i32>} : memref<16x128xf32, #tpu.memory_space<vmem>>, vector<16xf32>,
          tpu.vector_store %arg14[%swap3A_745, %swap3A_746], %gather3A_743 {strides = array<i32>} : memref<16x128xf32, #tpu.memory_space<vmem>>, vector<16xf32>,
          %slice3A_748 = vector.extract_strided_slice %select_n3A_351 {offsets = [13], sizes = [1], strides = [1]} : vector<16xi32> to vector<1xi32>
          %squeeze3A_749 = vector.extract %slice3A_748[0] : i32 from vector<1xi32>
          %add3A_750 = vector.broadcast %squeeze3A_749 : i32 to vector<16xi32>
          %add3A_751 = arith.addi %broadcast_in_dim3A_1, %add3A_750 : vector<16xi32>
          %gather3A_752 = tpu.vector_load_idx %arg12[%add3A_120, %add3A_751] : memref<64x512xf32, #tpu.memory_space<vmem>>[vector<16xi32>, vector<16xi32>], vector<16xf32>,
          %swap3A_753 = arith.constant 13 : i32
          %swap3A_754 = arith.index_cast %swap3A_753 : i32 to index
          %swap3A_755 = arith.constant 0 : index
          %swap3A_756 = tpu.vector_load %arg14[%swap3A_754, %swap3A_755] {strides = array<i32>} : memref<16x128xf32, #tpu.memory_space<vmem>>, vector<16xf32>,
          tpu.vector_store %arg14[%swap3A_754, %swap3A_755], %gather3A_752 {strides = array<i32>} : memref<16x128xf32, #tpu.memory_space<vmem>>, vector<16xf32>,
          %add3A_757 = vector.broadcast %squeeze3A_749 : i32 to vector<16xi32>
          %add3A_758 = arith.addi %broadcast_in_dim3A_1, %add3A_757 : vector<16xi32>
          %gather3A_759 = tpu.vector_load_idx %arg12[%add3A_123, %add3A_758] : memref<64x512xf32, #tpu.memory_space<vmem>>[vector<16xi32>, vector<16xi32>], vector<16xf32>,
          %swap3A_760 = arith.constant 13 : i32
          %swap3A_761 = arith.index_cast %swap3A_760 : i32 to index
          %swap3A_762 = arith.constant 16 : index
          %swap3A_763 = tpu.vector_load %arg14[%swap3A_761, %swap3A_762] {strides = array<i32>} : memref<16x128xf32, #tpu.memory_space<vmem>>, vector<16xf32>,
          tpu.vector_store %arg14[%swap3A_761, %swap3A_762], %gather3A_759 {strides = array<i32>} : memref<16x128xf32, #tpu.memory_space<vmem>>, vector<16xf32>,
          %add3A_764 = vector.broadcast %squeeze3A_749 : i32 to vector<16xi32>
          %add3A_765 = arith.addi %broadcast_in_dim3A_1, %add3A_764 : vector<16xi32>
          %gather3A_766 = tpu.vector_load_idx %arg12[%add3A_126, %add3A_765] : memref<64x512xf32, #tpu.memory_space<vmem>>[vector<16xi32>, vector<16xi32>], vector<16xf32>,
          %swap3A_767 = arith.constant 13 : i32
          %swap3A_768 = arith.index_cast %swap3A_767 : i32 to index
          %swap3A_769 = arith.constant 32 : index
          %swap3A_770 = tpu.vector_load %arg14[%swap3A_768, %swap3A_769] {strides = array<i32>} : memref<16x128xf32, #tpu.memory_space<vmem>>, vector<16xf32>,
          tpu.vector_store %arg14[%swap3A_768, %swap3A_769], %gather3A_766 {strides = array<i32>} : memref<16x128xf32, #tpu.memory_space<vmem>>, vector<16xf32>,
          %add3A_771 = vector.broadcast %squeeze3A_749 : i32 to vector<16xi32>
          %add3A_772 = arith.addi %broadcast_in_dim3A_1, %add3A_771 : vector<16xi32>
          %gather3A_773 = tpu.vector_load_idx %arg12[%add3A_129, %add3A_772] : memref<64x512xf32, #tpu.memory_space<vmem>>[vector<16xi32>, vector<16xi32>], vector<16xf32>,
          %swap3A_774 = arith.constant 13 : i32
          %swap3A_775 = arith.index_cast %swap3A_774 : i32 to index
          %swap3A_776 = arith.constant 48 : index
          %swap3A_777 = tpu.vector_load %arg14[%swap3A_775, %swap3A_776] {strides = array<i32>} : memref<16x128xf32, #tpu.memory_space<vmem>>, vector<16xf32>,
          tpu.vector_store %arg14[%swap3A_775, %swap3A_776], %gather3A_773 {strides = array<i32>} : memref<16x128xf32, #tpu.memory_space<vmem>>, vector<16xf32>,
          %slice3A_778 = vector.extract_strided_slice %select_n3A_351 {offsets = [14], sizes = [1], strides = [1]} : vector<16xi32> to vector<1xi32>
          %squeeze3A_779 = vector.extract %slice3A_778[0] : i32 from vector<1xi32>
          %add3A_780 = vector.broadcast %squeeze3A_779 : i32 to vector<16xi32>
          %add3A_781 = arith.addi %broadcast_in_dim3A_1, %add3A_780 : vector<16xi32>
          %gather3A_782 = tpu.vector_load_idx %arg12[%add3A_120, %add3A_781] : memref<64x512xf32, #tpu.memory_space<vmem>>[vector<16xi32>, vector<16xi32>], vector<16xf32>,
          %swap3A_783 = arith.constant 14 : i32
          %swap3A_784 = arith.index_cast %swap3A_783 : i32 to index
          %swap3A_785 = arith.constant 0 : index
          %swap3A_786 = tpu.vector_load %arg14[%swap3A_784, %swap3A_785] {strides = array<i32>} : memref<16x128xf32, #tpu.memory_space<vmem>>, vector<16xf32>,
          tpu.vector_store %arg14[%swap3A_784, %swap3A_785], %gather3A_782 {strides = array<i32>} : memref<16x128xf32, #tpu.memory_space<vmem>>, vector<16xf32>,
          %add3A_787 = vector.broadcast %squeeze3A_779 : i32 to vector<16xi32>
          %add3A_788 = arith.addi %broadcast_in_dim3A_1, %add3A_787 : vector<16xi32>
          %gather3A_789 = tpu.vector_load_idx %arg12[%add3A_123, %add3A_788] : memref<64x512xf32, #tpu.memory_space<vmem>>[vector<16xi32>, vector<16xi32>], vector<16xf32>,
          %swap3A_790 = arith.constant 14 : i32
          %swap3A_791 = arith.index_cast %swap3A_790 : i32 to index
          %swap3A_792 = arith.constant 16 : index
          %swap3A_793 = tpu.vector_load %arg14[%swap3A_791, %swap3A_792] {strides = array<i32>} : memref<16x128xf32, #tpu.memory_space<vmem>>, vector<16xf32>,
          tpu.vector_store %arg14[%swap3A_791, %swap3A_792], %gather3A_789 {strides = array<i32>} : memref<16x128xf32, #tpu.memory_space<vmem>>, vector<16xf32>,
          %add3A_794 = vector.broadcast %squeeze3A_779 : i32 to vector<16xi32>
          %add3A_795 = arith.addi %broadcast_in_dim3A_1, %add3A_794 : vector<16xi32>
          %gather3A_796 = tpu.vector_load_idx %arg12[%add3A_126, %add3A_795] : memref<64x512xf32, #tpu.memory_space<vmem>>[vector<16xi32>, vector<16xi32>], vector<16xf32>,
          %swap3A_797 = arith.constant 14 : i32
          %swap3A_798 = arith.index_cast %swap3A_797 : i32 to index
          %swap3A_799 = arith.constant 32 : index
          %swap3A_800 = tpu.vector_load %arg14[%swap3A_798, %swap3A_799] {strides = array<i32>} : memref<16x128xf32, #tpu.memory_space<vmem>>, vector<16xf32>,
          tpu.vector_store %arg14[%swap3A_798, %swap3A_799], %gather3A_796 {strides = array<i32>} : memref<16x128xf32, #tpu.memory_space<vmem>>, vector<16xf32>,
          %add3A_801 = vector.broadcast %squeeze3A_779 : i32 to vector<16xi32>
          %add3A_802 = arith.addi %broadcast_in_dim3A_1, %add3A_801 : vector<16xi32>
          %gather3A_803 = tpu.vector_load_idx %arg12[%add3A_129, %add3A_802] : memref<64x512xf32, #tpu.memory_space<vmem>>[vector<16xi32>, vector<16xi32>], vector<16xf32>,
          %swap3A_804 = arith.constant 14 : i32
          %swap3A_805 = arith.index_cast %swap3A_804 : i32 to index
          %swap3A_806 = arith.constant 48 : index
          %swap3A_807 = tpu.vector_load %arg14[%swap3A_805, %swap3A_806] {strides = array<i32>} : memref<16x128xf32, #tpu.memory_space<vmem>>, vector<16xf32>,
          tpu.vector_store %arg14[%swap3A_805, %swap3A_806], %gather3A_803 {strides = array<i32>} : memref<16x128xf32, #tpu.memory_space<vmem>>, vector<16xf32>,
          %slice3A_808 = vector.extract_strided_slice %select_n3A_351 {offsets = [15], sizes = [1], strides = [1]} : vector<16xi32> to vector<1xi32>
          %squeeze3A_809 = vector.extract %slice3A_808[0] : i32 from vector<1xi32>
          %add3A_810 = vector.broadcast %squeeze3A_809 : i32 to vector<16xi32>
          %add3A_811 = arith.addi %broadcast_in_dim3A_1, %add3A_810 : vector<16xi32>
          %gather3A_812 = tpu.vector_load_idx %arg12[%add3A_120, %add3A_811] : memref<64x512xf32, #tpu.memory_space<vmem>>[vector<16xi32>, vector<16xi32>], vector<16xf32>,
          %swap3A_813 = arith.constant 15 : i32
          %swap3A_814 = arith.index_cast %swap3A_813 : i32 to index
          %swap3A_815 = arith.constant 0 : index
          %swap3A_816 = tpu.vector_load %arg14[%swap3A_814, %swap3A_815] {strides = array<i32>} : memref<16x128xf32, #tpu.memory_space<vmem>>, vector<16xf32>,
          tpu.vector_store %arg14[%swap3A_814, %swap3A_815], %gather3A_812 {strides = array<i32>} : memref<16x128xf32, #tpu.memory_space<vmem>>, vector<16xf32>,
          %add3A_817 = vector.broadcast %squeeze3A_809 : i32 to vector<16xi32>
          %add3A_818 = arith.addi %broadcast_in_dim3A_1, %add3A_817 : vector<16xi32>
          %gather3A_819 = tpu.vector_load_idx %arg12[%add3A_123, %add3A_818] : memref<64x512xf32, #tpu.memory_space<vmem>>[vector<16xi32>, vector<16xi32>], vector<16xf32>,
          %swap3A_820 = arith.constant 15 : i32
          %swap3A_821 = arith.index_cast %swap3A_820 : i32 to index
          %swap3A_822 = arith.constant 16 : index
          %swap3A_823 = tpu.vector_load %arg14[%swap3A_821, %swap3A_822] {strides = array<i32>} : memref<16x128xf32, #tpu.memory_space<vmem>>, vector<16xf32>,
          tpu.vector_store %arg14[%swap3A_821, %swap3A_822], %gather3A_819 {strides = array<i32>} : memref<16x128xf32, #tpu.memory_space<vmem>>, vector<16xf32>,
          %add3A_824 = vector.broadcast %squeeze3A_809 : i32 to vector<16xi32>
          %add3A_825 = arith.addi %broadcast_in_dim3A_1, %add3A_824 : vector<16xi32>
          %gather3A_826 = tpu.vector_load_idx %arg12[%add3A_126, %add3A_825] : memref<64x512xf32, #tpu.memory_space<vmem>>[vector<16xi32>, vector<16xi32>], vector<16xf32>,
          %swap3A_827 = arith.constant 15 : i32
          %swap3A_828 = arith.index_cast %swap3A_827 : i32 to index
          %swap3A_829 = arith.constant 32 : index
          %swap3A_830 = tpu.vector_load %arg14[%swap3A_828, %swap3A_829] {strides = array<i32>} : memref<16x128xf32, #tpu.memory_space<vmem>>, vector<16xf32>,
          tpu.vector_store %arg14[%swap3A_828, %swap3A_829], %gather3A_826 {strides = array<i32>} : memref<16x128xf32, #tpu.memory_space<vmem>>, vector<16xf32>,
          %add3A_831 = vector.broadcast %squeeze3A_809 : i32 to vector<16xi32>
          %add3A_832 = arith.addi %broadcast_in_dim3A_1, %add3A_831 : vector<16xi32>
          %gather3A_833 = tpu.vector_load_idx %arg12[%add3A_129, %add3A_832] : memref<64x512xf32, #tpu.memory_space<vmem>>[vector<16xi32>, vector<16xi32>], vector<16xf32>,
          %swap3A_834 = arith.constant 15 : i32
          %swap3A_835 = arith.index_cast %swap3A_834 : i32 to index
          %swap3A_836 = arith.constant 48 : index
          %swap3A_837 = tpu.vector_load %arg14[%swap3A_835, %swap3A_836] {strides = array<i32>} : memref<16x128xf32, #tpu.memory_space<vmem>>, vector<16xf32>,
          tpu.vector_store %arg14[%swap3A_835, %swap3A_836], %gather3A_833 {strides = array<i32>} : memref<16x128xf32, #tpu.memory_space<vmem>>, vector<16xf32>,
          %dma_start3A_838 = arith.constant 0 : i32
          %dma_start3A_839 = arith.constant 0 : i32
          %dma_start3A_840 = tpu.memref_slice %arg4[%dma_start3A_838, %dma_start3A_839] : memref<16448x128xf32, #tpu.memory_space<hbm>> -> memref<16448x128xf32, #tpu.memory_space<hbm>>
          tpu.enqueue_indirect_dma source(%arg14 : memref<16x128xf32, #tpu.memory_space<vmem>>) target(%dma_start3A_840 : memref<16448x128xf32, #tpu.memory_space<hbm>>) offsets(%arg16 : memref<16xi32, #tpu.memory_space<vmem>>) semaphore(%arg20 : memref<!tpu.dma_semaphore, #tpu.memory_space<semaphore_mem>>)
        }
      } else {
      }
    }
    %dma_wait3A = arith.constant 0 : i32
    %dma_wait3A_192 = arith.constant 0 : i32
    %dma_wait3A_193 = tpu.memref_slice %arg4[%dma_wait3A, %dma_wait3A_192] : memref<16448x128xf32, #tpu.memory_space<hbm>> -> memref<16448x128xf32, #tpu.memory_space<hbm>>
    tpu.wait_indirect_dma semaphore(%arg19 : memref<!tpu.dma_semaphore, #tpu.memory_space<semaphore_mem>>) src(%arg13 : memref<16x128xf32, #tpu.memory_space<vmem>>) dst(%dma_wait3A_193 : memref<16448x128xf32, #tpu.memory_space<hbm>>)
    %dma_wait3A_194 = arith.constant 0 : i32
    %dma_wait3A_195 = arith.constant 0 : i32
    %dma_wait3A_196 = tpu.memref_slice %arg4[%dma_wait3A_194, %dma_wait3A_195] : memref<16448x128xf32, #tpu.memory_space<hbm>> -> memref<16448x128xf32, #tpu.memory_space<hbm>>
    tpu.wait_indirect_dma semaphore(%arg20 : memref<!tpu.dma_semaphore, #tpu.memory_space<semaphore_mem>>) src(%arg14 : memref<16x128xf32, #tpu.memory_space<vmem>>) dst(%dma_wait3A_196 : memref<16448x128xf32, #tpu.memory_space<hbm>>)
    return
  }
}

</mosaic_0001>

<sc_bundles>
// kernel: kernel.3.cloned.1.call-start
scs
__scs_entry_jumppad:
0x0: {  	(pc) =	sbr.rel $0x88, $3  }
0x1: {  	(tag) =	ssettag $0x0;
	lr =	simm.s32 $0x1  }
0x2: {  	[smem:$0x3F9F] =	sst lr;
	_ =	strace $0xD0000000  }
0x3: {  	_ = 	snop  }
0x4: {  	_ = 	snop  }
0x5: {  	_ = 	snop  }
0x6: {  	_ = 	snop  }
0x7: {  	_ = 	snop  }
__scs_overlays_trampoline_lowered:
0x8: {  	[smem:$0x3FAE] =	sst s0  }
0x9: {  	[smem:$0x3FAF] =	sst s1  }
0xa: {  	[smem:$0x3FB0] =	sst s2  }
0xb: {  	[smem:$0x3FB1] =	sst s3  }
0xc: {  	[smem:$0x3FB2] =	sst s4  }
0xd: {  	[smem:$0x3FB3] =	sst s5  }
0xe: {  	[smem:$0x3FB4] =	sst s6  }
0xf: {  	[smem:$0x3FB5] =	sst s7  }
0x10: {  	[smem:$0x3FB6] =	sst s8  }
0x11: {  	[smem:$0x3FB7] =	sst s9;
	s0 =	simm.s32 @!p0 $0x0  }
0x12: {  	s1 =	sld [smem:$0x3F9D];
	s0 =	simm.s32 @p0 $0x1  }
0x13: {  	[smem:$0x3FB8] =	sst s0;
	s0 =	simm.s32 @!p1 $0x0  }
0x14: {  	s2 =	sld [smem:$0x3F9C];
	s0 =	simm.s32 @p1 $0x1  }
0x15: {  	[smem:$0x3FB9] =	sst s0;
	s0 =	simm.s32 @!p2 $0x0  }
0x16: {  	s3 =	sld [smem:$0x3FDB];
	s0 =	simm.s32 @p2 $0x1  }
0x17: {  	s4 =	simm.s32 $0x1BF5;
	[smem:$0x3FBB] =	sst s0  }
0x18: {  	s0 =	sld [smem:$0x3F9E];
	_ =	swait.ge [sflag:s4], $0x0  }
0x19: {  	s7 =	sld [smem:$0x3F9F]  }
0x1a: {  	s8 =	sadd.s32 $0xFFFFE003, lr  }
0x1b: {  	s9 =	sadd.s32 $0xFFFFFEF7, lr;
	s5 =	simm.s32 $0xFFFFFFFF;
	p2 =	slt.u32 s8, $0xFFFFF086  }
0x1c: {  	p1 =	slt.u32 s9, $0xF7A;
	s5 =	simm.s32 @!p2 $0x0  }
0x1d: {  	s5 =	simm.s32 @p1 $0x1;
	p0 =	seq.s32 s7, s2  }
0x1e: {  	s7 =	smul.u32 @!p0 $0xF7A, s2;
	p2 =	seq.s32 @!p0 s5, $0x0  }
0x1f: {  	s9 =	smul.u32 $0xF7A, s1;
	s8 =	simm.s32 @!p0 $0x1BF5;
	p2 =	por !p2, p0  }
0x20: {  	[sflag:s8] =	ssyncset.s32 @!p0 $0xFFFFF086;
	s6 =	sadd.s32 @!p0 s3, s7;
	s7 =	simm.s32 @!p0 $0x108  }
0x21: {  	s3 =	sadd.s32 s3, s9;
	s6 =	sadd.s32 @!p0 $0x88, s6;
	s7 =	simm.s32 @p2 $0x1082  }
0x22: {  	[simem:s7], [sflag:s8] =	dma.local @!p0 [hbm:s6], $0xF7A  }
0x23: {  	s9 =	sor.u32 $0xD0000000, s2;
	s6 =	simm.s32 $0x108;
	_ =	swait.ge @!p0 [sflag:s8], $0x0  }
0x24: {  	s3 =	sadd.s32 $0x88, s3;
	s6 =	simm.s32 @!p1 $0x1082;
	[sflag:s4] =	ssyncset.s32 $0xFFFFF086  }
0x25: {  	[simem:s6], [sflag:s4] =	dma.local [hbm:s3], $0xF7A  }
0x26: {  	[smem:$0x3F9F] =	sst s1;
	(tag) =	ssettag s2;
	_ =	strace s9  }
0x27: {  	s1 =	sld [smem:$0x3FAF]  }
0x28: {  	s2 =	sld [smem:$0x3FB0]  }
0x29: {  	s4 =	sld [smem:$0x3FB2]  }
0x2a: {  	p0 =	seq.s32 s5, $0x0;
	s5 =	sld [smem:$0x3FB3]  }
0x2b: {  	s6 =	sld [smem:$0x3FB4]  }
0x2c: {  	s7 =	sld [smem:$0x3FB5]  }
0x2d: {  	s3 =	simm.s32 $0x108;
	s8 =	sld [smem:$0x3FB6]  }
0x2e: {  	s3 =	simm.s32 @!p0 $0x1082;
	s9 =	sld [smem:$0x3FB7]  }
0x2f: {  	lr =	sadd.s32 s0, s3;
	s0 =	sld [smem:$0x3FAE]  }
0x30: {  	s3 =	sld [smem:$0x3FB1]  }
0x31: {  	[smem:$0x3FBA] =	sst s10  }
0x32: {  	s10 =	sld [smem:$0x3FB8];
	_ =	sdelay $0x3  }
0x33: {  	p0 =	seq.s32 s10, $0x1;
	s10 =	sld [smem:$0x3FBA];
	_ =	sdelay $0x3  }
0x34: {  	[smem:$0x3FBA] =	sst s10  }
0x35: {  	s10 =	sld [smem:$0x3FB9];
	_ =	sdelay $0x3  }
0x36: {  	p1 =	seq.s32 s10, $0x1;
	s10 =	sld [smem:$0x3FBA];
	_ =	sdelay $0x3  }
0x37: {  	[smem:$0x3FBA] =	sst s10  }
0x38: {  	s10 =	sld [smem:$0x3FBB]  }
0x39: {  	_ = 	snop;
	(pc) =	sbr.ind lr, $3  }
0x3a: {  	_ = 	snop  }
0x3b: {  	_ = 	snop  }
0x3c: {  	p2 =	seq.s32 s10, $0x1;
	s10 =	sld [smem:$0x3FBA]  }
0x3d: {  	_ =	shalt  }
0x3e: {  	_ =	shalt  }
0x3f: {  	_ =	shalt  }
0x40: {  	_ =	shalt  }
0x41: {  	_ =	shalt  }
0x42: {  	_ =	shalt  }
0x43: {  	_ =	shalt  }
0x44: {  	_ =	shalt  }
0x45: {  	_ =	shalt  }
0x46: {  	_ =	shalt  }
0x47: {  	_ =	shalt  }
0x48: {  	_ =	shalt  }
0x49: {  	_ =	shalt  }
0x4a: {  	_ =	shalt  }
0x4b: {  	_ =	shalt  }
0x4c: {  	_ =	shalt  }
0x4d: {  	_ =	shalt  }
0x4e: {  	_ =	shalt  }
0x4f: {  	_ =	shalt  }
0x50: {  	_ =	shalt  }
0x51: {  	_ =	shalt  }
0x52: {  	_ =	shalt  }
0x53: {  	_ =	shalt  }
0x54: {  	_ =	shalt  }
0x55: {  	_ =	shalt  }
0x56: {  	_ =	shalt  }
0x57: {  	_ =	shalt  }
0x58: {  	_ =	shalt  }
0x59: {  	_ =	shalt  }
0x5a: {  	_ =	shalt  }
0x5b: {  	_ =	shalt  }
0x5c: {  	_ =	shalt  }
0x5d: {  	_ =	shalt  }
0x5e: {  	_ =	shalt  }
0x5f: {  	_ =	shalt  }
0x60: {  	_ =	shalt  }
0x61: {  	_ =	shalt  }
0x62: {  	_ =	shalt  }
0x63: {  	_ =	shalt  }
0x64: {  	_ =	shalt  }
0x65: {  	_ =	shalt  }
0x66: {  	_ =	shalt  }
0x67: {  	_ =	shalt  }
0x68: {  	_ =	shalt  }
0x69: {  	_ =	shalt  }
0x6a: {  	_ =	shalt  }
0x6b: {  	_ =	shalt  }
0x6c: {  	_ =	shalt  }
0x6d: {  	_ =	shalt  }
0x6e: {  	_ =	shalt  }
0x6f: {  	_ =	shalt  }
0x70: {  	_ =	shalt  }
0x71: {  	_ =	shalt  }
0x72: {  	_ =	shalt  }
0x73: {  	_ =	shalt  }
0x74: {  	_ =	shalt  }
0x75: {  	_ =	shalt  }
0x76: {  	_ =	shalt  }
0x77: {  	_ =	shalt  }
0x78: {  	_ =	shalt  }
0x79: {  	_ =	shalt  }
0x7a: {  	_ =	shalt  }
0x7b: {  	_ =	shalt  }
0x7c: {  	_ =	shalt  }
0x7d: {  	_ =	shalt  }
0x7e: {  	_ =	shalt  }
0x7f: {  	_ =	shalt  }
0x80: {  	_ =	shalt  }
0x81: {  	_ =	shalt  }
0x82: {  	_ =	shalt  }
0x83: {  	_ =	shalt  }
0x84: {  	_ =	shalt  }
0x85: {  	_ =	shalt  }
0x86: {  	_ =	shalt  }
0x87: {  	_ =	shalt  }
.Lfunc_end0:
.L_simem_size_0:
called_computation_lowered:
.L_overlay_start_0:
0x88: {  	s2 =	sld [smem:$0x3FD9]  }
0x89: {  	s3 =	sld [smem:$0x3FFE];
	_ =	sdelay $0x1  }
0x8a: {  	s1 =	srdreg.scid  }
0x8b: {  	s0 =	sand.u32 $0x1, s1  }
0x8c: {  	s17 =	sshll.u32 s0, $0xA;
	s2 =	sadd.s32 s3, s2  }
0x8d: {  	s2 =	sadd.s32 s2, s17  }
0x8e: {  	[smem:$0x3FC6] =	sst s2  }
0x8f: {  	_ = 	snop  }
0x90: {  	s2 =	sld [smem:$0x3FC9]  }
0x91: {  	s18 =	sld [smem:$0x3FC8];
	(tm) =	ssettm $0x1  }
0x92: {  	s4 =	sld [smem:$0x3FFB];
	_ =	sdelay $0x3  }
0x93: {  	_ =	strace s4  }
0x94: {  	s4 =	sld [smem:$0x3FFC];
	_ =	sdelay $0x3  }
0x95: {  	_ =	strace s4  }
0x96: {  	s4 =	sld [smem:$0x3FFD];
	_ =	sdelay $0x3  }
0x97: {  	_ =	strace s4  }
0x98: {  	_ =	strace $0x8FFFFFFF  }
0x99: {  	s19 =	sld [smem:$0x3FDB];
	_ =	sdelay $0x1  }
0x9a: {  	s5 =	simm.s32 $_scs_section_size  }
0x9b: {  	s6 =	simm.s32 $_size__tile_overlayer_lowered;
	s7 =	simm.s32 $_tile_overlayer_lowered  }
0x9c: {  	s22 =	simm.s32 $0x1BFF;
	s21 =	sshll.u32 s7, $0x1;
	s4 =	sadd.s32 s5, s19  }
0x9d: {  	s8 =	simm.s32 $0x0;
	s20 =	sshll.u32 s6, $0x1;
	s6 =	sadd.s32 s21, s4  }
0x9e: {  	[timem:s8], [sflag:s22] =	dma.local [hbm:s6], s20  }
0x9f: {  	_ =	swait.ge [sflag:s22], s20  }
0xa0: {  	s5 =	ssub.s32 $0x0, s20;
	[sflag:s22] =	ssyncset.done $0x0  }
0xa1: {  	[sflag:s22] =	ssyncadd.s32 s5;
	_ =	sdelay $0x1  }
0xa2: {  	s23 =	simm.s32 $0x1B8B  }
0xa3: {  	_ =	swait.ge [sflag:s23], $0x1  }
0xa4: {  	[sflag:s23] =	ssyncset.done $0x0  }
0xa5: {  	s25 =	simm.s32 $0x1B8E;
	s24 =	sld [smem:$0x3FFE];
	[sflag:s23] =	ssyncadd.s32 $0xFFFFFFFF  }
0xa6: {  	s26 =	simm.s32 $execute0_lowered;
	[smem:$0x3FD2] =	sst s25  }
0xa7: {  	s6 =	sshll.u32 s26, $0x1;
	_ =	strace $0x80000046;
	[dreg:$0x1] =	wrdreg $0xFFFFFFFF  }
0xa8: {  	s28 =	simm.s32 $_size_execute0_lowered;
	s4 =	sadd.s32 s4, s6;
	[dreg:$0x0] =	wrdreg $0x0  }
0xa9: {  	s6 =	sshll.u32 s28, $0x1;
	[dreg:$0x2] =	wrdreg s4  }
0xaa: {  	[dreg:$0x3] =	wrdreg s6  }
0xab: {  	[dreg:$0x4] =	wrdreg $0xC0  }
0xac: {  	_ =	task [dreg:s8], $0x5FFFF  }
0xad: {  	[dreg:$0x1] =	wrdreg $0xFFFFFFFF  }
0xae: {  	[dreg:$0x0] =	wrdreg $0x60  }
0xaf: {  	[dreg:$0x2] =	wrdreg s2  }
0xb0: {  	[dreg:$0x3] =	wrdreg s18  }
0xb1: {  	[dreg:$0x4] =	wrdreg s24  }
0xb2: {  	[dreg:$0x5] =	wrdreg $0x9  }
0xb3: {  	_ =	task.clear_ibuf [dreg:s8], $0x6FFFF;
	_ =	strace $0x90000046  }
0xb4: {  	s29 =	simm.s32 $0x9;
	_ =	strace $0x80000048  }
0xb5: {  	_ =	swait.ge [sflag:s29], $0x1  }
0xb6: {  	[sflag:s29] =	ssyncadd.s32 $0xFFFFFFFF  }
0xb7: {  	_ =	strace $0x90000048  }
0xb8: {  	_ =	sfence  }
0xb9: {  	s30 =	sld [smem:$0x0];
	_ =	sdelay $0x2  }
0xba: {  	s31 =	sshll.u32 s1, $0xD;
	s1 =	sshrl.u32 s1, $0x2  }
0xbb: {  	s3 =	sand.u32 $0x4000, s31;
	s1 =	sadd.s32 s1, s30  }
0xbc: {  	s0 =	sor.u32 s3, s0;
	s1 =	sshll.u32 s1, $0x11  }
0xbd: {  	s0 =	sor.u32 s1, s0  }
0xbe: {  	s0 =	sadd.s32 $0x8F2B, s0  }
0xbf: {  	[sflag:s0] =	ssyncadd.remote.s32 $0x1  }
0xc0: {  	_ =	sfence.sel $0xFFFF  }
0xc1: {  	[dreg:$0x0] =	wrdreg $0xFFFFFFFF;
	(pc) =	sbr.abs _section_cstart, $3  }
0xc2: {  	[dreg:$0x1] =	wrdreg $0xFFFFFFFF  }
0xc3: {  	_ =	task.clear_ibuf [dreg:s8], $0x2FFFF;
	_ =	strace $0x9FFFFFFF  }
0xc4: {  	(tm) =	ssettm $0x7FFFFFFF  }
0xc5: {  	_ =	shalt  }
tec
execute0_lowered:
.L_overlay_start_1:
0x0: {  	(tag) =	ssettag $0x1  }
0x1: {  	v0 =	vimm.s32 $0x1380;
	vm14 =	vcmask $0x300  }
0x2: {  	vm13 =	vcmask $0x704;
	vm12 =	vcmask $0xB08;
	vm11 =	vcmask $0xF0C  }
0x3: {  	vm10 =	vcmask $0x1310;
	vm9 =	vcmask $0x1714;
	vm8 =	vcmask $0x1B18  }
0x4: {  	vm7 =	vcmask $0x1F1C;
	vm6 =	vcmask $0x2320;
	vm5 =	vcmask $0x2724  }
0x5: {  	vm4 =	vcmask $0x2B28;
	vm3 =	vcmask $0x2F2C;
	vm2 =	vcmask $0x3330  }
0x6: {  	vm0 =	vcmask $0x3734;
	vm1 =	vcmask $0x3B38;
	v3 =	vlaneseq.u32  }
0x7: {  	v5 =	vimm.s32 $0x3380;
	v6 =	vimm.s32 $0x5380;
	v7 =	vimm.s32 $0x7380  }
0x8: {  	v0 =	vsel vm14, $0x0, v0;
	v5 =	vsel vm14, $0x2000, v5;
	v6 =	vsel vm14, $0x4000, v6  }
0x9: {  	v7 =	vsel vm14, $0x6000, v7;
	v0 =	vsel vm13, $0x80, v0;
	v5 =	vsel vm13, $0x2080, v5  }
0xa: {  	v6 =	vsel vm13, $0x4080, v6;
	v7 =	vsel vm13, $0x6080, v7;
	v0 =	vsel vm12, $0x100, v0  }
0xb: {  	v5 =	vsel vm12, $0x2100, v5;
	v6 =	vsel vm12, $0x4100, v6;
	v7 =	vsel vm12, $0x6100, v7  }
0xc: {  	v0 =	vsel vm11, $0x180, v0;
	v5 =	vsel vm11, $0x2180, v5;
	v6 =	vsel vm11, $0x4180, v6  }
0xd: {  	v7 =	vsel vm11, $0x6180, v7;
	v0 =	vsel vm10, $0x200, v0;
	v5 =	vsel vm10, $0x2200, v5  }
0xe: {  	v6 =	vsel vm10, $0x4200, v6;
	v7 =	vsel vm10, $0x6200, v7;
	v0 =	vsel vm9, $0x280, v0  }
0xf: {  	s0 =	srdreg.scid;
	s30 =	rddreg [dreg:$0x1];
	v5 =	vsel vm9, $0x2280, v5;
	v6 =	vsel vm9, $0x4280, v6;
	v7 =	vsel vm9, $0x6280, v7  }
0x10: {  	s1 =	stileid.u32;
	s3 =	rddreg [dreg:$0x2];
	v0 =	vsel vm8, $0x300, v0;
	v5 =	vsel vm8, $0x2300, v5;
	v6 =	vsel vm8, $0x4300, v6  }
0x11: {  	s4 =	simm.s32 $0x0;
	s9 =	simm.s32 $0x5;
	s10 =	simm.s32 $0xC100;
	v7 =	vsel vm8, $0x6300, v7;
	v0 =	vsel vm7, $0x380, v0;
	v5 =	vsel vm7, $0x2380, v5  }
0x12: {  	s11 =	simm.s32 $0xC200;
	s12 =	simm.s32 $0x4000;
	s13 =	simm.s32 $0x8080;
	v6 =	vsel vm7, $0x4380, v6;
	v7 =	vsel vm7, $0x6380, v7;
	v0 =	vsel vm6, $0x1000, v0  }
0x13: {  	s14 =	simm.s32 $0x1D280;
	s15 =	simm.s32 $0x1C280;
	s16 =	simm.s32 $0x1D300;
	v5 =	vsel vm6, $0x3000, v5;
	v6 =	vsel vm6, $0x5000, v6;
	v7 =	vsel vm6, $0x7000, v7  }
0x14: {  	s17 =	simm.s32 $0x1CA80;
	s18 =	simm.s32 $0x1000;
	s19 =	simm.s32 $0x10;
	v0 =	vsel vm5, $0x1080, v0;
	v5 =	vsel vm5, $0x3080, v5;
	v6 =	vsel vm5, $0x5080, v6  }
0x15: {  	s20 =	simm.s32 $0x7A1400;
	s0 =	sand.u32 $0x1, s0;
	s1 =	sshll.u32 s1, $0x1;
	v7 =	vsel vm5, $0x7080, v7;
	v0 =	vsel vm4, $0x1100, v0;
	v5 =	vsel vm4, $0x3100, v5  }
0x16: {  	s21 =	simm.s32 $0xC280;
	s22 =	simm.s32 $0x1;
	s1 =	sor.u32 s0, s1;
	v6 =	vsel vm4, $0x5100, v6;
	v7 =	vsel vm4, $0x7100, v7;
	v1 =	vsel vm3, $0x1180, v0  }
0x17: {  	s23 =	simm.s32 $0xC180;
	s24 =	simm.s32 $0x3;
	s2 =	sor.u32 $0x4000, s1;
	v0 =	vmov s1;
	v5 =	vsel vm3, $0x3180, v5;
	v6 =	vsel vm3, $0x5180, v6  }
.Ltmp0:
0x18: {  	s25 =	simm.s32 $0x4;
	s26 =	simm.s32 $0x14280;
	v7 =	vsel vm3, $0x7180, v7;
	v2 =	vsel vm2, $0x1200, v1;
	v1 =	vmov s2;
	(pc) =	sbr.rel .LBB2_1-.Ltmp0, $4  }
0x19: {  	s28 =	simm.s32 $0x0;
	[smem:$0x7FF] =	sst s4;
	s0 =	ssub.s32 $0x2, s0;
	v5 =	vsel vm2, $0x3200, v5;
	v6 =	vsel vm2, $0x5200, v6;
	v7 =	vsel vm2, $0x7200, v7  }
0x1a: {  	s4 =	sadd.s32 $0x800, s3;
	_ =	strace $0x80000047;
	s31 =	sshrl.u32 s0, $0x1;
	v4 =	vsel vm0, $0x1280, v2;
	v2 =	vimm.s32 $0x0;
	v5 =	vsel vm0, $0x3280, v5  }
0x1b: {  	s5 =	ssub.s32 $0x7C0, s1;
	s6 =	sshll.u32 s1, $0x9;
	s0 =	ssub.s32 s0, s31;
	v6 =	vsel vm0, $0x5280, v6;
	v7 =	vsel vm0, $0x7280, v7;
	v4 =	vsel vm1, $0x1300, v4  }
0x1c: {  	s5 =	sshrl.u32 s5, $0x5;
	s7 =	sadd.s32 s30, s6;
	s8 =	smax.u32 s0, $0x1;
	v5 =	vsel vm1, $0x3300, v5;
	v6 =	vsel vm1, $0x5300, v6;
	v7 =	vsel vm1, $0x7300, v7  }
.LBB2_13:
0x1d: {  	s28 =	sadd.s32 $0x1, s28  }
0x1e: {  	_ =	swait.ge [sflag:s24], $0x800;
	p0 =	sne.s32 s28, s8  }
.Ltmp1:
0x1f: {  	[sflag:s24] =	ssyncset.done $0x0;
	(pc) =	sbr.rel @!p0 .LBB2_14-.Ltmp1, $4  }
0x20: {  	[sflag:s24] =	ssyncadd.s32 $0xFFFFF800  }
0x21: {  	_ =	swait.ge [sflag:s25], $0x800  }
0x22: {  	[sflag:s25] =	ssyncset.done $0x0  }
0x23: {  	[sflag:s25] =	ssyncadd.s32 $0xFFFFF800  }
.LBB2_1:
0x24: {  	s0 =	rddreg [dreg:$0x0];
	s1 =	simm.s32 $0x0  }
0x25: {  	[tilespmem:s1], [sflag:$0x5] =	stream.linear.gather [hbm4b:s0+s1], $0x4000, $0x38;
	[tilespmem:$0x1D380] =	vst v63  }
0x26: {  	_ =	swait.ge [sflag:s9], $0x4000  }
0x27: {  	[sflag:s9] =	ssyncset.done $0x0  }
0x28: {  	[sflag:s9] =	ssyncadd.s32 $0xFFFFC000  }
0x29: {  	[tilespmem:$0xC100] =	vst v2  }
0x2a: {  	[tilespmem:$0xC110] =	vst v2  }
0x2b: {  	[tilespmem:$0xC120] =	vst v2  }
0x2c: {  	s1 =	simm.s32 $0x0;
	s0 =	simm.s32 $0x40;
	[tilespmem:$0xC130] =	vst v2  }
.LBB2_2:
0x2d: {  	p0 =	sne.s32 s0, $0xFFC0;
	v8 =	vld [tilespmem:s1+$0x0];
	_ =	sdelay $0x4  }
0x2e: {  	v9 =	vshrl.u32 v8, $0x9  }
0x2f: {  	v9 =	vand.u32 $0x1F, v9  }
0x30: {  	v8 =	vshra.s32 v8, $0xE;
	vm0 =	veq.s32 v9, v0  }
0x31: {  	v8 =	vnsel vm0, $0x3F, v8  }
.Ltmp2:
0x32: {  	(pc) =	sbr.rel @p0 .LBB2_2-.Ltmp2, $3  }
0x33: {  	_ =	sdelay $0x1  }
0x34: {  	v9 =	vsel vm0, $0x1, v2  }
0x35: {  	s1 =	sshra.s32 s0, $0x2;
	s0 =	sadd.s32 $0x40, s0;
	[tilespmem:v8+s10+$0x0] =	vst.idx.add.s32.msk $0xffff, v9  }
0x36: {  	v8 =	vld [tilespmem:s1+$0x0];
	_ =	sdelay $0x4  }
0x37: {  	v9 =	vshrl.u32 v8, $0x9  }
0x38: {  	v9 =	vand.u32 $0x1F, v9  }
0x39: {  	v8 =	vshra.s32 v8, $0xE;
	vm0 =	veq.s32 v9, v0  }
0x3a: {  	v8 =	vnsel vm0, $0x3F, v8;
	_ =	sdelay $0x3  }
0x3b: {  	v9 =	vsel vm0, $0x1, v2  }
0x3c: {  	[tilespmem:v8+s10+$0x0] =	vst.idx.add.s32.msk $0xffff, v9  }
0x3d: {  	v8 =	vld [tilespmem:$0xC100]  }
0x3e: {  	v9 =	vld [tilespmem:$0xC110]  }
0x3f: {  	v10 =	vld [tilespmem:$0xC120];
	_ =	sdelay $0x1  }
0x40: {  	v11 =	vld [tilespmem:$0xC130]  }
0x41: {  	(xrf0) =	vadd.scan.msk.s32 $0xffff, v8  }
0x42: {  	(xrf0) =	vadd.scan.msk.s32 $0xffff, v9  }
0x43: {  	(xrf0) =	vadd.scan.msk.s32 $0xffff, v10;
	_ =	sdelay $0x1  }
0x44: {  	(xrf0) =	vadd.scan.msk.s32 $0xffff, v11;
	_ =	sdelay $0x1  }
0x45: {  	v12, _, _ =	vpop (xrf0)  }
0x46: {  	v13, _, _ =	vpop (xrf0);
	v14 =	vbroadcast v12, $0xF  }
0x47: {  	v15, _, _ =	vpop (xrf0);
	v16 =	vadd.s32 v12, v13  }
0x48: {  	v9 =	vsub.s32 v14, v9;
	v61 =	vbroadcast v16, $0xF;
	v16 =	vadd.s32 v16, v15  }
0x49: {  	v10 =	vsub.s32 v15, v10;
	v63, _, _ =	vpop (xrf0);
	v9 =	vadd.s32 v13, v9;
	v62 =	vbroadcast v16, $0xF  }
0x4a: {  	[tilespmem:$0xC190] =	vst v9;
	v9 =	vadd.s32 v61, v10;
	v10 =	vsub.s32 v63, v11  }
0x4b: {  	[tilespmem:$0xC1A0] =	vst v9;
	v9 =	vadd.s32 v62, v10;
	v10 =	vld [tilespmem:$0xC190]  }
0x4c: {  	[tilespmem:$0xC1B0] =	vst v9;
	v9 =	vld [tilespmem:$0xC1A0]  }
0x4d: {  	v8 =	vsub.s32 v12, v8;
	v11 =	vld [tilespmem:$0xC1B0]  }
0x4e: {  	[tilespmem:$0xC180] =	vst v8  }
0x4f: {  	[tilespmem:$0xC200] =	vst v8  }
0x50: {  	[tilespmem:$0xC210] =	vst v10  }
0x51: {  	[tilespmem:$0xC220] =	vst v9  }
0x52: {  	s0 =	simm.s32 $0x0;
	[tilespmem:$0xC230] =	vst v11  }
0x53: {  	v8 =	vld [tilespmem:s0+$0x0];
	_ =	sdelay $0x1  }
0x54: {  	s1 =	simm.s32 $0x10;
	s2 =	simm.s32 $0x0  }
.LBB2_4:
0x55: {  	p0 =	sne.s32 s1, $0x3FF0;
	_ =	sdelay $0x1  }
0x56: {  	v9 =	vshrl.u32 v8, $0x9  }
0x57: {  	v9 =	vand.u32 $0x1F, v9  }
0x58: {  	vm0 =	veq.s32 v9, v0;
	v9 =	vshra.s32 v8, $0xE  }
0x59: {  	v9 =	vnsel vm0, $0x3F, v9  }
0x5a: {  	(xrf1) =	vunique.msk.u32 vm0, v9;
	_ =	sdelay $0x8  }
0x5b: {  	v10 =	vld.idx.msk [tilespmem:v9+s11+$0x0], $0xffff;
	_ =	sdelay $0x4  }
0x5c: {  	_, v11, vm1 =	vpop (xrf1)  }
0x5d: {  	v10 =	vadd.s32 v10, v11  }
0x5e: {  	v11 =	vadd.s32 $0xFFFFFFFF, v10  }
0x5f: {  	vm1 =	vmand vm0, vm1;
	_ =	sdelay $0x3  }
0x60: {  	[tilespmem:v11+s12+$0x0] =	vst.idx.msk vm0, v8;
	v8 =	vor.u32 s0, v3;
	s0 =	smov.u32 s1  }
.Ltmp3:
0x61: {  	[tilespmem:v11+s13+$0x0] =	vst.idx.msk vm0, v8;
	(pc) =	sbr.rel @p0 .LBB2_4-.Ltmp3, $3  }
0x62: {  	s2 =	sadd.s32 $0x10, s2;
	[tilespmem:v9+s11+$0x0] =	vst.idx.msk vm1, v10  }
0x63: {  	v8 =	vld [tilespmem:s2+$0x0];
	_ =	sdelay $0x1  }
0x64: {  	s1 =	sadd.s32 $0x10, s1  }
0x65: {  	_ =	sdelay $0x1  }
0x66: {  	v9 =	vshrl.u32 v8, $0x9  }
0x67: {  	v9 =	vand.u32 $0x1F, v9  }
0x68: {  	v63 =	vshra.s32 v8, $0xE;
	vm0 =	veq.s32 v9, v0  }
0x69: {  	v9 =	vnsel vm0, $0x3F, v63  }
0x6a: {  	(xrf1) =	vunique.msk.u32 vm0, v9;
	_ =	sdelay $0x9  }
0x6b: {  	v10 =	vld.idx.msk [tilespmem:v9+s11+$0x0], $0xffff;
	_ =	sdelay $0x3  }
0x6c: {  	_, v11, vm1 =	vpop (xrf1)  }
0x6d: {  	v10 =	vadd.s32 v10, v11  }
0x6e: {  	v11 =	vadd.s32 $0xFFFFFFFF, v10  }
0x6f: {  	vm1 =	vmand vm0, vm1;
	_ =	sdelay $0x3  }
0x70: {  	[tilespmem:v11+s12+$0x0] =	vst.idx.msk vm0, v8;
	v8 =	vor.u32 s0, v3  }
0x71: {  	[tilespmem:v11+s13+$0x0] =	vst.idx.msk vm0, v8  }
0x72: {  	[tilespmem:v9+s11+$0x0] =	vst.idx.msk vm1, v10  }
0x73: {  	[tilespmem:$0x1D280] =	vst v1  }
0x74: {  	[tilespmem:$0x1D300] =	vst v1  }
0x75: {  	[hbm4b:s4+s19] =	stream.indirect.scatter [tilespmem:s15], [sflag:$0x3], $0x80, s14, s19, $0xb8;
	[tilespmem:$0x1D380] =	vst v63  }
.Ltmp4:
0x76: {  	_ = 	snop;
	(pc) =	sbr.rel .LBB2_6-.Ltmp4, $4  }
0x77: {  	_ = 	snop  }
0x78: {  	[hbm4b:s4+s19] =	stream.indirect.scatter [tilespmem:s17], [sflag:$0x4], $0x80, s16, s19, $0xb8;
	[tilespmem:$0x1D380] =	vst v63  }
0x79: {  	s29 =	simm.s32 $0x0  }
0x7a: {  	[tilespmem:s21], [sflag:$0x1] =	stream.strided.gather [hbm4b:s7+s18], $0x8000, s20, s18, $0x38;
	[tilespmem:$0x1D380] =	vst v63  }
.LBB2_12:
0x7b: {  	s29 =	sadd.s32 $0x1, s29  }
0x7c: {  	p0 =	sne.s32 s29, $0x1F  }
.Ltmp5:
0x7d: {  	_ = 	snop;
	(pc) =	sbr.rel @!p0 .LBB2_13-.Ltmp5, $1  }
0x7e: {  	_ =	sdelay $0x3  }
.LBB2_6:
0x7f: {  	s31 =	sshll.u32 s29, $0x1  }
0x80: {  	s30 =	sshllo.u32 s29, $0x1;
	v8 =	vmov s31  }
0x81: {  	p0 =	sge.u32 s30, s5;
	v8 =	vand.u32 $0xFFFFFFFE, v8  }
0x82: {  	s0 =	sshll.u32 @!p0 s30, $0xE;
	s1 =	simm.s32 @!p0 $0x1000;
	v9 =	vbroadcast v8, $0x0  }
0x83: {  	s2 =	simm.s32 @!p0 $0x7A1400;
	s3 =	simm.s32 @!p0 $0x14280;
	s0 =	sadd.s32 @!p0 s0, s7  }
0x84: {  	[tilespmem:s3], [sflag:$0x2] =	stream.strided.gather @!p0 [hbm4b:s0+s1], $0x8000, s2, s1, $0x38;
	[tilespmem:$0x1D380] =	vst v63  }
0x85: {  	_ =	swait.ge [sflag:s22], $0x8000  }
0x86: {  	[sflag:s22] =	ssyncset.done $0x0  }
0x87: {  	[sflag:s22] =	ssyncadd.s32 $0xFFFF8000  }
0x88: {  	v8 =	vld.idx.msk [tilespmem:v9+s10+$0x0], $0xffff;
	_ =	sdelay $0x4  }
0x89: {  	(v2sf) =	vpush v8, $0x0;
	_ =	sdelay $0x7  }
0x8a: {  	v9 =	vld.idx.msk [tilespmem:v9+s23+$0x0], $0xffff;
	_ =	sdelay $0x4  }
0x8b: {  	(v2sf) =	vpush v9, $0x0;
	_ =	sdelay $0x1  }
0x8c: {  	s1 =	spop (v2sf)  }
0x8d: {  	s0 =	sadd.s32 $0xF, s1  }
0x8e: {  	s2 =	sand.u32 $0xF, s0  }
0x8f: {  	s3 =	sshra.s32 s0, $0x1F;
	p1 =	slt.s32 s0, $0x1;
	p2 =	sne.s32 s2, $0x0  }
0x90: {  	s3 =	sshrl.u32 s3, $0x1C;
	p1 =	por !p1, !p2  }
0x91: {  	s1 =	simm.s32 $0x1;
	s0 =	sadd.s32 s3, s0;
	p1 =	por !p1, !p1  }
0x92: {  	s0 =	sshra.s32 s0, $0x4;
	s1 =	simm.s32 @!p1 $0x0  }
0x93: {  	s2 =	ssub.s32 s0, s1  }
0x94: {  	p1 =	slt.s32 s2, $0x1  }
.Ltmp6:
0x95: {  	_ = 	snop;
	(pc) =	sbr.rel @p1 .LBB2_9-.Ltmp6, $2  }
0x96: {  	_ =	sdelay $0x2  }
0x97: {  	s0 =	spop (v2sf)  }
0x98: {  	s1 =	sshll.u32 s29, $0xF;
	s0 =	sshll.u32 s0, $0x2  }
0x99: {  	s1 =	sor.u32 s6, s1;
	s3 =	sshra.s32 s0, $0x2  }
0x9a: {  	v8 =	vbroadcast v8, $0x0;
	v9 =	vmov s1;
	s0 =	sadd.s32 $0x4000, s3;
	s1 =	sadd.s32 $0x8080, s3;
	s3 =	simm.s32 $0x0  }
.LBB2_8:
0x9b: {  	_ =	swait.ge [sflag:s24], $0x800  }
0x9c: {  	[sflag:s24] =	ssyncset.done $0x0  }
0x9d: {  	[sflag:s24] =	ssyncadd.s32 $0xFFFFF800  }
0x9e: {  	v10 =	vld [tilespmem:s0+$0x0];
	_ =	sdelay $0x3  }
0x9f: {  	v11 =	vor.u32 s3, v3  }
0xa0: {  	vm0 =	vlt.s32 v11, v8;
	v10 =	vsub.s32 v10, v9  }
0xa1: {  	v10 =	vnsel vm0, $0x0, v10  }
0xa2: {  	v11 =	vbroadcast v10, $0x0;
	_ =	sdelay $0x1  }
0xa3: {  	v12 =	vshll.u32 v11, $0x3  }
0xa4: {  	v13 =	vld [tilespmem:s1+$0x0];
	v11 =	vand.u32 $0x7F, v11;
	v12 =	vand.u32 $0xFFFFFC00, v12  }
0xa5: {  	v11 =	vor.u32 v11, v12  }
0xa6: {  	v12 =	vadd.s32 v4, v11;
	_ =	sdelay $0x2  }
0xa7: {  	v13 =	vsel vm0, v13, v1  }
0xa8: {  	[tilespmem:$0x1D280] =	vst v13  }
0xa9: {  	v12 =	vld.idx.msk [tilespmem:v12+s21+$0x0], $0xffff  }
0xaa: {  	v30 =	vadd.s32 v5, v11;
	_ =	sdelay $0x3  }
0xab: {  	[tilespmem:$0x1C280] =	vst v12  }
0xac: {  	v12 =	vld.idx.msk [tilespmem:v30+s21+$0x0], $0xffff  }
0xad: {  	v31 =	vadd.s32 v6, v11;
	_ =	sdelay $0x3  }
0xae: {  	[tilespmem:$0x1C290] =	vst v12  }
0xaf: {  	v12 =	vld.idx.msk [tilespmem:v31+s21+$0x0], $0xffff  }
0xb0: {  	v11 =	vadd.s32 v7, v11  }
0xb1: {  	v32 =	vbroadcast v10, $0x1;
	_ =	sdelay $0x1  }
0xb2: {  	v14 =	vshll.u32 v32, $0x3  }
0xb3: {  	v33 =	vand.u32 $0x7F, v32;
	v34 =	vand.u32 $0xFFFFFC00, v14;
	[tilespmem:$0x1C2A0] =	vst v12  }
0xb4: {  	v12 =	vor.u32 v33, v34;
	v11 =	vld.idx.msk [tilespmem:v11+s21+$0x0], $0xffff  }
0xb5: {  	v13 =	vadd.s32 v4, v12;
	_ =	sdelay $0x3  }
0xb6: {  	[tilespmem:$0x1C2B0] =	vst v11  }
0xb7: {  	v11 =	vld.idx.msk [tilespmem:v13+s21+$0x0], $0xffff  }
0xb8: {  	v35 =	vadd.s32 v5, v12;
	_ =	sdelay $0x3  }
0xb9: {  	[tilespmem:$0x1C300] =	vst v11  }
0xba: {  	v11 =	vld.idx.msk [tilespmem:v35+s21+$0x0], $0xffff  }
0xbb: {  	v36 =	vadd.s32 v6, v12;
	_ =	sdelay $0x3  }
0xbc: {  	[tilespmem:$0x1C310] =	vst v11  }
0xbd: {  	v11 =	vld.idx.msk [tilespmem:v36+s21+$0x0], $0xffff  }
0xbe: {  	v12 =	vadd.s32 v7, v12  }
0xbf: {  	v37 =	vbroadcast v10, $0x2;
	_ =	sdelay $0x1  }
0xc0: {  	v38 =	vshll.u32 v37, $0x3  }
0xc1: {  	v39 =	vand.u32 $0xFFFFFC00, v38;
	[tilespmem:$0x1C320] =	vst v11;
	v11 =	vand.u32 $0x7F, v37  }
0xc2: {  	v12 =	vld.idx.msk [tilespmem:v12+s21+$0x0], $0xffff;
	v11 =	vor.u32 v11, v39  }
0xc3: {  	v13 =	vadd.s32 v4, v11;
	_ =	sdelay $0x3  }
0xc4: {  	[tilespmem:$0x1C330] =	vst v12  }
0xc5: {  	v12 =	vld.idx.msk [tilespmem:v13+s21+$0x0], $0xffff  }
0xc6: {  	v40 =	vadd.s32 v5, v11;
	_ =	sdelay $0x3  }
0xc7: {  	[tilespmem:$0x1C380] =	vst v12  }
0xc8: {  	v12 =	vld.idx.msk [tilespmem:v40+s21+$0x0], $0xffff  }
0xc9: {  	v41 =	vadd.s32 v6, v11;
	_ =	sdelay $0x3  }
0xca: {  	[tilespmem:$0x1C390] =	vst v12  }
0xcb: {  	v12 =	vld.idx.msk [tilespmem:v41+s21+$0x0], $0xffff  }
0xcc: {  	v11 =	vadd.s32 v7, v11  }
0xcd: {  	v42 =	vbroadcast v10, $0x3;
	_ =	sdelay $0x1  }
0xce: {  	v43 =	vshll.u32 v42, $0x3  }
0xcf: {  	v44 =	vand.u32 $0x7F, v42;
	v45 =	vand.u32 $0xFFFFFC00, v43;
	[tilespmem:$0x1C3A0] =	vst v12  }
0xd0: {  	v12 =	vor.u32 v44, v45;
	v11 =	vld.idx.msk [tilespmem:v11+s21+$0x0], $0xffff  }
0xd1: {  	v13 =	vadd.s32 v4, v12;
	_ =	sdelay $0x3  }
0xd2: {  	[tilespmem:$0x1C3B0] =	vst v11  }
0xd3: {  	v11 =	vld.idx.msk [tilespmem:v13+s21+$0x0], $0xffff  }
0xd4: {  	v46 =	vadd.s32 v5, v12;
	_ =	sdelay $0x3  }
0xd5: {  	[tilespmem:$0x1C400] =	vst v11  }
0xd6: {  	v11 =	vld.idx.msk [tilespmem:v46+s21+$0x0], $0xffff  }
0xd7: {  	v47 =	vadd.s32 v6, v12;
	_ =	sdelay $0x3  }
0xd8: {  	[tilespmem:$0x1C410] =	vst v11  }
0xd9: {  	v11 =	vld.idx.msk [tilespmem:v47+s21+$0x0], $0xffff  }
0xda: {  	v12 =	vadd.s32 v7, v12  }
0xdb: {  	v48 =	vbroadcast v10, $0x4;
	_ =	sdelay $0x1  }
0xdc: {  	v49 =	vshll.u32 v48, $0x3  }
0xdd: {  	v50 =	vand.u32 $0xFFFFFC00, v49;
	[tilespmem:$0x1C420] =	vst v11;
	v11 =	vand.u32 $0x7F, v48  }
0xde: {  	v12 =	vld.idx.msk [tilespmem:v12+s21+$0x0], $0xffff;
	v11 =	vor.u32 v11, v50  }
0xdf: {  	v13 =	vadd.s32 v4, v11;
	_ =	sdelay $0x3  }
0xe0: {  	[tilespmem:$0x1C430] =	vst v12  }
0xe1: {  	v12 =	vld.idx.msk [tilespmem:v13+s21+$0x0], $0xffff  }
0xe2: {  	v51 =	vadd.s32 v5, v11;
	_ =	sdelay $0x3  }
0xe3: {  	[tilespmem:$0x1C480] =	vst v12  }
0xe4: {  	v12 =	vld.idx.msk [tilespmem:v51+s21+$0x0], $0xffff  }
0xe5: {  	v52 =	vadd.s32 v6, v11;
	_ =	sdelay $0x3  }
0xe6: {  	[tilespmem:$0x1C490] =	vst v12  }
0xe7: {  	v12 =	vld.idx.msk [tilespmem:v52+s21+$0x0], $0xffff  }
0xe8: {  	v11 =	vadd.s32 v7, v11  }
0xe9: {  	v53 =	vbroadcast v10, $0x5;
	_ =	sdelay $0x1  }
0xea: {  	v54 =	vshll.u32 v53, $0x3  }
0xeb: {  	v55 =	vand.u32 $0x7F, v53;
	v56 =	vand.u32 $0xFFFFFC00, v54;
	[tilespmem:$0x1C4A0] =	vst v12  }
0xec: {  	v12 =	vor.u32 v55, v56;
	v11 =	vld.idx.msk [tilespmem:v11+s21+$0x0], $0xffff  }
0xed: {  	v13 =	vadd.s32 v4, v12;
	_ =	sdelay $0x3  }
0xee: {  	[tilespmem:$0x1C4B0] =	vst v11  }
0xef: {  	v11 =	vld.idx.msk [tilespmem:v13+s21+$0x0], $0xffff  }
0xf0: {  	v57 =	vadd.s32 v5, v12;
	_ =	sdelay $0x3  }
0xf1: {  	[tilespmem:$0x1C500] =	vst v11  }
0xf2: {  	v11 =	vld.idx.msk [tilespmem:v57+s21+$0x0], $0xffff  }
0xf3: {  	v58 =	vadd.s32 v6, v12;
	_ =	sdelay $0x3  }
0xf4: {  	[tilespmem:$0x1C510] =	vst v11  }
0xf5: {  	v11 =	vld.idx.msk [tilespmem:v58+s21+$0x0], $0xffff  }
0xf6: {  	v12 =	vadd.s32 v7, v12  }
0xf7: {  	v59 =	vbroadcast v10, $0x6;
	_ =	sdelay $0x1  }
0xf8: {  	v60 =	vshll.u32 v59, $0x3  }
0xf9: {  	v61 =	vand.u32 $0xFFFFFC00, v60;
	[tilespmem:$0x1C520] =	vst v11;
	v11 =	vand.u32 $0x7F, v59  }
0xfa: {  	v12 =	vld.idx.msk [tilespmem:v12+s21+$0x0], $0xffff;
	v11 =	vor.u32 v11, v61  }
0xfb: {  	v13 =	vadd.s32 v4, v11;
	_ =	sdelay $0x3  }
0xfc: {  	[tilespmem:$0x1C530] =	vst v12  }
0xfd: {  	v12 =	vld.idx.msk [tilespmem:v13+s21+$0x0], $0xffff  }
0xfe: {  	v62 =	vadd.s32 v5, v11;
	_ =	sdelay $0x3  }
0xff: {  	[tilespmem:$0x1C580] =	vst v12  }
0x100: {  	v12 =	vld.idx.msk [tilespmem:v62+s21+$0x0], $0xffff  }
0x101: {  	v63 =	vadd.s32 v6, v11;
	_ =	sdelay $0x3  }
0x102: {  	[tilespmem:$0x1C590] =	vst v12  }
0x103: {  	v12 =	vld.idx.msk [tilespmem:v63+s21+$0x0], $0xffff  }
0x104: {  	v11 =	vadd.s32 v7, v11  }
0x105: {  	v16 =	vbroadcast v10, $0x7;
	_ =	sdelay $0x1  }
0x106: {  	v17 =	vshll.u32 v16, $0x3  }
0x107: {  	v18 =	vand.u32 $0x7F, v16;
	v19 =	vand.u32 $0xFFFFFC00, v17;
	[tilespmem:$0x1C5A0] =	vst v12  }
0x108: {  	v12 =	vor.u32 v18, v19;
	v11 =	vld.idx.msk [tilespmem:v11+s21+$0x0], $0xffff  }
0x109: {  	v13 =	vadd.s32 v4, v12;
	_ =	sdelay $0x3  }
0x10a: {  	[tilespmem:$0x1C5B0] =	vst v11  }
0x10b: {  	v11 =	vld.idx.msk [tilespmem:v13+s21+$0x0], $0xffff  }
0x10c: {  	v20 =	vadd.s32 v5, v12;
	_ =	sdelay $0x3  }
0x10d: {  	[tilespmem:$0x1C600] =	vst v11  }
0x10e: {  	v11 =	vld.idx.msk [tilespmem:v20+s21+$0x0], $0xffff  }
0x10f: {  	v21 =	vadd.s32 v6, v12;
	_ =	sdelay $0x3  }
0x110: {  	[tilespmem:$0x1C610] =	vst v11  }
0x111: {  	v11 =	vld.idx.msk [tilespmem:v21+s21+$0x0], $0xffff  }
0x112: {  	v12 =	vadd.s32 v7, v12  }
0x113: {  	v22 =	vbroadcast v10, $0x8;
	_ =	sdelay $0x1  }
0x114: {  	v23 =	vshll.u32 v22, $0x3  }
0x115: {  	v24 =	vand.u32 $0xFFFFFC00, v23;
	[tilespmem:$0x1C620] =	vst v11;
	v11 =	vand.u32 $0x7F, v22  }
0x116: {  	v12 =	vld.idx.msk [tilespmem:v12+s21+$0x0], $0xffff;
	v11 =	vor.u32 v11, v24  }
0x117: {  	v13 =	vadd.s32 v4, v11;
	_ =	sdelay $0x3  }
0x118: {  	[tilespmem:$0x1C630] =	vst v12  }
0x119: {  	v12 =	vld.idx.msk [tilespmem:v13+s21+$0x0], $0xffff  }
0x11a: {  	v25 =	vadd.s32 v5, v11;
	_ =	sdelay $0x3  }
0x11b: {  	[tilespmem:$0x1C680] =	vst v12  }
0x11c: {  	v12 =	vld.idx.msk [tilespmem:v25+s21+$0x0], $0xffff  }
0x11d: {  	v26 =	vadd.s32 v6, v11;
	_ =	sdelay $0x3  }
0x11e: {  	[tilespmem:$0x1C690] =	vst v12  }
0x11f: {  	v12 =	vld.idx.msk [tilespmem:v26+s21+$0x0], $0xffff  }
0x120: {  	v11 =	vadd.s32 v7, v11  }
0x121: {  	v27 =	vbroadcast v10, $0x9;
	_ =	sdelay $0x1  }
0x122: {  	v28 =	vshll.u32 v27, $0x3  }
0x123: {  	v29 =	vand.u32 $0x7F, v27;
	v30 =	vand.u32 $0xFFFFFC00, v28;
	[tilespmem:$0x1C6A0] =	vst v12  }
0x124: {  	v12 =	vor.u32 v29, v30;
	v11 =	vld.idx.msk [tilespmem:v11+s21+$0x0], $0xffff  }
0x125: {  	v13 =	vadd.s32 v4, v12;
	_ =	sdelay $0x3  }
0x126: {  	[tilespmem:$0x1C6B0] =	vst v11  }
0x127: {  	v11 =	vld.idx.msk [tilespmem:v13+s21+$0x0], $0xffff  }
0x128: {  	v31 =	vadd.s32 v5, v12;
	_ =	sdelay $0x3  }
0x129: {  	[tilespmem:$0x1C700] =	vst v11  }
0x12a: {  	v11 =	vld.idx.msk [tilespmem:v31+s21+$0x0], $0xffff  }
0x12b: {  	v32 =	vadd.s32 v6, v12;
	_ =	sdelay $0x3  }
0x12c: {  	[tilespmem:$0x1C710] =	vst v11  }
0x12d: {  	v11 =	vld.idx.msk [tilespmem:v32+s21+$0x0], $0xffff  }
0x12e: {  	v12 =	vadd.s32 v7, v12  }
0x12f: {  	v33 =	vbroadcast v10, $0xA;
	_ =	sdelay $0x1  }
0x130: {  	v34 =	vshll.u32 v33, $0x3  }
0x131: {  	v35 =	vand.u32 $0xFFFFFC00, v34;
	[tilespmem:$0x1C720] =	vst v11;
	v11 =	vand.u32 $0x7F, v33  }
0x132: {  	v12 =	vld.idx.msk [tilespmem:v12+s21+$0x0], $0xffff;
	v11 =	vor.u32 v11, v35  }
0x133: {  	v13 =	vadd.s32 v4, v11;
	_ =	sdelay $0x3  }
0x134: {  	[tilespmem:$0x1C730] =	vst v12  }
0x135: {  	v12 =	vld.idx.msk [tilespmem:v13+s21+$0x0], $0xffff  }
0x136: {  	v36 =	vadd.s32 v5, v11;
	_ =	sdelay $0x3  }
0x137: {  	[tilespmem:$0x1C780] =	vst v12  }
0x138: {  	v12 =	vld.idx.msk [tilespmem:v36+s21+$0x0], $0xffff  }
0x139: {  	v37 =	vadd.s32 v6, v11;
	_ =	sdelay $0x3  }
0x13a: {  	[tilespmem:$0x1C790] =	vst v12  }
0x13b: {  	v12 =	vld.idx.msk [tilespmem:v37+s21+$0x0], $0xffff  }
0x13c: {  	v11 =	vadd.s32 v7, v11  }
0x13d: {  	v38 =	vbroadcast v10, $0xB;
	_ =	sdelay $0x1  }
0x13e: {  	v39 =	vshll.u32 v38, $0x3  }
0x13f: {  	v40 =	vand.u32 $0x7F, v38;
	v41 =	vand.u32 $0xFFFFFC00, v39;
	[tilespmem:$0x1C7A0] =	vst v12  }
0x140: {  	v12 =	vor.u32 v40, v41;
	v11 =	vld.idx.msk [tilespmem:v11+s21+$0x0], $0xffff  }
0x141: {  	v13 =	vadd.s32 v4, v12;
	_ =	sdelay $0x3  }
0x142: {  	[tilespmem:$0x1C7B0] =	vst v11  }
0x143: {  	v11 =	vld.idx.msk [tilespmem:v13+s21+$0x0], $0xffff  }
0x144: {  	v42 =	vadd.s32 v5, v12;
	_ =	sdelay $0x3  }
0x145: {  	[tilespmem:$0x1C800] =	vst v11  }
0x146: {  	v11 =	vld.idx.msk [tilespmem:v42+s21+$0x0], $0xffff  }
0x147: {  	v43 =	vadd.s32 v6, v12;
	_ =	sdelay $0x3  }
0x148: {  	[tilespmem:$0x1C810] =	vst v11  }
0x149: {  	v11 =	vld.idx.msk [tilespmem:v43+s21+$0x0], $0xffff  }
0x14a: {  	v12 =	vadd.s32 v7, v12  }
0x14b: {  	v44 =	vbroadcast v10, $0xC;
	_ =	sdelay $0x1  }
0x14c: {  	v45 =	vshll.u32 v44, $0x3  }
0x14d: {  	v46 =	vand.u32 $0xFFFFFC00, v45;
	[tilespmem:$0x1C820] =	vst v11;
	v11 =	vand.u32 $0x7F, v44  }
0x14e: {  	v12 =	vld.idx.msk [tilespmem:v12+s21+$0x0], $0xffff;
	v11 =	vor.u32 v11, v46  }
0x14f: {  	v13 =	vadd.s32 v4, v11;
	_ =	sdelay $0x3  }
0x150: {  	[tilespmem:$0x1C830] =	vst v12  }
0x151: {  	v12 =	vld.idx.msk [tilespmem:v13+s21+$0x0], $0xffff  }
0x152: {  	v47 =	vadd.s32 v5, v11;
	_ =	sdelay $0x3  }
0x153: {  	[tilespmem:$0x1C880] =	vst v12  }
0x154: {  	v12 =	vld.idx.msk [tilespmem:v47+s21+$0x0], $0xffff  }
0x155: {  	v48 =	vadd.s32 v6, v11;
	_ =	sdelay $0x3  }
0x156: {  	[tilespmem:$0x1C890] =	vst v12  }
0x157: {  	v12 =	vld.idx.msk [tilespmem:v48+s21+$0x0], $0xffff  }
0x158: {  	v11 =	vadd.s32 v7, v11  }
0x159: {  	v49 =	vbroadcast v10, $0xD;
	_ =	sdelay $0x1  }
0x15a: {  	v50 =	vshll.u32 v49, $0x3  }
0x15b: {  	v51 =	vand.u32 $0x7F, v49;
	v52 =	vand.u32 $0xFFFFFC00, v50;
	[tilespmem:$0x1C8A0] =	vst v12  }
0x15c: {  	v12 =	vor.u32 v51, v52;
	v11 =	vld.idx.msk [tilespmem:v11+s21+$0x0], $0xffff  }
0x15d: {  	v13 =	vadd.s32 v4, v12;
	_ =	sdelay $0x3  }
0x15e: {  	[tilespmem:$0x1C8B0] =	vst v11  }
0x15f: {  	v11 =	vld.idx.msk [tilespmem:v13+s21+$0x0], $0xffff  }
0x160: {  	v53 =	vadd.s32 v5, v12;
	_ =	sdelay $0x3  }
0x161: {  	[tilespmem:$0x1C900] =	vst v11  }
0x162: {  	v11 =	vld.idx.msk [tilespmem:v53+s21+$0x0], $0xffff  }
0x163: {  	v54 =	vadd.s32 v6, v12;
	_ =	sdelay $0x3  }
0x164: {  	[tilespmem:$0x1C910] =	vst v11  }
0x165: {  	v11 =	vld.idx.msk [tilespmem:v54+s21+$0x0], $0xffff  }
0x166: {  	v12 =	vadd.s32 v7, v12  }
0x167: {  	v55 =	vbroadcast v10, $0xE;
	_ =	sdelay $0x1  }
0x168: {  	v56 =	vshll.u32 v55, $0x3  }
0x169: {  	v57 =	vand.u32 $0xFFFFFC00, v56;
	[tilespmem:$0x1C920] =	vst v11;
	v11 =	vand.u32 $0x7F, v55  }
0x16a: {  	v12 =	vld.idx.msk [tilespmem:v12+s21+$0x0], $0xffff;
	v11 =	vor.u32 v11, v57  }
0x16b: {  	v13 =	vadd.s32 v4, v11;
	_ =	sdelay $0x3  }
0x16c: {  	[tilespmem:$0x1C930] =	vst v12  }
0x16d: {  	v12 =	vld.idx.msk [tilespmem:v13+s21+$0x0], $0xffff  }
0x16e: {  	v58 =	vadd.s32 v5, v11;
	_ =	sdelay $0x3  }
0x16f: {  	[tilespmem:$0x1C980] =	vst v12  }
0x170: {  	v12 =	vld.idx.msk [tilespmem:v58+s21+$0x0], $0xffff  }
0x171: {  	v59 =	vadd.s32 v6, v11;
	_ =	sdelay $0x3  }
0x172: {  	[tilespmem:$0x1C990] =	vst v12  }
0x173: {  	v12 =	vld.idx.msk [tilespmem:v59+s21+$0x0], $0xffff  }
0x174: {  	v11 =	vadd.s32 v7, v11  }
0x175: {  	v10 =	vbroadcast v10, $0xF;
	_ =	sdelay $0x1  }
0x176: {  	v60 =	vshll.u32 v10, $0x3  }
0x177: {  	v10 =	vand.u32 $0x7F, v10;
	v61 =	vand.u32 $0xFFFFFC00, v60;
	[tilespmem:$0x1C9A0] =	vst v12  }
0x178: {  	v10 =	vor.u32 v10, v61;
	v11 =	vld.idx.msk [tilespmem:v11+s21+$0x0], $0xffff  }
0x179: {  	v12 =	vadd.s32 v4, v10;
	_ =	sdelay $0x3  }
0x17a: {  	[tilespmem:$0x1C9B0] =	vst v11  }
0x17b: {  	v11 =	vld.idx.msk [tilespmem:v12+s21+$0x0], $0xffff  }
0x17c: {  	v62 =	vadd.s32 v5, v10;
	_ =	sdelay $0x3  }
0x17d: {  	[tilespmem:$0x1CA00] =	vst v11  }
0x17e: {  	v11 =	vld.idx.msk [tilespmem:v62+s21+$0x0], $0xffff  }
0x17f: {  	v63 =	vadd.s32 v6, v10;
	_ =	sdelay $0x3  }
0x180: {  	[tilespmem:$0x1CA10] =	vst v11  }
0x181: {  	v11 =	vld.idx.msk [tilespmem:v63+s21+$0x0], $0xffff  }
0x182: {  	v10 =	vadd.s32 v7, v10;
	_ =	sdelay $0x3  }
0x183: {  	[tilespmem:$0x1CA20] =	vst v11  }
0x184: {  	v10 =	vld.idx.msk [tilespmem:v10+s21+$0x0], $0xffff  }
0x185: {  	p1 =	sne.s32 s2, $0x1  }
.Ltmp7:
0x186: {  	_ = 	snop;
	(pc) =	sbr.rel @p1 .LBB2_8-.Ltmp7, $4  }
0x187: {  	_ = 	snop  }
0x188: {  	s3 =	sadd.s32 $0x10, s3  }
0x189: {  	s2 =	sadd.s32 $0xFFFFFFFF, s2;
	s0 =	sadd.s32 $0x10, s0;
	s1 =	sadd.s32 $0x10, s1;
	[tilespmem:$0x1CA30] =	vst v10  }
0x18a: {  	[hbm4b:s4+s19] =	stream.indirect.scatter [tilespmem:s15], [sflag:$0x3], $0x80, s14, s19, $0xb8;
	[tilespmem:$0x1D380] =	vst v63  }
.LBB2_9:
0x18b: {  	s0 =	sadd.s32 $0x2, s31  }
0x18c: {  	p1 =	sge.u32 s0, s5  }
0x18d: {  	s0 =	sshll.u32 @!p1 s0, $0xE;
	s1 =	simm.s32 @!p1 $0x1000  }
0x18e: {  	s2 =	simm.s32 @!p1 $0x7A1400;
	s3 =	simm.s32 @!p1 $0xC280;
	s0 =	sadd.s32 @!p1 s0, s7  }
0x18f: {  	v9 =	vmov @!p0 s30;
	[tilespmem:s3], [sflag:$0x1] =	stream.strided.gather @!p1 [hbm4b:s0+s1], $0x8000, s2, s1, $0x38;
	[tilespmem:$0x1D380] =	vst v63  }
0x190: {  	s0 =	simm.s32 @!p0 $0x2  }
0x191: {  	_ =	swait.ge @!p0 [sflag:s0], $0x8000  }
0x192: {  	[sflag:s0] =	ssyncset.done @!p0 $0x0  }
0x193: {  	[sflag:s0] =	ssyncadd.s32 @!p0 $0xFFFF8000;
	s0 =	simm.s32 @!p0 $0xC100  }
0x194: {  	v8 =	vld.idx.msk @!p0 [tilespmem:v9+s0+$0x0], $0xffff;
	_ =	sdelay $0x4  }
0x195: {  	(v2sf) =	vpush @!p0 v8, $0x0;
	_ =	sdelay $0x8  }
0x196: {  	s0 =	simm.s32 @!p0 $0xC180  }
0x197: {  	v9 =	vld.idx.msk @!p0 [tilespmem:v9+s0+$0x0], $0xffff;
	_ =	sdelay $0x4  }
0x198: {  	(v2sf) =	vpush @!p0 v9, $0x0;
	s0 =	spop @!p0 (v2sf)  }
0x199: {  	s0 =	sadd.s32 @!p0 $0xF, s0  }
0x19a: {  	s1 =	sand.u32 @!p0 $0xF, s0  }
0x19b: {  	p1 =	slt.s32 @!p0 s0, $0x1;
	p2 =	sne.s32 @!p0 s1, $0x0  }
0x19c: {  	s1 =	sshra.s32 @!p0 s0, $0x1F;
	p1 =	por @!p0 !p1, !p2  }
0x19d: {  	s1 =	sshrl.u32 @!p0 s1, $0x1C;
	p1 =	por @!p0 !p1, !p1  }
0x19e: {  	s0 =	sadd.s32 @!p0 s1, s0;
	s1 =	simm.s32 @!p0 $0x1;
	p1 =	por !p1, p0  }
0x19f: {  	s0 =	sshra.s32 @!p0 s0, $0x4;
	s1 =	simm.s32 @p1 $0x0  }
0x1a0: {  	s31 =	ssub.s32 @!p0 s0, s1  }
0x1a1: {  	p1 =	slt.s32 @!p0 s31, $0x1  }
0x1a2: {  	p1 =	por p0, p1  }
.Ltmp8:
0x1a3: {  	_ = 	snop;
	(pc) =	sbr.rel @p1 .LBB2_12-.Ltmp8, $2  }
0x1a4: {  	_ =	sdelay $0x2  }
0x1a5: {  	s0 =	spop @!p0 (v2sf)  }
0x1a6: {  	s1 =	sshll.u32 s30, $0xE;
	s0 =	sshll.u32 s0, $0x2  }
0x1a7: {  	s1 =	sor.u32 s6, s1;
	s2 =	sshra.s32 s0, $0x2  }
0x1a8: {  	v8 =	vbroadcast v8, $0x0;
	v9 =	vmov s1;
	s0 =	sadd.s32 $0x4000, s2;
	s1 =	sadd.s32 $0x8080, s2;
	s2 =	simm.s32 $0x0  }
.LBB2_11:
0x1a9: {  	_ =	swait.ge [sflag:s25], $0x800  }
0x1aa: {  	[sflag:s25] =	ssyncset.done $0x0  }
0x1ab: {  	[sflag:s25] =	ssyncadd.s32 $0xFFFFF800  }
0x1ac: {  	v10 =	vld [tilespmem:s0+$0x0];
	_ =	sdelay $0x3  }
0x1ad: {  	v11 =	vor.u32 s2, v3  }
0x1ae: {  	vm0 =	vlt.s32 v11, v8;
	v10 =	vsub.s32 v10, v9  }
0x1af: {  	v10 =	vnsel vm0, $0x0, v10  }
0x1b0: {  	v11 =	vbroadcast v10, $0x0;
	_ =	sdelay $0x1  }
0x1b1: {  	v12 =	vshll.u32 v11, $0x3  }
0x1b2: {  	v13 =	vld [tilespmem:s1+$0x0];
	v11 =	vand.u32 $0x7F, v11;
	v12 =	vand.u32 $0xFFFFFC00, v12  }
0x1b3: {  	v11 =	vor.u32 v11, v12  }
0x1b4: {  	v12 =	vadd.s32 v4, v11;
	_ =	sdelay $0x2  }
0x1b5: {  	v13 =	vsel vm0, v13, v1  }
0x1b6: {  	[tilespmem:$0x1D300] =	vst v13  }
0x1b7: {  	v12 =	vld.idx.msk [tilespmem:v12+s26+$0x0], $0xffff  }
0x1b8: {  	v30 =	vadd.s32 v5, v11;
	_ =	sdelay $0x3  }
0x1b9: {  	[tilespmem:$0x1CA80] =	vst v12  }
0x1ba: {  	v12 =	vld.idx.msk [tilespmem:v30+s26+$0x0], $0xffff  }
0x1bb: {  	v31 =	vadd.s32 v6, v11;
	_ =	sdelay $0x3  }
0x1bc: {  	[tilespmem:$0x1CA90] =	vst v12  }
0x1bd: {  	v12 =	vld.idx.msk [tilespmem:v31+s26+$0x0], $0xffff  }
0x1be: {  	v11 =	vadd.s32 v7, v11  }
0x1bf: {  	v32 =	vbroadcast v10, $0x1;
	_ =	sdelay $0x1  }
0x1c0: {  	v14 =	vshll.u32 v32, $0x3  }
0x1c1: {  	v33 =	vand.u32 $0x7F, v32;
	v34 =	vand.u32 $0xFFFFFC00, v14;
	[tilespmem:$0x1CAA0] =	vst v12  }
0x1c2: {  	v12 =	vor.u32 v33, v34;
	v11 =	vld.idx.msk [tilespmem:v11+s26+$0x0], $0xffff  }
0x1c3: {  	v13 =	vadd.s32 v4, v12;
	_ =	sdelay $0x3  }
0x1c4: {  	[tilespmem:$0x1CAB0] =	vst v11  }
0x1c5: {  	v11 =	vld.idx.msk [tilespmem:v13+s26+$0x0], $0xffff  }
0x1c6: {  	v35 =	vadd.s32 v5, v12;
	_ =	sdelay $0x3  }
0x1c7: {  	[tilespmem:$0x1CB00] =	vst v11  }
0x1c8: {  	v11 =	vld.idx.msk [tilespmem:v35+s26+$0x0], $0xffff  }
0x1c9: {  	v36 =	vadd.s32 v6, v12;
	_ =	sdelay $0x3  }
0x1ca: {  	[tilespmem:$0x1CB10] =	vst v11  }
0x1cb: {  	v11 =	vld.idx.msk [tilespmem:v36+s26+$0x0], $0xffff  }
0x1cc: {  	v12 =	vadd.s32 v7, v12  }
0x1cd: {  	v37 =	vbroadcast v10, $0x2;
	_ =	sdelay $0x1  }
0x1ce: {  	v38 =	vshll.u32 v37, $0x3  }
0x1cf: {  	v39 =	vand.u32 $0xFFFFFC00, v38;
	[tilespmem:$0x1CB20] =	vst v11;
	v11 =	vand.u32 $0x7F, v37  }
0x1d0: {  	v12 =	vld.idx.msk [tilespmem:v12+s26+$0x0], $0xffff;
	v11 =	vor.u32 v11, v39  }
0x1d1: {  	v13 =	vadd.s32 v4, v11;
	_ =	sdelay $0x3  }
0x1d2: {  	[tilespmem:$0x1CB30] =	vst v12  }
0x1d3: {  	v12 =	vld.idx.msk [tilespmem:v13+s26+$0x0], $0xffff  }
0x1d4: {  	v40 =	vadd.s32 v5, v11;
	_ =	sdelay $0x3  }
0x1d5: {  	[tilespmem:$0x1CB80] =	vst v12  }
0x1d6: {  	v12 =	vld.idx.msk [tilespmem:v40+s26+$0x0], $0xffff  }
0x1d7: {  	v41 =	vadd.s32 v6, v11;
	_ =	sdelay $0x3  }
0x1d8: {  	[tilespmem:$0x1CB90] =	vst v12  }
0x1d9: {  	v12 =	vld.idx.msk [tilespmem:v41+s26+$0x0], $0xffff  }
0x1da: {  	v11 =	vadd.s32 v7, v11  }
0x1db: {  	v42 =	vbroadcast v10, $0x3;
	_ =	sdelay $0x1  }
0x1dc: {  	v43 =	vshll.u32 v42, $0x3  }
0x1dd: {  	v44 =	vand.u32 $0x7F, v42;
	v45 =	vand.u32 $0xFFFFFC00, v43;
	[tilespmem:$0x1CBA0] =	vst v12  }
0x1de: {  	v12 =	vor.u32 v44, v45;
	v11 =	vld.idx.msk [tilespmem:v11+s26+$0x0], $0xffff  }
0x1df: {  	v13 =	vadd.s32 v4, v12;
	_ =	sdelay $0x3  }
0x1e0: {  	[tilespmem:$0x1CBB0] =	vst v11  }
0x1e1: {  	v11 =	vld.idx.msk [tilespmem:v13+s26+$0x0], $0xffff  }
0x1e2: {  	v46 =	vadd.s32 v5, v12;
	_ =	sdelay $0x3  }
0x1e3: {  	[tilespmem:$0x1CC00] =	vst v11  }
0x1e4: {  	v11 =	vld.idx.msk [tilespmem:v46+s26+$0x0], $0xffff  }
0x1e5: {  	v47 =	vadd.s32 v6, v12;
	_ =	sdelay $0x3  }
0x1e6: {  	[tilespmem:$0x1CC10] =	vst v11  }
0x1e7: {  	v11 =	vld.idx.msk [tilespmem:v47+s26+$0x0], $0xffff  }
0x1e8: {  	v12 =	vadd.s32 v7, v12  }
0x1e9: {  	v48 =	vbroadcast v10, $0x4;
	_ =	sdelay $0x1  }
0x1ea: {  	v49 =	vshll.u32 v48, $0x3  }
0x1eb: {  	v50 =	vand.u32 $0xFFFFFC00, v49;
	[tilespmem:$0x1CC20] =	vst v11;
	v11 =	vand.u32 $0x7F, v48  }
0x1ec: {  	v12 =	vld.idx.msk [tilespmem:v12+s26+$0x0], $0xffff;
	v11 =	vor.u32 v11, v50  }
0x1ed: {  	v13 =	vadd.s32 v4, v11;
	_ =	sdelay $0x3  }
0x1ee: {  	[tilespmem:$0x1CC30] =	vst v12  }
0x1ef: {  	v12 =	vld.idx.msk [tilespmem:v13+s26+$0x0], $0xffff  }
0x1f0: {  	v51 =	vadd.s32 v5, v11;
	_ =	sdelay $0x3  }
0x1f1: {  	[tilespmem:$0x1CC80] =	vst v12  }
0x1f2: {  	v12 =	vld.idx.msk [tilespmem:v51+s26+$0x0], $0xffff  }
0x1f3: {  	v52 =	vadd.s32 v6, v11;
	_ =	sdelay $0x3  }
0x1f4: {  	[tilespmem:$0x1CC90] =	vst v12  }
0x1f5: {  	v12 =	vld.idx.msk [tilespmem:v52+s26+$0x0], $0xffff  }
0x1f6: {  	v11 =	vadd.s32 v7, v11  }
0x1f7: {  	v53 =	vbroadcast v10, $0x5;
	_ =	sdelay $0x1  }
0x1f8: {  	v54 =	vshll.u32 v53, $0x3  }
0x1f9: {  	v55 =	vand.u32 $0x7F, v53;
	v56 =	vand.u32 $0xFFFFFC00, v54;
	[tilespmem:$0x1CCA0] =	vst v12  }
0x1fa: {  	v12 =	vor.u32 v55, v56;
	v11 =	vld.idx.msk [tilespmem:v11+s26+$0x0], $0xffff  }
0x1fb: {  	v13 =	vadd.s32 v4, v12;
	_ =	sdelay $0x3  }
0x1fc: {  	[tilespmem:$0x1CCB0] =	vst v11  }
0x1fd: {  	v11 =	vld.idx.msk [tilespmem:v13+s26+$0x0], $0xffff  }
0x1fe: {  	v57 =	vadd.s32 v5, v12;
	_ =	sdelay $0x3  }
0x1ff: {  	[tilespmem:$0x1CD00] =	vst v11  }
0x200: {  	v11 =	vld.idx.msk [tilespmem:v57+s26+$0x0], $0xffff  }
0x201: {  	v58 =	vadd.s32 v6, v12;
	_ =	sdelay $0x3  }
0x202: {  	[tilespmem:$0x1CD10] =	vst v11  }
0x203: {  	v11 =	vld.idx.msk [tilespmem:v58+s26+$0x0], $0xffff  }
0x204: {  	v12 =	vadd.s32 v7, v12  }
0x205: {  	v59 =	vbroadcast v10, $0x6;
	_ =	sdelay $0x1  }
0x206: {  	v60 =	vshll.u32 v59, $0x3  }
0x207: {  	v61 =	vand.u32 $0xFFFFFC00, v60;
	[tilespmem:$0x1CD20] =	vst v11;
	v11 =	vand.u32 $0x7F, v59  }
0x208: {  	v12 =	vld.idx.msk [tilespmem:v12+s26+$0x0], $0xffff;
	v11 =	vor.u32 v11, v61  }
0x209: {  	v13 =	vadd.s32 v4, v11;
	_ =	sdelay $0x3  }
0x20a: {  	[tilespmem:$0x1CD30] =	vst v12  }
0x20b: {  	v12 =	vld.idx.msk [tilespmem:v13+s26+$0x0], $0xffff  }
0x20c: {  	v62 =	vadd.s32 v5, v11;
	_ =	sdelay $0x3  }
0x20d: {  	[tilespmem:$0x1CD80] =	vst v12  }
0x20e: {  	v12 =	vld.idx.msk [tilespmem:v62+s26+$0x0], $0xffff  }
0x20f: {  	v63 =	vadd.s32 v6, v11;
	_ =	sdelay $0x3  }
0x210: {  	[tilespmem:$0x1CD90] =	vst v12  }
0x211: {  	v12 =	vld.idx.msk [tilespmem:v63+s26+$0x0], $0xffff  }
0x212: {  	v11 =	vadd.s32 v7, v11  }
0x213: {  	v16 =	vbroadcast v10, $0x7;
	_ =	sdelay $0x1  }
0x214: {  	v17 =	vshll.u32 v16, $0x3  }
0x215: {  	v18 =	vand.u32 $0x7F, v16;
	v19 =	vand.u32 $0xFFFFFC00, v17;
	[tilespmem:$0x1CDA0] =	vst v12  }
0x216: {  	v12 =	vor.u32 v18, v19;
	v11 =	vld.idx.msk [tilespmem:v11+s26+$0x0], $0xffff  }
0x217: {  	v13 =	vadd.s32 v4, v12;
	_ =	sdelay $0x3  }
0x218: {  	[tilespmem:$0x1CDB0] =	vst v11  }
0x219: {  	v11 =	vld.idx.msk [tilespmem:v13+s26+$0x0], $0xffff  }
0x21a: {  	v20 =	vadd.s32 v5, v12;
	_ =	sdelay $0x3  }
0x21b: {  	[tilespmem:$0x1CE00] =	vst v11  }
0x21c: {  	v11 =	vld.idx.msk [tilespmem:v20+s26+$0x0], $0xffff  }
0x21d: {  	v21 =	vadd.s32 v6, v12;
	_ =	sdelay $0x3  }
0x21e: {  	[tilespmem:$0x1CE10] =	vst v11  }
0x21f: {  	v11 =	vld.idx.msk [tilespmem:v21+s26+$0x0], $0xffff  }
0x220: {  	v12 =	vadd.s32 v7, v12  }
0x221: {  	v22 =	vbroadcast v10, $0x8;
	_ =	sdelay $0x1  }
0x222: {  	v23 =	vshll.u32 v22, $0x3  }
0x223: {  	v24 =	vand.u32 $0xFFFFFC00, v23;
	[tilespmem:$0x1CE20] =	vst v11;
	v11 =	vand.u32 $0x7F, v22  }
0x224: {  	v12 =	vld.idx.msk [tilespmem:v12+s26+$0x0], $0xffff;
	v11 =	vor.u32 v11, v24  }
0x225: {  	v13 =	vadd.s32 v4, v11;
	_ =	sdelay $0x3  }
0x226: {  	[tilespmem:$0x1CE30] =	vst v12  }
0x227: {  	v12 =	vld.idx.msk [tilespmem:v13+s26+$0x0], $0xffff  }
0x228: {  	v25 =	vadd.s32 v5, v11;
	_ =	sdelay $0x3  }
0x229: {  	[tilespmem:$0x1CE80] =	vst v12  }
0x22a: {  	v12 =	vld.idx.msk [tilespmem:v25+s26+$0x0], $0xffff  }
0x22b: {  	v26 =	vadd.s32 v6, v11;
	_ =	sdelay $0x3  }
0x22c: {  	[tilespmem:$0x1CE90] =	vst v12  }
0x22d: {  	v12 =	vld.idx.msk [tilespmem:v26+s26+$0x0], $0xffff  }
0x22e: {  	v11 =	vadd.s32 v7, v11  }
0x22f: {  	v27 =	vbroadcast v10, $0x9;
	_ =	sdelay $0x1  }
0x230: {  	v28 =	vshll.u32 v27, $0x3  }
0x231: {  	v29 =	vand.u32 $0x7F, v27;
	v30 =	vand.u32 $0xFFFFFC00, v28;
	[tilespmem:$0x1CEA0] =	vst v12  }
0x232: {  	v12 =	vor.u32 v29, v30;
	v11 =	vld.idx.msk [tilespmem:v11+s26+$0x0], $0xffff  }
0x233: {  	v13 =	vadd.s32 v4, v12;
	_ =	sdelay $0x3  }
0x234: {  	[tilespmem:$0x1CEB0] =	vst v11  }
0x235: {  	v11 =	vld.idx.msk [tilespmem:v13+s26+$0x0], $0xffff  }
0x236: {  	v31 =	vadd.s32 v5, v12;
	_ =	sdelay $0x3  }
0x237: {  	[tilespmem:$0x1CF00] =	vst v11  }
0x238: {  	v11 =	vld.idx.msk [tilespmem:v31+s26+$0x0], $0xffff  }
0x239: {  	v32 =	vadd.s32 v6, v12;
	_ =	sdelay $0x3  }
0x23a: {  	[tilespmem:$0x1CF10] =	vst v11  }
0x23b: {  	v11 =	vld.idx.msk [tilespmem:v32+s26+$0x0], $0xffff  }
0x23c: {  	v12 =	vadd.s32 v7, v12  }
0x23d: {  	v33 =	vbroadcast v10, $0xA;
	_ =	sdelay $0x1  }
0x23e: {  	v34 =	vshll.u32 v33, $0x3  }
0x23f: {  	v35 =	vand.u32 $0xFFFFFC00, v34;
	[tilespmem:$0x1CF20] =	vst v11;
	v11 =	vand.u32 $0x7F, v33  }
0x240: {  	v12 =	vld.idx.msk [tilespmem:v12+s26+$0x0], $0xffff;
	v11 =	vor.u32 v11, v35  }
0x241: {  	v13 =	vadd.s32 v4, v11;
	_ =	sdelay $0x3  }
0x242: {  	[tilespmem:$0x1CF30] =	vst v12  }
0x243: {  	v12 =	vld.idx.msk [tilespmem:v13+s26+$0x0], $0xffff  }
0x244: {  	v36 =	vadd.s32 v5, v11;
	_ =	sdelay $0x3  }
0x245: {  	[tilespmem:$0x1CF80] =	vst v12  }
0x246: {  	v12 =	vld.idx.msk [tilespmem:v36+s26+$0x0], $0xffff  }
0x247: {  	v37 =	vadd.s32 v6, v11;
	_ =	sdelay $0x3  }
0x248: {  	[tilespmem:$0x1CF90] =	vst v12  }
0x249: {  	v12 =	vld.idx.msk [tilespmem:v37+s26+$0x0], $0xffff  }
0x24a: {  	v11 =	vadd.s32 v7, v11  }
0x24b: {  	v38 =	vbroadcast v10, $0xB;
	_ =	sdelay $0x1  }
0x24c: {  	v39 =	vshll.u32 v38, $0x3  }
0x24d: {  	v40 =	vand.u32 $0x7F, v38;
	v41 =	vand.u32 $0xFFFFFC00, v39;
	[tilespmem:$0x1CFA0] =	vst v12  }
0x24e: {  	v12 =	vor.u32 v40, v41;
	v11 =	vld.idx.msk [tilespmem:v11+s26+$0x0], $0xffff  }
0x24f: {  	v13 =	vadd.s32 v4, v12;
	_ =	sdelay $0x3  }
0x250: {  	[tilespmem:$0x1CFB0] =	vst v11  }
0x251: {  	v11 =	vld.idx.msk [tilespmem:v13+s26+$0x0], $0xffff  }
0x252: {  	v42 =	vadd.s32 v5, v12;
	_ =	sdelay $0x3  }
0x253: {  	[tilespmem:$0x1D000] =	vst v11  }
0x254: {  	v11 =	vld.idx.msk [tilespmem:v42+s26+$0x0], $0xffff  }
0x255: {  	v43 =	vadd.s32 v6, v12;
	_ =	sdelay $0x3  }
0x256: {  	[tilespmem:$0x1D010] =	vst v11  }
0x257: {  	v11 =	vld.idx.msk [tilespmem:v43+s26+$0x0], $0xffff  }
0x258: {  	v12 =	vadd.s32 v7, v12  }
0x259: {  	v44 =	vbroadcast v10, $0xC;
	_ =	sdelay $0x1  }
0x25a: {  	v45 =	vshll.u32 v44, $0x3  }
0x25b: {  	v46 =	vand.u32 $0xFFFFFC00, v45;
	[tilespmem:$0x1D020] =	vst v11;
	v11 =	vand.u32 $0x7F, v44  }
0x25c: {  	v12 =	vld.idx.msk [tilespmem:v12+s26+$0x0], $0xffff;
	v11 =	vor.u32 v11, v46  }
0x25d: {  	v13 =	vadd.s32 v4, v11;
	_ =	sdelay $0x3  }
0x25e: {  	[tilespmem:$0x1D030] =	vst v12  }
0x25f: {  	v12 =	vld.idx.msk [tilespmem:v13+s26+$0x0], $0xffff  }
0x260: {  	v47 =	vadd.s32 v5, v11;
	_ =	sdelay $0x3  }
0x261: {  	[tilespmem:$0x1D080] =	vst v12  }
0x262: {  	v12 =	vld.idx.msk [tilespmem:v47+s26+$0x0], $0xffff  }
0x263: {  	v48 =	vadd.s32 v6, v11;
	_ =	sdelay $0x3  }
0x264: {  	[tilespmem:$0x1D090] =	vst v12  }
0x265: {  	v12 =	vld.idx.msk [tilespmem:v48+s26+$0x0], $0xffff  }
0x266: {  	v11 =	vadd.s32 v7, v11  }
0x267: {  	v49 =	vbroadcast v10, $0xD;
	_ =	sdelay $0x1  }
0x268: {  	v50 =	vshll.u32 v49, $0x3  }
0x269: {  	v51 =	vand.u32 $0x7F, v49;
	v52 =	vand.u32 $0xFFFFFC00, v50;
	[tilespmem:$0x1D0A0] =	vst v12  }
0x26a: {  	v12 =	vor.u32 v51, v52;
	v11 =	vld.idx.msk [tilespmem:v11+s26+$0x0], $0xffff  }
0x26b: {  	v13 =	vadd.s32 v4, v12;
	_ =	sdelay $0x3  }
0x26c: {  	[tilespmem:$0x1D0B0] =	vst v11  }
0x26d: {  	v11 =	vld.idx.msk [tilespmem:v13+s26+$0x0], $0xffff  }
0x26e: {  	v53 =	vadd.s32 v5, v12;
	_ =	sdelay $0x3  }
0x26f: {  	[tilespmem:$0x1D100] =	vst v11  }
0x270: {  	v11 =	vld.idx.msk [tilespmem:v53+s26+$0x0], $0xffff  }
0x271: {  	v54 =	vadd.s32 v6, v12;
	_ =	sdelay $0x3  }
0x272: {  	[tilespmem:$0x1D110] =	vst v11  }
0x273: {  	v11 =	vld.idx.msk [tilespmem:v54+s26+$0x0], $0xffff  }
0x274: {  	v12 =	vadd.s32 v7, v12  }
0x275: {  	v55 =	vbroadcast v10, $0xE;
	_ =	sdelay $0x1  }
0x276: {  	v56 =	vshll.u32 v55, $0x3  }
0x277: {  	v57 =	vand.u32 $0xFFFFFC00, v56;
	[tilespmem:$0x1D120] =	vst v11;
	v11 =	vand.u32 $0x7F, v55  }
0x278: {  	v12 =	vld.idx.msk [tilespmem:v12+s26+$0x0], $0xffff;
	v11 =	vor.u32 v11, v57  }
0x279: {  	v13 =	vadd.s32 v4, v11;
	_ =	sdelay $0x3  }
0x27a: {  	[tilespmem:$0x1D130] =	vst v12  }
0x27b: {  	v12 =	vld.idx.msk [tilespmem:v13+s26+$0x0], $0xffff  }
0x27c: {  	v58 =	vadd.s32 v5, v11;
	_ =	sdelay $0x3  }
0x27d: {  	[tilespmem:$0x1D180] =	vst v12  }
0x27e: {  	v12 =	vld.idx.msk [tilespmem:v58+s26+$0x0], $0xffff  }
0x27f: {  	v59 =	vadd.s32 v6, v11;
	_ =	sdelay $0x3  }
0x280: {  	[tilespmem:$0x1D190] =	vst v12  }
0x281: {  	v12 =	vld.idx.msk [tilespmem:v59+s26+$0x0], $0xffff  }
0x282: {  	v11 =	vadd.s32 v7, v11  }
0x283: {  	v10 =	vbroadcast v10, $0xF;
	_ =	sdelay $0x1  }
0x284: {  	v60 =	vshll.u32 v10, $0x3  }
0x285: {  	v10 =	vand.u32 $0x7F, v10;
	v61 =	vand.u32 $0xFFFFFC00, v60;
	[tilespmem:$0x1D1A0] =	vst v12  }
0x286: {  	v10 =	vor.u32 v10, v61;
	v11 =	vld.idx.msk [tilespmem:v11+s26+$0x0], $0xffff  }
0x287: {  	v12 =	vadd.s32 v4, v10;
	_ =	sdelay $0x3  }
0x288: {  	[tilespmem:$0x1D1B0] =	vst v11  }
0x289: {  	v11 =	vld.idx.msk [tilespmem:v12+s26+$0x0], $0xffff  }
0x28a: {  	v62 =	vadd.s32 v5, v10;
	_ =	sdelay $0x3  }
0x28b: {  	[tilespmem:$0x1D200] =	vst v11  }
0x28c: {  	v11 =	vld.idx.msk [tilespmem:v62+s26+$0x0], $0xffff  }
0x28d: {  	v63 =	vadd.s32 v6, v10;
	_ =	sdelay $0x3  }
0x28e: {  	[tilespmem:$0x1D210] =	vst v11  }
0x28f: {  	v11 =	vld.idx.msk [tilespmem:v63+s26+$0x0], $0xffff  }
0x290: {  	v10 =	vadd.s32 v7, v10;
	_ =	sdelay $0x3  }
0x291: {  	[tilespmem:$0x1D220] =	vst v11  }
0x292: {  	v10 =	vld.idx.msk [tilespmem:v10+s26+$0x0], $0xffff  }
0x293: {  	p0 =	sne.s32 s31, $0x1  }
.Ltmp9:
0x294: {  	_ = 	snop;
	(pc) =	sbr.rel @p0 .LBB2_11-.Ltmp9, $4  }
0x295: {  	_ = 	snop  }
0x296: {  	s2 =	sadd.s32 $0x10, s2  }
0x297: {  	s31 =	sadd.s32 $0xFFFFFFFF, s31;
	s0 =	sadd.s32 $0x10, s0;
	s1 =	sadd.s32 $0x10, s1;
	[tilespmem:$0x1D230] =	vst v10  }
0x298: {  	[hbm4b:s4+s19] =	stream.indirect.scatter [tilespmem:s17], [sflag:$0x4], $0x80, s16, s19, $0xb8;
	[tilespmem:$0x1D380] =	vst v63  }
.Ltmp10:
0x299: {  	_ = 	snop;
	(pc) =	sbr.rel .LBB2_12-.Ltmp10, $1  }
0x29a: {  	_ =	sdelay $0x3  }
.LBB2_14:
0x29b: {  	_ =	sfence.sel $0x180000  }
0x29c: {  	[bflag:$0x0] =	sbarrier.arrive $0xFFFF  }
0x29d: {  	_ =	strace $0x90000047  }
0x29e: {  	s0 =	stileid.u32;
	[bflag:$0x2] =	sbarrier.arrive $0xFFFF  }
0x29f: {  	p0 =	sne.s32 s0, $0x0;
	s0 =	rddreg [dreg:$0x3]  }
0x2a0: {  	s0 =	sadd.s32 @!p0 $0x100000, s0  }
0x2a1: {  	[sflag:s0] =	ssyncadd.tile.s32 @!p0 $0x1;
	_ =	shalt  }
.Lfunc_end2:
_tile_overlayer_lowered:
.L_overlay_start_2:
0x2a2: {  	(tag) =	ssettag $0x2  }
0x2a3: {  	s0 =	rddreg [dreg:$0x0];
	s2 =	stileid.u32  }
0x2a4: {  	s1 =	rddreg [dreg:$0x1];
	p0 =	sne.s32 s2, $0x0  }
0x2a5: {  	s3 =	rddreg [dreg:$0x2];
	[bflag:$0x3] =	sbarrier.arrive $0xFFFF;
	s2 =	simm.s32 @!p0 $0x1C05  }
0x2a6: {  	[timem:s3], [sflag:s2] =	dma.local @!p0 [hbm:s0], s1  }
0x2a7: {  	s0 =	simm.s32 @!p0 $0x5  }
0x2a8: {  	_ =	swait.ge @!p0 [sflag:s0], s1  }
0x2a9: {  	s1 =	ssub.s32 @!p0 $0x0, s1;
	[sflag:s0] =	ssyncset.done @!p0 $0x0  }
0x2aa: {  	[sflag:s0] =	ssyncadd.s32 @!p0 s1  }
0x2ab: {  	[bflag:$0x3] =	sbarrier.arrive $0xFFFF  }
0x2ac: {  	_ =	shalt  }

</sc_bundles>
